<compile_context>
chip_gen: v7x
topology: tpu7x:2x2x1
jax: 0.10.2.dev20260603
libtpu: 0.0.44.dev20260713+nightly
codegen_flags: <defaults>
</compile_context>

<pallas_src>
import functools

import jax
import jax.numpy as jnp
from jax import lax
from jax.experimental import pallas as pl
from jax.experimental.pallas import tpu as pltpu
from jax.experimental.pallas import tpu_sc as plsc

_R = 80
_NT = 625
_NW = 32
_TPW = 20


def _prep_kernel(epsx_ref, g_ref, asm_ref, temb_ref, *, n_rows, dh):
    colsum = jnp.sum(epsx_ref[...], axis=0, keepdims=True)
    ph = jax.lax.broadcasted_iota(jnp.int32, (1, 120), 1) % 3
    lane = jax.lax.broadcasted_iota(jnp.int32, (1, dh), 1)
    m = [jnp.sum(jnp.where(ph == c, colsum, 0.0)) * (1.0 / n_rows)
         for c in range(3)]
    msplat = jnp.where(
        lane < 16, m[0],
        jnp.where(lane < 32, m[1], jnp.where(lane < 48, m[2], 0.0)))

    g = jnp.pad(g_ref[...], ((0, 0), (0, dh - 100)))
    alpha = jnp.sqrt(1.0 / (1.0 + jnp.exp(g)))
    sigma = jnp.sqrt(1.0 / (1.0 + jnp.exp(-g)))
    rowi = jax.lax.broadcasted_iota(jnp.int32, (8, dh), 0)
    asm_ref[...] = jnp.where(
        rowi == 0, alpha, jnp.where(rowi == 1, sigma,
                                    jnp.where(rowi == 2, msplat, 0.0)))

    row = jax.lax.broadcasted_iota(jnp.int32, (100, dh), 0
                                   ).astype(jnp.float32)
    col = jax.lax.broadcasted_iota(jnp.int32, (100, dh), 1
                                   ).astype(jnp.float32)
    k = jnp.where(col < 64.0, col, col - 64.0)
    freqs = jnp.exp(k * (-jnp.log(10000.0) / 64.0))
    xf = row * freqs
    temb_ref[...] = jnp.where(col < 64.0, jnp.cos(xf), jnp.sin(xf))


def _sc_body(pos_hbm, h_hbm, eps_hbm, b_hbm, asm_hbm, temb_hbm, out_hbm,
             pos_v, h_v, eps_v, b_v, t_v, o_v, asm_v, sem):
    wid = lax.axis_index("s") * 2 + lax.axis_index("c")
    pltpu.sync_copy(asm_hbm, asm_v)
    iota = lax.iota(jnp.int32, 16)
    zero16 = jnp.zeros((16,), jnp.int32)
    one16 = jnp.full((16,), 1, jnp.int32)
    two16 = jnp.full((16,), 2, jnp.int32)

    def tile_step(i, carry):
        t = wid + i * _NW

        @pl.when(t < _NT)
        def _():
            base = t * _R
            pltpu.sync_copy(pos_hbm.at[pl.ds(base, _R), :], pos_v)
            pltpu.sync_copy(h_hbm.at[pl.ds(base, _R), :], h_v)
            pltpu.sync_copy(eps_hbm.at[pl.ds(base, _R), :], eps_v)
            pltpu.sync_copy(b_hbm.at[pl.ds(base, _R)], b_v)
            pltpu.async_copy(temb_hbm.at[b_v], t_v, sem).wait()

            for grp in range(_R // 16):
                ridx = iota + (16 * grp)
                b_vec = b_v[pl.ds(16 * grp, 16)]
                a_vec = plsc.load_gather(asm_v, [zero16, b_vec])
                s_vec = plsc.load_gather(asm_v, [one16, b_vec])
                for c in range(3):
                    cc = jnp.full((16,), c, jnp.int32)
                    e = plsc.load_gather(eps_v, [ridx, cc])
                    x = plsc.load_gather(pos_v, [ridx, cc])
                    mc = plsc.load_gather(
                        asm_v, [two16, jnp.full((16,), 16 * c, jnp.int32)])
                    plsc.store_scatter(o_v, [ridx, cc],
                                       a_vec * x + s_vec * (e - mc))

                def zcol(c, carry2):
                    cc = zero16 + c
                    e = plsc.load_gather(eps_v, [ridx, cc])
                    x = plsc.load_gather(h_v, [ridx, cc - 3])
                    plsc.store_scatter(o_v, [ridx, cc],
                                       a_vec * x + s_vec * e)
                    return carry2

                lax.fori_loop(3, 131, zcol, 0, unroll=8)

                def tcol(j, carry2):
                    jj = zero16 + j
                    tv = plsc.load_gather(t_v, [ridx, jj])
                    plsc.store_scatter(o_v, [ridx, jj + 131], tv)
                    return carry2

                lax.fori_loop(0, 128, tcol, 0, unroll=8)

            pltpu.sync_copy(o_v, out_hbm.at[pl.ds(base, _R), :])

        return carry

    lax.fori_loop(0, _TPW, tile_step, 0)


def _sc_main(pos, h, eps, batch, asm, temb, n, d_out):
    mesh = plsc.VectorSubcoreMesh(core_axis_name="c", subcore_axis_name="s")
    return pl.kernel(
        _sc_body,
        out_type=jax.ShapeDtypeStruct((n, d_out), jnp.float32),
        mesh=mesh,
        scratch_types=[
            pltpu.VMEM((_R, 3), jnp.float32),
            pltpu.VMEM((_R, 128), jnp.float32),
            pltpu.VMEM((_R, 131), jnp.float32),
            pltpu.VMEM((_R,), jnp.int32),
            pltpu.VMEM((_R, 128), jnp.float32),
            pltpu.VMEM((_R, 259), jnp.float32),
            pltpu.VMEM((8, 128), jnp.float32),
            pltpu.SemaphoreType.DMA,
        ],
        compiler_params=pltpu.CompilerParams(needs_layout_passes=False),
    )(pos, h, eps, batch, asm, temb)


def kernel(pos, h, batch, eps, gamma):
    n, dh = h.shape
    d_out = 3 + dh + 128

    epsx = jax.lax.slice(eps, (0, 0), (n, 3)).reshape(1250, 120)
    g100 = gamma[:100].reshape(1, 100)
    prep = functools.partial(_prep_kernel, n_rows=n, dh=dh)
    asm, temb = pl.pallas_call(
        prep,
        grid=(1,),
        in_specs=[pl.BlockSpec((1250, 120), lambda i: (0, 0)),
                  pl.BlockSpec((1, 100), lambda i: (0, 0))],
        out_specs=[pl.BlockSpec((8, dh), lambda i: (0, 0)),
                   pl.BlockSpec((100, dh), lambda i: (0, 0))],
        out_shape=[jax.ShapeDtypeStruct((8, dh), jnp.float32),
                   jax.ShapeDtypeStruct((100, dh), jnp.float32)],
    )(epsx, g100)

    return _sc_main(pos, h, eps, batch, asm, temb, n, d_out)

# --- scband reference (transcript-rebuilt; emitter-appended) ---
"""Pipeline reference for scband-forward-diffusion-module-26156350832680 (READ-ONLY COPY).

The authoritative reference and input builder live on the scoring server;
editing this copy changes nothing except your own understanding.
"""

import jax, jax.numpy as jnp
import numpy as np


def _clip_noise_schedule(alphas2, clip_value=0.001):
    alphas2 = np.concatenate([np.ones(1), alphas2], axis=0)
    alphas_step = alphas2[1:] / alphas2[:-1]
    alphas_step = np.clip(alphas_step, a_min=clip_value, a_max=1.0)
    return np.cumprod(alphas_step, axis=0)


def _polynomial_schedule(timesteps, s=1e-05, power=2.0):
    steps = timesteps + 1
    x = np.linspace(0, steps, steps)
    alphas2 = (1 - np.power(x / steps, power)) ** 2
    alphas2 = _clip_noise_schedule(alphas2, clip_value=0.001)
    precision = 1 - 2 * s
    return precision * alphas2 + s


def _gamma_table(timesteps=1000):
    alphas2 = _polynomial_schedule(timesteps, s=1e-05, power=2.0)
    sigmas2 = 1.0 - alphas2
    gamma = -(np.log(alphas2) - np.log(sigmas2))
    return jnp.asarray(gamma, dtype=jnp.float32)


def setup_inputs(seed: int = 0):
    key = jax.random.key(seed)
    N, DH = 50000, 128
    pos = jax.random.normal(jax.random.fold_in(key, 0), (N, 3), dtype=jnp.float32)
    h = jax.random.normal(jax.random.fold_in(key, 1), (N, DH), dtype=jnp.float32)
    batch = jnp.sort(jax.random.randint(jax.random.fold_in(key, 2), (N,), 0, 100, dtype=jnp.int32))
    eps = jax.random.normal(jax.random.fold_in(key, 3), (N, 3 + DH), dtype=jnp.float32)
    gamma = _gamma_table(1000)
    return {"pos": pos, "h": h, "batch": batch, "eps": eps, "gamma": gamma}


def reference(pos, h, batch, eps, gamma):
    T = 1000
    TE = 64
    # t_counter starts at 0, so t_int = arange(0, 100)
    t_int = jnp.arange(0, 100, dtype=jnp.float32)[:, None]  # [100, 1]
    t_int_node = t_int[batch]  # gather: [N, 1]
    # sinusoidal time embedding (get_time_embedding)
    freqs = jnp.power(10000.0, -jnp.arange(0, TE, dtype=jnp.float32) / TE)
    xf = t_int_node * freqs  # [N, 64]
    t_emb = jnp.concatenate([jnp.cos(xf), jnp.sin(xf)], axis=-1)  # [N, 128]
    # gamma lookup (PredefinedNoiseSchedule.forward)
    t = t_int / T
    idx = jnp.round(t * T).astype(jnp.int32)  # [100, 1]
    gamma_t = gamma[idx]  # embedding-style gather into schedule table
    alpha_t = jnp.sqrt(jax.nn.sigmoid(-gamma_t))
    sigma_t = jnp.sqrt(jax.nn.sigmoid(gamma_t))
    # mean-centered positional noise (sample_combined_position_feature_noise)
    z_x = eps[:, :3] - jnp.mean(eps[:, :3], axis=0, keepdims=True)
    eps_c = jnp.concatenate([z_x, eps[:, 3:]], axis=-1)
    xh = jnp.concatenate([pos, h], axis=-1)
    z_t = alpha_t[batch] * xh + sigma_t[batch] * eps_c  # per-node gathers of scalars
    z_t_pos = z_t[:, :3]
    z_t_h = z_t[:, 3:]
    out = jnp.concatenate([z_t_pos, z_t_h, t_emb], axis=-1)  # [N, 3+128+128]
    return out

if __name__ == "__main__":
    import jax
    _d = setup_inputs()
    print(jax.jit(kernel)(*tuple(_d.values())))

</pallas_src>

<mosaic_0001>
#map = affine_map<(d0, d1) -> (0, 0)>
#map1 = affine_map<(d0, d1) -> (0)>
module attributes {stable_mosaic.version = 14 : i64} {
  func.func @_sc_body(%arg0: i32, %arg1: i32, %arg2: memref<50000x3xf32, #tpu.memory_space<hbm>>, %arg3: memref<50000x128xf32, #tpu.memory_space<hbm>>, %arg4: memref<50000x131xf32, #tpu.memory_space<hbm>>, %arg5: memref<50000xi32, #tpu.memory_space<hbm>>, %arg6: memref<8x128xf32, #tpu.memory_space<hbm>>, %arg7: memref<100x128xf32, #tpu.memory_space<hbm>>, %arg8: memref<50000x259xf32, #tpu.memory_space<hbm>>, %arg9: memref<80x3xf32, #tpu.memory_space<vmem>>, %arg10: memref<80x128xf32, #tpu.memory_space<vmem>>, %arg11: memref<80x131xf32, #tpu.memory_space<vmem>>, %arg12: memref<80xi32, #tpu.memory_space<vmem>>, %arg13: memref<80x128xf32, #tpu.memory_space<vmem>>, %arg14: memref<80x259xf32, #tpu.memory_space<vmem>>, %arg15: memref<8x128xf32, #tpu.memory_space<vmem>>, %arg16: memref<!tpu.dma_semaphore, #tpu.memory_space<semaphore_mem>>) attributes {dimension_semantics = [#tpu.dimension_semantics<core_parallel>, #tpu.dimension_semantics<subcore_parallel>], iteration_bounds = array<i64: 2, 16>, scalar_prefetch = 0 : i64, scratch_operands = 8 : i64, tpu.core_type = #tpu.core_type<sc_vector_subcore>, window_params = [{transform_indices = #map}, {transform_indices = #map}, {transform_indices = #map}, {transform_indices = #map1}, {transform_indices = #map}, {transform_indices = #map}, {transform_indices = #map}]} {
    %mul3A = arith.constant 2 : i32
    %mul3A_0 = arith.muli %arg1, %mul3A : i32
    %add3A = arith.addi %mul3A_0, %arg0 : i32
    "tpu.region"() ({
      %run_scoped3A = tpu.sem_alloc : memref<!tpu.dma_semaphore, #tpu.memory_space<semaphore_mem>>
      tpu.enqueue_dma source(%arg6 : memref<8x128xf32, #tpu.memory_space<hbm>>) target(%arg15 : memref<8x128xf32, #tpu.memory_space<vmem>>) target_semaphore(%run_scoped3A : memref<!tpu.dma_semaphore, #tpu.memory_space<semaphore_mem>>)
      tpu.wait_dma2 semaphore(%run_scoped3A : memref<!tpu.dma_semaphore, #tpu.memory_space<semaphore_mem>>) src(%arg6 : memref<8x128xf32, #tpu.memory_space<hbm>>) dst(%arg15 : memref<8x128xf32, #tpu.memory_space<vmem>>)
      tpu.yield
    }) : () -> ()
    %iota3A = tpu.iota {dimensions = array<i32: 0>} : vector<16xi32>
    %broadcast_in_dim3A = arith.constant 0 : i32
    %broadcast_in_dim3A_1 = vector.broadcast %broadcast_in_dim3A : i32 to vector<16xi32>
    %broadcast_in_dim3A_2 = arith.constant 1 : i32
    %broadcast_in_dim3A_3 = vector.broadcast %broadcast_in_dim3A_2 : i32 to vector<16xi32>
    %broadcast_in_dim3A_4 = arith.constant 2 : i32
    %broadcast_in_dim3A_5 = vector.broadcast %broadcast_in_dim3A_4 : i32 to vector<16xi32>
    %scan3A = arith.constant 0 : i32
    %scan3A_6 = arith.constant 0 : i32
    %scan3A_7 = arith.constant 20 : i32
    %scan3A_8 = arith.addi %scan3A_6, %scan3A_7 : i32
    %scan3A_9 = arith.constant 1 : i32
    scf.for %scan3A_11 = %scan3A_6 to %scan3A_8 step %scan3A_9  : i32 {
      %mul3A_12 = arith.constant 32 : i32
      %mul3A_13 = arith.muli %scan3A_11, %mul3A_12 : i32
      %add3A_14 = arith.addi %add3A, %mul3A_13 : i32
      %lt3A = arith.constant 625 : i32
      %lt3A_15 = arith.cmpi slt, %add3A_14, %lt3A : i32
      %convert_element_type3A = arith.extui %lt3A_15 : i1 to i32
      %cond3A = arith.constant 0 : i32
      %cond3A_16 = arith.cmpi ne, %convert_element_type3A, %cond3A : i32
      scf.if %cond3A_16 {
        %mul3A_17 = arith.constant 80 : i32
        %mul3A_18 = arith.muli %add3A_14, %mul3A_17 : i32
        "tpu.region"() ({
          %run_scoped3A = tpu.sem_alloc : memref<!tpu.dma_semaphore, #tpu.memory_space<semaphore_mem>>
          %dma_start3A_280 = arith.constant 0 : i32
          %dma_start3A_281 = tpu.memref_slice %arg2[%mul3A_18, %dma_start3A_280] : memref<50000x3xf32, #tpu.memory_space<hbm>> -> memref<80x3xf32, #tpu.memory_space<hbm>>
          %dma_start3A_282 = arith.constant 0 : i32
          %dma_start3A_283 = tpu.memref_slice %arg2[%mul3A_18, %dma_start3A_282] : memref<50000x3xf32, #tpu.memory_space<hbm>> -> memref<80x3xf32, #tpu.memory_space<hbm>>
          tpu.enqueue_dma source(%dma_start3A_283 : memref<80x3xf32, #tpu.memory_space<hbm>>) target(%arg9 : memref<80x3xf32, #tpu.memory_space<vmem>>) target_semaphore(%run_scoped3A : memref<!tpu.dma_semaphore, #tpu.memory_space<semaphore_mem>>)
          %dma_wait3A_284 = arith.constant 0 : i32
          %dma_wait3A_285 = tpu.memref_slice %arg2[%mul3A_18, %dma_wait3A_284] : memref<50000x3xf32, #tpu.memory_space<hbm>> -> memref<80x3xf32, #tpu.memory_space<hbm>>
          %dma_wait3A_286 = arith.constant 0 : i32
          %dma_wait3A_287 = tpu.memref_slice %arg2[%mul3A_18, %dma_wait3A_286] : memref<50000x3xf32, #tpu.memory_space<hbm>> -> memref<80x3xf32, #tpu.memory_space<hbm>>
          tpu.wait_dma2 semaphore(%run_scoped3A : memref<!tpu.dma_semaphore, #tpu.memory_space<semaphore_mem>>) src(%dma_wait3A_287 : memref<80x3xf32, #tpu.memory_space<hbm>>) dst(%arg9 : memref<80x3xf32, #tpu.memory_space<vmem>>)
          tpu.yield
        }) : () -> ()
        "tpu.region"() ({
          %run_scoped3A = tpu.sem_alloc : memref<!tpu.dma_semaphore, #tpu.memory_space<semaphore_mem>>
          %dma_start3A_280 = arith.constant 0 : i32
          %dma_start3A_281 = tpu.memref_slice %arg3[%mul3A_18, %dma_start3A_280] : memref<50000x128xf32, #tpu.memory_space<hbm>> -> memref<80x128xf32, #tpu.memory_space<hbm>>
          %dma_start3A_282 = arith.constant 0 : i32
          %dma_start3A_283 = tpu.memref_slice %arg3[%mul3A_18, %dma_start3A_282] : memref<50000x128xf32, #tpu.memory_space<hbm>> -> memref<80x128xf32, #tpu.memory_space<hbm>>
          tpu.enqueue_dma source(%dma_start3A_283 : memref<80x128xf32, #tpu.memory_space<hbm>>) target(%arg10 : memref<80x128xf32, #tpu.memory_space<vmem>>) target_semaphore(%run_scoped3A : memref<!tpu.dma_semaphore, #tpu.memory_space<semaphore_mem>>)
          %dma_wait3A_284 = arith.constant 0 : i32
          %dma_wait3A_285 = tpu.memref_slice %arg3[%mul3A_18, %dma_wait3A_284] : memref<50000x128xf32, #tpu.memory_space<hbm>> -> memref<80x128xf32, #tpu.memory_space<hbm>>
          %dma_wait3A_286 = arith.constant 0 : i32
          %dma_wait3A_287 = tpu.memref_slice %arg3[%mul3A_18, %dma_wait3A_286] : memref<50000x128xf32, #tpu.memory_space<hbm>> -> memref<80x128xf32, #tpu.memory_space<hbm>>
          tpu.wait_dma2 semaphore(%run_scoped3A : memref<!tpu.dma_semaphore, #tpu.memory_space<semaphore_mem>>) src(%dma_wait3A_287 : memref<80x128xf32, #tpu.memory_space<hbm>>) dst(%arg10 : memref<80x128xf32, #tpu.memory_space<vmem>>)
          tpu.yield
        }) : () -> ()
        "tpu.region"() ({
          %run_scoped3A = tpu.sem_alloc : memref<!tpu.dma_semaphore, #tpu.memory_space<semaphore_mem>>
          %dma_start3A_280 = arith.constant 0 : i32
          %dma_start3A_281 = tpu.memref_slice %arg4[%mul3A_18, %dma_start3A_280] : memref<50000x131xf32, #tpu.memory_space<hbm>> -> memref<80x131xf32, #tpu.memory_space<hbm>>
          %dma_start3A_282 = arith.constant 0 : i32
          %dma_start3A_283 = tpu.memref_slice %arg4[%mul3A_18, %dma_start3A_282] : memref<50000x131xf32, #tpu.memory_space<hbm>> -> memref<80x131xf32, #tpu.memory_space<hbm>>
          tpu.enqueue_dma source(%dma_start3A_283 : memref<80x131xf32, #tpu.memory_space<hbm>>) target(%arg11 : memref<80x131xf32, #tpu.memory_space<vmem>>) target_semaphore(%run_scoped3A : memref<!tpu.dma_semaphore, #tpu.memory_space<semaphore_mem>>)
          %dma_wait3A_284 = arith.constant 0 : i32
          %dma_wait3A_285 = tpu.memref_slice %arg4[%mul3A_18, %dma_wait3A_284] : memref<50000x131xf32, #tpu.memory_space<hbm>> -> memref<80x131xf32, #tpu.memory_space<hbm>>
          %dma_wait3A_286 = arith.constant 0 : i32
          %dma_wait3A_287 = tpu.memref_slice %arg4[%mul3A_18, %dma_wait3A_286] : memref<50000x131xf32, #tpu.memory_space<hbm>> -> memref<80x131xf32, #tpu.memory_space<hbm>>
          tpu.wait_dma2 semaphore(%run_scoped3A : memref<!tpu.dma_semaphore, #tpu.memory_space<semaphore_mem>>) src(%dma_wait3A_287 : memref<80x131xf32, #tpu.memory_space<hbm>>) dst(%arg11 : memref<80x131xf32, #tpu.memory_space<vmem>>)
          tpu.yield
        }) : () -> ()
        "tpu.region"() ({
          %run_scoped3A = tpu.sem_alloc : memref<!tpu.dma_semaphore, #tpu.memory_space<semaphore_mem>>
          %dma_start3A_280 = tpu.memref_slice %arg5[%mul3A_18] : memref<50000xi32, #tpu.memory_space<hbm>> -> memref<80xi32, #tpu.memory_space<hbm>>
          %dma_start3A_281 = tpu.memref_slice %arg5[%mul3A_18] : memref<50000xi32, #tpu.memory_space<hbm>> -> memref<80xi32, #tpu.memory_space<hbm>>
          tpu.enqueue_dma source(%dma_start3A_281 : memref<80xi32, #tpu.memory_space<hbm>>) target(%arg12 : memref<80xi32, #tpu.memory_space<vmem>>) target_semaphore(%run_scoped3A : memref<!tpu.dma_semaphore, #tpu.memory_space<semaphore_mem>>)
          %dma_wait3A_282 = tpu.memref_slice %arg5[%mul3A_18] : memref<50000xi32, #tpu.memory_space<hbm>> -> memref<80xi32, #tpu.memory_space<hbm>>
          %dma_wait3A_283 = tpu.memref_slice %arg5[%mul3A_18] : memref<50000xi32, #tpu.memory_space<hbm>> -> memref<80xi32, #tpu.memory_space<hbm>>
          tpu.wait_dma2 semaphore(%run_scoped3A : memref<!tpu.dma_semaphore, #tpu.memory_space<semaphore_mem>>) src(%dma_wait3A_283 : memref<80xi32, #tpu.memory_space<hbm>>) dst(%arg12 : memref<80xi32, #tpu.memory_space<vmem>>)
          tpu.yield
        }) : () -> ()
        %dma_start3A = arith.constant 0 : i32
        %dma_start3A_19 = arith.constant 0 : i32
        %dma_start3A_20 = tpu.memref_slice %arg7[%dma_start3A, %dma_start3A_19] : memref<100x128xf32, #tpu.memory_space<hbm>> -> memref<100x128xf32, #tpu.memory_space<hbm>>
        tpu.enqueue_indirect_dma source(%dma_start3A_20 : memref<100x128xf32, #tpu.memory_space<hbm>>) target(%arg13 : memref<80x128xf32, #tpu.memory_space<vmem>>) offsets(%arg12 : memref<80xi32, #tpu.memory_space<vmem>>) semaphore(%arg16 : memref<!tpu.dma_semaphore, #tpu.memory_space<semaphore_mem>>)
        %dma_wait3A = arith.constant 0 : i32
        %dma_wait3A_21 = arith.constant 0 : i32
        %dma_wait3A_22 = tpu.memref_slice %arg7[%dma_wait3A, %dma_wait3A_21] : memref<100x128xf32, #tpu.memory_space<hbm>> -> memref<100x128xf32, #tpu.memory_space<hbm>>
        tpu.wait_indirect_dma semaphore(%arg16 : memref<!tpu.dma_semaphore, #tpu.memory_space<semaphore_mem>>) src(%dma_wait3A_22 : memref<100x128xf32, #tpu.memory_space<hbm>>) dst(%arg13 : memref<80x128xf32, #tpu.memory_space<vmem>>)
        %add3A_23 = arith.constant 0 : i32
        %add3A_24 = vector.broadcast %add3A_23 : i32 to vector<16xi32>
        %add3A_25 = arith.addi %iota3A, %add3A_24 : vector<16xi32>
        %get3A = arith.constant 0 : index
        %get3A_26 = tpu.vector_load %arg12[%get3A] {strides = array<i32>} : memref<80xi32, #tpu.memory_space<vmem>>, vector<16xi32>,
        %gather3A = tpu.vector_load_idx %arg15[%broadcast_in_dim3A_1, %get3A_26] : memref<8x128xf32, #tpu.memory_space<vmem>>[vector<16xi32>, vector<16xi32>], vector<16xf32>,
        %gather3A_27 = tpu.vector_load_idx %arg15[%broadcast_in_dim3A_3, %get3A_26] : memref<8x128xf32, #tpu.memory_space<vmem>>[vector<16xi32>, vector<16xi32>], vector<16xf32>,
        %broadcast_in_dim3A_28 = arith.constant 0 : i32
        %broadcast_in_dim3A_29 = vector.broadcast %broadcast_in_dim3A_28 : i32 to vector<16xi32>
        %gather3A_30 = tpu.vector_load_idx %arg11[%add3A_25, %broadcast_in_dim3A_29] : memref<80x131xf32, #tpu.memory_space<vmem>>[vector<16xi32>, vector<16xi32>], vector<16xf32>,
        %gather3A_31 = tpu.vector_load_idx %arg9[%add3A_25, %broadcast_in_dim3A_29] : memref<80x3xf32, #tpu.memory_space<vmem>>[vector<16xi32>, vector<16xi32>], vector<16xf32>,
        %broadcast_in_dim3A_32 = arith.constant 0 : i32
        %broadcast_in_dim3A_33 = vector.broadcast %broadcast_in_dim3A_32 : i32 to vector<16xi32>
        %gather3A_34 = tpu.vector_load_idx %arg15[%broadcast_in_dim3A_5, %broadcast_in_dim3A_33] : memref<8x128xf32, #tpu.memory_space<vmem>>[vector<16xi32>, vector<16xi32>], vector<16xf32>,
        %mul3A_35 = arith.mulf %gather3A, %gather3A_31 : vector<16xf32>
        %sub3A = arith.subf %gather3A_30, %gather3A_34 : vector<16xf32>
        %mul3A_36 = arith.mulf %gather3A_27, %sub3A : vector<16xf32>
        %add3A_37 = arith.addf %mul3A_35, %mul3A_36 : vector<16xf32>
        tpu.vector_store_idx %arg14[%add3A_25, %broadcast_in_dim3A_29], %add3A_37 : memref<80x259xf32, #tpu.memory_space<vmem>>[vector<16xi32>, vector<16xi32>], vector<16xf32>,
        %broadcast_in_dim3A_38 = arith.constant 1 : i32
        %broadcast_in_dim3A_39 = vector.broadcast %broadcast_in_dim3A_38 : i32 to vector<16xi32>
        %gather3A_40 = tpu.vector_load_idx %arg11[%add3A_25, %broadcast_in_dim3A_39] : memref<80x131xf32, #tpu.memory_space<vmem>>[vector<16xi32>, vector<16xi32>], vector<16xf32>,
        %gather3A_41 = tpu.vector_load_idx %arg9[%add3A_25, %broadcast_in_dim3A_39] : memref<80x3xf32, #tpu.memory_space<vmem>>[vector<16xi32>, vector<16xi32>], vector<16xf32>,
        %broadcast_in_dim3A_42 = arith.constant 16 : i32
        %broadcast_in_dim3A_43 = vector.broadcast %broadcast_in_dim3A_42 : i32 to vector<16xi32>
        %gather3A_44 = tpu.vector_load_idx %arg15[%broadcast_in_dim3A_5, %broadcast_in_dim3A_43] : memref<8x128xf32, #tpu.memory_space<vmem>>[vector<16xi32>, vector<16xi32>], vector<16xf32>,
        %mul3A_45 = arith.mulf %gather3A, %gather3A_41 : vector<16xf32>
        %sub3A_46 = arith.subf %gather3A_40, %gather3A_44 : vector<16xf32>
        %mul3A_47 = arith.mulf %gather3A_27, %sub3A_46 : vector<16xf32>
        %add3A_48 = arith.addf %mul3A_45, %mul3A_47 : vector<16xf32>
        tpu.vector_store_idx %arg14[%add3A_25, %broadcast_in_dim3A_39], %add3A_48 : memref<80x259xf32, #tpu.memory_space<vmem>>[vector<16xi32>, vector<16xi32>], vector<16xf32>,
        %broadcast_in_dim3A_49 = arith.constant 2 : i32
        %broadcast_in_dim3A_50 = vector.broadcast %broadcast_in_dim3A_49 : i32 to vector<16xi32>
        %gather3A_51 = tpu.vector_load_idx %arg11[%add3A_25, %broadcast_in_dim3A_50] : memref<80x131xf32, #tpu.memory_space<vmem>>[vector<16xi32>, vector<16xi32>], vector<16xf32>,
        %gather3A_52 = tpu.vector_load_idx %arg9[%add3A_25, %broadcast_in_dim3A_50] : memref<80x3xf32, #tpu.memory_space<vmem>>[vector<16xi32>, vector<16xi32>], vector<16xf32>,
        %broadcast_in_dim3A_53 = arith.constant 32 : i32
        %broadcast_in_dim3A_54 = vector.broadcast %broadcast_in_dim3A_53 : i32 to vector<16xi32>
        %gather3A_55 = tpu.vector_load_idx %arg15[%broadcast_in_dim3A_5, %broadcast_in_dim3A_54] : memref<8x128xf32, #tpu.memory_space<vmem>>[vector<16xi32>, vector<16xi32>], vector<16xf32>,
        %mul3A_56 = arith.mulf %gather3A, %gather3A_52 : vector<16xf32>
        %sub3A_57 = arith.subf %gather3A_51, %gather3A_55 : vector<16xf32>
        %mul3A_58 = arith.mulf %gather3A_27, %sub3A_57 : vector<16xf32>
        %add3A_59 = arith.addf %mul3A_56, %mul3A_58 : vector<16xf32>
        tpu.vector_store_idx %arg14[%add3A_25, %broadcast_in_dim3A_50], %add3A_59 : memref<80x259xf32, #tpu.memory_space<vmem>>[vector<16xi32>, vector<16xi32>], vector<16xf32>,
        %scan3A_60 = arith.constant 0 : i32
        %scan3A_61 = arith.constant 3 : i32
        %scan3A_62 = arith.constant 128 : i32
        %scan3A_63 = arith.addi %scan3A_61, %scan3A_62 : i32
        %scan3A_64 = arith.constant 8 : i32
        scf.for %scan3A_280 = %scan3A_61 to %scan3A_63 step %scan3A_64  : i32 {
          %add3A_281 = vector.broadcast %scan3A_280 : i32 to vector<16xi32>
          %add3A_282 = arith.addi %broadcast_in_dim3A_1, %add3A_281 : vector<16xi32>
          %gather3A_283 = tpu.vector_load_idx %arg11[%add3A_25, %add3A_282] : memref<80x131xf32, #tpu.memory_space<vmem>>[vector<16xi32>, vector<16xi32>], vector<16xf32>,
          %sub3A_284 = arith.constant 3 : i32
          %sub3A_285 = vector.broadcast %sub3A_284 : i32 to vector<16xi32>
          %sub3A_286 = arith.subi %add3A_282, %sub3A_285 : vector<16xi32>
          %gather3A_287 = tpu.vector_load_idx %arg10[%add3A_25, %sub3A_286] : memref<80x128xf32, #tpu.memory_space<vmem>>[vector<16xi32>, vector<16xi32>], vector<16xf32>,
          %mul3A_288 = arith.mulf %gather3A, %gather3A_287 : vector<16xf32>
          %mul3A_289 = arith.mulf %gather3A_27, %gather3A_283 : vector<16xf32>
          %add3A_290 = arith.addf %mul3A_288, %mul3A_289 : vector<16xf32>
          tpu.vector_store_idx %arg14[%add3A_25, %add3A_282], %add3A_290 : memref<80x259xf32, #tpu.memory_space<vmem>>[vector<16xi32>, vector<16xi32>], vector<16xf32>,
          %scan3A_291 = arith.constant 1 : i32
          %scan3A_292 = arith.addi %scan3A_280, %scan3A_291 : i32
          %add3A_293 = vector.broadcast %scan3A_292 : i32 to vector<16xi32>
          %add3A_294 = arith.addi %broadcast_in_dim3A_1, %add3A_293 : vector<16xi32>
          %gather3A_295 = tpu.vector_load_idx %arg11[%add3A_25, %add3A_294] : memref<80x131xf32, #tpu.memory_space<vmem>>[vector<16xi32>, vector<16xi32>], vector<16xf32>,
          %sub3A_296 = arith.constant 3 : i32
          %sub3A_297 = vector.broadcast %sub3A_296 : i32 to vector<16xi32>
          %sub3A_298 = arith.subi %add3A_294, %sub3A_297 : vector<16xi32>
          %gather3A_299 = tpu.vector_load_idx %arg10[%add3A_25, %sub3A_298] : memref<80x128xf32, #tpu.memory_space<vmem>>[vector<16xi32>, vector<16xi32>], vector<16xf32>,
          %mul3A_300 = arith.mulf %gather3A, %gather3A_299 : vector<16xf32>
          %mul3A_301 = arith.mulf %gather3A_27, %gather3A_295 : vector<16xf32>
          %add3A_302 = arith.addf %mul3A_300, %mul3A_301 : vector<16xf32>
          tpu.vector_store_idx %arg14[%add3A_25, %add3A_294], %add3A_302 : memref<80x259xf32, #tpu.memory_space<vmem>>[vector<16xi32>, vector<16xi32>], vector<16xf32>,
          %scan3A_303 = arith.constant 2 : i32
          %scan3A_304 = arith.addi %scan3A_280, %scan3A_303 : i32
          %add3A_305 = vector.broadcast %scan3A_304 : i32 to vector<16xi32>
          %add3A_306 = arith.addi %broadcast_in_dim3A_1, %add3A_305 : vector<16xi32>
          %gather3A_307 = tpu.vector_load_idx %arg11[%add3A_25, %add3A_306] : memref<80x131xf32, #tpu.memory_space<vmem>>[vector<16xi32>, vector<16xi32>], vector<16xf32>,
          %sub3A_308 = arith.constant 3 : i32
          %sub3A_309 = vector.broadcast %sub3A_308 : i32 to vector<16xi32>
          %sub3A_310 = arith.subi %add3A_306, %sub3A_309 : vector<16xi32>
          %gather3A_311 = tpu.vector_load_idx %arg10[%add3A_25, %sub3A_310] : memref<80x128xf32, #tpu.memory_space<vmem>>[vector<16xi32>, vector<16xi32>], vector<16xf32>,
          %mul3A_312 = arith.mulf %gather3A, %gather3A_311 : vector<16xf32>
          %mul3A_313 = arith.mulf %gather3A_27, %gather3A_307 : vector<16xf32>
          %add3A_314 = arith.addf %mul3A_312, %mul3A_313 : vector<16xf32>
          tpu.vector_store_idx %arg14[%add3A_25, %add3A_306], %add3A_314 : memref<80x259xf32, #tpu.memory_space<vmem>>[vector<16xi32>, vector<16xi32>], vector<16xf32>,
          %scan3A_315 = arith.constant 3 : i32
          %scan3A_316 = arith.addi %scan3A_280, %scan3A_315 : i32
          %add3A_317 = vector.broadcast %scan3A_316 : i32 to vector<16xi32>
          %add3A_318 = arith.addi %broadcast_in_dim3A_1, %add3A_317 : vector<16xi32>
          %gather3A_319 = tpu.vector_load_idx %arg11[%add3A_25, %add3A_318] : memref<80x131xf32, #tpu.memory_space<vmem>>[vector<16xi32>, vector<16xi32>], vector<16xf32>,
          %sub3A_320 = arith.constant 3 : i32
          %sub3A_321 = vector.broadcast %sub3A_320 : i32 to vector<16xi32>
          %sub3A_322 = arith.subi %add3A_318, %sub3A_321 : vector<16xi32>
          %gather3A_323 = tpu.vector_load_idx %arg10[%add3A_25, %sub3A_322] : memref<80x128xf32, #tpu.memory_space<vmem>>[vector<16xi32>, vector<16xi32>], vector<16xf32>,
          %mul3A_324 = arith.mulf %gather3A, %gather3A_323 : vector<16xf32>
          %mul3A_325 = arith.mulf %gather3A_27, %gather3A_319 : vector<16xf32>
          %add3A_326 = arith.addf %mul3A_324, %mul3A_325 : vector<16xf32>
          tpu.vector_store_idx %arg14[%add3A_25, %add3A_318], %add3A_326 : memref<80x259xf32, #tpu.memory_space<vmem>>[vector<16xi32>, vector<16xi32>], vector<16xf32>,
          %scan3A_327 = arith.constant 4 : i32
          %scan3A_328 = arith.addi %scan3A_280, %scan3A_327 : i32
          %add3A_329 = vector.broadcast %scan3A_328 : i32 to vector<16xi32>
          %add3A_330 = arith.addi %broadcast_in_dim3A_1, %add3A_329 : vector<16xi32>
          %gather3A_331 = tpu.vector_load_idx %arg11[%add3A_25, %add3A_330] : memref<80x131xf32, #tpu.memory_space<vmem>>[vector<16xi32>, vector<16xi32>], vector<16xf32>,
          %sub3A_332 = arith.constant 3 : i32
          %sub3A_333 = vector.broadcast %sub3A_332 : i32 to vector<16xi32>
          %sub3A_334 = arith.subi %add3A_330, %sub3A_333 : vector<16xi32>
          %gather3A_335 = tpu.vector_load_idx %arg10[%add3A_25, %sub3A_334] : memref<80x128xf32, #tpu.memory_space<vmem>>[vector<16xi32>, vector<16xi32>], vector<16xf32>,
          %mul3A_336 = arith.mulf %gather3A, %gather3A_335 : vector<16xf32>
          %mul3A_337 = arith.mulf %gather3A_27, %gather3A_331 : vector<16xf32>
          %add3A_338 = arith.addf %mul3A_336, %mul3A_337 : vector<16xf32>
          tpu.vector_store_idx %arg14[%add3A_25, %add3A_330], %add3A_338 : memref<80x259xf32, #tpu.memory_space<vmem>>[vector<16xi32>, vector<16xi32>], vector<16xf32>,
          %scan3A_339 = arith.constant 5 : i32
          %scan3A_340 = arith.addi %scan3A_280, %scan3A_339 : i32
          %add3A_341 = vector.broadcast %scan3A_340 : i32 to vector<16xi32>
          %add3A_342 = arith.addi %broadcast_in_dim3A_1, %add3A_341 : vector<16xi32>
          %gather3A_343 = tpu.vector_load_idx %arg11[%add3A_25, %add3A_342] : memref<80x131xf32, #tpu.memory_space<vmem>>[vector<16xi32>, vector<16xi32>], vector<16xf32>,
          %sub3A_344 = arith.constant 3 : i32
          %sub3A_345 = vector.broadcast %sub3A_344 : i32 to vector<16xi32>
          %sub3A_346 = arith.subi %add3A_342, %sub3A_345 : vector<16xi32>
          %gather3A_347 = tpu.vector_load_idx %arg10[%add3A_25, %sub3A_346] : memref<80x128xf32, #tpu.memory_space<vmem>>[vector<16xi32>, vector<16xi32>], vector<16xf32>,
          %mul3A_348 = arith.mulf %gather3A, %gather3A_347 : vector<16xf32>
          %mul3A_349 = arith.mulf %gather3A_27, %gather3A_343 : vector<16xf32>
          %add3A_350 = arith.addf %mul3A_348, %mul3A_349 : vector<16xf32>
          tpu.vector_store_idx %arg14[%add3A_25, %add3A_342], %add3A_350 : memref<80x259xf32, #tpu.memory_space<vmem>>[vector<16xi32>, vector<16xi32>], vector<16xf32>,
          %scan3A_351 = arith.constant 6 : i32
          %scan3A_352 = arith.addi %scan3A_280, %scan3A_351 : i32
          %add3A_353 = vector.broadcast %scan3A_352 : i32 to vector<16xi32>
          %add3A_354 = arith.addi %broadcast_in_dim3A_1, %add3A_353 : vector<16xi32>
          %gather3A_355 = tpu.vector_load_idx %arg11[%add3A_25, %add3A_354] : memref<80x131xf32, #tpu.memory_space<vmem>>[vector<16xi32>, vector<16xi32>], vector<16xf32>,
          %sub3A_356 = arith.constant 3 : i32
          %sub3A_357 = vector.broadcast %sub3A_356 : i32 to vector<16xi32>
          %sub3A_358 = arith.subi %add3A_354, %sub3A_357 : vector<16xi32>
          %gather3A_359 = tpu.vector_load_idx %arg10[%add3A_25, %sub3A_358] : memref<80x128xf32, #tpu.memory_space<vmem>>[vector<16xi32>, vector<16xi32>], vector<16xf32>,
          %mul3A_360 = arith.mulf %gather3A, %gather3A_359 : vector<16xf32>
          %mul3A_361 = arith.mulf %gather3A_27, %gather3A_355 : vector<16xf32>
          %add3A_362 = arith.addf %mul3A_360, %mul3A_361 : vector<16xf32>
          tpu.vector_store_idx %arg14[%add3A_25, %add3A_354], %add3A_362 : memref<80x259xf32, #tpu.memory_space<vmem>>[vector<16xi32>, vector<16xi32>], vector<16xf32>,
          %scan3A_363 = arith.constant 7 : i32
          %scan3A_364 = arith.addi %scan3A_280, %scan3A_363 : i32
          %add3A_365 = vector.broadcast %scan3A_364 : i32 to vector<16xi32>
          %add3A_366 = arith.addi %broadcast_in_dim3A_1, %add3A_365 : vector<16xi32>
          %gather3A_367 = tpu.vector_load_idx %arg11[%add3A_25, %add3A_366] : memref<80x131xf32, #tpu.memory_space<vmem>>[vector<16xi32>, vector<16xi32>], vector<16xf32>,
          %sub3A_368 = arith.constant 3 : i32
          %sub3A_369 = vector.broadcast %sub3A_368 : i32 to vector<16xi32>
          %sub3A_370 = arith.subi %add3A_366, %sub3A_369 : vector<16xi32>
          %gather3A_371 = tpu.vector_load_idx %arg10[%add3A_25, %sub3A_370] : memref<80x128xf32, #tpu.memory_space<vmem>>[vector<16xi32>, vector<16xi32>], vector<16xf32>,
          %mul3A_372 = arith.mulf %gather3A, %gather3A_371 : vector<16xf32>
          %mul3A_373 = arith.mulf %gather3A_27, %gather3A_367 : vector<16xf32>
          %add3A_374 = arith.addf %mul3A_372, %mul3A_373 : vector<16xf32>
          tpu.vector_store_idx %arg14[%add3A_25, %add3A_366], %add3A_374 : memref<80x259xf32, #tpu.memory_space<vmem>>[vector<16xi32>, vector<16xi32>], vector<16xf32>,
        }
        %scan3A_65 = arith.constant 128 : i32
        %scan3A_66 = arith.constant 0 : i32
        %scan3A_67 = arith.constant 0 : i32
        %scan3A_68 = arith.constant 128 : i32
        %scan3A_69 = arith.addi %scan3A_67, %scan3A_68 : i32
        %scan3A_70 = arith.constant 8 : i32
        scf.for %scan3A_280 = %scan3A_67 to %scan3A_69 step %scan3A_70  : i32 {
          %add3A_281 = vector.broadcast %scan3A_280 : i32 to vector<16xi32>
          %add3A_282 = arith.addi %broadcast_in_dim3A_1, %add3A_281 : vector<16xi32>
          %gather3A_283 = tpu.vector_load_idx %arg13[%add3A_25, %add3A_282] : memref<80x128xf32, #tpu.memory_space<vmem>>[vector<16xi32>, vector<16xi32>], vector<16xf32>,
          %add3A_284 = arith.constant 131 : i32
          %add3A_285 = vector.broadcast %add3A_284 : i32 to vector<16xi32>
          %add3A_286 = arith.addi %add3A_282, %add3A_285 : vector<16xi32>
          tpu.vector_store_idx %arg14[%add3A_25, %add3A_286], %gather3A_283 : memref<80x259xf32, #tpu.memory_space<vmem>>[vector<16xi32>, vector<16xi32>], vector<16xf32>,
          %scan3A_287 = arith.constant 1 : i32
          %scan3A_288 = arith.addi %scan3A_280, %scan3A_287 : i32
          %add3A_289 = vector.broadcast %scan3A_288 : i32 to vector<16xi32>
          %add3A_290 = arith.addi %broadcast_in_dim3A_1, %add3A_289 : vector<16xi32>
          %gather3A_291 = tpu.vector_load_idx %arg13[%add3A_25, %add3A_290] : memref<80x128xf32, #tpu.memory_space<vmem>>[vector<16xi32>, vector<16xi32>], vector<16xf32>,
          %add3A_292 = arith.constant 131 : i32
          %add3A_293 = vector.broadcast %add3A_292 : i32 to vector<16xi32>
          %add3A_294 = arith.addi %add3A_290, %add3A_293 : vector<16xi32>
          tpu.vector_store_idx %arg14[%add3A_25, %add3A_294], %gather3A_291 : memref<80x259xf32, #tpu.memory_space<vmem>>[vector<16xi32>, vector<16xi32>], vector<16xf32>,
          %scan3A_295 = arith.constant 2 : i32
          %scan3A_296 = arith.addi %scan3A_280, %scan3A_295 : i32
          %add3A_297 = vector.broadcast %scan3A_296 : i32 to vector<16xi32>
          %add3A_298 = arith.addi %broadcast_in_dim3A_1, %add3A_297 : vector<16xi32>
          %gather3A_299 = tpu.vector_load_idx %arg13[%add3A_25, %add3A_298] : memref<80x128xf32, #tpu.memory_space<vmem>>[vector<16xi32>, vector<16xi32>], vector<16xf32>,
          %add3A_300 = arith.constant 131 : i32
          %add3A_301 = vector.broadcast %add3A_300 : i32 to vector<16xi32>
          %add3A_302 = arith.addi %add3A_298, %add3A_301 : vector<16xi32>
          tpu.vector_store_idx %arg14[%add3A_25, %add3A_302], %gather3A_299 : memref<80x259xf32, #tpu.memory_space<vmem>>[vector<16xi32>, vector<16xi32>], vector<16xf32>,
          %scan3A_303 = arith.constant 3 : i32
          %scan3A_304 = arith.addi %scan3A_280, %scan3A_303 : i32
          %add3A_305 = vector.broadcast %scan3A_304 : i32 to vector<16xi32>
          %add3A_306 = arith.addi %broadcast_in_dim3A_1, %add3A_305 : vector<16xi32>
          %gather3A_307 = tpu.vector_load_idx %arg13[%add3A_25, %add3A_306] : memref<80x128xf32, #tpu.memory_space<vmem>>[vector<16xi32>, vector<16xi32>], vector<16xf32>,
          %add3A_308 = arith.constant 131 : i32
          %add3A_309 = vector.broadcast %add3A_308 : i32 to vector<16xi32>
          %add3A_310 = arith.addi %add3A_306, %add3A_309 : vector<16xi32>
          tpu.vector_store_idx %arg14[%add3A_25, %add3A_310], %gather3A_307 : memref<80x259xf32, #tpu.memory_space<vmem>>[vector<16xi32>, vector<16xi32>], vector<16xf32>,
          %scan3A_311 = arith.constant 4 : i32
          %scan3A_312 = arith.addi %scan3A_280, %scan3A_311 : i32
          %add3A_313 = vector.broadcast %scan3A_312 : i32 to vector<16xi32>
          %add3A_314 = arith.addi %broadcast_in_dim3A_1, %add3A_313 : vector<16xi32>
          %gather3A_315 = tpu.vector_load_idx %arg13[%add3A_25, %add3A_314] : memref<80x128xf32, #tpu.memory_space<vmem>>[vector<16xi32>, vector<16xi32>], vector<16xf32>,
          %add3A_316 = arith.constant 131 : i32
          %add3A_317 = vector.broadcast %add3A_316 : i32 to vector<16xi32>
          %add3A_318 = arith.addi %add3A_314, %add3A_317 : vector<16xi32>
          tpu.vector_store_idx %arg14[%add3A_25, %add3A_318], %gather3A_315 : memref<80x259xf32, #tpu.memory_space<vmem>>[vector<16xi32>, vector<16xi32>], vector<16xf32>,
          %scan3A_319 = arith.constant 5 : i32
          %scan3A_320 = arith.addi %scan3A_280, %scan3A_319 : i32
          %add3A_321 = vector.broadcast %scan3A_320 : i32 to vector<16xi32>
          %add3A_322 = arith.addi %broadcast_in_dim3A_1, %add3A_321 : vector<16xi32>
          %gather3A_323 = tpu.vector_load_idx %arg13[%add3A_25, %add3A_322] : memref<80x128xf32, #tpu.memory_space<vmem>>[vector<16xi32>, vector<16xi32>], vector<16xf32>,
          %add3A_324 = arith.constant 131 : i32
          %add3A_325 = vector.broadcast %add3A_324 : i32 to vector<16xi32>
          %add3A_326 = arith.addi %add3A_322, %add3A_325 : vector<16xi32>
          tpu.vector_store_idx %arg14[%add3A_25, %add3A_326], %gather3A_323 : memref<80x259xf32, #tpu.memory_space<vmem>>[vector<16xi32>, vector<16xi32>], vector<16xf32>,
          %scan3A_327 = arith.constant 6 : i32
          %scan3A_328 = arith.addi %scan3A_280, %scan3A_327 : i32
          %add3A_329 = vector.broadcast %scan3A_328 : i32 to vector<16xi32>
          %add3A_330 = arith.addi %broadcast_in_dim3A_1, %add3A_329 : vector<16xi32>
          %gather3A_331 = tpu.vector_load_idx %arg13[%add3A_25, %add3A_330] : memref<80x128xf32, #tpu.memory_space<vmem>>[vector<16xi32>, vector<16xi32>], vector<16xf32>,
          %add3A_332 = arith.constant 131 : i32
          %add3A_333 = vector.broadcast %add3A_332 : i32 to vector<16xi32>
          %add3A_334 = arith.addi %add3A_330, %add3A_333 : vector<16xi32>
          tpu.vector_store_idx %arg14[%add3A_25, %add3A_334], %gather3A_331 : memref<80x259xf32, #tpu.memory_space<vmem>>[vector<16xi32>, vector<16xi32>], vector<16xf32>,
          %scan3A_335 = arith.constant 7 : i32
          %scan3A_336 = arith.addi %scan3A_280, %scan3A_335 : i32
          %add3A_337 = vector.broadcast %scan3A_336 : i32 to vector<16xi32>
          %add3A_338 = arith.addi %broadcast_in_dim3A_1, %add3A_337 : vector<16xi32>
          %gather3A_339 = tpu.vector_load_idx %arg13[%add3A_25, %add3A_338] : memref<80x128xf32, #tpu.memory_space<vmem>>[vector<16xi32>, vector<16xi32>], vector<16xf32>,
          %add3A_340 = arith.constant 131 : i32
          %add3A_341 = vector.broadcast %add3A_340 : i32 to vector<16xi32>
          %add3A_342 = arith.addi %add3A_338, %add3A_341 : vector<16xi32>
          tpu.vector_store_idx %arg14[%add3A_25, %add3A_342], %gather3A_339 : memref<80x259xf32, #tpu.memory_space<vmem>>[vector<16xi32>, vector<16xi32>], vector<16xf32>,
        }
        %scan3A_71 = arith.constant 128 : i32
        %add3A_72 = arith.constant 16 : i32
        %add3A_73 = vector.broadcast %add3A_72 : i32 to vector<16xi32>
        %add3A_74 = arith.addi %iota3A, %add3A_73 : vector<16xi32>
        %get3A_75 = arith.constant 16 : index
        %get3A_76 = tpu.vector_load %arg12[%get3A_75] {strides = array<i32>} : memref<80xi32, #tpu.memory_space<vmem>>, vector<16xi32>,
        %gather3A_77 = tpu.vector_load_idx %arg15[%broadcast_in_dim3A_1, %get3A_76] : memref<8x128xf32, #tpu.memory_space<vmem>>[vector<16xi32>, vector<16xi32>], vector<16xf32>,
        %gather3A_78 = tpu.vector_load_idx %arg15[%broadcast_in_dim3A_3, %get3A_76] : memref<8x128xf32, #tpu.memory_space<vmem>>[vector<16xi32>, vector<16xi32>], vector<16xf32>,
        %broadcast_in_dim3A_79 = arith.constant 0 : i32
        %broadcast_in_dim3A_80 = vector.broadcast %broadcast_in_dim3A_79 : i32 to vector<16xi32>
        %gather3A_81 = tpu.vector_load_idx %arg11[%add3A_74, %broadcast_in_dim3A_80] : memref<80x131xf32, #tpu.memory_space<vmem>>[vector<16xi32>, vector<16xi32>], vector<16xf32>,
        %gather3A_82 = tpu.vector_load_idx %arg9[%add3A_74, %broadcast_in_dim3A_80] : memref<80x3xf32, #tpu.memory_space<vmem>>[vector<16xi32>, vector<16xi32>], vector<16xf32>,
        %broadcast_in_dim3A_83 = arith.constant 0 : i32
        %broadcast_in_dim3A_84 = vector.broadcast %broadcast_in_dim3A_83 : i32 to vector<16xi32>
        %gather3A_85 = tpu.vector_load_idx %arg15[%broadcast_in_dim3A_5, %broadcast_in_dim3A_84] : memref<8x128xf32, #tpu.memory_space<vmem>>[vector<16xi32>, vector<16xi32>], vector<16xf32>,
        %mul3A_86 = arith.mulf %gather3A_77, %gather3A_82 : vector<16xf32>
        %sub3A_87 = arith.subf %gather3A_81, %gather3A_85 : vector<16xf32>
        %mul3A_88 = arith.mulf %gather3A_78, %sub3A_87 : vector<16xf32>
        %add3A_89 = arith.addf %mul3A_86, %mul3A_88 : vector<16xf32>
        tpu.vector_store_idx %arg14[%add3A_74, %broadcast_in_dim3A_80], %add3A_89 : memref<80x259xf32, #tpu.memory_space<vmem>>[vector<16xi32>, vector<16xi32>], vector<16xf32>,
        %broadcast_in_dim3A_90 = arith.constant 1 : i32
        %broadcast_in_dim3A_91 = vector.broadcast %broadcast_in_dim3A_90 : i32 to vector<16xi32>
        %gather3A_92 = tpu.vector_load_idx %arg11[%add3A_74, %broadcast_in_dim3A_91] : memref<80x131xf32, #tpu.memory_space<vmem>>[vector<16xi32>, vector<16xi32>], vector<16xf32>,
        %gather3A_93 = tpu.vector_load_idx %arg9[%add3A_74, %broadcast_in_dim3A_91] : memref<80x3xf32, #tpu.memory_space<vmem>>[vector<16xi32>, vector<16xi32>], vector<16xf32>,
        %broadcast_in_dim3A_94 = arith.constant 16 : i32
        %broadcast_in_dim3A_95 = vector.broadcast %broadcast_in_dim3A_94 : i32 to vector<16xi32>
        %gather3A_96 = tpu.vector_load_idx %arg15[%broadcast_in_dim3A_5, %broadcast_in_dim3A_95] : memref<8x128xf32, #tpu.memory_space<vmem>>[vector<16xi32>, vector<16xi32>], vector<16xf32>,
        %mul3A_97 = arith.mulf %gather3A_77, %gather3A_93 : vector<16xf32>
        %sub3A_98 = arith.subf %gather3A_92, %gather3A_96 : vector<16xf32>
        %mul3A_99 = arith.mulf %gather3A_78, %sub3A_98 : vector<16xf32>
        %add3A_100 = arith.addf %mul3A_97, %mul3A_99 : vector<16xf32>
        tpu.vector_store_idx %arg14[%add3A_74, %broadcast_in_dim3A_91], %add3A_100 : memref<80x259xf32, #tpu.memory_space<vmem>>[vector<16xi32>, vector<16xi32>], vector<16xf32>,
        %broadcast_in_dim3A_101 = arith.constant 2 : i32
        %broadcast_in_dim3A_102 = vector.broadcast %broadcast_in_dim3A_101 : i32 to vector<16xi32>
        %gather3A_103 = tpu.vector_load_idx %arg11[%add3A_74, %broadcast_in_dim3A_102] : memref<80x131xf32, #tpu.memory_space<vmem>>[vector<16xi32>, vector<16xi32>], vector<16xf32>,
        %gather3A_104 = tpu.vector_load_idx %arg9[%add3A_74, %broadcast_in_dim3A_102] : memref<80x3xf32, #tpu.memory_space<vmem>>[vector<16xi32>, vector<16xi32>], vector<16xf32>,
        %broadcast_in_dim3A_105 = arith.constant 32 : i32
        %broadcast_in_dim3A_106 = vector.broadcast %broadcast_in_dim3A_105 : i32 to vector<16xi32>
        %gather3A_107 = tpu.vector_load_idx %arg15[%broadcast_in_dim3A_5, %broadcast_in_dim3A_106] : memref<8x128xf32, #tpu.memory_space<vmem>>[vector<16xi32>, vector<16xi32>], vector<16xf32>,
        %mul3A_108 = arith.mulf %gather3A_77, %gather3A_104 : vector<16xf32>
        %sub3A_109 = arith.subf %gather3A_103, %gather3A_107 : vector<16xf32>
        %mul3A_110 = arith.mulf %gather3A_78, %sub3A_109 : vector<16xf32>
        %add3A_111 = arith.addf %mul3A_108, %mul3A_110 : vector<16xf32>
        tpu.vector_store_idx %arg14[%add3A_74, %broadcast_in_dim3A_102], %add3A_111 : memref<80x259xf32, #tpu.memory_space<vmem>>[vector<16xi32>, vector<16xi32>], vector<16xf32>,
        %scan3A_112 = arith.constant 0 : i32
        %scan3A_113 = arith.constant 3 : i32
        %scan3A_114 = arith.constant 128 : i32
        %scan3A_115 = arith.addi %scan3A_113, %scan3A_114 : i32
        %scan3A_116 = arith.constant 8 : i32
        scf.for %scan3A_280 = %scan3A_113 to %scan3A_115 step %scan3A_116  : i32 {
          %add3A_281 = vector.broadcast %scan3A_280 : i32 to vector<16xi32>
          %add3A_282 = arith.addi %broadcast_in_dim3A_1, %add3A_281 : vector<16xi32>
          %gather3A_283 = tpu.vector_load_idx %arg11[%add3A_74, %add3A_282] : memref<80x131xf32, #tpu.memory_space<vmem>>[vector<16xi32>, vector<16xi32>], vector<16xf32>,
          %sub3A_284 = arith.constant 3 : i32
          %sub3A_285 = vector.broadcast %sub3A_284 : i32 to vector<16xi32>
          %sub3A_286 = arith.subi %add3A_282, %sub3A_285 : vector<16xi32>
          %gather3A_287 = tpu.vector_load_idx %arg10[%add3A_74, %sub3A_286] : memref<80x128xf32, #tpu.memory_space<vmem>>[vector<16xi32>, vector<16xi32>], vector<16xf32>,
          %mul3A_288 = arith.mulf %gather3A_77, %gather3A_287 : vector<16xf32>
          %mul3A_289 = arith.mulf %gather3A_78, %gather3A_283 : vector<16xf32>
          %add3A_290 = arith.addf %mul3A_288, %mul3A_289 : vector<16xf32>
          tpu.vector_store_idx %arg14[%add3A_74, %add3A_282], %add3A_290 : memref<80x259xf32, #tpu.memory_space<vmem>>[vector<16xi32>, vector<16xi32>], vector<16xf32>,
          %scan3A_291 = arith.constant 1 : i32
          %scan3A_292 = arith.addi %scan3A_280, %scan3A_291 : i32
          %add3A_293 = vector.broadcast %scan3A_292 : i32 to vector<16xi32>
          %add3A_294 = arith.addi %broadcast_in_dim3A_1, %add3A_293 : vector<16xi32>
          %gather3A_295 = tpu.vector_load_idx %arg11[%add3A_74, %add3A_294] : memref<80x131xf32, #tpu.memory_space<vmem>>[vector<16xi32>, vector<16xi32>], vector<16xf32>,
          %sub3A_296 = arith.constant 3 : i32
          %sub3A_297 = vector.broadcast %sub3A_296 : i32 to vector<16xi32>
          %sub3A_298 = arith.subi %add3A_294, %sub3A_297 : vector<16xi32>
          %gather3A_299 = tpu.vector_load_idx %arg10[%add3A_74, %sub3A_298] : memref<80x128xf32, #tpu.memory_space<vmem>>[vector<16xi32>, vector<16xi32>], vector<16xf32>,
          %mul3A_300 = arith.mulf %gather3A_77, %gather3A_299 : vector<16xf32>
          %mul3A_301 = arith.mulf %gather3A_78, %gather3A_295 : vector<16xf32>
          %add3A_302 = arith.addf %mul3A_300, %mul3A_301 : vector<16xf32>
          tpu.vector_store_idx %arg14[%add3A_74, %add3A_294], %add3A_302 : memref<80x259xf32, #tpu.memory_space<vmem>>[vector<16xi32>, vector<16xi32>], vector<16xf32>,
          %scan3A_303 = arith.constant 2 : i32
          %scan3A_304 = arith.addi %scan3A_280, %scan3A_303 : i32
          %add3A_305 = vector.broadcast %scan3A_304 : i32 to vector<16xi32>
          %add3A_306 = arith.addi %broadcast_in_dim3A_1, %add3A_305 : vector<16xi32>
          %gather3A_307 = tpu.vector_load_idx %arg11[%add3A_74, %add3A_306] : memref<80x131xf32, #tpu.memory_space<vmem>>[vector<16xi32>, vector<16xi32>], vector<16xf32>,
          %sub3A_308 = arith.constant 3 : i32
          %sub3A_309 = vector.broadcast %sub3A_308 : i32 to vector<16xi32>
          %sub3A_310 = arith.subi %add3A_306, %sub3A_309 : vector<16xi32>
          %gather3A_311 = tpu.vector_load_idx %arg10[%add3A_74, %sub3A_310] : memref<80x128xf32, #tpu.memory_space<vmem>>[vector<16xi32>, vector<16xi32>], vector<16xf32>,
          %mul3A_312 = arith.mulf %gather3A_77, %gather3A_311 : vector<16xf32>
          %mul3A_313 = arith.mulf %gather3A_78, %gather3A_307 : vector<16xf32>
          %add3A_314 = arith.addf %mul3A_312, %mul3A_313 : vector<16xf32>
          tpu.vector_store_idx %arg14[%add3A_74, %add3A_306], %add3A_314 : memref<80x259xf32, #tpu.memory_space<vmem>>[vector<16xi32>, vector<16xi32>], vector<16xf32>,
          %scan3A_315 = arith.constant 3 : i32
          %scan3A_316 = arith.addi %scan3A_280, %scan3A_315 : i32
          %add3A_317 = vector.broadcast %scan3A_316 : i32 to vector<16xi32>
          %add3A_318 = arith.addi %broadcast_in_dim3A_1, %add3A_317 : vector<16xi32>
          %gather3A_319 = tpu.vector_load_idx %arg11[%add3A_74, %add3A_318] : memref<80x131xf32, #tpu.memory_space<vmem>>[vector<16xi32>, vector<16xi32>], vector<16xf32>,
          %sub3A_320 = arith.constant 3 : i32
          %sub3A_321 = vector.broadcast %sub3A_320 : i32 to vector<16xi32>
          %sub3A_322 = arith.subi %add3A_318, %sub3A_321 : vector<16xi32>
          %gather3A_323 = tpu.vector_load_idx %arg10[%add3A_74, %sub3A_322] : memref<80x128xf32, #tpu.memory_space<vmem>>[vector<16xi32>, vector<16xi32>], vector<16xf32>,
          %mul3A_324 = arith.mulf %gather3A_77, %gather3A_323 : vector<16xf32>
          %mul3A_325 = arith.mulf %gather3A_78, %gather3A_319 : vector<16xf32>
          %add3A_326 = arith.addf %mul3A_324, %mul3A_325 : vector<16xf32>
          tpu.vector_store_idx %arg14[%add3A_74, %add3A_318], %add3A_326 : memref<80x259xf32, #tpu.memory_space<vmem>>[vector<16xi32>, vector<16xi32>], vector<16xf32>,
          %scan3A_327 = arith.constant 4 : i32
          %scan3A_328 = arith.addi %scan3A_280, %scan3A_327 : i32
          %add3A_329 = vector.broadcast %scan3A_328 : i32 to vector<16xi32>
          %add3A_330 = arith.addi %broadcast_in_dim3A_1, %add3A_329 : vector<16xi32>
          %gather3A_331 = tpu.vector_load_idx %arg11[%add3A_74, %add3A_330] : memref<80x131xf32, #tpu.memory_space<vmem>>[vector<16xi32>, vector<16xi32>], vector<16xf32>,
          %sub3A_332 = arith.constant 3 : i32
          %sub3A_333 = vector.broadcast %sub3A_332 : i32 to vector<16xi32>
          %sub3A_334 = arith.subi %add3A_330, %sub3A_333 : vector<16xi32>
          %gather3A_335 = tpu.vector_load_idx %arg10[%add3A_74, %sub3A_334] : memref<80x128xf32, #tpu.memory_space<vmem>>[vector<16xi32>, vector<16xi32>], vector<16xf32>,
          %mul3A_336 = arith.mulf %gather3A_77, %gather3A_335 : vector<16xf32>
          %mul3A_337 = arith.mulf %gather3A_78, %gather3A_331 : vector<16xf32>
          %add3A_338 = arith.addf %mul3A_336, %mul3A_337 : vector<16xf32>
          tpu.vector_store_idx %arg14[%add3A_74, %add3A_330], %add3A_338 : memref<80x259xf32, #tpu.memory_space<vmem>>[vector<16xi32>, vector<16xi32>], vector<16xf32>,
          %scan3A_339 = arith.constant 5 : i32
          %scan3A_340 = arith.addi %scan3A_280, %scan3A_339 : i32
          %add3A_341 = vector.broadcast %scan3A_340 : i32 to vector<16xi32>
          %add3A_342 = arith.addi %broadcast_in_dim3A_1, %add3A_341 : vector<16xi32>
          %gather3A_343 = tpu.vector_load_idx %arg11[%add3A_74, %add3A_342] : memref<80x131xf32, #tpu.memory_space<vmem>>[vector<16xi32>, vector<16xi32>], vector<16xf32>,
          %sub3A_344 = arith.constant 3 : i32
          %sub3A_345 = vector.broadcast %sub3A_344 : i32 to vector<16xi32>
          %sub3A_346 = arith.subi %add3A_342, %sub3A_345 : vector<16xi32>
          %gather3A_347 = tpu.vector_load_idx %arg10[%add3A_74, %sub3A_346] : memref<80x128xf32, #tpu.memory_space<vmem>>[vector<16xi32>, vector<16xi32>], vector<16xf32>,
          %mul3A_348 = arith.mulf %gather3A_77, %gather3A_347 : vector<16xf32>
          %mul3A_349 = arith.mulf %gather3A_78, %gather3A_343 : vector<16xf32>
          %add3A_350 = arith.addf %mul3A_348, %mul3A_349 : vector<16xf32>
          tpu.vector_store_idx %arg14[%add3A_74, %add3A_342], %add3A_350 : memref<80x259xf32, #tpu.memory_space<vmem>>[vector<16xi32>, vector<16xi32>], vector<16xf32>,
          %scan3A_351 = arith.constant 6 : i32
          %scan3A_352 = arith.addi %scan3A_280, %scan3A_351 : i32
          %add3A_353 = vector.broadcast %scan3A_352 : i32 to vector<16xi32>
          %add3A_354 = arith.addi %broadcast_in_dim3A_1, %add3A_353 : vector<16xi32>
          %gather3A_355 = tpu.vector_load_idx %arg11[%add3A_74, %add3A_354] : memref<80x131xf32, #tpu.memory_space<vmem>>[vector<16xi32>, vector<16xi32>], vector<16xf32>,
          %sub3A_356 = arith.constant 3 : i32
          %sub3A_357 = vector.broadcast %sub3A_356 : i32 to vector<16xi32>
          %sub3A_358 = arith.subi %add3A_354, %sub3A_357 : vector<16xi32>
          %gather3A_359 = tpu.vector_load_idx %arg10[%add3A_74, %sub3A_358] : memref<80x128xf32, #tpu.memory_space<vmem>>[vector<16xi32>, vector<16xi32>], vector<16xf32>,
          %mul3A_360 = arith.mulf %gather3A_77, %gather3A_359 : vector<16xf32>
          %mul3A_361 = arith.mulf %gather3A_78, %gather3A_355 : vector<16xf32>
          %add3A_362 = arith.addf %mul3A_360, %mul3A_361 : vector<16xf32>
          tpu.vector_store_idx %arg14[%add3A_74, %add3A_354], %add3A_362 : memref<80x259xf32, #tpu.memory_space<vmem>>[vector<16xi32>, vector<16xi32>], vector<16xf32>,
          %scan3A_363 = arith.constant 7 : i32
          %scan3A_364 = arith.addi %scan3A_280, %scan3A_363 : i32
          %add3A_365 = vector.broadcast %scan3A_364 : i32 to vector<16xi32>
          %add3A_366 = arith.addi %broadcast_in_dim3A_1, %add3A_365 : vector<16xi32>
          %gather3A_367 = tpu.vector_load_idx %arg11[%add3A_74, %add3A_366] : memref<80x131xf32, #tpu.memory_space<vmem>>[vector<16xi32>, vector<16xi32>], vector<16xf32>,
          %sub3A_368 = arith.constant 3 : i32
          %sub3A_369 = vector.broadcast %sub3A_368 : i32 to vector<16xi32>
          %sub3A_370 = arith.subi %add3A_366, %sub3A_369 : vector<16xi32>
          %gather3A_371 = tpu.vector_load_idx %arg10[%add3A_74, %sub3A_370] : memref<80x128xf32, #tpu.memory_space<vmem>>[vector<16xi32>, vector<16xi32>], vector<16xf32>,
          %mul3A_372 = arith.mulf %gather3A_77, %gather3A_371 : vector<16xf32>
          %mul3A_373 = arith.mulf %gather3A_78, %gather3A_367 : vector<16xf32>
          %add3A_374 = arith.addf %mul3A_372, %mul3A_373 : vector<16xf32>
          tpu.vector_store_idx %arg14[%add3A_74, %add3A_366], %add3A_374 : memref<80x259xf32, #tpu.memory_space<vmem>>[vector<16xi32>, vector<16xi32>], vector<16xf32>,
        }
        %scan3A_117 = arith.constant 128 : i32
        %scan3A_118 = arith.constant 0 : i32
        %scan3A_119 = arith.constant 0 : i32
        %scan3A_120 = arith.constant 128 : i32
        %scan3A_121 = arith.addi %scan3A_119, %scan3A_120 : i32
        %scan3A_122 = arith.constant 8 : i32
        scf.for %scan3A_280 = %scan3A_119 to %scan3A_121 step %scan3A_122  : i32 {
          %add3A_281 = vector.broadcast %scan3A_280 : i32 to vector<16xi32>
          %add3A_282 = arith.addi %broadcast_in_dim3A_1, %add3A_281 : vector<16xi32>
          %gather3A_283 = tpu.vector_load_idx %arg13[%add3A_74, %add3A_282] : memref<80x128xf32, #tpu.memory_space<vmem>>[vector<16xi32>, vector<16xi32>], vector<16xf32>,
          %add3A_284 = arith.constant 131 : i32
          %add3A_285 = vector.broadcast %add3A_284 : i32 to vector<16xi32>
          %add3A_286 = arith.addi %add3A_282, %add3A_285 : vector<16xi32>
          tpu.vector_store_idx %arg14[%add3A_74, %add3A_286], %gather3A_283 : memref<80x259xf32, #tpu.memory_space<vmem>>[vector<16xi32>, vector<16xi32>], vector<16xf32>,
          %scan3A_287 = arith.constant 1 : i32
          %scan3A_288 = arith.addi %scan3A_280, %scan3A_287 : i32
          %add3A_289 = vector.broadcast %scan3A_288 : i32 to vector<16xi32>
          %add3A_290 = arith.addi %broadcast_in_dim3A_1, %add3A_289 : vector<16xi32>
          %gather3A_291 = tpu.vector_load_idx %arg13[%add3A_74, %add3A_290] : memref<80x128xf32, #tpu.memory_space<vmem>>[vector<16xi32>, vector<16xi32>], vector<16xf32>,
          %add3A_292 = arith.constant 131 : i32
          %add3A_293 = vector.broadcast %add3A_292 : i32 to vector<16xi32>
          %add3A_294 = arith.addi %add3A_290, %add3A_293 : vector<16xi32>
          tpu.vector_store_idx %arg14[%add3A_74, %add3A_294], %gather3A_291 : memref<80x259xf32, #tpu.memory_space<vmem>>[vector<16xi32>, vector<16xi32>], vector<16xf32>,
          %scan3A_295 = arith.constant 2 : i32
          %scan3A_296 = arith.addi %scan3A_280, %scan3A_295 : i32
          %add3A_297 = vector.broadcast %scan3A_296 : i32 to vector<16xi32>
          %add3A_298 = arith.addi %broadcast_in_dim3A_1, %add3A_297 : vector<16xi32>
          %gather3A_299 = tpu.vector_load_idx %arg13[%add3A_74, %add3A_298] : memref<80x128xf32, #tpu.memory_space<vmem>>[vector<16xi32>, vector<16xi32>], vector<16xf32>,
          %add3A_300 = arith.constant 131 : i32
          %add3A_301 = vector.broadcast %add3A_300 : i32 to vector<16xi32>
          %add3A_302 = arith.addi %add3A_298, %add3A_301 : vector<16xi32>
          tpu.vector_store_idx %arg14[%add3A_74, %add3A_302], %gather3A_299 : memref<80x259xf32, #tpu.memory_space<vmem>>[vector<16xi32>, vector<16xi32>], vector<16xf32>,
          %scan3A_303 = arith.constant 3 : i32
          %scan3A_304 = arith.addi %scan3A_280, %scan3A_303 : i32
          %add3A_305 = vector.broadcast %scan3A_304 : i32 to vector<16xi32>
          %add3A_306 = arith.addi %broadcast_in_dim3A_1, %add3A_305 : vector<16xi32>
          %gather3A_307 = tpu.vector_load_idx %arg13[%add3A_74, %add3A_306] : memref<80x128xf32, #tpu.memory_space<vmem>>[vector<16xi32>, vector<16xi32>], vector<16xf32>,
          %add3A_308 = arith.constant 131 : i32
          %add3A_309 = vector.broadcast %add3A_308 : i32 to vector<16xi32>
          %add3A_310 = arith.addi %add3A_306, %add3A_309 : vector<16xi32>
          tpu.vector_store_idx %arg14[%add3A_74, %add3A_310], %gather3A_307 : memref<80x259xf32, #tpu.memory_space<vmem>>[vector<16xi32>, vector<16xi32>], vector<16xf32>,
          %scan3A_311 = arith.constant 4 : i32
          %scan3A_312 = arith.addi %scan3A_280, %scan3A_311 : i32
          %add3A_313 = vector.broadcast %scan3A_312 : i32 to vector<16xi32>
          %add3A_314 = arith.addi %broadcast_in_dim3A_1, %add3A_313 : vector<16xi32>
          %gather3A_315 = tpu.vector_load_idx %arg13[%add3A_74, %add3A_314] : memref<80x128xf32, #tpu.memory_space<vmem>>[vector<16xi32>, vector<16xi32>], vector<16xf32>,
          %add3A_316 = arith.constant 131 : i32
          %add3A_317 = vector.broadcast %add3A_316 : i32 to vector<16xi32>
          %add3A_318 = arith.addi %add3A_314, %add3A_317 : vector<16xi32>
          tpu.vector_store_idx %arg14[%add3A_74, %add3A_318], %gather3A_315 : memref<80x259xf32, #tpu.memory_space<vmem>>[vector<16xi32>, vector<16xi32>], vector<16xf32>,
          %scan3A_319 = arith.constant 5 : i32
          %scan3A_320 = arith.addi %scan3A_280, %scan3A_319 : i32
          %add3A_321 = vector.broadcast %scan3A_320 : i32 to vector<16xi32>
          %add3A_322 = arith.addi %broadcast_in_dim3A_1, %add3A_321 : vector<16xi32>
          %gather3A_323 = tpu.vector_load_idx %arg13[%add3A_74, %add3A_322] : memref<80x128xf32, #tpu.memory_space<vmem>>[vector<16xi32>, vector<16xi32>], vector<16xf32>,
          %add3A_324 = arith.constant 131 : i32
          %add3A_325 = vector.broadcast %add3A_324 : i32 to vector<16xi32>
          %add3A_326 = arith.addi %add3A_322, %add3A_325 : vector<16xi32>
          tpu.vector_store_idx %arg14[%add3A_74, %add3A_326], %gather3A_323 : memref<80x259xf32, #tpu.memory_space<vmem>>[vector<16xi32>, vector<16xi32>], vector<16xf32>,
          %scan3A_327 = arith.constant 6 : i32
          %scan3A_328 = arith.addi %scan3A_280, %scan3A_327 : i32
          %add3A_329 = vector.broadcast %scan3A_328 : i32 to vector<16xi32>
          %add3A_330 = arith.addi %broadcast_in_dim3A_1, %add3A_329 : vector<16xi32>
          %gather3A_331 = tpu.vector_load_idx %arg13[%add3A_74, %add3A_330] : memref<80x128xf32, #tpu.memory_space<vmem>>[vector<16xi32>, vector<16xi32>], vector<16xf32>,
          %add3A_332 = arith.constant 131 : i32
          %add3A_333 = vector.broadcast %add3A_332 : i32 to vector<16xi32>
          %add3A_334 = arith.addi %add3A_330, %add3A_333 : vector<16xi32>
          tpu.vector_store_idx %arg14[%add3A_74, %add3A_334], %gather3A_331 : memref<80x259xf32, #tpu.memory_space<vmem>>[vector<16xi32>, vector<16xi32>], vector<16xf32>,
          %scan3A_335 = arith.constant 7 : i32
          %scan3A_336 = arith.addi %scan3A_280, %scan3A_335 : i32
          %add3A_337 = vector.broadcast %scan3A_336 : i32 to vector<16xi32>
          %add3A_338 = arith.addi %broadcast_in_dim3A_1, %add3A_337 : vector<16xi32>
          %gather3A_339 = tpu.vector_load_idx %arg13[%add3A_74, %add3A_338] : memref<80x128xf32, #tpu.memory_space<vmem>>[vector<16xi32>, vector<16xi32>], vector<16xf32>,
          %add3A_340 = arith.constant 131 : i32
          %add3A_341 = vector.broadcast %add3A_340 : i32 to vector<16xi32>
          %add3A_342 = arith.addi %add3A_338, %add3A_341 : vector<16xi32>
          tpu.vector_store_idx %arg14[%add3A_74, %add3A_342], %gather3A_339 : memref<80x259xf32, #tpu.memory_space<vmem>>[vector<16xi32>, vector<16xi32>], vector<16xf32>,
        }
        %scan3A_123 = arith.constant 128 : i32
        %add3A_124 = arith.constant 32 : i32
        %add3A_125 = vector.broadcast %add3A_124 : i32 to vector<16xi32>
        %add3A_126 = arith.addi %iota3A, %add3A_125 : vector<16xi32>
        %get3A_127 = arith.constant 32 : index
        %get3A_128 = tpu.vector_load %arg12[%get3A_127] {strides = array<i32>} : memref<80xi32, #tpu.memory_space<vmem>>, vector<16xi32>,
        %gather3A_129 = tpu.vector_load_idx %arg15[%broadcast_in_dim3A_1, %get3A_128] : memref<8x128xf32, #tpu.memory_space<vmem>>[vector<16xi32>, vector<16xi32>], vector<16xf32>,
        %gather3A_130 = tpu.vector_load_idx %arg15[%broadcast_in_dim3A_3, %get3A_128] : memref<8x128xf32, #tpu.memory_space<vmem>>[vector<16xi32>, vector<16xi32>], vector<16xf32>,
        %broadcast_in_dim3A_131 = arith.constant 0 : i32
        %broadcast_in_dim3A_132 = vector.broadcast %broadcast_in_dim3A_131 : i32 to vector<16xi32>
        %gather3A_133 = tpu.vector_load_idx %arg11[%add3A_126, %broadcast_in_dim3A_132] : memref<80x131xf32, #tpu.memory_space<vmem>>[vector<16xi32>, vector<16xi32>], vector<16xf32>,
        %gather3A_134 = tpu.vector_load_idx %arg9[%add3A_126, %broadcast_in_dim3A_132] : memref<80x3xf32, #tpu.memory_space<vmem>>[vector<16xi32>, vector<16xi32>], vector<16xf32>,
        %broadcast_in_dim3A_135 = arith.constant 0 : i32
        %broadcast_in_dim3A_136 = vector.broadcast %broadcast_in_dim3A_135 : i32 to vector<16xi32>
        %gather3A_137 = tpu.vector_load_idx %arg15[%broadcast_in_dim3A_5, %broadcast_in_dim3A_136] : memref<8x128xf32, #tpu.memory_space<vmem>>[vector<16xi32>, vector<16xi32>], vector<16xf32>,
        %mul3A_138 = arith.mulf %gather3A_129, %gather3A_134 : vector<16xf32>
        %sub3A_139 = arith.subf %gather3A_133, %gather3A_137 : vector<16xf32>
        %mul3A_140 = arith.mulf %gather3A_130, %sub3A_139 : vector<16xf32>
        %add3A_141 = arith.addf %mul3A_138, %mul3A_140 : vector<16xf32>
        tpu.vector_store_idx %arg14[%add3A_126, %broadcast_in_dim3A_132], %add3A_141 : memref<80x259xf32, #tpu.memory_space<vmem>>[vector<16xi32>, vector<16xi32>], vector<16xf32>,
        %broadcast_in_dim3A_142 = arith.constant 1 : i32
        %broadcast_in_dim3A_143 = vector.broadcast %broadcast_in_dim3A_142 : i32 to vector<16xi32>
        %gather3A_144 = tpu.vector_load_idx %arg11[%add3A_126, %broadcast_in_dim3A_143] : memref<80x131xf32, #tpu.memory_space<vmem>>[vector<16xi32>, vector<16xi32>], vector<16xf32>,
        %gather3A_145 = tpu.vector_load_idx %arg9[%add3A_126, %broadcast_in_dim3A_143] : memref<80x3xf32, #tpu.memory_space<vmem>>[vector<16xi32>, vector<16xi32>], vector<16xf32>,
        %broadcast_in_dim3A_146 = arith.constant 16 : i32
        %broadcast_in_dim3A_147 = vector.broadcast %broadcast_in_dim3A_146 : i32 to vector<16xi32>
        %gather3A_148 = tpu.vector_load_idx %arg15[%broadcast_in_dim3A_5, %broadcast_in_dim3A_147] : memref<8x128xf32, #tpu.memory_space<vmem>>[vector<16xi32>, vector<16xi32>], vector<16xf32>,
        %mul3A_149 = arith.mulf %gather3A_129, %gather3A_145 : vector<16xf32>
        %sub3A_150 = arith.subf %gather3A_144, %gather3A_148 : vector<16xf32>
        %mul3A_151 = arith.mulf %gather3A_130, %sub3A_150 : vector<16xf32>
        %add3A_152 = arith.addf %mul3A_149, %mul3A_151 : vector<16xf32>
        tpu.vector_store_idx %arg14[%add3A_126, %broadcast_in_dim3A_143], %add3A_152 : memref<80x259xf32, #tpu.memory_space<vmem>>[vector<16xi32>, vector<16xi32>], vector<16xf32>,
        %broadcast_in_dim3A_153 = arith.constant 2 : i32
        %broadcast_in_dim3A_154 = vector.broadcast %broadcast_in_dim3A_153 : i32 to vector<16xi32>
        %gather3A_155 = tpu.vector_load_idx %arg11[%add3A_126, %broadcast_in_dim3A_154] : memref<80x131xf32, #tpu.memory_space<vmem>>[vector<16xi32>, vector<16xi32>], vector<16xf32>,
        %gather3A_156 = tpu.vector_load_idx %arg9[%add3A_126, %broadcast_in_dim3A_154] : memref<80x3xf32, #tpu.memory_space<vmem>>[vector<16xi32>, vector<16xi32>], vector<16xf32>,
        %broadcast_in_dim3A_157 = arith.constant 32 : i32
        %broadcast_in_dim3A_158 = vector.broadcast %broadcast_in_dim3A_157 : i32 to vector<16xi32>
        %gather3A_159 = tpu.vector_load_idx %arg15[%broadcast_in_dim3A_5, %broadcast_in_dim3A_158] : memref<8x128xf32, #tpu.memory_space<vmem>>[vector<16xi32>, vector<16xi32>], vector<16xf32>,
        %mul3A_160 = arith.mulf %gather3A_129, %gather3A_156 : vector<16xf32>
        %sub3A_161 = arith.subf %gather3A_155, %gather3A_159 : vector<16xf32>
        %mul3A_162 = arith.mulf %gather3A_130, %sub3A_161 : vector<16xf32>
        %add3A_163 = arith.addf %mul3A_160, %mul3A_162 : vector<16xf32>
        tpu.vector_store_idx %arg14[%add3A_126, %broadcast_in_dim3A_154], %add3A_163 : memref<80x259xf32, #tpu.memory_space<vmem>>[vector<16xi32>, vector<16xi32>], vector<16xf32>,
        %scan3A_164 = arith.constant 0 : i32
        %scan3A_165 = arith.constant 3 : i32
        %scan3A_166 = arith.constant 128 : i32
        %scan3A_167 = arith.addi %scan3A_165, %scan3A_166 : i32
        %scan3A_168 = arith.constant 8 : i32
        scf.for %scan3A_280 = %scan3A_165 to %scan3A_167 step %scan3A_168  : i32 {
          %add3A_281 = vector.broadcast %scan3A_280 : i32 to vector<16xi32>
          %add3A_282 = arith.addi %broadcast_in_dim3A_1, %add3A_281 : vector<16xi32>
          %gather3A_283 = tpu.vector_load_idx %arg11[%add3A_126, %add3A_282] : memref<80x131xf32, #tpu.memory_space<vmem>>[vector<16xi32>, vector<16xi32>], vector<16xf32>,
          %sub3A_284 = arith.constant 3 : i32
          %sub3A_285 = vector.broadcast %sub3A_284 : i32 to vector<16xi32>
          %sub3A_286 = arith.subi %add3A_282, %sub3A_285 : vector<16xi32>
          %gather3A_287 = tpu.vector_load_idx %arg10[%add3A_126, %sub3A_286] : memref<80x128xf32, #tpu.memory_space<vmem>>[vector<16xi32>, vector<16xi32>], vector<16xf32>,
          %mul3A_288 = arith.mulf %gather3A_129, %gather3A_287 : vector<16xf32>
          %mul3A_289 = arith.mulf %gather3A_130, %gather3A_283 : vector<16xf32>
          %add3A_290 = arith.addf %mul3A_288, %mul3A_289 : vector<16xf32>
          tpu.vector_store_idx %arg14[%add3A_126, %add3A_282], %add3A_290 : memref<80x259xf32, #tpu.memory_space<vmem>>[vector<16xi32>, vector<16xi32>], vector<16xf32>,
          %scan3A_291 = arith.constant 1 : i32
          %scan3A_292 = arith.addi %scan3A_280, %scan3A_291 : i32
          %add3A_293 = vector.broadcast %scan3A_292 : i32 to vector<16xi32>
          %add3A_294 = arith.addi %broadcast_in_dim3A_1, %add3A_293 : vector<16xi32>
          %gather3A_295 = tpu.vector_load_idx %arg11[%add3A_126, %add3A_294] : memref<80x131xf32, #tpu.memory_space<vmem>>[vector<16xi32>, vector<16xi32>], vector<16xf32>,
          %sub3A_296 = arith.constant 3 : i32
          %sub3A_297 = vector.broadcast %sub3A_296 : i32 to vector<16xi32>
          %sub3A_298 = arith.subi %add3A_294, %sub3A_297 : vector<16xi32>
          %gather3A_299 = tpu.vector_load_idx %arg10[%add3A_126, %sub3A_298] : memref<80x128xf32, #tpu.memory_space<vmem>>[vector<16xi32>, vector<16xi32>], vector<16xf32>,
          %mul3A_300 = arith.mulf %gather3A_129, %gather3A_299 : vector<16xf32>
          %mul3A_301 = arith.mulf %gather3A_130, %gather3A_295 : vector<16xf32>
          %add3A_302 = arith.addf %mul3A_300, %mul3A_301 : vector<16xf32>
          tpu.vector_store_idx %arg14[%add3A_126, %add3A_294], %add3A_302 : memref<80x259xf32, #tpu.memory_space<vmem>>[vector<16xi32>, vector<16xi32>], vector<16xf32>,
          %scan3A_303 = arith.constant 2 : i32
          %scan3A_304 = arith.addi %scan3A_280, %scan3A_303 : i32
          %add3A_305 = vector.broadcast %scan3A_304 : i32 to vector<16xi32>
          %add3A_306 = arith.addi %broadcast_in_dim3A_1, %add3A_305 : vector<16xi32>
          %gather3A_307 = tpu.vector_load_idx %arg11[%add3A_126, %add3A_306] : memref<80x131xf32, #tpu.memory_space<vmem>>[vector<16xi32>, vector<16xi32>], vector<16xf32>,
          %sub3A_308 = arith.constant 3 : i32
          %sub3A_309 = vector.broadcast %sub3A_308 : i32 to vector<16xi32>
          %sub3A_310 = arith.subi %add3A_306, %sub3A_309 : vector<16xi32>
          %gather3A_311 = tpu.vector_load_idx %arg10[%add3A_126, %sub3A_310] : memref<80x128xf32, #tpu.memory_space<vmem>>[vector<16xi32>, vector<16xi32>], vector<16xf32>,
          %mul3A_312 = arith.mulf %gather3A_129, %gather3A_311 : vector<16xf32>
          %mul3A_313 = arith.mulf %gather3A_130, %gather3A_307 : vector<16xf32>
          %add3A_314 = arith.addf %mul3A_312, %mul3A_313 : vector<16xf32>
          tpu.vector_store_idx %arg14[%add3A_126, %add3A_306], %add3A_314 : memref<80x259xf32, #tpu.memory_space<vmem>>[vector<16xi32>, vector<16xi32>], vector<16xf32>,
          %scan3A_315 = arith.constant 3 : i32
          %scan3A_316 = arith.addi %scan3A_280, %scan3A_315 : i32
          %add3A_317 = vector.broadcast %scan3A_316 : i32 to vector<16xi32>
          %add3A_318 = arith.addi %broadcast_in_dim3A_1, %add3A_317 : vector<16xi32>
          %gather3A_319 = tpu.vector_load_idx %arg11[%add3A_126, %add3A_318] : memref<80x131xf32, #tpu.memory_space<vmem>>[vector<16xi32>, vector<16xi32>], vector<16xf32>,
          %sub3A_320 = arith.constant 3 : i32
          %sub3A_321 = vector.broadcast %sub3A_320 : i32 to vector<16xi32>
          %sub3A_322 = arith.subi %add3A_318, %sub3A_321 : vector<16xi32>
          %gather3A_323 = tpu.vector_load_idx %arg10[%add3A_126, %sub3A_322] : memref<80x128xf32, #tpu.memory_space<vmem>>[vector<16xi32>, vector<16xi32>], vector<16xf32>,
          %mul3A_324 = arith.mulf %gather3A_129, %gather3A_323 : vector<16xf32>
          %mul3A_325 = arith.mulf %gather3A_130, %gather3A_319 : vector<16xf32>
          %add3A_326 = arith.addf %mul3A_324, %mul3A_325 : vector<16xf32>
          tpu.vector_store_idx %arg14[%add3A_126, %add3A_318], %add3A_326 : memref<80x259xf32, #tpu.memory_space<vmem>>[vector<16xi32>, vector<16xi32>], vector<16xf32>,
          %scan3A_327 = arith.constant 4 : i32
          %scan3A_328 = arith.addi %scan3A_280, %scan3A_327 : i32
          %add3A_329 = vector.broadcast %scan3A_328 : i32 to vector<16xi32>
          %add3A_330 = arith.addi %broadcast_in_dim3A_1, %add3A_329 : vector<16xi32>
          %gather3A_331 = tpu.vector_load_idx %arg11[%add3A_126, %add3A_330] : memref<80x131xf32, #tpu.memory_space<vmem>>[vector<16xi32>, vector<16xi32>], vector<16xf32>,
          %sub3A_332 = arith.constant 3 : i32
          %sub3A_333 = vector.broadcast %sub3A_332 : i32 to vector<16xi32>
          %sub3A_334 = arith.subi %add3A_330, %sub3A_333 : vector<16xi32>
          %gather3A_335 = tpu.vector_load_idx %arg10[%add3A_126, %sub3A_334] : memref<80x128xf32, #tpu.memory_space<vmem>>[vector<16xi32>, vector<16xi32>], vector<16xf32>,
          %mul3A_336 = arith.mulf %gather3A_129, %gather3A_335 : vector<16xf32>
          %mul3A_337 = arith.mulf %gather3A_130, %gather3A_331 : vector<16xf32>
          %add3A_338 = arith.addf %mul3A_336, %mul3A_337 : vector<16xf32>
          tpu.vector_store_idx %arg14[%add3A_126, %add3A_330], %add3A_338 : memref<80x259xf32, #tpu.memory_space<vmem>>[vector<16xi32>, vector<16xi32>], vector<16xf32>,
          %scan3A_339 = arith.constant 5 : i32
          %scan3A_340 = arith.addi %scan3A_280, %scan3A_339 : i32
          %add3A_341 = vector.broadcast %scan3A_340 : i32 to vector<16xi32>
          %add3A_342 = arith.addi %broadcast_in_dim3A_1, %add3A_341 : vector<16xi32>
          %gather3A_343 = tpu.vector_load_idx %arg11[%add3A_126, %add3A_342] : memref<80x131xf32, #tpu.memory_space<vmem>>[vector<16xi32>, vector<16xi32>], vector<16xf32>,
          %sub3A_344 = arith.constant 3 : i32
          %sub3A_345 = vector.broadcast %sub3A_344 : i32 to vector<16xi32>
          %sub3A_346 = arith.subi %add3A_342, %sub3A_345 : vector<16xi32>
          %gather3A_347 = tpu.vector_load_idx %arg10[%add3A_126, %sub3A_346] : memref<80x128xf32, #tpu.memory_space<vmem>>[vector<16xi32>, vector<16xi32>], vector<16xf32>,
          %mul3A_348 = arith.mulf %gather3A_129, %gather3A_347 : vector<16xf32>
          %mul3A_349 = arith.mulf %gather3A_130, %gather3A_343 : vector<16xf32>
          %add3A_350 = arith.addf %mul3A_348, %mul3A_349 : vector<16xf32>
          tpu.vector_store_idx %arg14[%add3A_126, %add3A_342], %add3A_350 : memref<80x259xf32, #tpu.memory_space<vmem>>[vector<16xi32>, vector<16xi32>], vector<16xf32>,
          %scan3A_351 = arith.constant 6 : i32
          %scan3A_352 = arith.addi %scan3A_280, %scan3A_351 : i32
          %add3A_353 = vector.broadcast %scan3A_352 : i32 to vector<16xi32>
          %add3A_354 = arith.addi %broadcast_in_dim3A_1, %add3A_353 : vector<16xi32>
          %gather3A_355 = tpu.vector_load_idx %arg11[%add3A_126, %add3A_354] : memref<80x131xf32, #tpu.memory_space<vmem>>[vector<16xi32>, vector<16xi32>], vector<16xf32>,
          %sub3A_356 = arith.constant 3 : i32
          %sub3A_357 = vector.broadcast %sub3A_356 : i32 to vector<16xi32>
          %sub3A_358 = arith.subi %add3A_354, %sub3A_357 : vector<16xi32>
          %gather3A_359 = tpu.vector_load_idx %arg10[%add3A_126, %sub3A_358] : memref<80x128xf32, #tpu.memory_space<vmem>>[vector<16xi32>, vector<16xi32>], vector<16xf32>,
          %mul3A_360 = arith.mulf %gather3A_129, %gather3A_359 : vector<16xf32>
          %mul3A_361 = arith.mulf %gather3A_130, %gather3A_355 : vector<16xf32>
          %add3A_362 = arith.addf %mul3A_360, %mul3A_361 : vector<16xf32>
          tpu.vector_store_idx %arg14[%add3A_126, %add3A_354], %add3A_362 : memref<80x259xf32, #tpu.memory_space<vmem>>[vector<16xi32>, vector<16xi32>], vector<16xf32>,
          %scan3A_363 = arith.constant 7 : i32
          %scan3A_364 = arith.addi %scan3A_280, %scan3A_363 : i32
          %add3A_365 = vector.broadcast %scan3A_364 : i32 to vector<16xi32>
          %add3A_366 = arith.addi %broadcast_in_dim3A_1, %add3A_365 : vector<16xi32>
          %gather3A_367 = tpu.vector_load_idx %arg11[%add3A_126, %add3A_366] : memref<80x131xf32, #tpu.memory_space<vmem>>[vector<16xi32>, vector<16xi32>], vector<16xf32>,
          %sub3A_368 = arith.constant 3 : i32
          %sub3A_369 = vector.broadcast %sub3A_368 : i32 to vector<16xi32>
          %sub3A_370 = arith.subi %add3A_366, %sub3A_369 : vector<16xi32>
          %gather3A_371 = tpu.vector_load_idx %arg10[%add3A_126, %sub3A_370] : memref<80x128xf32, #tpu.memory_space<vmem>>[vector<16xi32>, vector<16xi32>], vector<16xf32>,
          %mul3A_372 = arith.mulf %gather3A_129, %gather3A_371 : vector<16xf32>
          %mul3A_373 = arith.mulf %gather3A_130, %gather3A_367 : vector<16xf32>
          %add3A_374 = arith.addf %mul3A_372, %mul3A_373 : vector<16xf32>
          tpu.vector_store_idx %arg14[%add3A_126, %add3A_366], %add3A_374 : memref<80x259xf32, #tpu.memory_space<vmem>>[vector<16xi32>, vector<16xi32>], vector<16xf32>,
        }
        %scan3A_169 = arith.constant 128 : i32
        %scan3A_170 = arith.constant 0 : i32
        %scan3A_171 = arith.constant 0 : i32
        %scan3A_172 = arith.constant 128 : i32
        %scan3A_173 = arith.addi %scan3A_171, %scan3A_172 : i32
        %scan3A_174 = arith.constant 8 : i32
        scf.for %scan3A_280 = %scan3A_171 to %scan3A_173 step %scan3A_174  : i32 {
          %add3A_281 = vector.broadcast %scan3A_280 : i32 to vector<16xi32>
          %add3A_282 = arith.addi %broadcast_in_dim3A_1, %add3A_281 : vector<16xi32>
          %gather3A_283 = tpu.vector_load_idx %arg13[%add3A_126, %add3A_282] : memref<80x128xf32, #tpu.memory_space<vmem>>[vector<16xi32>, vector<16xi32>], vector<16xf32>,
          %add3A_284 = arith.constant 131 : i32
          %add3A_285 = vector.broadcast %add3A_284 : i32 to vector<16xi32>
          %add3A_286 = arith.addi %add3A_282, %add3A_285 : vector<16xi32>
          tpu.vector_store_idx %arg14[%add3A_126, %add3A_286], %gather3A_283 : memref<80x259xf32, #tpu.memory_space<vmem>>[vector<16xi32>, vector<16xi32>], vector<16xf32>,
          %scan3A_287 = arith.constant 1 : i32
          %scan3A_288 = arith.addi %scan3A_280, %scan3A_287 : i32
          %add3A_289 = vector.broadcast %scan3A_288 : i32 to vector<16xi32>
          %add3A_290 = arith.addi %broadcast_in_dim3A_1, %add3A_289 : vector<16xi32>
          %gather3A_291 = tpu.vector_load_idx %arg13[%add3A_126, %add3A_290] : memref<80x128xf32, #tpu.memory_space<vmem>>[vector<16xi32>, vector<16xi32>], vector<16xf32>,
          %add3A_292 = arith.constant 131 : i32
          %add3A_293 = vector.broadcast %add3A_292 : i32 to vector<16xi32>
          %add3A_294 = arith.addi %add3A_290, %add3A_293 : vector<16xi32>
          tpu.vector_store_idx %arg14[%add3A_126, %add3A_294], %gather3A_291 : memref<80x259xf32, #tpu.memory_space<vmem>>[vector<16xi32>, vector<16xi32>], vector<16xf32>,
          %scan3A_295 = arith.constant 2 : i32
          %scan3A_296 = arith.addi %scan3A_280, %scan3A_295 : i32
          %add3A_297 = vector.broadcast %scan3A_296 : i32 to vector<16xi32>
          %add3A_298 = arith.addi %broadcast_in_dim3A_1, %add3A_297 : vector<16xi32>
          %gather3A_299 = tpu.vector_load_idx %arg13[%add3A_126, %add3A_298] : memref<80x128xf32, #tpu.memory_space<vmem>>[vector<16xi32>, vector<16xi32>], vector<16xf32>,
          %add3A_300 = arith.constant 131 : i32
          %add3A_301 = vector.broadcast %add3A_300 : i32 to vector<16xi32>
          %add3A_302 = arith.addi %add3A_298, %add3A_301 : vector<16xi32>
          tpu.vector_store_idx %arg14[%add3A_126, %add3A_302], %gather3A_299 : memref<80x259xf32, #tpu.memory_space<vmem>>[vector<16xi32>, vector<16xi32>], vector<16xf32>,
          %scan3A_303 = arith.constant 3 : i32
          %scan3A_304 = arith.addi %scan3A_280, %scan3A_303 : i32
          %add3A_305 = vector.broadcast %scan3A_304 : i32 to vector<16xi32>
          %add3A_306 = arith.addi %broadcast_in_dim3A_1, %add3A_305 : vector<16xi32>
          %gather3A_307 = tpu.vector_load_idx %arg13[%add3A_126, %add3A_306] : memref<80x128xf32, #tpu.memory_space<vmem>>[vector<16xi32>, vector<16xi32>], vector<16xf32>,
          %add3A_308 = arith.constant 131 : i32
          %add3A_309 = vector.broadcast %add3A_308 : i32 to vector<16xi32>
          %add3A_310 = arith.addi %add3A_306, %add3A_309 : vector<16xi32>
          tpu.vector_store_idx %arg14[%add3A_126, %add3A_310], %gather3A_307 : memref<80x259xf32, #tpu.memory_space<vmem>>[vector<16xi32>, vector<16xi32>], vector<16xf32>,
          %scan3A_311 = arith.constant 4 : i32
          %scan3A_312 = arith.addi %scan3A_280, %scan3A_311 : i32
          %add3A_313 = vector.broadcast %scan3A_312 : i32 to vector<16xi32>
          %add3A_314 = arith.addi %broadcast_in_dim3A_1, %add3A_313 : vector<16xi32>
          %gather3A_315 = tpu.vector_load_idx %arg13[%add3A_126, %add3A_314] : memref<80x128xf32, #tpu.memory_space<vmem>>[vector<16xi32>, vector<16xi32>], vector<16xf32>,
          %add3A_316 = arith.constant 131 : i32
          %add3A_317 = vector.broadcast %add3A_316 : i32 to vector<16xi32>
          %add3A_318 = arith.addi %add3A_314, %add3A_317 : vector<16xi32>
          tpu.vector_store_idx %arg14[%add3A_126, %add3A_318], %gather3A_315 : memref<80x259xf32, #tpu.memory_space<vmem>>[vector<16xi32>, vector<16xi32>], vector<16xf32>,
          %scan3A_319 = arith.constant 5 : i32
          %scan3A_320 = arith.addi %scan3A_280, %scan3A_319 : i32
          %add3A_321 = vector.broadcast %scan3A_320 : i32 to vector<16xi32>
          %add3A_322 = arith.addi %broadcast_in_dim3A_1, %add3A_321 : vector<16xi32>
          %gather3A_323 = tpu.vector_load_idx %arg13[%add3A_126, %add3A_322] : memref<80x128xf32, #tpu.memory_space<vmem>>[vector<16xi32>, vector<16xi32>], vector<16xf32>,
          %add3A_324 = arith.constant 131 : i32
          %add3A_325 = vector.broadcast %add3A_324 : i32 to vector<16xi32>
          %add3A_326 = arith.addi %add3A_322, %add3A_325 : vector<16xi32>
          tpu.vector_store_idx %arg14[%add3A_126, %add3A_326], %gather3A_323 : memref<80x259xf32, #tpu.memory_space<vmem>>[vector<16xi32>, vector<16xi32>], vector<16xf32>,
          %scan3A_327 = arith.constant 6 : i32
          %scan3A_328 = arith.addi %scan3A_280, %scan3A_327 : i32
          %add3A_329 = vector.broadcast %scan3A_328 : i32 to vector<16xi32>
          %add3A_330 = arith.addi %broadcast_in_dim3A_1, %add3A_329 : vector<16xi32>
          %gather3A_331 = tpu.vector_load_idx %arg13[%add3A_126, %add3A_330] : memref<80x128xf32, #tpu.memory_space<vmem>>[vector<16xi32>, vector<16xi32>], vector<16xf32>,
          %add3A_332 = arith.constant 131 : i32
          %add3A_333 = vector.broadcast %add3A_332 : i32 to vector<16xi32>
          %add3A_334 = arith.addi %add3A_330, %add3A_333 : vector<16xi32>
          tpu.vector_store_idx %arg14[%add3A_126, %add3A_334], %gather3A_331 : memref<80x259xf32, #tpu.memory_space<vmem>>[vector<16xi32>, vector<16xi32>], vector<16xf32>,
          %scan3A_335 = arith.constant 7 : i32
          %scan3A_336 = arith.addi %scan3A_280, %scan3A_335 : i32
          %add3A_337 = vector.broadcast %scan3A_336 : i32 to vector<16xi32>
          %add3A_338 = arith.addi %broadcast_in_dim3A_1, %add3A_337 : vector<16xi32>
          %gather3A_339 = tpu.vector_load_idx %arg13[%add3A_126, %add3A_338] : memref<80x128xf32, #tpu.memory_space<vmem>>[vector<16xi32>, vector<16xi32>], vector<16xf32>,
          %add3A_340 = arith.constant 131 : i32
          %add3A_341 = vector.broadcast %add3A_340 : i32 to vector<16xi32>
          %add3A_342 = arith.addi %add3A_338, %add3A_341 : vector<16xi32>
          tpu.vector_store_idx %arg14[%add3A_126, %add3A_342], %gather3A_339 : memref<80x259xf32, #tpu.memory_space<vmem>>[vector<16xi32>, vector<16xi32>], vector<16xf32>,
        }
        %scan3A_175 = arith.constant 128 : i32
        %add3A_176 = arith.constant 48 : i32
        %add3A_177 = vector.broadcast %add3A_176 : i32 to vector<16xi32>
        %add3A_178 = arith.addi %iota3A, %add3A_177 : vector<16xi32>
        %get3A_179 = arith.constant 48 : index
        %get3A_180 = tpu.vector_load %arg12[%get3A_179] {strides = array<i32>} : memref<80xi32, #tpu.memory_space<vmem>>, vector<16xi32>,
        %gather3A_181 = tpu.vector_load_idx %arg15[%broadcast_in_dim3A_1, %get3A_180] : memref<8x128xf32, #tpu.memory_space<vmem>>[vector<16xi32>, vector<16xi32>], vector<16xf32>,
        %gather3A_182 = tpu.vector_load_idx %arg15[%broadcast_in_dim3A_3, %get3A_180] : memref<8x128xf32, #tpu.memory_space<vmem>>[vector<16xi32>, vector<16xi32>], vector<16xf32>,
        %broadcast_in_dim3A_183 = arith.constant 0 : i32
        %broadcast_in_dim3A_184 = vector.broadcast %broadcast_in_dim3A_183 : i32 to vector<16xi32>
        %gather3A_185 = tpu.vector_load_idx %arg11[%add3A_178, %broadcast_in_dim3A_184] : memref<80x131xf32, #tpu.memory_space<vmem>>[vector<16xi32>, vector<16xi32>], vector<16xf32>,
        %gather3A_186 = tpu.vector_load_idx %arg9[%add3A_178, %broadcast_in_dim3A_184] : memref<80x3xf32, #tpu.memory_space<vmem>>[vector<16xi32>, vector<16xi32>], vector<16xf32>,
        %broadcast_in_dim3A_187 = arith.constant 0 : i32
        %broadcast_in_dim3A_188 = vector.broadcast %broadcast_in_dim3A_187 : i32 to vector<16xi32>
        %gather3A_189 = tpu.vector_load_idx %arg15[%broadcast_in_dim3A_5, %broadcast_in_dim3A_188] : memref<8x128xf32, #tpu.memory_space<vmem>>[vector<16xi32>, vector<16xi32>], vector<16xf32>,
        %mul3A_190 = arith.mulf %gather3A_181, %gather3A_186 : vector<16xf32>
        %sub3A_191 = arith.subf %gather3A_185, %gather3A_189 : vector<16xf32>
        %mul3A_192 = arith.mulf %gather3A_182, %sub3A_191 : vector<16xf32>
        %add3A_193 = arith.addf %mul3A_190, %mul3A_192 : vector<16xf32>
        tpu.vector_store_idx %arg14[%add3A_178, %broadcast_in_dim3A_184], %add3A_193 : memref<80x259xf32, #tpu.memory_space<vmem>>[vector<16xi32>, vector<16xi32>], vector<16xf32>,
        %broadcast_in_dim3A_194 = arith.constant 1 : i32
        %broadcast_in_dim3A_195 = vector.broadcast %broadcast_in_dim3A_194 : i32 to vector<16xi32>
        %gather3A_196 = tpu.vector_load_idx %arg11[%add3A_178, %broadcast_in_dim3A_195] : memref<80x131xf32, #tpu.memory_space<vmem>>[vector<16xi32>, vector<16xi32>], vector<16xf32>,
        %gather3A_197 = tpu.vector_load_idx %arg9[%add3A_178, %broadcast_in_dim3A_195] : memref<80x3xf32, #tpu.memory_space<vmem>>[vector<16xi32>, vector<16xi32>], vector<16xf32>,
        %broadcast_in_dim3A_198 = arith.constant 16 : i32
        %broadcast_in_dim3A_199 = vector.broadcast %broadcast_in_dim3A_198 : i32 to vector<16xi32>
        %gather3A_200 = tpu.vector_load_idx %arg15[%broadcast_in_dim3A_5, %broadcast_in_dim3A_199] : memref<8x128xf32, #tpu.memory_space<vmem>>[vector<16xi32>, vector<16xi32>], vector<16xf32>,
        %mul3A_201 = arith.mulf %gather3A_181, %gather3A_197 : vector<16xf32>
        %sub3A_202 = arith.subf %gather3A_196, %gather3A_200 : vector<16xf32>
        %mul3A_203 = arith.mulf %gather3A_182, %sub3A_202 : vector<16xf32>
        %add3A_204 = arith.addf %mul3A_201, %mul3A_203 : vector<16xf32>
        tpu.vector_store_idx %arg14[%add3A_178, %broadcast_in_dim3A_195], %add3A_204 : memref<80x259xf32, #tpu.memory_space<vmem>>[vector<16xi32>, vector<16xi32>], vector<16xf32>,
        %broadcast_in_dim3A_205 = arith.constant 2 : i32
        %broadcast_in_dim3A_206 = vector.broadcast %broadcast_in_dim3A_205 : i32 to vector<16xi32>
        %gather3A_207 = tpu.vector_load_idx %arg11[%add3A_178, %broadcast_in_dim3A_206] : memref<80x131xf32, #tpu.memory_space<vmem>>[vector<16xi32>, vector<16xi32>], vector<16xf32>,
        %gather3A_208 = tpu.vector_load_idx %arg9[%add3A_178, %broadcast_in_dim3A_206] : memref<80x3xf32, #tpu.memory_space<vmem>>[vector<16xi32>, vector<16xi32>], vector<16xf32>,
        %broadcast_in_dim3A_209 = arith.constant 32 : i32
        %broadcast_in_dim3A_210 = vector.broadcast %broadcast_in_dim3A_209 : i32 to vector<16xi32>
        %gather3A_211 = tpu.vector_load_idx %arg15[%broadcast_in_dim3A_5, %broadcast_in_dim3A_210] : memref<8x128xf32, #tpu.memory_space<vmem>>[vector<16xi32>, vector<16xi32>], vector<16xf32>,
        %mul3A_212 = arith.mulf %gather3A_181, %gather3A_208 : vector<16xf32>
        %sub3A_213 = arith.subf %gather3A_207, %gather3A_211 : vector<16xf32>
        %mul3A_214 = arith.mulf %gather3A_182, %sub3A_213 : vector<16xf32>
        %add3A_215 = arith.addf %mul3A_212, %mul3A_214 : vector<16xf32>
        tpu.vector_store_idx %arg14[%add3A_178, %broadcast_in_dim3A_206], %add3A_215 : memref<80x259xf32, #tpu.memory_space<vmem>>[vector<16xi32>, vector<16xi32>], vector<16xf32>,
        %scan3A_216 = arith.constant 0 : i32
        %scan3A_217 = arith.constant 3 : i32
        %scan3A_218 = arith.constant 128 : i32
        %scan3A_219 = arith.addi %scan3A_217, %scan3A_218 : i32
        %scan3A_220 = arith.constant 8 : i32
        scf.for %scan3A_280 = %scan3A_217 to %scan3A_219 step %scan3A_220  : i32 {
          %add3A_281 = vector.broadcast %scan3A_280 : i32 to vector<16xi32>
          %add3A_282 = arith.addi %broadcast_in_dim3A_1, %add3A_281 : vector<16xi32>
          %gather3A_283 = tpu.vector_load_idx %arg11[%add3A_178, %add3A_282] : memref<80x131xf32, #tpu.memory_space<vmem>>[vector<16xi32>, vector<16xi32>], vector<16xf32>,
          %sub3A_284 = arith.constant 3 : i32
          %sub3A_285 = vector.broadcast %sub3A_284 : i32 to vector<16xi32>
          %sub3A_286 = arith.subi %add3A_282, %sub3A_285 : vector<16xi32>
          %gather3A_287 = tpu.vector_load_idx %arg10[%add3A_178, %sub3A_286] : memref<80x128xf32, #tpu.memory_space<vmem>>[vector<16xi32>, vector<16xi32>], vector<16xf32>,
          %mul3A_288 = arith.mulf %gather3A_181, %gather3A_287 : vector<16xf32>
          %mul3A_289 = arith.mulf %gather3A_182, %gather3A_283 : vector<16xf32>
          %add3A_290 = arith.addf %mul3A_288, %mul3A_289 : vector<16xf32>
          tpu.vector_store_idx %arg14[%add3A_178, %add3A_282], %add3A_290 : memref<80x259xf32, #tpu.memory_space<vmem>>[vector<16xi32>, vector<16xi32>], vector<16xf32>,
          %scan3A_291 = arith.constant 1 : i32
          %scan3A_292 = arith.addi %scan3A_280, %scan3A_291 : i32
          %add3A_293 = vector.broadcast %scan3A_292 : i32 to vector<16xi32>
          %add3A_294 = arith.addi %broadcast_in_dim3A_1, %add3A_293 : vector<16xi32>
          %gather3A_295 = tpu.vector_load_idx %arg11[%add3A_178, %add3A_294] : memref<80x131xf32, #tpu.memory_space<vmem>>[vector<16xi32>, vector<16xi32>], vector<16xf32>,
          %sub3A_296 = arith.constant 3 : i32
          %sub3A_297 = vector.broadcast %sub3A_296 : i32 to vector<16xi32>
          %sub3A_298 = arith.subi %add3A_294, %sub3A_297 : vector<16xi32>
          %gather3A_299 = tpu.vector_load_idx %arg10[%add3A_178, %sub3A_298] : memref<80x128xf32, #tpu.memory_space<vmem>>[vector<16xi32>, vector<16xi32>], vector<16xf32>,
          %mul3A_300 = arith.mulf %gather3A_181, %gather3A_299 : vector<16xf32>
          %mul3A_301 = arith.mulf %gather3A_182, %gather3A_295 : vector<16xf32>
          %add3A_302 = arith.addf %mul3A_300, %mul3A_301 : vector<16xf32>
          tpu.vector_store_idx %arg14[%add3A_178, %add3A_294], %add3A_302 : memref<80x259xf32, #tpu.memory_space<vmem>>[vector<16xi32>, vector<16xi32>], vector<16xf32>,
          %scan3A_303 = arith.constant 2 : i32
          %scan3A_304 = arith.addi %scan3A_280, %scan3A_303 : i32
          %add3A_305 = vector.broadcast %scan3A_304 : i32 to vector<16xi32>
          %add3A_306 = arith.addi %broadcast_in_dim3A_1, %add3A_305 : vector<16xi32>
          %gather3A_307 = tpu.vector_load_idx %arg11[%add3A_178, %add3A_306] : memref<80x131xf32, #tpu.memory_space<vmem>>[vector<16xi32>, vector<16xi32>], vector<16xf32>,
          %sub3A_308 = arith.constant 3 : i32
          %sub3A_309 = vector.broadcast %sub3A_308 : i32 to vector<16xi32>
          %sub3A_310 = arith.subi %add3A_306, %sub3A_309 : vector<16xi32>
          %gather3A_311 = tpu.vector_load_idx %arg10[%add3A_178, %sub3A_310] : memref<80x128xf32, #tpu.memory_space<vmem>>[vector<16xi32>, vector<16xi32>], vector<16xf32>,
          %mul3A_312 = arith.mulf %gather3A_181, %gather3A_311 : vector<16xf32>
          %mul3A_313 = arith.mulf %gather3A_182, %gather3A_307 : vector<16xf32>
          %add3A_314 = arith.addf %mul3A_312, %mul3A_313 : vector<16xf32>
          tpu.vector_store_idx %arg14[%add3A_178, %add3A_306], %add3A_314 : memref<80x259xf32, #tpu.memory_space<vmem>>[vector<16xi32>, vector<16xi32>], vector<16xf32>,
          %scan3A_315 = arith.constant 3 : i32
          %scan3A_316 = arith.addi %scan3A_280, %scan3A_315 : i32
          %add3A_317 = vector.broadcast %scan3A_316 : i32 to vector<16xi32>
          %add3A_318 = arith.addi %broadcast_in_dim3A_1, %add3A_317 : vector<16xi32>
          %gather3A_319 = tpu.vector_load_idx %arg11[%add3A_178, %add3A_318] : memref<80x131xf32, #tpu.memory_space<vmem>>[vector<16xi32>, vector<16xi32>], vector<16xf32>,
          %sub3A_320 = arith.constant 3 : i32
          %sub3A_321 = vector.broadcast %sub3A_320 : i32 to vector<16xi32>
          %sub3A_322 = arith.subi %add3A_318, %sub3A_321 : vector<16xi32>
          %gather3A_323 = tpu.vector_load_idx %arg10[%add3A_178, %sub3A_322] : memref<80x128xf32, #tpu.memory_space<vmem>>[vector<16xi32>, vector<16xi32>], vector<16xf32>,
          %mul3A_324 = arith.mulf %gather3A_181, %gather3A_323 : vector<16xf32>
          %mul3A_325 = arith.mulf %gather3A_182, %gather3A_319 : vector<16xf32>
          %add3A_326 = arith.addf %mul3A_324, %mul3A_325 : vector<16xf32>
          tpu.vector_store_idx %arg14[%add3A_178, %add3A_318], %add3A_326 : memref<80x259xf32, #tpu.memory_space<vmem>>[vector<16xi32>, vector<16xi32>], vector<16xf32>,
          %scan3A_327 = arith.constant 4 : i32
          %scan3A_328 = arith.addi %scan3A_280, %scan3A_327 : i32
          %add3A_329 = vector.broadcast %scan3A_328 : i32 to vector<16xi32>
          %add3A_330 = arith.addi %broadcast_in_dim3A_1, %add3A_329 : vector<16xi32>
          %gather3A_331 = tpu.vector_load_idx %arg11[%add3A_178, %add3A_330] : memref<80x131xf32, #tpu.memory_space<vmem>>[vector<16xi32>, vector<16xi32>], vector<16xf32>,
          %sub3A_332 = arith.constant 3 : i32
          %sub3A_333 = vector.broadcast %sub3A_332 : i32 to vector<16xi32>
          %sub3A_334 = arith.subi %add3A_330, %sub3A_333 : vector<16xi32>
          %gather3A_335 = tpu.vector_load_idx %arg10[%add3A_178, %sub3A_334] : memref<80x128xf32, #tpu.memory_space<vmem>>[vector<16xi32>, vector<16xi32>], vector<16xf32>,
          %mul3A_336 = arith.mulf %gather3A_181, %gather3A_335 : vector<16xf32>
          %mul3A_337 = arith.mulf %gather3A_182, %gather3A_331 : vector<16xf32>
          %add3A_338 = arith.addf %mul3A_336, %mul3A_337 : vector<16xf32>
          tpu.vector_store_idx %arg14[%add3A_178, %add3A_330], %add3A_338 : memref<80x259xf32, #tpu.memory_space<vmem>>[vector<16xi32>, vector<16xi32>], vector<16xf32>,
          %scan3A_339 = arith.constant 5 : i32
          %scan3A_340 = arith.addi %scan3A_280, %scan3A_339 : i32
          %add3A_341 = vector.broadcast %scan3A_340 : i32 to vector<16xi32>
          %add3A_342 = arith.addi %broadcast_in_dim3A_1, %add3A_341 : vector<16xi32>
          %gather3A_343 = tpu.vector_load_idx %arg11[%add3A_178, %add3A_342] : memref<80x131xf32, #tpu.memory_space<vmem>>[vector<16xi32>, vector<16xi32>], vector<16xf32>,
          %sub3A_344 = arith.constant 3 : i32
          %sub3A_345 = vector.broadcast %sub3A_344 : i32 to vector<16xi32>
          %sub3A_346 = arith.subi %add3A_342, %sub3A_345 : vector<16xi32>
          %gather3A_347 = tpu.vector_load_idx %arg10[%add3A_178, %sub3A_346] : memref<80x128xf32, #tpu.memory_space<vmem>>[vector<16xi32>, vector<16xi32>], vector<16xf32>,
          %mul3A_348 = arith.mulf %gather3A_181, %gather3A_347 : vector<16xf32>
          %mul3A_349 = arith.mulf %gather3A_182, %gather3A_343 : vector<16xf32>
          %add3A_350 = arith.addf %mul3A_348, %mul3A_349 : vector<16xf32>
          tpu.vector_store_idx %arg14[%add3A_178, %add3A_342], %add3A_350 : memref<80x259xf32, #tpu.memory_space<vmem>>[vector<16xi32>, vector<16xi32>], vector<16xf32>,
          %scan3A_351 = arith.constant 6 : i32
          %scan3A_352 = arith.addi %scan3A_280, %scan3A_351 : i32
          %add3A_353 = vector.broadcast %scan3A_352 : i32 to vector<16xi32>
          %add3A_354 = arith.addi %broadcast_in_dim3A_1, %add3A_353 : vector<16xi32>
          %gather3A_355 = tpu.vector_load_idx %arg11[%add3A_178, %add3A_354] : memref<80x131xf32, #tpu.memory_space<vmem>>[vector<16xi32>, vector<16xi32>], vector<16xf32>,
          %sub3A_356 = arith.constant 3 : i32
          %sub3A_357 = vector.broadcast %sub3A_356 : i32 to vector<16xi32>
          %sub3A_358 = arith.subi %add3A_354, %sub3A_357 : vector<16xi32>
          %gather3A_359 = tpu.vector_load_idx %arg10[%add3A_178, %sub3A_358] : memref<80x128xf32, #tpu.memory_space<vmem>>[vector<16xi32>, vector<16xi32>], vector<16xf32>,
          %mul3A_360 = arith.mulf %gather3A_181, %gather3A_359 : vector<16xf32>
          %mul3A_361 = arith.mulf %gather3A_182, %gather3A_355 : vector<16xf32>
          %add3A_362 = arith.addf %mul3A_360, %mul3A_361 : vector<16xf32>
          tpu.vector_store_idx %arg14[%add3A_178, %add3A_354], %add3A_362 : memref<80x259xf32, #tpu.memory_space<vmem>>[vector<16xi32>, vector<16xi32>], vector<16xf32>,
          %scan3A_363 = arith.constant 7 : i32
          %scan3A_364 = arith.addi %scan3A_280, %scan3A_363 : i32
          %add3A_365 = vector.broadcast %scan3A_364 : i32 to vector<16xi32>
          %add3A_366 = arith.addi %broadcast_in_dim3A_1, %add3A_365 : vector<16xi32>
          %gather3A_367 = tpu.vector_load_idx %arg11[%add3A_178, %add3A_366] : memref<80x131xf32, #tpu.memory_space<vmem>>[vector<16xi32>, vector<16xi32>], vector<16xf32>,
          %sub3A_368 = arith.constant 3 : i32
          %sub3A_369 = vector.broadcast %sub3A_368 : i32 to vector<16xi32>
          %sub3A_370 = arith.subi %add3A_366, %sub3A_369 : vector<16xi32>
          %gather3A_371 = tpu.vector_load_idx %arg10[%add3A_178, %sub3A_370] : memref<80x128xf32, #tpu.memory_space<vmem>>[vector<16xi32>, vector<16xi32>], vector<16xf32>,
          %mul3A_372 = arith.mulf %gather3A_181, %gather3A_371 : vector<16xf32>
          %mul3A_373 = arith.mulf %gather3A_182, %gather3A_367 : vector<16xf32>
          %add3A_374 = arith.addf %mul3A_372, %mul3A_373 : vector<16xf32>
          tpu.vector_store_idx %arg14[%add3A_178, %add3A_366], %add3A_374 : memref<80x259xf32, #tpu.memory_space<vmem>>[vector<16xi32>, vector<16xi32>], vector<16xf32>,
        }
        %scan3A_221 = arith.constant 128 : i32
        %scan3A_222 = arith.constant 0 : i32
        %scan3A_223 = arith.constant 0 : i32
        %scan3A_224 = arith.constant 128 : i32
        %scan3A_225 = arith.addi %scan3A_223, %scan3A_224 : i32
        %scan3A_226 = arith.constant 8 : i32
        scf.for %scan3A_280 = %scan3A_223 to %scan3A_225 step %scan3A_226  : i32 {
          %add3A_281 = vector.broadcast %scan3A_280 : i32 to vector<16xi32>
          %add3A_282 = arith.addi %broadcast_in_dim3A_1, %add3A_281 : vector<16xi32>
          %gather3A_283 = tpu.vector_load_idx %arg13[%add3A_178, %add3A_282] : memref<80x128xf32, #tpu.memory_space<vmem>>[vector<16xi32>, vector<16xi32>], vector<16xf32>,
          %add3A_284 = arith.constant 131 : i32
          %add3A_285 = vector.broadcast %add3A_284 : i32 to vector<16xi32>
          %add3A_286 = arith.addi %add3A_282, %add3A_285 : vector<16xi32>
          tpu.vector_store_idx %arg14[%add3A_178, %add3A_286], %gather3A_283 : memref<80x259xf32, #tpu.memory_space<vmem>>[vector<16xi32>, vector<16xi32>], vector<16xf32>,
          %scan3A_287 = arith.constant 1 : i32
          %scan3A_288 = arith.addi %scan3A_280, %scan3A_287 : i32
          %add3A_289 = vector.broadcast %scan3A_288 : i32 to vector<16xi32>
          %add3A_290 = arith.addi %broadcast_in_dim3A_1, %add3A_289 : vector<16xi32>
          %gather3A_291 = tpu.vector_load_idx %arg13[%add3A_178, %add3A_290] : memref<80x128xf32, #tpu.memory_space<vmem>>[vector<16xi32>, vector<16xi32>], vector<16xf32>,
          %add3A_292 = arith.constant 131 : i32
          %add3A_293 = vector.broadcast %add3A_292 : i32 to vector<16xi32>
          %add3A_294 = arith.addi %add3A_290, %add3A_293 : vector<16xi32>
          tpu.vector_store_idx %arg14[%add3A_178, %add3A_294], %gather3A_291 : memref<80x259xf32, #tpu.memory_space<vmem>>[vector<16xi32>, vector<16xi32>], vector<16xf32>,
          %scan3A_295 = arith.constant 2 : i32
          %scan3A_296 = arith.addi %scan3A_280, %scan3A_295 : i32
          %add3A_297 = vector.broadcast %scan3A_296 : i32 to vector<16xi32>
          %add3A_298 = arith.addi %broadcast_in_dim3A_1, %add3A_297 : vector<16xi32>
          %gather3A_299 = tpu.vector_load_idx %arg13[%add3A_178, %add3A_298] : memref<80x128xf32, #tpu.memory_space<vmem>>[vector<16xi32>, vector<16xi32>], vector<16xf32>,
          %add3A_300 = arith.constant 131 : i32
          %add3A_301 = vector.broadcast %add3A_300 : i32 to vector<16xi32>
          %add3A_302 = arith.addi %add3A_298, %add3A_301 : vector<16xi32>
          tpu.vector_store_idx %arg14[%add3A_178, %add3A_302], %gather3A_299 : memref<80x259xf32, #tpu.memory_space<vmem>>[vector<16xi32>, vector<16xi32>], vector<16xf32>,
          %scan3A_303 = arith.constant 3 : i32
          %scan3A_304 = arith.addi %scan3A_280, %scan3A_303 : i32
          %add3A_305 = vector.broadcast %scan3A_304 : i32 to vector<16xi32>
          %add3A_306 = arith.addi %broadcast_in_dim3A_1, %add3A_305 : vector<16xi32>
          %gather3A_307 = tpu.vector_load_idx %arg13[%add3A_178, %add3A_306] : memref<80x128xf32, #tpu.memory_space<vmem>>[vector<16xi32>, vector<16xi32>], vector<16xf32>,
          %add3A_308 = arith.constant 131 : i32
          %add3A_309 = vector.broadcast %add3A_308 : i32 to vector<16xi32>
          %add3A_310 = arith.addi %add3A_306, %add3A_309 : vector<16xi32>
          tpu.vector_store_idx %arg14[%add3A_178, %add3A_310], %gather3A_307 : memref<80x259xf32, #tpu.memory_space<vmem>>[vector<16xi32>, vector<16xi32>], vector<16xf32>,
          %scan3A_311 = arith.constant 4 : i32
          %scan3A_312 = arith.addi %scan3A_280, %scan3A_311 : i32
          %add3A_313 = vector.broadcast %scan3A_312 : i32 to vector<16xi32>
          %add3A_314 = arith.addi %broadcast_in_dim3A_1, %add3A_313 : vector<16xi32>
          %gather3A_315 = tpu.vector_load_idx %arg13[%add3A_178, %add3A_314] : memref<80x128xf32, #tpu.memory_space<vmem>>[vector<16xi32>, vector<16xi32>], vector<16xf32>,
          %add3A_316 = arith.constant 131 : i32
          %add3A_317 = vector.broadcast %add3A_316 : i32 to vector<16xi32>
          %add3A_318 = arith.addi %add3A_314, %add3A_317 : vector<16xi32>
          tpu.vector_store_idx %arg14[%add3A_178, %add3A_318], %gather3A_315 : memref<80x259xf32, #tpu.memory_space<vmem>>[vector<16xi32>, vector<16xi32>], vector<16xf32>,
          %scan3A_319 = arith.constant 5 : i32
          %scan3A_320 = arith.addi %scan3A_280, %scan3A_319 : i32
          %add3A_321 = vector.broadcast %scan3A_320 : i32 to vector<16xi32>
          %add3A_322 = arith.addi %broadcast_in_dim3A_1, %add3A_321 : vector<16xi32>
          %gather3A_323 = tpu.vector_load_idx %arg13[%add3A_178, %add3A_322] : memref<80x128xf32, #tpu.memory_space<vmem>>[vector<16xi32>, vector<16xi32>], vector<16xf32>,
          %add3A_324 = arith.constant 131 : i32
          %add3A_325 = vector.broadcast %add3A_324 : i32 to vector<16xi32>
          %add3A_326 = arith.addi %add3A_322, %add3A_325 : vector<16xi32>
          tpu.vector_store_idx %arg14[%add3A_178, %add3A_326], %gather3A_323 : memref<80x259xf32, #tpu.memory_space<vmem>>[vector<16xi32>, vector<16xi32>], vector<16xf32>,
          %scan3A_327 = arith.constant 6 : i32
          %scan3A_328 = arith.addi %scan3A_280, %scan3A_327 : i32
          %add3A_329 = vector.broadcast %scan3A_328 : i32 to vector<16xi32>
          %add3A_330 = arith.addi %broadcast_in_dim3A_1, %add3A_329 : vector<16xi32>
          %gather3A_331 = tpu.vector_load_idx %arg13[%add3A_178, %add3A_330] : memref<80x128xf32, #tpu.memory_space<vmem>>[vector<16xi32>, vector<16xi32>], vector<16xf32>,
          %add3A_332 = arith.constant 131 : i32
          %add3A_333 = vector.broadcast %add3A_332 : i32 to vector<16xi32>
          %add3A_334 = arith.addi %add3A_330, %add3A_333 : vector<16xi32>
          tpu.vector_store_idx %arg14[%add3A_178, %add3A_334], %gather3A_331 : memref<80x259xf32, #tpu.memory_space<vmem>>[vector<16xi32>, vector<16xi32>], vector<16xf32>,
          %scan3A_335 = arith.constant 7 : i32
          %scan3A_336 = arith.addi %scan3A_280, %scan3A_335 : i32
          %add3A_337 = vector.broadcast %scan3A_336 : i32 to vector<16xi32>
          %add3A_338 = arith.addi %broadcast_in_dim3A_1, %add3A_337 : vector<16xi32>
          %gather3A_339 = tpu.vector_load_idx %arg13[%add3A_178, %add3A_338] : memref<80x128xf32, #tpu.memory_space<vmem>>[vector<16xi32>, vector<16xi32>], vector<16xf32>,
          %add3A_340 = arith.constant 131 : i32
          %add3A_341 = vector.broadcast %add3A_340 : i32 to vector<16xi32>
          %add3A_342 = arith.addi %add3A_338, %add3A_341 : vector<16xi32>
          tpu.vector_store_idx %arg14[%add3A_178, %add3A_342], %gather3A_339 : memref<80x259xf32, #tpu.memory_space<vmem>>[vector<16xi32>, vector<16xi32>], vector<16xf32>,
        }
        %scan3A_227 = arith.constant 128 : i32
        %add3A_228 = arith.constant 64 : i32
        %add3A_229 = vector.broadcast %add3A_228 : i32 to vector<16xi32>
        %add3A_230 = arith.addi %iota3A, %add3A_229 : vector<16xi32>
        %get3A_231 = arith.constant 64 : index
        %get3A_232 = tpu.vector_load %arg12[%get3A_231] {strides = array<i32>} : memref<80xi32, #tpu.memory_space<vmem>>, vector<16xi32>,
        %gather3A_233 = tpu.vector_load_idx %arg15[%broadcast_in_dim3A_1, %get3A_232] : memref<8x128xf32, #tpu.memory_space<vmem>>[vector<16xi32>, vector<16xi32>], vector<16xf32>,
        %gather3A_234 = tpu.vector_load_idx %arg15[%broadcast_in_dim3A_3, %get3A_232] : memref<8x128xf32, #tpu.memory_space<vmem>>[vector<16xi32>, vector<16xi32>], vector<16xf32>,
        %broadcast_in_dim3A_235 = arith.constant 0 : i32
        %broadcast_in_dim3A_236 = vector.broadcast %broadcast_in_dim3A_235 : i32 to vector<16xi32>
        %gather3A_237 = tpu.vector_load_idx %arg11[%add3A_230, %broadcast_in_dim3A_236] : memref<80x131xf32, #tpu.memory_space<vmem>>[vector<16xi32>, vector<16xi32>], vector<16xf32>,
        %gather3A_238 = tpu.vector_load_idx %arg9[%add3A_230, %broadcast_in_dim3A_236] : memref<80x3xf32, #tpu.memory_space<vmem>>[vector<16xi32>, vector<16xi32>], vector<16xf32>,
        %broadcast_in_dim3A_239 = arith.constant 0 : i32
        %broadcast_in_dim3A_240 = vector.broadcast %broadcast_in_dim3A_239 : i32 to vector<16xi32>
        %gather3A_241 = tpu.vector_load_idx %arg15[%broadcast_in_dim3A_5, %broadcast_in_dim3A_240] : memref<8x128xf32, #tpu.memory_space<vmem>>[vector<16xi32>, vector<16xi32>], vector<16xf32>,
        %mul3A_242 = arith.mulf %gather3A_233, %gather3A_238 : vector<16xf32>
        %sub3A_243 = arith.subf %gather3A_237, %gather3A_241 : vector<16xf32>
        %mul3A_244 = arith.mulf %gather3A_234, %sub3A_243 : vector<16xf32>
        %add3A_245 = arith.addf %mul3A_242, %mul3A_244 : vector<16xf32>
        tpu.vector_store_idx %arg14[%add3A_230, %broadcast_in_dim3A_236], %add3A_245 : memref<80x259xf32, #tpu.memory_space<vmem>>[vector<16xi32>, vector<16xi32>], vector<16xf32>,
        %broadcast_in_dim3A_246 = arith.constant 1 : i32
        %broadcast_in_dim3A_247 = vector.broadcast %broadcast_in_dim3A_246 : i32 to vector<16xi32>
        %gather3A_248 = tpu.vector_load_idx %arg11[%add3A_230, %broadcast_in_dim3A_247] : memref<80x131xf32, #tpu.memory_space<vmem>>[vector<16xi32>, vector<16xi32>], vector<16xf32>,
        %gather3A_249 = tpu.vector_load_idx %arg9[%add3A_230, %broadcast_in_dim3A_247] : memref<80x3xf32, #tpu.memory_space<vmem>>[vector<16xi32>, vector<16xi32>], vector<16xf32>,
        %broadcast_in_dim3A_250 = arith.constant 16 : i32
        %broadcast_in_dim3A_251 = vector.broadcast %broadcast_in_dim3A_250 : i32 to vector<16xi32>
        %gather3A_252 = tpu.vector_load_idx %arg15[%broadcast_in_dim3A_5, %broadcast_in_dim3A_251] : memref<8x128xf32, #tpu.memory_space<vmem>>[vector<16xi32>, vector<16xi32>], vector<16xf32>,
        %mul3A_253 = arith.mulf %gather3A_233, %gather3A_249 : vector<16xf32>
        %sub3A_254 = arith.subf %gather3A_248, %gather3A_252 : vector<16xf32>
        %mul3A_255 = arith.mulf %gather3A_234, %sub3A_254 : vector<16xf32>
        %add3A_256 = arith.addf %mul3A_253, %mul3A_255 : vector<16xf32>
        tpu.vector_store_idx %arg14[%add3A_230, %broadcast_in_dim3A_247], %add3A_256 : memref<80x259xf32, #tpu.memory_space<vmem>>[vector<16xi32>, vector<16xi32>], vector<16xf32>,
        %broadcast_in_dim3A_257 = arith.constant 2 : i32
        %broadcast_in_dim3A_258 = vector.broadcast %broadcast_in_dim3A_257 : i32 to vector<16xi32>
        %gather3A_259 = tpu.vector_load_idx %arg11[%add3A_230, %broadcast_in_dim3A_258] : memref<80x131xf32, #tpu.memory_space<vmem>>[vector<16xi32>, vector<16xi32>], vector<16xf32>,
        %gather3A_260 = tpu.vector_load_idx %arg9[%add3A_230, %broadcast_in_dim3A_258] : memref<80x3xf32, #tpu.memory_space<vmem>>[vector<16xi32>, vector<16xi32>], vector<16xf32>,
        %broadcast_in_dim3A_261 = arith.constant 32 : i32
        %broadcast_in_dim3A_262 = vector.broadcast %broadcast_in_dim3A_261 : i32 to vector<16xi32>
        %gather3A_263 = tpu.vector_load_idx %arg15[%broadcast_in_dim3A_5, %broadcast_in_dim3A_262] : memref<8x128xf32, #tpu.memory_space<vmem>>[vector<16xi32>, vector<16xi32>], vector<16xf32>,
        %mul3A_264 = arith.mulf %gather3A_233, %gather3A_260 : vector<16xf32>
        %sub3A_265 = arith.subf %gather3A_259, %gather3A_263 : vector<16xf32>
        %mul3A_266 = arith.mulf %gather3A_234, %sub3A_265 : vector<16xf32>
        %add3A_267 = arith.addf %mul3A_264, %mul3A_266 : vector<16xf32>
        tpu.vector_store_idx %arg14[%add3A_230, %broadcast_in_dim3A_258], %add3A_267 : memref<80x259xf32, #tpu.memory_space<vmem>>[vector<16xi32>, vector<16xi32>], vector<16xf32>,
        %scan3A_268 = arith.constant 0 : i32
        %scan3A_269 = arith.constant 3 : i32
        %scan3A_270 = arith.constant 128 : i32
        %scan3A_271 = arith.addi %scan3A_269, %scan3A_270 : i32
        %scan3A_272 = arith.constant 8 : i32
        scf.for %scan3A_280 = %scan3A_269 to %scan3A_271 step %scan3A_272  : i32 {
          %add3A_281 = vector.broadcast %scan3A_280 : i32 to vector<16xi32>
          %add3A_282 = arith.addi %broadcast_in_dim3A_1, %add3A_281 : vector<16xi32>
          %gather3A_283 = tpu.vector_load_idx %arg11[%add3A_230, %add3A_282] : memref<80x131xf32, #tpu.memory_space<vmem>>[vector<16xi32>, vector<16xi32>], vector<16xf32>,
          %sub3A_284 = arith.constant 3 : i32
          %sub3A_285 = vector.broadcast %sub3A_284 : i32 to vector<16xi32>
          %sub3A_286 = arith.subi %add3A_282, %sub3A_285 : vector<16xi32>
          %gather3A_287 = tpu.vector_load_idx %arg10[%add3A_230, %sub3A_286] : memref<80x128xf32, #tpu.memory_space<vmem>>[vector<16xi32>, vector<16xi32>], vector<16xf32>,
          %mul3A_288 = arith.mulf %gather3A_233, %gather3A_287 : vector<16xf32>
          %mul3A_289 = arith.mulf %gather3A_234, %gather3A_283 : vector<16xf32>
          %add3A_290 = arith.addf %mul3A_288, %mul3A_289 : vector<16xf32>
          tpu.vector_store_idx %arg14[%add3A_230, %add3A_282], %add3A_290 : memref<80x259xf32, #tpu.memory_space<vmem>>[vector<16xi32>, vector<16xi32>], vector<16xf32>,
          %scan3A_291 = arith.constant 1 : i32
          %scan3A_292 = arith.addi %scan3A_280, %scan3A_291 : i32
          %add3A_293 = vector.broadcast %scan3A_292 : i32 to vector<16xi32>
          %add3A_294 = arith.addi %broadcast_in_dim3A_1, %add3A_293 : vector<16xi32>
          %gather3A_295 = tpu.vector_load_idx %arg11[%add3A_230, %add3A_294] : memref<80x131xf32, #tpu.memory_space<vmem>>[vector<16xi32>, vector<16xi32>], vector<16xf32>,
          %sub3A_296 = arith.constant 3 : i32
          %sub3A_297 = vector.broadcast %sub3A_296 : i32 to vector<16xi32>
          %sub3A_298 = arith.subi %add3A_294, %sub3A_297 : vector<16xi32>
          %gather3A_299 = tpu.vector_load_idx %arg10[%add3A_230, %sub3A_298] : memref<80x128xf32, #tpu.memory_space<vmem>>[vector<16xi32>, vector<16xi32>], vector<16xf32>,
          %mul3A_300 = arith.mulf %gather3A_233, %gather3A_299 : vector<16xf32>
          %mul3A_301 = arith.mulf %gather3A_234, %gather3A_295 : vector<16xf32>
          %add3A_302 = arith.addf %mul3A_300, %mul3A_301 : vector<16xf32>
          tpu.vector_store_idx %arg14[%add3A_230, %add3A_294], %add3A_302 : memref<80x259xf32, #tpu.memory_space<vmem>>[vector<16xi32>, vector<16xi32>], vector<16xf32>,
          %scan3A_303 = arith.constant 2 : i32
          %scan3A_304 = arith.addi %scan3A_280, %scan3A_303 : i32
          %add3A_305 = vector.broadcast %scan3A_304 : i32 to vector<16xi32>
          %add3A_306 = arith.addi %broadcast_in_dim3A_1, %add3A_305 : vector<16xi32>
          %gather3A_307 = tpu.vector_load_idx %arg11[%add3A_230, %add3A_306] : memref<80x131xf32, #tpu.memory_space<vmem>>[vector<16xi32>, vector<16xi32>], vector<16xf32>,
          %sub3A_308 = arith.constant 3 : i32
          %sub3A_309 = vector.broadcast %sub3A_308 : i32 to vector<16xi32>
          %sub3A_310 = arith.subi %add3A_306, %sub3A_309 : vector<16xi32>
          %gather3A_311 = tpu.vector_load_idx %arg10[%add3A_230, %sub3A_310] : memref<80x128xf32, #tpu.memory_space<vmem>>[vector<16xi32>, vector<16xi32>], vector<16xf32>,
          %mul3A_312 = arith.mulf %gather3A_233, %gather3A_311 : vector<16xf32>
          %mul3A_313 = arith.mulf %gather3A_234, %gather3A_307 : vector<16xf32>
          %add3A_314 = arith.addf %mul3A_312, %mul3A_313 : vector<16xf32>
          tpu.vector_store_idx %arg14[%add3A_230, %add3A_306], %add3A_314 : memref<80x259xf32, #tpu.memory_space<vmem>>[vector<16xi32>, vector<16xi32>], vector<16xf32>,
          %scan3A_315 = arith.constant 3 : i32
          %scan3A_316 = arith.addi %scan3A_280, %scan3A_315 : i32
          %add3A_317 = vector.broadcast %scan3A_316 : i32 to vector<16xi32>
          %add3A_318 = arith.addi %broadcast_in_dim3A_1, %add3A_317 : vector<16xi32>
          %gather3A_319 = tpu.vector_load_idx %arg11[%add3A_230, %add3A_318] : memref<80x131xf32, #tpu.memory_space<vmem>>[vector<16xi32>, vector<16xi32>], vector<16xf32>,
          %sub3A_320 = arith.constant 3 : i32
          %sub3A_321 = vector.broadcast %sub3A_320 : i32 to vector<16xi32>
          %sub3A_322 = arith.subi %add3A_318, %sub3A_321 : vector<16xi32>
          %gather3A_323 = tpu.vector_load_idx %arg10[%add3A_230, %sub3A_322] : memref<80x128xf32, #tpu.memory_space<vmem>>[vector<16xi32>, vector<16xi32>], vector<16xf32>,
          %mul3A_324 = arith.mulf %gather3A_233, %gather3A_323 : vector<16xf32>
          %mul3A_325 = arith.mulf %gather3A_234, %gather3A_319 : vector<16xf32>
          %add3A_326 = arith.addf %mul3A_324, %mul3A_325 : vector<16xf32>
          tpu.vector_store_idx %arg14[%add3A_230, %add3A_318], %add3A_326 : memref<80x259xf32, #tpu.memory_space<vmem>>[vector<16xi32>, vector<16xi32>], vector<16xf32>,
          %scan3A_327 = arith.constant 4 : i32
          %scan3A_328 = arith.addi %scan3A_280, %scan3A_327 : i32
          %add3A_329 = vector.broadcast %scan3A_328 : i32 to vector<16xi32>
          %add3A_330 = arith.addi %broadcast_in_dim3A_1, %add3A_329 : vector<16xi32>
          %gather3A_331 = tpu.vector_load_idx %arg11[%add3A_230, %add3A_330] : memref<80x131xf32, #tpu.memory_space<vmem>>[vector<16xi32>, vector<16xi32>], vector<16xf32>,
          %sub3A_332 = arith.constant 3 : i32
          %sub3A_333 = vector.broadcast %sub3A_332 : i32 to vector<16xi32>
          %sub3A_334 = arith.subi %add3A_330, %sub3A_333 : vector<16xi32>
          %gather3A_335 = tpu.vector_load_idx %arg10[%add3A_230, %sub3A_334] : memref<80x128xf32, #tpu.memory_space<vmem>>[vector<16xi32>, vector<16xi32>], vector<16xf32>,
          %mul3A_336 = arith.mulf %gather3A_233, %gather3A_335 : vector<16xf32>
          %mul3A_337 = arith.mulf %gather3A_234, %gather3A_331 : vector<16xf32>
          %add3A_338 = arith.addf %mul3A_336, %mul3A_337 : vector<16xf32>
          tpu.vector_store_idx %arg14[%add3A_230, %add3A_330], %add3A_338 : memref<80x259xf32, #tpu.memory_space<vmem>>[vector<16xi32>, vector<16xi32>], vector<16xf32>,
          %scan3A_339 = arith.constant 5 : i32
          %scan3A_340 = arith.addi %scan3A_280, %scan3A_339 : i32
          %add3A_341 = vector.broadcast %scan3A_340 : i32 to vector<16xi32>
          %add3A_342 = arith.addi %broadcast_in_dim3A_1, %add3A_341 : vector<16xi32>
          %gather3A_343 = tpu.vector_load_idx %arg11[%add3A_230, %add3A_342] : memref<80x131xf32, #tpu.memory_space<vmem>>[vector<16xi32>, vector<16xi32>], vector<16xf32>,
          %sub3A_344 = arith.constant 3 : i32
          %sub3A_345 = vector.broadcast %sub3A_344 : i32 to vector<16xi32>
          %sub3A_346 = arith.subi %add3A_342, %sub3A_345 : vector<16xi32>
          %gather3A_347 = tpu.vector_load_idx %arg10[%add3A_230, %sub3A_346] : memref<80x128xf32, #tpu.memory_space<vmem>>[vector<16xi32>, vector<16xi32>], vector<16xf32>,
          %mul3A_348 = arith.mulf %gather3A_233, %gather3A_347 : vector<16xf32>
          %mul3A_349 = arith.mulf %gather3A_234, %gather3A_343 : vector<16xf32>
          %add3A_350 = arith.addf %mul3A_348, %mul3A_349 : vector<16xf32>
          tpu.vector_store_idx %arg14[%add3A_230, %add3A_342], %add3A_350 : memref<80x259xf32, #tpu.memory_space<vmem>>[vector<16xi32>, vector<16xi32>], vector<16xf32>,
          %scan3A_351 = arith.constant 6 : i32
          %scan3A_352 = arith.addi %scan3A_280, %scan3A_351 : i32
          %add3A_353 = vector.broadcast %scan3A_352 : i32 to vector<16xi32>
          %add3A_354 = arith.addi %broadcast_in_dim3A_1, %add3A_353 : vector<16xi32>
          %gather3A_355 = tpu.vector_load_idx %arg11[%add3A_230, %add3A_354] : memref<80x131xf32, #tpu.memory_space<vmem>>[vector<16xi32>, vector<16xi32>], vector<16xf32>,
          %sub3A_356 = arith.constant 3 : i32
          %sub3A_357 = vector.broadcast %sub3A_356 : i32 to vector<16xi32>
          %sub3A_358 = arith.subi %add3A_354, %sub3A_357 : vector<16xi32>
          %gather3A_359 = tpu.vector_load_idx %arg10[%add3A_230, %sub3A_358] : memref<80x128xf32, #tpu.memory_space<vmem>>[vector<16xi32>, vector<16xi32>], vector<16xf32>,
          %mul3A_360 = arith.mulf %gather3A_233, %gather3A_359 : vector<16xf32>
          %mul3A_361 = arith.mulf %gather3A_234, %gather3A_355 : vector<16xf32>
          %add3A_362 = arith.addf %mul3A_360, %mul3A_361 : vector<16xf32>
          tpu.vector_store_idx %arg14[%add3A_230, %add3A_354], %add3A_362 : memref<80x259xf32, #tpu.memory_space<vmem>>[vector<16xi32>, vector<16xi32>], vector<16xf32>,
          %scan3A_363 = arith.constant 7 : i32
          %scan3A_364 = arith.addi %scan3A_280, %scan3A_363 : i32
          %add3A_365 = vector.broadcast %scan3A_364 : i32 to vector<16xi32>
          %add3A_366 = arith.addi %broadcast_in_dim3A_1, %add3A_365 : vector<16xi32>
          %gather3A_367 = tpu.vector_load_idx %arg11[%add3A_230, %add3A_366] : memref<80x131xf32, #tpu.memory_space<vmem>>[vector<16xi32>, vector<16xi32>], vector<16xf32>,
          %sub3A_368 = arith.constant 3 : i32
          %sub3A_369 = vector.broadcast %sub3A_368 : i32 to vector<16xi32>
          %sub3A_370 = arith.subi %add3A_366, %sub3A_369 : vector<16xi32>
          %gather3A_371 = tpu.vector_load_idx %arg10[%add3A_230, %sub3A_370] : memref<80x128xf32, #tpu.memory_space<vmem>>[vector<16xi32>, vector<16xi32>], vector<16xf32>,
          %mul3A_372 = arith.mulf %gather3A_233, %gather3A_371 : vector<16xf32>
          %mul3A_373 = arith.mulf %gather3A_234, %gather3A_367 : vector<16xf32>
          %add3A_374 = arith.addf %mul3A_372, %mul3A_373 : vector<16xf32>
          tpu.vector_store_idx %arg14[%add3A_230, %add3A_366], %add3A_374 : memref<80x259xf32, #tpu.memory_space<vmem>>[vector<16xi32>, vector<16xi32>], vector<16xf32>,
        }
        %scan3A_273 = arith.constant 128 : i32
        %scan3A_274 = arith.constant 0 : i32
        %scan3A_275 = arith.constant 0 : i32
        %scan3A_276 = arith.constant 128 : i32
        %scan3A_277 = arith.addi %scan3A_275, %scan3A_276 : i32
        %scan3A_278 = arith.constant 8 : i32
        scf.for %scan3A_280 = %scan3A_275 to %scan3A_277 step %scan3A_278  : i32 {
          %add3A_281 = vector.broadcast %scan3A_280 : i32 to vector<16xi32>
          %add3A_282 = arith.addi %broadcast_in_dim3A_1, %add3A_281 : vector<16xi32>
          %gather3A_283 = tpu.vector_load_idx %arg13[%add3A_230, %add3A_282] : memref<80x128xf32, #tpu.memory_space<vmem>>[vector<16xi32>, vector<16xi32>], vector<16xf32>,
          %add3A_284 = arith.constant 131 : i32
          %add3A_285 = vector.broadcast %add3A_284 : i32 to vector<16xi32>
          %add3A_286 = arith.addi %add3A_282, %add3A_285 : vector<16xi32>
          tpu.vector_store_idx %arg14[%add3A_230, %add3A_286], %gather3A_283 : memref<80x259xf32, #tpu.memory_space<vmem>>[vector<16xi32>, vector<16xi32>], vector<16xf32>,
          %scan3A_287 = arith.constant 1 : i32
          %scan3A_288 = arith.addi %scan3A_280, %scan3A_287 : i32
          %add3A_289 = vector.broadcast %scan3A_288 : i32 to vector<16xi32>
          %add3A_290 = arith.addi %broadcast_in_dim3A_1, %add3A_289 : vector<16xi32>
          %gather3A_291 = tpu.vector_load_idx %arg13[%add3A_230, %add3A_290] : memref<80x128xf32, #tpu.memory_space<vmem>>[vector<16xi32>, vector<16xi32>], vector<16xf32>,
          %add3A_292 = arith.constant 131 : i32
          %add3A_293 = vector.broadcast %add3A_292 : i32 to vector<16xi32>
          %add3A_294 = arith.addi %add3A_290, %add3A_293 : vector<16xi32>
          tpu.vector_store_idx %arg14[%add3A_230, %add3A_294], %gather3A_291 : memref<80x259xf32, #tpu.memory_space<vmem>>[vector<16xi32>, vector<16xi32>], vector<16xf32>,
          %scan3A_295 = arith.constant 2 : i32
          %scan3A_296 = arith.addi %scan3A_280, %scan3A_295 : i32
          %add3A_297 = vector.broadcast %scan3A_296 : i32 to vector<16xi32>
          %add3A_298 = arith.addi %broadcast_in_dim3A_1, %add3A_297 : vector<16xi32>
          %gather3A_299 = tpu.vector_load_idx %arg13[%add3A_230, %add3A_298] : memref<80x128xf32, #tpu.memory_space<vmem>>[vector<16xi32>, vector<16xi32>], vector<16xf32>,
          %add3A_300 = arith.constant 131 : i32
          %add3A_301 = vector.broadcast %add3A_300 : i32 to vector<16xi32>
          %add3A_302 = arith.addi %add3A_298, %add3A_301 : vector<16xi32>
          tpu.vector_store_idx %arg14[%add3A_230, %add3A_302], %gather3A_299 : memref<80x259xf32, #tpu.memory_space<vmem>>[vector<16xi32>, vector<16xi32>], vector<16xf32>,
          %scan3A_303 = arith.constant 3 : i32
          %scan3A_304 = arith.addi %scan3A_280, %scan3A_303 : i32
          %add3A_305 = vector.broadcast %scan3A_304 : i32 to vector<16xi32>
          %add3A_306 = arith.addi %broadcast_in_dim3A_1, %add3A_305 : vector<16xi32>
          %gather3A_307 = tpu.vector_load_idx %arg13[%add3A_230, %add3A_306] : memref<80x128xf32, #tpu.memory_space<vmem>>[vector<16xi32>, vector<16xi32>], vector<16xf32>,
          %add3A_308 = arith.constant 131 : i32
          %add3A_309 = vector.broadcast %add3A_308 : i32 to vector<16xi32>
          %add3A_310 = arith.addi %add3A_306, %add3A_309 : vector<16xi32>
          tpu.vector_store_idx %arg14[%add3A_230, %add3A_310], %gather3A_307 : memref<80x259xf32, #tpu.memory_space<vmem>>[vector<16xi32>, vector<16xi32>], vector<16xf32>,
          %scan3A_311 = arith.constant 4 : i32
          %scan3A_312 = arith.addi %scan3A_280, %scan3A_311 : i32
          %add3A_313 = vector.broadcast %scan3A_312 : i32 to vector<16xi32>
          %add3A_314 = arith.addi %broadcast_in_dim3A_1, %add3A_313 : vector<16xi32>
          %gather3A_315 = tpu.vector_load_idx %arg13[%add3A_230, %add3A_314] : memref<80x128xf32, #tpu.memory_space<vmem>>[vector<16xi32>, vector<16xi32>], vector<16xf32>,
          %add3A_316 = arith.constant 131 : i32
          %add3A_317 = vector.broadcast %add3A_316 : i32 to vector<16xi32>
          %add3A_318 = arith.addi %add3A_314, %add3A_317 : vector<16xi32>
          tpu.vector_store_idx %arg14[%add3A_230, %add3A_318], %gather3A_315 : memref<80x259xf32, #tpu.memory_space<vmem>>[vector<16xi32>, vector<16xi32>], vector<16xf32>,
          %scan3A_319 = arith.constant 5 : i32
          %scan3A_320 = arith.addi %scan3A_280, %scan3A_319 : i32
          %add3A_321 = vector.broadcast %scan3A_320 : i32 to vector<16xi32>
          %add3A_322 = arith.addi %broadcast_in_dim3A_1, %add3A_321 : vector<16xi32>
          %gather3A_323 = tpu.vector_load_idx %arg13[%add3A_230, %add3A_322] : memref<80x128xf32, #tpu.memory_space<vmem>>[vector<16xi32>, vector<16xi32>], vector<16xf32>,
          %add3A_324 = arith.constant 131 : i32
          %add3A_325 = vector.broadcast %add3A_324 : i32 to vector<16xi32>
          %add3A_326 = arith.addi %add3A_322, %add3A_325 : vector<16xi32>
          tpu.vector_store_idx %arg14[%add3A_230, %add3A_326], %gather3A_323 : memref<80x259xf32, #tpu.memory_space<vmem>>[vector<16xi32>, vector<16xi32>], vector<16xf32>,
          %scan3A_327 = arith.constant 6 : i32
          %scan3A_328 = arith.addi %scan3A_280, %scan3A_327 : i32
          %add3A_329 = vector.broadcast %scan3A_328 : i32 to vector<16xi32>
          %add3A_330 = arith.addi %broadcast_in_dim3A_1, %add3A_329 : vector<16xi32>
          %gather3A_331 = tpu.vector_load_idx %arg13[%add3A_230, %add3A_330] : memref<80x128xf32, #tpu.memory_space<vmem>>[vector<16xi32>, vector<16xi32>], vector<16xf32>,
          %add3A_332 = arith.constant 131 : i32
          %add3A_333 = vector.broadcast %add3A_332 : i32 to vector<16xi32>
          %add3A_334 = arith.addi %add3A_330, %add3A_333 : vector<16xi32>
          tpu.vector_store_idx %arg14[%add3A_230, %add3A_334], %gather3A_331 : memref<80x259xf32, #tpu.memory_space<vmem>>[vector<16xi32>, vector<16xi32>], vector<16xf32>,
          %scan3A_335 = arith.constant 7 : i32
          %scan3A_336 = arith.addi %scan3A_280, %scan3A_335 : i32
          %add3A_337 = vector.broadcast %scan3A_336 : i32 to vector<16xi32>
          %add3A_338 = arith.addi %broadcast_in_dim3A_1, %add3A_337 : vector<16xi32>
          %gather3A_339 = tpu.vector_load_idx %arg13[%add3A_230, %add3A_338] : memref<80x128xf32, #tpu.memory_space<vmem>>[vector<16xi32>, vector<16xi32>], vector<16xf32>,
          %add3A_340 = arith.constant 131 : i32
          %add3A_341 = vector.broadcast %add3A_340 : i32 to vector<16xi32>
          %add3A_342 = arith.addi %add3A_338, %add3A_341 : vector<16xi32>
          tpu.vector_store_idx %arg14[%add3A_230, %add3A_342], %gather3A_339 : memref<80x259xf32, #tpu.memory_space<vmem>>[vector<16xi32>, vector<16xi32>], vector<16xf32>,
        }
        %scan3A_279 = arith.constant 128 : i32
        "tpu.region"() ({
          %run_scoped3A = tpu.sem_alloc : memref<!tpu.dma_semaphore, #tpu.memory_space<semaphore_mem>>
          %dma_start3A_280 = arith.constant 0 : i32
          %dma_start3A_281 = tpu.memref_slice %arg8[%mul3A_18, %dma_start3A_280] : memref<50000x259xf32, #tpu.memory_space<hbm>> -> memref<80x259xf32, #tpu.memory_space<hbm>>
          %dma_start3A_282 = arith.constant 0 : i32
          %dma_start3A_283 = tpu.memref_slice %arg8[%mul3A_18, %dma_start3A_282] : memref<50000x259xf32, #tpu.memory_space<hbm>> -> memref<80x259xf32, #tpu.memory_space<hbm>>
          tpu.enqueue_dma source(%arg14 : memref<80x259xf32, #tpu.memory_space<vmem>>) target(%dma_start3A_283 : memref<80x259xf32, #tpu.memory_space<hbm>>) target_semaphore(%run_scoped3A : memref<!tpu.dma_semaphore, #tpu.memory_space<semaphore_mem>>)
          %dma_wait3A_284 = arith.constant 0 : i32
          %dma_wait3A_285 = tpu.memref_slice %arg8[%mul3A_18, %dma_wait3A_284] : memref<50000x259xf32, #tpu.memory_space<hbm>> -> memref<80x259xf32, #tpu.memory_space<hbm>>
          %dma_wait3A_286 = arith.constant 0 : i32
          %dma_wait3A_287 = tpu.memref_slice %arg8[%mul3A_18, %dma_wait3A_286] : memref<50000x259xf32, #tpu.memory_space<hbm>> -> memref<80x259xf32, #tpu.memory_space<hbm>>
          tpu.wait_dma2 semaphore(%run_scoped3A : memref<!tpu.dma_semaphore, #tpu.memory_space<semaphore_mem>>) src(%arg14 : memref<80x259xf32, #tpu.memory_space<vmem>>) dst(%dma_wait3A_287 : memref<80x259xf32, #tpu.memory_space<hbm>>)
          tpu.yield
        }) : () -> ()
      } else {
      }
    }
    %scan3A_10 = arith.constant 20 : i32
    return
  }
}

module attributes {stable_mosaic.version = 14 : i64} {
  func.func @_prep_kernel(%arg0: i32, %arg1: memref<1250x120xf32, #tpu.memory_space<vmem>>, %arg2: memref<1x100xf32, #tpu.memory_space<vmem>>, %arg3: memref<8x128xf32, #tpu.memory_space<vmem>>, %arg4: memref<100x128xf32, #tpu.memory_space<vmem>>) attributes {dimension_semantics = [#tpu.dimension_semantics<arbitrary>], iteration_bounds = array<i64: 1>, scalar_prefetch = 0 : i64, scratch_operands = 0 : i64, tpu.core_type = #tpu.core_type<tc>, window_params = [{pipeline_mode = #tpu.pipeline_mode<synchronous>, transform_indices = @transform_0, window_bounds = array<i64: 1250, 120>}, {pipeline_mode = #tpu.pipeline_mode<synchronous>, transform_indices = @transform_1, window_bounds = array<i64: 1, 100>}, {pipeline_mode = #tpu.pipeline_mode<synchronous>, transform_indices = @transform_2, window_bounds = array<i64: 8, 128>}, {pipeline_mode = #tpu.pipeline_mode<synchronous>, transform_indices = @transform_3, window_bounds = array<i64: 100, 128>}]} {
    %get3A = arith.constant 0 : index
    %get3A_0 = arith.constant 0 : index
    %get3A_1 = vector.load %arg1[%get3A, %get3A_0] : memref<1250x120xf32, #tpu.memory_space<vmem>>, vector<1250x120xf32>
    %reduce_sum3A = arith.constant dense<0.000000e+00> : vector<120xf32>
    %reduce_sum3A_2 = vector.multi_reduction <add>, %get3A_1, %reduce_sum3A [0] : vector<1250x120xf32> to vector<120xf32>
    %broadcast_in_dim3A = vector.shape_cast %reduce_sum3A_2 : vector<120xf32> to vector<1x120xf32>
    %iota3A = tpu.iota {dimensions = array<i32: 1>} : vector<1x120xi32>
    %jit3A = arith.constant 3 : i32
    %eq3A = arith.constant 0 : i32
    %eq3A_3 = arith.cmpi eq, %jit3A, %eq3A : i32
    %jit3A_4 = arith.constant 1 : i32
    %select_n3A = arith.select %eq3A_3, %jit3A_4, %jit3A : i32
    %rem3A = vector.broadcast %select_n3A : i32 to vector<1x120xi32>
    %rem3A_5 = arith.remsi %iota3A, %rem3A : vector<1x120xi32>
    %ne3A = arith.constant 0 : i32
    %ne3A_6 = vector.broadcast %ne3A : i32 to vector<1x120xi32>
    %ne3A_7 = arith.cmpi ne, %rem3A_5, %ne3A_6 : vector<1x120xi32>
    %lt3A = arith.constant 0 : i32
    %lt3A_8 = vector.broadcast %lt3A : i32 to vector<1x120xi32>
    %lt3A_9 = arith.cmpi slt, %rem3A_5, %lt3A_8 : vector<1x120xi32>
    %lt3A_10 = arith.constant 0 : i32
    %lt3A_11 = arith.cmpi slt, %select_n3A, %lt3A_10 : i32
    %ne3A_12 = vector.broadcast %lt3A_11 : i1 to vector<1x120xi1>
    %ne3A_13 = vector.broadcast %ne3A_12 : vector<1x120xi1> to vector<1x120xi1>
    %ne3A_14 = arith.xori %lt3A_9, %ne3A_13 : vector<1x120xi1>
    %and3A = arith.andi %ne3A_14, %ne3A_7 : vector<1x120xi1>
    %add3A = vector.broadcast %select_n3A : i32 to vector<1x120xi32>
    %add3A_15 = arith.addi %rem3A_5, %add3A : vector<1x120xi32>
    %select_n3A_16 = arith.select %and3A, %add3A_15, %rem3A_5 : vector<1x120xi1>, vector<1x120xi32>
    %iota3A_17 = tpu.iota {dimensions = array<i32: 1>} : vector<1x128xi32>
    %eq3A_18 = arith.constant 0 : i32
    %eq3A_19 = vector.broadcast %eq3A_18 : i32 to vector<1x120xi32>
    %eq3A_20 = arith.cmpi eq, %select_n3A_16, %eq3A_19 : vector<1x120xi32>
    %jit3A_21 = arith.constant 0.000000e+00 : f32
    %broadcast_in_dim3A_22 = vector.broadcast %jit3A_21 : f32 to vector<1x120xf32>
    %select_n3A_23 = arith.select %eq3A_20, %broadcast_in_dim3A, %broadcast_in_dim3A_22 : vector<1x120xi1>, vector<1x120xf32>
    %reduce_sum3A_24 = vector.shape_cast %select_n3A_23 : vector<1x120xf32> to vector<1x1x120xf32>
    %reduce_sum3A_25 = arith.constant dense<0.000000e+00> : vector<1xf32>
    %reduce_sum3A_26 = vector.multi_reduction <add>, %reduce_sum3A_24, %reduce_sum3A_25 [1, 2] : vector<1x1x120xf32> to vector<1xf32>
    %reduce_sum3A_27 = vector.shape_cast %reduce_sum3A_26 : vector<1xf32> to vector<1x1x1xf32>
    %reduce_sum3A_28 = vector.extract %reduce_sum3A_27[0, 0, 0] : f32 from vector<1x1x1xf32>
    %mul3A = arith.constant 2.000000e-05 : f32
    %mul3A_29 = arith.mulf %reduce_sum3A_28, %mul3A : f32
    %eq3A_30 = arith.constant 1 : i32
    %eq3A_31 = vector.broadcast %eq3A_30 : i32 to vector<1x120xi32>
    %eq3A_32 = arith.cmpi eq, %select_n3A_16, %eq3A_31 : vector<1x120xi32>
    %jit3A_33 = arith.constant 0.000000e+00 : f32
    %broadcast_in_dim3A_34 = vector.broadcast %jit3A_33 : f32 to vector<1x120xf32>
    %select_n3A_35 = arith.select %eq3A_32, %broadcast_in_dim3A, %broadcast_in_dim3A_34 : vector<1x120xi1>, vector<1x120xf32>
    %reduce_sum3A_36 = vector.shape_cast %select_n3A_35 : vector<1x120xf32> to vector<1x1x120xf32>
    %reduce_sum3A_37 = arith.constant dense<0.000000e+00> : vector<1xf32>
    %reduce_sum3A_38 = vector.multi_reduction <add>, %reduce_sum3A_36, %reduce_sum3A_37 [1, 2] : vector<1x1x120xf32> to vector<1xf32>
    %reduce_sum3A_39 = vector.shape_cast %reduce_sum3A_38 : vector<1xf32> to vector<1x1x1xf32>
    %reduce_sum3A_40 = vector.extract %reduce_sum3A_39[0, 0, 0] : f32 from vector<1x1x1xf32>
    %mul3A_41 = arith.constant 2.000000e-05 : f32
    %mul3A_42 = arith.mulf %reduce_sum3A_40, %mul3A_41 : f32
    %eq3A_43 = arith.constant 2 : i32
    %eq3A_44 = vector.broadcast %eq3A_43 : i32 to vector<1x120xi32>
    %eq3A_45 = arith.cmpi eq, %select_n3A_16, %eq3A_44 : vector<1x120xi32>
    %jit3A_46 = arith.constant 0.000000e+00 : f32
    %broadcast_in_dim3A_47 = vector.broadcast %jit3A_46 : f32 to vector<1x120xf32>
    %select_n3A_48 = arith.select %eq3A_45, %broadcast_in_dim3A, %broadcast_in_dim3A_47 : vector<1x120xi1>, vector<1x120xf32>
    %reduce_sum3A_49 = vector.shape_cast %select_n3A_48 : vector<1x120xf32> to vector<1x1x120xf32>
    %reduce_sum3A_50 = arith.constant dense<0.000000e+00> : vector<1xf32>
    %reduce_sum3A_51 = vector.multi_reduction <add>, %reduce_sum3A_49, %reduce_sum3A_50 [1, 2] : vector<1x1x120xf32> to vector<1xf32>
    %reduce_sum3A_52 = vector.shape_cast %reduce_sum3A_51 : vector<1xf32> to vector<1x1x1xf32>
    %reduce_sum3A_53 = vector.extract %reduce_sum3A_52[0, 0, 0] : f32 from vector<1x1x1xf32>
    %mul3A_54 = arith.constant 2.000000e-05 : f32
    %mul3A_55 = arith.mulf %reduce_sum3A_53, %mul3A_54 : f32
    %lt3A_56 = arith.constant 16 : i32
    %lt3A_57 = vector.broadcast %lt3A_56 : i32 to vector<1x128xi32>
    %lt3A_58 = arith.cmpi slt, %iota3A_17, %lt3A_57 : vector<1x128xi32>
    %lt3A_59 = arith.constant 32 : i32
    %lt3A_60 = vector.broadcast %lt3A_59 : i32 to vector<1x128xi32>
    %lt3A_61 = arith.cmpi slt, %iota3A_17, %lt3A_60 : vector<1x128xi32>
    %lt3A_62 = arith.constant 48 : i32
    %lt3A_63 = vector.broadcast %lt3A_62 : i32 to vector<1x128xi32>
    %lt3A_64 = arith.cmpi slt, %iota3A_17, %lt3A_63 : vector<1x128xi32>
    %jit3A_65 = arith.constant 0.000000e+00 : f32
    %broadcast_in_dim3A_66 = vector.broadcast %mul3A_55 : f32 to vector<1x128xf32>
    %broadcast_in_dim3A_67 = vector.broadcast %jit3A_65 : f32 to vector<1x128xf32>
    %select_n3A_68 = arith.select %lt3A_64, %broadcast_in_dim3A_66, %broadcast_in_dim3A_67 : vector<1x128xi1>, vector<1x128xf32>
    %broadcast_in_dim3A_69 = vector.broadcast %mul3A_42 : f32 to vector<1x128xf32>
    %select_n3A_70 = arith.select %lt3A_61, %broadcast_in_dim3A_69, %select_n3A_68 : vector<1x128xi1>, vector<1x128xf32>
    %broadcast_in_dim3A_71 = vector.broadcast %mul3A_29 : f32 to vector<1x128xf32>
    %select_n3A_72 = arith.select %lt3A_58, %broadcast_in_dim3A_71, %select_n3A_70 : vector<1x128xi1>, vector<1x128xf32>
    %get3A_73 = arith.constant 0 : index
    %get3A_74 = arith.constant 0 : index
    %get3A_75 = vector.load %arg2[%get3A_73, %get3A_74] : memref<1x100xf32, #tpu.memory_space<vmem>>, vector<1x100xf32>
    %jit3A_76 = arith.constant 0 : i32
    %convert_element_type3A = arith.sitofp %jit3A_76 : i32 to f32
    %pad3A = vector.broadcast %convert_element_type3A : f32 to vector<1x28xf32>
    %pad3A_77 = tpu.concatenate %get3A_75, %pad3A in 1 : vector<1x100xf32>, vector<1x28xf32> -> vector<1x128xf32>
    %exp3A = math.exp %pad3A_77 : vector<1x128xf32>
    %add3A_78 = arith.constant 1.000000e+00 : f32
    %add3A_79 = vector.broadcast %add3A_78 : f32 to vector<1x128xf32>
    %add3A_80 = arith.addf %add3A_79, %exp3A : vector<1x128xf32>
    %div3A = arith.constant 1.000000e+00 : f32
    %div3A_81 = vector.broadcast %div3A : f32 to vector<1x128xf32>
    %div3A_82 = arith.divf %div3A_81, %add3A_80 : vector<1x128xf32>
    %sqrt3A = math.sqrt %div3A_82 : vector<1x128xf32>
    %neg3A = arith.constant 0.000000e+00 : f32
    %neg3A_83 = vector.broadcast %neg3A : f32 to vector<1x128xf32>
    %neg3A_84 = arith.subf %neg3A_83, %pad3A_77 : vector<1x128xf32>
    %exp3A_85 = math.exp %neg3A_84 : vector<1x128xf32>
    %add3A_86 = arith.constant 1.000000e+00 : f32
    %add3A_87 = vector.broadcast %add3A_86 : f32 to vector<1x128xf32>
    %add3A_88 = arith.addf %add3A_87, %exp3A_85 : vector<1x128xf32>
    %div3A_89 = arith.constant 1.000000e+00 : f32
    %div3A_90 = vector.broadcast %div3A_89 : f32 to vector<1x128xf32>
    %div3A_91 = arith.divf %div3A_90, %add3A_88 : vector<1x128xf32>
    %sqrt3A_92 = math.sqrt %div3A_91 : vector<1x128xf32>
    %iota3A_93 = tpu.iota {dimensions = array<i32: 0>} : vector<8x128xi32>
    %eq3A_94 = arith.constant 0 : i32
    %eq3A_95 = vector.broadcast %eq3A_94 : i32 to vector<8x128xi32>
    %eq3A_96 = arith.cmpi eq, %iota3A_93, %eq3A_95 : vector<8x128xi32>
    %eq3A_97 = arith.constant 1 : i32
    %eq3A_98 = vector.broadcast %eq3A_97 : i32 to vector<8x128xi32>
    %eq3A_99 = arith.cmpi eq, %iota3A_93, %eq3A_98 : vector<8x128xi32>
    %eq3A_100 = arith.constant 2 : i32
    %eq3A_101 = vector.broadcast %eq3A_100 : i32 to vector<8x128xi32>
    %eq3A_102 = arith.cmpi eq, %iota3A_93, %eq3A_101 : vector<8x128xi32>
    %jit3A_103 = arith.constant 0.000000e+00 : f32
    %broadcast_in_dim3A_104 = vector.shape_cast %select_n3A_72 : vector<1x128xf32> to vector<1x128xf32>
    %broadcast_in_dim3A_105 = vector.broadcast %broadcast_in_dim3A_104 : vector<1x128xf32> to vector<8x128xf32>
    %broadcast_in_dim3A_106 = vector.broadcast %jit3A_103 : f32 to vector<8x128xf32>
    %select_n3A_107 = arith.select %eq3A_102, %broadcast_in_dim3A_105, %broadcast_in_dim3A_106 : vector<8x128xi1>, vector<8x128xf32>
    %broadcast_in_dim3A_108 = vector.shape_cast %sqrt3A_92 : vector<1x128xf32> to vector<1x128xf32>
    %broadcast_in_dim3A_109 = vector.broadcast %broadcast_in_dim3A_108 : vector<1x128xf32> to vector<8x128xf32>
    %select_n3A_110 = arith.select %eq3A_99, %broadcast_in_dim3A_109, %select_n3A_107 : vector<8x128xi1>, vector<8x128xf32>
    %broadcast_in_dim3A_111 = vector.shape_cast %sqrt3A : vector<1x128xf32> to vector<1x128xf32>
    %broadcast_in_dim3A_112 = vector.broadcast %broadcast_in_dim3A_111 : vector<1x128xf32> to vector<8x128xf32>
    %select_n3A_113 = arith.select %eq3A_96, %broadcast_in_dim3A_112, %select_n3A_110 : vector<8x128xi1>, vector<8x128xf32>
    %swap3A = arith.constant 0 : index
    %swap3A_114 = arith.constant 0 : index
    %swap3A_115 = vector.load %arg3[%swap3A, %swap3A_114] : memref<8x128xf32, #tpu.memory_space<vmem>>, vector<8x128xf32>
    tpu.vector_store %arg3[%swap3A, %swap3A_114], %select_n3A_113 {strides = array<i32>} : memref<8x128xf32, #tpu.memory_space<vmem>>, vector<8x128xf32>,
    %iota3A_116 = tpu.iota {dimensions = array<i32: 0>} : vector<100x128xi32>
    %convert_element_type3A_117 = arith.sitofp %iota3A_116 : vector<100x128xi32> to vector<100x128xf32>
    %iota3A_118 = tpu.iota {dimensions = array<i32: 1>} : vector<100x128xi32>
    %convert_element_type3A_119 = arith.sitofp %iota3A_118 : vector<100x128xi32> to vector<100x128xf32>
    %lt3A_120 = arith.constant 6.400000e+01 : f32
    %lt3A_121 = vector.broadcast %lt3A_120 : f32 to vector<100x128xf32>
    %lt3A_122 = arith.cmpf olt, %convert_element_type3A_119, %lt3A_121 : vector<100x128xf32>
    %sub3A = arith.constant 6.400000e+01 : f32
    %sub3A_123 = vector.broadcast %sub3A : f32 to vector<100x128xf32>
    %sub3A_124 = arith.subf %convert_element_type3A_119, %sub3A_123 : vector<100x128xf32>
    %select_n3A_125 = arith.select %lt3A_122, %convert_element_type3A_119, %sub3A_124 : vector<100x128xi1>, vector<100x128xf32>
    %log3A = arith.constant 1.000000e+04 : f32
    %log3A_126 = math.log %log3A : f32
    %neg3A_127 = arith.constant 0.000000e+00 : f32
    %neg3A_128 = arith.subf %neg3A_127, %log3A_126 : f32
    %div3A_129 = arith.constant 6.400000e+01 : f32
    %div3A_130 = arith.divf %neg3A_128, %div3A_129 : f32
    %mul3A_131 = vector.broadcast %div3A_130 : f32 to vector<100x128xf32>
    %mul3A_132 = arith.mulf %select_n3A_125, %mul3A_131 : vector<100x128xf32>
    %exp3A_133 = math.exp %mul3A_132 : vector<100x128xf32>
    %mul3A_134 = arith.mulf %convert_element_type3A_117, %exp3A_133 : vector<100x128xf32>
    %lt3A_135 = arith.constant 6.400000e+01 : f32
    %lt3A_136 = vector.broadcast %lt3A_135 : f32 to vector<100x128xf32>
    %lt3A_137 = arith.cmpf olt, %convert_element_type3A_119, %lt3A_136 : vector<100x128xf32>
    %cos3A = math.cos %mul3A_134 : vector<100x128xf32>
    %sin3A = math.sin %mul3A_134 : vector<100x128xf32>
    %select_n3A_138 = arith.select %lt3A_137, %cos3A, %sin3A : vector<100x128xi1>, vector<100x128xf32>
    %swap3A_139 = arith.constant 0 : index
    %swap3A_140 = arith.constant 0 : index
    %swap3A_141 = vector.load %arg4[%swap3A_139, %swap3A_140] : memref<100x128xf32, #tpu.memory_space<vmem>>, vector<100x128xf32>
    tpu.vector_store %arg4[%swap3A_139, %swap3A_140], %select_n3A_138 {strides = array<i32>} : memref<100x128xf32, #tpu.memory_space<vmem>>, vector<100x128xf32>,
    return
  }
  func.func @transform_0(%arg0: i32) -> (i32, i32) {
    %c0_i32 = arith.constant 0 : i32
    %c0_i32_0 = arith.constant 0 : i32
    %c0_i32_1 = arith.constant 0 : i32
    return %c0_i32, %c0_i32_0 : i32, i32
  }
  func.func @transform_1(%arg0: i32) -> (i32, i32) {
    %c0_i32 = arith.constant 0 : i32
    %c0_i32_0 = arith.constant 0 : i32
    %c0_i32_1 = arith.constant 0 : i32
    return %c0_i32, %c0_i32_0 : i32, i32
  }
  func.func @transform_2(%arg0: i32) -> (i32, i32) {
    %c0_i32 = arith.constant 0 : i32
    %c0_i32_0 = arith.constant 0 : i32
    %c0_i32_1 = arith.constant 0 : i32
    return %c0_i32, %c0_i32_0 : i32, i32
  }
  func.func @transform_3(%arg0: i32) -> (i32, i32) {
    %c0_i32 = arith.constant 0 : i32
    %c0_i32_0 = arith.constant 0 : i32
    %c0_i32_1 = arith.constant 0 : i32
    return %c0_i32, %c0_i32_0 : i32, i32
  }
}

</mosaic_0001>

<sc_bundles>
// kernel: kernel.4.cloned.1.call-start
scs
__scs_entry_jumppad:
0x0: {  	(pc) =	sbr.rel $0x88, $3  }
0x1: {  	(tag) =	ssettag $0x0;
	lr =	simm.s32 $0x1  }
0x2: {  	[smem:$0x3F9C] =	sst lr;
	_ =	strace $0xD0000000  }
0x3: {  	_ = 	snop  }
0x4: {  	_ = 	snop  }
0x5: {  	_ = 	snop  }
0x6: {  	_ = 	snop  }
0x7: {  	_ = 	snop  }
__scs_overlays_trampoline_lowered:
0x8: {  	[smem:$0x3FAB] =	sst s0  }
0x9: {  	[smem:$0x3FAC] =	sst s1  }
0xa: {  	[smem:$0x3FAD] =	sst s2  }
0xb: {  	[smem:$0x3FAE] =	sst s3  }
0xc: {  	[smem:$0x3FAF] =	sst s4  }
0xd: {  	[smem:$0x3FB0] =	sst s5  }
0xe: {  	[smem:$0x3FB1] =	sst s6  }
0xf: {  	[smem:$0x3FB2] =	sst s7  }
0x10: {  	[smem:$0x3FB3] =	sst s8  }
0x11: {  	[smem:$0x3FB4] =	sst s9;
	s0 =	simm.s32 @!p0 $0x0  }
0x12: {  	s1 =	sld [smem:$0x3F9A];
	s0 =	simm.s32 @p0 $0x1  }
0x13: {  	[smem:$0x3FB5] =	sst s0;
	s0 =	simm.s32 @!p1 $0x0  }
0x14: {  	s2 =	sld [smem:$0x3F99];
	s0 =	simm.s32 @p1 $0x1  }
0x15: {  	[smem:$0x3FB6] =	sst s0;
	s0 =	simm.s32 @!p2 $0x0  }
0x16: {  	s3 =	sld [smem:$0x3FDB];
	s0 =	simm.s32 @p2 $0x1  }
0x17: {  	s4 =	simm.s32 $0x1BF5;
	[smem:$0x3FB8] =	sst s0  }
0x18: {  	s0 =	sld [smem:$0x3F9B];
	_ =	swait.ge [sflag:s4], $0x0  }
0x19: {  	s7 =	sld [smem:$0x3F9C]  }
0x1a: {  	s8 =	sadd.s32 $0xFFFFE003, lr  }
0x1b: {  	s9 =	sadd.s32 $0xFFFFFEF7, lr;
	s5 =	simm.s32 $0xFFFFFFFF;
	p2 =	slt.u32 s8, $0xFFFFF086  }
0x1c: {  	p1 =	slt.u32 s9, $0xF7A;
	s5 =	simm.s32 @!p2 $0x0  }
0x1d: {  	s5 =	simm.s32 @p1 $0x1;
	p0 =	seq.s32 s7, s2  }
0x1e: {  	s7 =	smul.u32 @!p0 $0xF7A, s2;
	p2 =	seq.s32 @!p0 s5, $0x0  }
0x1f: {  	s9 =	smul.u32 $0xF7A, s1;
	s8 =	simm.s32 @!p0 $0x1BF5;
	p2 =	por !p2, p0  }
0x20: {  	[sflag:s8] =	ssyncset.s32 @!p0 $0xFFFFF086;
	s6 =	sadd.s32 @!p0 s3, s7;
	s7 =	simm.s32 @!p0 $0x108  }
0x21: {  	s3 =	sadd.s32 s3, s9;
	s6 =	sadd.s32 @!p0 $0x88, s6;
	s7 =	simm.s32 @p2 $0x1082  }
0x22: {  	[simem:s7], [sflag:s8] =	dma.local @!p0 [hbm:s6], $0xF7A  }
0x23: {  	s9 =	sor.u32 $0xD0000000, s2;
	s6 =	simm.s32 $0x108;
	_ =	swait.ge @!p0 [sflag:s8], $0x0  }
0x24: {  	s3 =	sadd.s32 $0x88, s3;
	s6 =	simm.s32 @!p1 $0x1082;
	[sflag:s4] =	ssyncset.s32 $0xFFFFF086  }
0x25: {  	[simem:s6], [sflag:s4] =	dma.local [hbm:s3], $0xF7A  }
0x26: {  	[smem:$0x3F9C] =	sst s1;
	(tag) =	ssettag s2;
	_ =	strace s9  }
0x27: {  	s1 =	sld [smem:$0x3FAC]  }
0x28: {  	s2 =	sld [smem:$0x3FAD]  }
0x29: {  	s4 =	sld [smem:$0x3FAF]  }
0x2a: {  	p0 =	seq.s32 s5, $0x0;
	s5 =	sld [smem:$0x3FB0]  }
0x2b: {  	s6 =	sld [smem:$0x3FB1]  }
0x2c: {  	s7 =	sld [smem:$0x3FB2]  }
0x2d: {  	s3 =	simm.s32 $0x108;
	s8 =	sld [smem:$0x3FB3]  }
0x2e: {  	s3 =	simm.s32 @!p0 $0x1082;
	s9 =	sld [smem:$0x3FB4]  }
0x2f: {  	lr =	sadd.s32 s0, s3;
	s0 =	sld [smem:$0x3FAB]  }
0x30: {  	s3 =	sld [smem:$0x3FAE]  }
0x31: {  	[smem:$0x3FB7] =	sst s10  }
0x32: {  	s10 =	sld [smem:$0x3FB5];
	_ =	sdelay $0x3  }
0x33: {  	p0 =	seq.s32 s10, $0x1;
	s10 =	sld [smem:$0x3FB7];
	_ =	sdelay $0x3  }
0x34: {  	[smem:$0x3FB7] =	sst s10  }
0x35: {  	s10 =	sld [smem:$0x3FB6];
	_ =	sdelay $0x3  }
0x36: {  	p1 =	seq.s32 s10, $0x1;
	s10 =	sld [smem:$0x3FB7];
	_ =	sdelay $0x3  }
0x37: {  	[smem:$0x3FB7] =	sst s10  }
0x38: {  	s10 =	sld [smem:$0x3FB8]  }
0x39: {  	_ = 	snop;
	(pc) =	sbr.ind lr, $3  }
0x3a: {  	_ = 	snop  }
0x3b: {  	_ = 	snop  }
0x3c: {  	p2 =	seq.s32 s10, $0x1;
	s10 =	sld [smem:$0x3FB7]  }
0x3d: {  	_ =	shalt  }
0x3e: {  	_ =	shalt  }
0x3f: {  	_ =	shalt  }
0x40: {  	_ =	shalt  }
0x41: {  	_ =	shalt  }
0x42: {  	_ =	shalt  }
0x43: {  	_ =	shalt  }
0x44: {  	_ =	shalt  }
0x45: {  	_ =	shalt  }
0x46: {  	_ =	shalt  }
0x47: {  	_ =	shalt  }
0x48: {  	_ =	shalt  }
0x49: {  	_ =	shalt  }
0x4a: {  	_ =	shalt  }
0x4b: {  	_ =	shalt  }
0x4c: {  	_ =	shalt  }
0x4d: {  	_ =	shalt  }
0x4e: {  	_ =	shalt  }
0x4f: {  	_ =	shalt  }
0x50: {  	_ =	shalt  }
0x51: {  	_ =	shalt  }
0x52: {  	_ =	shalt  }
0x53: {  	_ =	shalt  }
0x54: {  	_ =	shalt  }
0x55: {  	_ =	shalt  }
0x56: {  	_ =	shalt  }
0x57: {  	_ =	shalt  }
0x58: {  	_ =	shalt  }
0x59: {  	_ =	shalt  }
0x5a: {  	_ =	shalt  }
0x5b: {  	_ =	shalt  }
0x5c: {  	_ =	shalt  }
0x5d: {  	_ =	shalt  }
0x5e: {  	_ =	shalt  }
0x5f: {  	_ =	shalt  }
0x60: {  	_ =	shalt  }
0x61: {  	_ =	shalt  }
0x62: {  	_ =	shalt  }
0x63: {  	_ =	shalt  }
0x64: {  	_ =	shalt  }
0x65: {  	_ =	shalt  }
0x66: {  	_ =	shalt  }
0x67: {  	_ =	shalt  }
0x68: {  	_ =	shalt  }
0x69: {  	_ =	shalt  }
0x6a: {  	_ =	shalt  }
0x6b: {  	_ =	shalt  }
0x6c: {  	_ =	shalt  }
0x6d: {  	_ =	shalt  }
0x6e: {  	_ =	shalt  }
0x6f: {  	_ =	shalt  }
0x70: {  	_ =	shalt  }
0x71: {  	_ =	shalt  }
0x72: {  	_ =	shalt  }
0x73: {  	_ =	shalt  }
0x74: {  	_ =	shalt  }
0x75: {  	_ =	shalt  }
0x76: {  	_ =	shalt  }
0x77: {  	_ =	shalt  }
0x78: {  	_ =	shalt  }
0x79: {  	_ =	shalt  }
0x7a: {  	_ =	shalt  }
0x7b: {  	_ =	shalt  }
0x7c: {  	_ =	shalt  }
0x7d: {  	_ =	shalt  }
0x7e: {  	_ =	shalt  }
0x7f: {  	_ =	shalt  }
0x80: {  	_ =	shalt  }
0x81: {  	_ =	shalt  }
0x82: {  	_ =	shalt  }
0x83: {  	_ =	shalt  }
0x84: {  	_ =	shalt  }
0x85: {  	_ =	shalt  }
0x86: {  	_ =	shalt  }
0x87: {  	_ =	shalt  }
.Lfunc_end0:
.L_simem_size_0:
called_computation_lowered:
.L_overlay_start_0:
0x88: {  	s2 =	sld [smem:$0x3FD9]  }
0x89: {  	s3 =	sld [smem:$0x3FFE];
	_ =	sdelay $0x1  }
0x8a: {  	s1 =	srdreg.scid  }
0x8b: {  	s0 =	sand.u32 $0x1, s1  }
0x8c: {  	s17 =	sshll.u32 s0, $0xA;
	s2 =	sadd.s32 s3, s2  }
0x8d: {  	s2 =	sadd.s32 s2, s17  }
0x8e: {  	[smem:$0x3FC3] =	sst s2  }
0x8f: {  	_ = 	snop  }
0x90: {  	s2 =	sld [smem:$0x3FC8]  }
0x91: {  	s18 =	sld [smem:$0x3FC7]  }
0x92: {  	s4 =	sld [smem:$0x3FD0];
	(tm) =	ssettm $0x1  }
0x93: {  	s5 =	sld [smem:$0x3FFB];
	_ =	sdelay $0x3  }
0x94: {  	_ =	strace s5  }
0x95: {  	s5 =	sld [smem:$0x3FFC];
	_ =	sdelay $0x3  }
0x96: {  	_ =	strace s5  }
0x97: {  	s5 =	sld [smem:$0x3FFD];
	_ =	sdelay $0x3  }
0x98: {  	_ =	strace s5  }
0x99: {  	_ =	strace $0x8FFFFFFF  }
0x9a: {  	s19 =	sld [smem:$0x3FDB];
	_ =	sdelay $0x1  }
0x9b: {  	s6 =	simm.s32 $_scs_section_size  }
0x9c: {  	s7 =	simm.s32 $_size__tile_overlayer_lowered;
	s8 =	simm.s32 $_tile_overlayer_lowered  }
0x9d: {  	s22 =	simm.s32 $0x1BFF;
	s21 =	sshll.u32 s8, $0x1;
	s5 =	sadd.s32 s6, s19  }
0x9e: {  	s9 =	simm.s32 $0x0;
	s20 =	sshll.u32 s7, $0x1;
	s7 =	sadd.s32 s21, s5  }
0x9f: {  	[timem:s9], [sflag:s22] =	dma.local [hbm:s7], s20  }
0xa0: {  	_ =	swait.ge [sflag:s22], s20  }
0xa1: {  	s6 =	ssub.s32 $0x0, s20;
	[sflag:s22] =	ssyncset.done $0x0  }
0xa2: {  	[sflag:s22] =	ssyncadd.s32 s6;
	_ =	sdelay $0x1  }
0xa3: {  	s23 =	simm.s32 $0x1B8B  }
0xa4: {  	_ =	swait.ge [sflag:s23], $0x1  }
0xa5: {  	[sflag:s23] =	ssyncset.done $0x0  }
0xa6: {  	s25 =	simm.s32 $0x1B8E;
	s24 =	sld [smem:$0x3FFE];
	[sflag:s23] =	ssyncadd.s32 $0xFFFFFFFF  }
0xa7: {  	s26 =	simm.s32 $execute0_lowered;
	[smem:$0x3FD2] =	sst s25  }
0xa8: {  	s7 =	sshll.u32 s26, $0x1;
	_ =	strace $0x80000046;
	[dreg:$0x1] =	wrdreg $0xFFFFFFFF  }
0xa9: {  	s28 =	simm.s32 $_size_execute0_lowered;
	s5 =	sadd.s32 s5, s7;
	[dreg:$0x0] =	wrdreg $0x0  }
0xaa: {  	s7 =	sshll.u32 s28, $0x1;
	[dreg:$0x2] =	wrdreg s5  }
0xab: {  	[dreg:$0x3] =	wrdreg s7  }
0xac: {  	[dreg:$0x4] =	wrdreg $0xC0  }
0xad: {  	_ =	task [dreg:s9], $0x5FFFF  }
0xae: {  	[dreg:$0x1] =	wrdreg $0xFFFFFFFF  }
0xaf: {  	[dreg:$0x0] =	wrdreg $0x60  }
0xb0: {  	[dreg:$0x2] =	wrdreg s24  }
0xb1: {  	[dreg:$0x3] =	wrdreg s2  }
0xb2: {  	[dreg:$0x4] =	wrdreg s4  }
0xb3: {  	[dreg:$0x5] =	wrdreg s18  }
0xb4: {  	[dreg:$0x6] =	wrdreg $0x9  }
0xb5: {  	_ =	task.clear_ibuf [dreg:s9], $0x7FFFF;
	_ =	strace $0x90000046  }
0xb6: {  	s29 =	simm.s32 $0x9;
	_ =	strace $0x80000048  }
0xb7: {  	_ =	swait.ge [sflag:s29], $0x1  }
0xb8: {  	[sflag:s29] =	ssyncadd.s32 $0xFFFFFFFF  }
0xb9: {  	_ =	strace $0x90000048  }
0xba: {  	_ =	sfence  }
0xbb: {  	s30 =	sld [smem:$0x0];
	_ =	sdelay $0x2  }
0xbc: {  	s31 =	sshll.u32 s1, $0xD;
	s1 =	sshrl.u32 s1, $0x2  }
0xbd: {  	s3 =	sand.u32 $0x4000, s31;
	s1 =	sadd.s32 s1, s30  }
0xbe: {  	s0 =	sor.u32 s3, s0;
	s1 =	sshll.u32 s1, $0x11  }
0xbf: {  	s0 =	sor.u32 s1, s0  }
0xc0: {  	s0 =	sadd.s32 $0x8F2B, s0  }
0xc1: {  	[sflag:s0] =	ssyncadd.remote.s32 $0x1  }
0xc2: {  	_ =	sfence.sel $0xFFFF  }
0xc3: {  	[dreg:$0x0] =	wrdreg $0xFFFFFFFF;
	(pc) =	sbr.abs _section_cstart, $3  }
0xc4: {  	[dreg:$0x1] =	wrdreg $0xFFFFFFFF  }
0xc5: {  	_ =	task.clear_ibuf [dreg:s9], $0x2FFFF;
	_ =	strace $0x9FFFFFFF  }
0xc6: {  	(tm) =	ssettm $0x7FFFFFFF  }
0xc7: {  	_ =	shalt  }
tec
execute0_lowered:
.L_overlay_start_1:
0x0: {  	(tag) =	ssettag $0x1  }
0x1: {  	v0 =	vimm.s32 $0xB80;
	vm14 =	vcmask $0x300;
	vm13 =	vcmask $0x704  }
0x2: {  	vm12 =	vcmask $0xB08;
	vm11 =	vcmask $0xF0C;
	v1 =	vimm.s32 $0xF80  }
0x3: {  	vm10 =	vcmask $0x1310;
	vm9 =	vcmask $0x1714;
	vm8 =	vcmask $0x1B18  }
0x4: {  	vm7 =	vcmask $0x1F1C;
	vm6 =	vcmask $0x2320;
	vm5 =	vcmask $0x2724  }
0x5: {  	vm4 =	vcmask $0x2B28;
	vm3 =	vcmask $0x2F2C;
	vm2 =	vcmask $0x3330  }
0x6: {  	vm1 =	vcmask $0x3734;
	vm0 =	vcmask $0x3B38;
	v2 =	vlaneseq.u32  }
0x7: {  	v4 =	vimm.s32 $0xB81;
	v5 =	vimm.s32 $0xF81;
	v6 =	vimm.s32 $0xB82  }
0x8: {  	v11 =	vimm.s32 $0xF82;
	v10 =	vimm.s32 $0x120;
	v12 =	vimm.s32 $0x1383  }
0x9: {  	v13 =	vimm.s32 $0x1B80;
	v16 =	vimm.s32 $0x2780;
	v17 =	vimm.s32 $0x1B81  }
0xa: {  	v18 =	vimm.s32 $0x2781;
	v20 =	vimm.s32 $0x1B82;
	v21 =	vimm.s32 $0x2782  }
0xb: {  	v22 =	vimm.s32 $0x2B83;
	v25 =	vimm.s32 $0x2B80;
	v26 =	vimm.s32 $0x3F80  }
0xc: {  	v27 =	vimm.s32 $0x2B81;
	v30 =	vimm.s32 $0x3F81;
	v31 =	vimm.s32 $0x2B82  }
0xd: {  	v32 =	vimm.s32 $0x3F82;
	v35 =	vimm.s32 $0x4383;
	v36 =	vimm.s32 $0x3B80  }
0xe: {  	v37 =	vimm.s32 $0x5780;
	v38 =	vimm.s32 $0x3B81;
	v39 =	vimm.s32 $0x5781  }
0xf: {  	v40 =	vimm.s32 $0x3B82;
	v41 =	vimm.s32 $0x5782;
	v42 =	vimm.s32 $0x5B83  }
0x10: {  	v43 =	vimm.s32 $0x4B80;
	v44 =	vimm.s32 $0x6F80;
	v45 =	vimm.s32 $0x4B81  }
0x11: {  	v46 =	vimm.s32 $0x6F81;
	v47 =	vimm.s32 $0x4B82;
	v48 =	vimm.s32 $0x6F82  }
0x12: {  	v49 =	vimm.s32 $0x7383;
	v0 =	vsel vm14, $0x0, v0;
	v1 =	vsel vm14, $0x0, v1  }
0x13: {  	v4 =	vsel vm14, $0x1, v4;
	v5 =	vsel vm14, $0x1, v5;
	v6 =	vsel vm14, $0x2, v6  }
0x14: {  	v11 =	vsel vm14, $0x2, v11;
	v12 =	vsel vm14, $0x403, v12;
	v13 =	vsel vm14, $0x1000, v13  }
0x15: {  	v16 =	vsel vm14, $0x1800, v16;
	v17 =	vsel vm14, $0x1001, v17;
	v18 =	vsel vm14, $0x1801, v18  }
0x16: {  	v20 =	vsel vm14, $0x1002, v20;
	v21 =	vsel vm14, $0x1802, v21;
	v22 =	vsel vm14, $0x1C03, v22  }
0x17: {  	v25 =	vsel vm14, $0x2000, v25;
	v26 =	vsel vm14, $0x3000, v26;
	v27 =	vsel vm14, $0x2001, v27  }
0x18: {  	v30 =	vsel vm14, $0x3001, v30;
	v31 =	vsel vm14, $0x2002, v31;
	v32 =	vsel vm14, $0x3002, v32  }
0x19: {  	v35 =	vsel vm14, $0x3403, v35;
	v36 =	vsel vm14, $0x3000, v36;
	v37 =	vsel vm14, $0x4800, v37  }
0x1a: {  	v38 =	vsel vm14, $0x3001, v38;
	v39 =	vsel vm14, $0x4801, v39;
	v40 =	vsel vm14, $0x3002, v40  }
0x1b: {  	v41 =	vsel vm14, $0x4802, v41;
	v42 =	vsel vm14, $0x4C03, v42;
	v43 =	vsel vm14, $0x4000, v43  }
0x1c: {  	v44 =	vsel vm14, $0x6000, v44;
	v45 =	vsel vm14, $0x4001, v45;
	v46 =	vsel vm14, $0x6001, v46  }
0x1d: {  	v47 =	vsel vm14, $0x4002, v47;
	v48 =	vsel vm14, $0x6002, v48;
	v49 =	vsel vm14, $0x6403, v49  }
0x1e: {  	v0 =	vsel vm13, $0x80, v0;
	v1 =	vsel vm13, $0x80, v1;
	v4 =	vsel vm13, $0x81, v4  }
0x1f: {  	v5 =	vsel vm13, $0x81, v5;
	v6 =	vsel vm13, $0x82, v6;
	v11 =	vsel vm13, $0x82, v11  }
0x20: {  	v12 =	vsel vm13, $0x483, v12;
	v13 =	vsel vm13, $0x1080, v13;
	v16 =	vsel vm13, $0x1880, v16  }
0x21: {  	v17 =	vsel vm13, $0x1081, v17;
	v18 =	vsel vm13, $0x1881, v18;
	v20 =	vsel vm13, $0x1082, v20  }
0x22: {  	v21 =	vsel vm13, $0x1882, v21;
	v22 =	vsel vm13, $0x1C83, v22;
	v25 =	vsel vm13, $0x2080, v25  }
0x23: {  	v26 =	vsel vm13, $0x3080, v26;
	v27 =	vsel vm13, $0x2081, v27;
	v30 =	vsel vm13, $0x3081, v30  }
0x24: {  	v31 =	vsel vm13, $0x2082, v31;
	v32 =	vsel vm13, $0x3082, v32;
	v35 =	vsel vm13, $0x3483, v35  }
0x25: {  	v36 =	vsel vm13, $0x3080, v36;
	v37 =	vsel vm13, $0x4880, v37;
	v38 =	vsel vm13, $0x3081, v38  }
0x26: {  	v39 =	vsel vm13, $0x4881, v39;
	v40 =	vsel vm13, $0x3082, v40;
	v41 =	vsel vm13, $0x4882, v41  }
0x27: {  	v42 =	vsel vm13, $0x4C83, v42;
	v43 =	vsel vm13, $0x4080, v43;
	v44 =	vsel vm13, $0x6080, v44  }
0x28: {  	v45 =	vsel vm13, $0x4081, v45;
	v46 =	vsel vm13, $0x6081, v46;
	v47 =	vsel vm13, $0x4082, v47  }
0x29: {  	v48 =	vsel vm13, $0x6082, v48;
	v49 =	vsel vm13, $0x6483, v49;
	v0 =	vsel vm12, $0x100, v0  }
0x2a: {  	v1 =	vsel vm12, $0x100, v1;
	v4 =	vsel vm12, $0x101, v4;
	v5 =	vsel vm12, $0x101, v5  }
0x2b: {  	v6 =	vsel vm12, $0x102, v6;
	v11 =	vsel vm12, $0x102, v11;
	v12 =	vsel vm12, $0x503, v12  }
0x2c: {  	v13 =	vsel vm12, $0x1100, v13;
	v16 =	vsel vm12, $0x1900, v16;
	v17 =	vsel vm12, $0x1101, v17  }
0x2d: {  	v18 =	vsel vm12, $0x1901, v18;
	v20 =	vsel vm12, $0x1102, v20;
	v21 =	vsel vm12, $0x1902, v21  }
0x2e: {  	v22 =	vsel vm12, $0x1D03, v22;
	v25 =	vsel vm12, $0x2100, v25;
	v26 =	vsel vm12, $0x3100, v26  }
0x2f: {  	v27 =	vsel vm12, $0x2101, v27;
	v30 =	vsel vm12, $0x3101, v30;
	v31 =	vsel vm12, $0x2102, v31  }
0x30: {  	v32 =	vsel vm12, $0x3102, v32;
	v35 =	vsel vm12, $0x3503, v35;
	v36 =	vsel vm12, $0x3100, v36  }
0x31: {  	v37 =	vsel vm12, $0x4900, v37;
	v38 =	vsel vm12, $0x3101, v38;
	v39 =	vsel vm12, $0x4901, v39  }
0x32: {  	v40 =	vsel vm12, $0x3102, v40;
	v41 =	vsel vm12, $0x4902, v41;
	v42 =	vsel vm12, $0x4D03, v42  }
0x33: {  	v43 =	vsel vm12, $0x4100, v43;
	v44 =	vsel vm12, $0x6100, v44;
	v45 =	vsel vm12, $0x4101, v45  }
0x34: {  	v46 =	vsel vm12, $0x6101, v46;
	v47 =	vsel vm12, $0x4102, v47;
	v48 =	vsel vm12, $0x6102, v48  }
0x35: {  	v49 =	vsel vm12, $0x6503, v49;
	v0 =	vsel vm11, $0x180, v0;
	v1 =	vsel vm11, $0x180, v1  }
0x36: {  	v4 =	vsel vm11, $0x181, v4;
	v5 =	vsel vm11, $0x181, v5;
	v6 =	vsel vm11, $0x182, v6  }
0x37: {  	v11 =	vsel vm11, $0x182, v11;
	v12 =	vsel vm11, $0x583, v12;
	v13 =	vsel vm11, $0x1180, v13  }
0x38: {  	v16 =	vsel vm11, $0x1980, v16;
	v17 =	vsel vm11, $0x1181, v17;
	v18 =	vsel vm11, $0x1981, v18  }
0x39: {  	v20 =	vsel vm11, $0x1182, v20;
	v21 =	vsel vm11, $0x1982, v21;
	v22 =	vsel vm11, $0x1D83, v22  }
0x3a: {  	v25 =	vsel vm11, $0x2180, v25;
	v26 =	vsel vm11, $0x3180, v26;
	v27 =	vsel vm11, $0x2181, v27  }
0x3b: {  	v30 =	vsel vm11, $0x3181, v30;
	v31 =	vsel vm11, $0x2182, v31;
	v32 =	vsel vm11, $0x3182, v32  }
0x3c: {  	v35 =	vsel vm11, $0x3583, v35;
	v36 =	vsel vm11, $0x3180, v36;
	v37 =	vsel vm11, $0x4980, v37  }
0x3d: {  	v38 =	vsel vm11, $0x3181, v38;
	v39 =	vsel vm11, $0x4981, v39;
	v40 =	vsel vm11, $0x3182, v40  }
0x3e: {  	v41 =	vsel vm11, $0x4982, v41;
	v42 =	vsel vm11, $0x4D83, v42;
	v43 =	vsel vm11, $0x4180, v43  }
0x3f: {  	v44 =	vsel vm11, $0x6180, v44;
	v45 =	vsel vm11, $0x4181, v45;
	v46 =	vsel vm11, $0x6181, v46  }
0x40: {  	v47 =	vsel vm11, $0x4182, v47;
	v48 =	vsel vm11, $0x6182, v48;
	v49 =	vsel vm11, $0x6583, v49  }
0x41: {  	v0 =	vsel vm10, $0x200, v0;
	v1 =	vsel vm10, $0x200, v1;
	v4 =	vsel vm10, $0x201, v4  }
0x42: {  	v5 =	vsel vm10, $0x201, v5;
	v6 =	vsel vm10, $0x202, v6;
	v11 =	vsel vm10, $0x202, v11  }
0x43: {  	v12 =	vsel vm10, $0x603, v12;
	v13 =	vsel vm10, $0x1200, v13;
	v16 =	vsel vm10, $0x1A00, v16  }
0x44: {  	v17 =	vsel vm10, $0x1201, v17;
	v18 =	vsel vm10, $0x1A01, v18;
	v20 =	vsel vm10, $0x1202, v20  }
0x45: {  	v21 =	vsel vm10, $0x1A02, v21;
	v22 =	vsel vm10, $0x1E03, v22;
	v25 =	vsel vm10, $0x2200, v25  }
0x46: {  	v26 =	vsel vm10, $0x3200, v26;
	v27 =	vsel vm10, $0x2201, v27;
	v30 =	vsel vm10, $0x3201, v30  }
0x47: {  	v31 =	vsel vm10, $0x2202, v31;
	v32 =	vsel vm10, $0x3202, v32;
	v35 =	vsel vm10, $0x3603, v35  }
0x48: {  	v36 =	vsel vm10, $0x3200, v36;
	v37 =	vsel vm10, $0x4A00, v37;
	v38 =	vsel vm10, $0x3201, v38  }
0x49: {  	v39 =	vsel vm10, $0x4A01, v39;
	v40 =	vsel vm10, $0x3202, v40;
	v41 =	vsel vm10, $0x4A02, v41  }
0x4a: {  	v42 =	vsel vm10, $0x4E03, v42;
	v43 =	vsel vm10, $0x4200, v43;
	v44 =	vsel vm10, $0x6200, v44  }
0x4b: {  	v45 =	vsel vm10, $0x4201, v45;
	v46 =	vsel vm10, $0x6201, v46;
	v47 =	vsel vm10, $0x4202, v47  }
0x4c: {  	v48 =	vsel vm10, $0x6202, v48;
	v49 =	vsel vm10, $0x6603, v49;
	v0 =	vsel vm9, $0x280, v0  }
0x4d: {  	v1 =	vsel vm9, $0x280, v1;
	v4 =	vsel vm9, $0x281, v4;
	v5 =	vsel vm9, $0x281, v5  }
0x4e: {  	v6 =	vsel vm9, $0x282, v6;
	v11 =	vsel vm9, $0x282, v11;
	v12 =	vsel vm9, $0x683, v12  }
0x4f: {  	v13 =	vsel vm9, $0x1280, v13;
	v16 =	vsel vm9, $0x1A80, v16;
	v17 =	vsel vm9, $0x1281, v17  }
0x50: {  	v18 =	vsel vm9, $0x1A81, v18;
	v20 =	vsel vm9, $0x1282, v20;
	v21 =	vsel vm9, $0x1A82, v21  }
0x51: {  	v22 =	vsel vm9, $0x1E83, v22;
	v25 =	vsel vm9, $0x2280, v25;
	v26 =	vsel vm9, $0x3280, v26  }
0x52: {  	v27 =	vsel vm9, $0x2281, v27;
	v30 =	vsel vm9, $0x3281, v30;
	v31 =	vsel vm9, $0x2282, v31  }
0x53: {  	v32 =	vsel vm9, $0x3282, v32;
	v35 =	vsel vm9, $0x3683, v35;
	v36 =	vsel vm9, $0x3280, v36  }
0x54: {  	v37 =	vsel vm9, $0x4A80, v37;
	v38 =	vsel vm9, $0x3281, v38;
	v39 =	vsel vm9, $0x4A81, v39  }
0x55: {  	v40 =	vsel vm9, $0x3282, v40;
	v41 =	vsel vm9, $0x4A82, v41;
	v42 =	vsel vm9, $0x4E83, v42  }
0x56: {  	v43 =	vsel vm9, $0x4280, v43;
	v44 =	vsel vm9, $0x6280, v44;
	v45 =	vsel vm9, $0x4281, v45  }
0x57: {  	v46 =	vsel vm9, $0x6281, v46;
	v47 =	vsel vm9, $0x4282, v47;
	v48 =	vsel vm9, $0x6282, v48  }
0x58: {  	v49 =	vsel vm9, $0x6683, v49;
	v0 =	vsel vm8, $0x300, v0;
	v1 =	vsel vm8, $0x300, v1  }
0x59: {  	v4 =	vsel vm8, $0x301, v4;
	v5 =	vsel vm8, $0x301, v5;
	v6 =	vsel vm8, $0x302, v6  }
0x5a: {  	v11 =	vsel vm8, $0x302, v11;
	v12 =	vsel vm8, $0x703, v12;
	v13 =	vsel vm8, $0x1300, v13  }
0x5b: {  	v16 =	vsel vm8, $0x1B00, v16;
	v17 =	vsel vm8, $0x1301, v17;
	v18 =	vsel vm8, $0x1B01, v18  }
0x5c: {  	v20 =	vsel vm8, $0x1302, v20;
	v21 =	vsel vm8, $0x1B02, v21;
	v22 =	vsel vm8, $0x1F03, v22  }
0x5d: {  	v25 =	vsel vm8, $0x2300, v25;
	v26 =	vsel vm8, $0x3300, v26;
	v27 =	vsel vm8, $0x2301, v27  }
0x5e: {  	v30 =	vsel vm8, $0x3301, v30;
	v31 =	vsel vm8, $0x2302, v31;
	v32 =	vsel vm8, $0x3302, v32  }
0x5f: {  	v35 =	vsel vm8, $0x3703, v35;
	v36 =	vsel vm8, $0x3300, v36;
	v37 =	vsel vm8, $0x4B00, v37  }
0x60: {  	v38 =	vsel vm8, $0x3301, v38;
	v39 =	vsel vm8, $0x4B01, v39;
	v40 =	vsel vm8, $0x3302, v40  }
0x61: {  	v41 =	vsel vm8, $0x4B02, v41;
	v42 =	vsel vm8, $0x4F03, v42;
	v43 =	vsel vm8, $0x4300, v43  }
0x62: {  	v44 =	vsel vm8, $0x6300, v44;
	v45 =	vsel vm8, $0x4301, v45;
	v46 =	vsel vm8, $0x6301, v46  }
0x63: {  	v47 =	vsel vm8, $0x4302, v47;
	v48 =	vsel vm8, $0x6302, v48;
	v49 =	vsel vm8, $0x6703, v49  }
0x64: {  	v0 =	vsel vm7, $0x380, v0;
	v1 =	vsel vm7, $0x380, v1;
	v4 =	vsel vm7, $0x381, v4  }
0x65: {  	v5 =	vsel vm7, $0x381, v5;
	v6 =	vsel vm7, $0x382, v6;
	v11 =	vsel vm7, $0x382, v11  }
0x66: {  	v12 =	vsel vm7, $0x783, v12;
	v13 =	vsel vm7, $0x1380, v13;
	v16 =	vsel vm7, $0x1B80, v16  }
0x67: {  	v17 =	vsel vm7, $0x1381, v17;
	v18 =	vsel vm7, $0x1B81, v18;
	v20 =	vsel vm7, $0x1382, v20  }
0x68: {  	v21 =	vsel vm7, $0x1B82, v21;
	v22 =	vsel vm7, $0x1F83, v22;
	v25 =	vsel vm7, $0x2380, v25  }
0x69: {  	v26 =	vsel vm7, $0x3380, v26;
	v27 =	vsel vm7, $0x2381, v27;
	v30 =	vsel vm7, $0x3381, v30  }
0x6a: {  	v31 =	vsel vm7, $0x2382, v31;
	v32 =	vsel vm7, $0x3382, v32;
	v35 =	vsel vm7, $0x3783, v35  }
0x6b: {  	v36 =	vsel vm7, $0x3380, v36;
	v37 =	vsel vm7, $0x4B80, v37;
	v38 =	vsel vm7, $0x3381, v38  }
0x6c: {  	v39 =	vsel vm7, $0x4B81, v39;
	v40 =	vsel vm7, $0x3382, v40;
	v41 =	vsel vm7, $0x4B82, v41  }
0x6d: {  	v42 =	vsel vm7, $0x4F83, v42;
	v43 =	vsel vm7, $0x4380, v43;
	v44 =	vsel vm7, $0x6380, v44  }
0x6e: {  	v45 =	vsel vm7, $0x4381, v45;
	v46 =	vsel vm7, $0x6381, v46;
	v47 =	vsel vm7, $0x4382, v47  }
0x6f: {  	v48 =	vsel vm7, $0x6382, v48;
	v49 =	vsel vm7, $0x6783, v49;
	v0 =	vsel vm6, $0x800, v0  }
0x70: {  	v1 =	vsel vm6, $0xC00, v1;
	v4 =	vsel vm6, $0x801, v4;
	v5 =	vsel vm6, $0xC01, v5  }
0x71: {  	v6 =	vsel vm6, $0x802, v6;
	v11 =	vsel vm6, $0xC02, v11;
	v12 =	vsel vm6, $0x1003, v12  }
0x72: {  	v13 =	vsel vm6, $0x1800, v13;
	v16 =	vsel vm6, $0x2400, v16;
	v17 =	vsel vm6, $0x1801, v17  }
0x73: {  	v18 =	vsel vm6, $0x2401, v18;
	v20 =	vsel vm6, $0x1802, v20;
	v21 =	vsel vm6, $0x2402, v21  }
0x74: {  	v22 =	vsel vm6, $0x2803, v22;
	v25 =	vsel vm6, $0x2800, v25;
	v26 =	vsel vm6, $0x3C00, v26  }
0x75: {  	v27 =	vsel vm6, $0x2801, v27;
	v30 =	vsel vm6, $0x3C01, v30;
	v31 =	vsel vm6, $0x2802, v31  }
0x76: {  	v32 =	vsel vm6, $0x3C02, v32;
	v35 =	vsel vm6, $0x4003, v35;
	v36 =	vsel vm6, $0x3800, v36  }
0x77: {  	v37 =	vsel vm6, $0x5400, v37;
	v38 =	vsel vm6, $0x3801, v38;
	v39 =	vsel vm6, $0x5401, v39  }
0x78: {  	v40 =	vsel vm6, $0x3802, v40;
	v41 =	vsel vm6, $0x5402, v41;
	v42 =	vsel vm6, $0x5803, v42  }
0x79: {  	v43 =	vsel vm6, $0x4800, v43;
	v44 =	vsel vm6, $0x6C00, v44;
	v45 =	vsel vm6, $0x4801, v45  }
0x7a: {  	v46 =	vsel vm6, $0x6C01, v46;
	v47 =	vsel vm6, $0x4802, v47;
	v48 =	vsel vm6, $0x6C02, v48  }
0x7b: {  	v49 =	vsel vm6, $0x7003, v49;
	v0 =	vsel vm5, $0x880, v0;
	v1 =	vsel vm5, $0xC80, v1  }
0x7c: {  	v4 =	vsel vm5, $0x881, v4;
	v5 =	vsel vm5, $0xC81, v5;
	v6 =	vsel vm5, $0x882, v6  }
0x7d: {  	v11 =	vsel vm5, $0xC82, v11;
	v12 =	vsel vm5, $0x1083, v12;
	v13 =	vsel vm5, $0x1880, v13  }
0x7e: {  	v16 =	vsel vm5, $0x2480, v16;
	v17 =	vsel vm5, $0x1881, v17;
	v18 =	vsel vm5, $0x2481, v18  }
0x7f: {  	v20 =	vsel vm5, $0x1882, v20;
	v21 =	vsel vm5, $0x2482, v21;
	v22 =	vsel vm5, $0x2883, v22  }
0x80: {  	v25 =	vsel vm5, $0x2880, v25;
	v26 =	vsel vm5, $0x3C80, v26;
	v27 =	vsel vm5, $0x2881, v27  }
0x81: {  	v30 =	vsel vm5, $0x3C81, v30;
	v31 =	vsel vm5, $0x2882, v31;
	v32 =	vsel vm5, $0x3C82, v32  }
0x82: {  	v35 =	vsel vm5, $0x4083, v35;
	v36 =	vsel vm5, $0x3880, v36;
	v37 =	vsel vm5, $0x5480, v37  }
0x83: {  	v38 =	vsel vm5, $0x3881, v38;
	v39 =	vsel vm5, $0x5481, v39;
	v40 =	vsel vm5, $0x3882, v40  }
0x84: {  	v41 =	vsel vm5, $0x5482, v41;
	v42 =	vsel vm5, $0x5883, v42;
	v43 =	vsel vm5, $0x4880, v43  }
0x85: {  	v44 =	vsel vm5, $0x6C80, v44;
	v45 =	vsel vm5, $0x4881, v45;
	v46 =	vsel vm5, $0x6C81, v46  }
0x86: {  	v47 =	vsel vm5, $0x4882, v47;
	v48 =	vsel vm5, $0x6C82, v48;
	v49 =	vsel vm5, $0x7083, v49  }
0x87: {  	v0 =	vsel vm4, $0x900, v0;
	v1 =	vsel vm4, $0xD00, v1;
	v4 =	vsel vm4, $0x901, v4  }
0x88: {  	v5 =	vsel vm4, $0xD01, v5;
	v6 =	vsel vm4, $0x902, v6;
	v11 =	vsel vm4, $0xD02, v11  }
0x89: {  	v12 =	vsel vm4, $0x1103, v12;
	v13 =	vsel vm4, $0x1900, v13;
	v16 =	vsel vm4, $0x2500, v16  }
0x8a: {  	v17 =	vsel vm4, $0x1901, v17;
	v18 =	vsel vm4, $0x2501, v18;
	v20 =	vsel vm4, $0x1902, v20  }
0x8b: {  	v21 =	vsel vm4, $0x2502, v21;
	v22 =	vsel vm4, $0x2903, v22;
	v25 =	vsel vm4, $0x2900, v25  }
0x8c: {  	v26 =	vsel vm4, $0x3D00, v26;
	v27 =	vsel vm4, $0x2901, v27;
	v30 =	vsel vm4, $0x3D01, v30  }
0x8d: {  	v31 =	vsel vm4, $0x2902, v31;
	v32 =	vsel vm4, $0x3D02, v32;
	v35 =	vsel vm4, $0x4103, v35  }
0x8e: {  	v36 =	vsel vm4, $0x3900, v36;
	v37 =	vsel vm4, $0x5500, v37;
	v38 =	vsel vm4, $0x3901, v38  }
0x8f: {  	v39 =	vsel vm4, $0x5501, v39;
	v40 =	vsel vm4, $0x3902, v40;
	v41 =	vsel vm4, $0x5502, v41  }
0x90: {  	v42 =	vsel vm4, $0x5903, v42;
	v43 =	vsel vm4, $0x4900, v43;
	v44 =	vsel vm4, $0x6D00, v44  }
0x91: {  	v45 =	vsel vm4, $0x4901, v45;
	v46 =	vsel vm4, $0x6D01, v46;
	v47 =	vsel vm4, $0x4902, v47  }
0x92: {  	v48 =	vsel vm4, $0x6D02, v48;
	v49 =	vsel vm4, $0x7103, v49;
	v0 =	vsel vm3, $0x980, v0  }
0x93: {  	v3 =	vsel vm3, $0xD80, v1;
	v1 =	vmul.u32 $0x80, v2;
	v2 =	vimm.s32 $0x100  }
0x94: {  	v4 =	vsel vm3, $0x981, v4;
	v5 =	vsel vm3, $0xD81, v5;
	v6 =	vsel vm3, $0x982, v6  }
0x95: {  	v11 =	vsel vm3, $0xD82, v11;
	v12 =	vsel vm3, $0x1183, v12;
	v13 =	vsel vm3, $0x1980, v13  }
0x96: {  	v16 =	vsel vm3, $0x2580, v16;
	v17 =	vsel vm3, $0x1981, v17;
	v18 =	vsel vm3, $0x2581, v18  }
0x97: {  	v20 =	vsel vm3, $0x1982, v20;
	v21 =	vsel vm3, $0x2582, v21;
	v22 =	vsel vm3, $0x2983, v22  }
0x98: {  	v25 =	vsel vm3, $0x2980, v25;
	v26 =	vsel vm3, $0x3D80, v26;
	v27 =	vsel vm3, $0x2981, v27  }
0x99: {  	v30 =	vsel vm3, $0x3D81, v30;
	v31 =	vsel vm3, $0x2982, v31;
	v32 =	vsel vm3, $0x3D82, v32  }
0x9a: {  	v35 =	vsel vm3, $0x4183, v35;
	v36 =	vsel vm3, $0x3980, v36;
	v37 =	vsel vm3, $0x5580, v37  }
0x9b: {  	v38 =	vsel vm3, $0x3981, v38;
	v39 =	vsel vm3, $0x5581, v39;
	v40 =	vsel vm3, $0x3982, v40  }
0x9c: {  	v41 =	vsel vm3, $0x5582, v41;
	v42 =	vsel vm3, $0x5983, v42;
	v43 =	vsel vm3, $0x4980, v43  }
0x9d: {  	v44 =	vsel vm3, $0x6D80, v44;
	v45 =	vsel vm3, $0x4981, v45;
	v46 =	vsel vm3, $0x6D81, v46  }
0x9e: {  	v47 =	vsel vm3, $0x4982, v47;
	v48 =	vsel vm3, $0x6D82, v48;
	v49 =	vsel vm3, $0x7183, v49  }
0x9f: {  	v0 =	vsel vm2, $0xA00, v0;
	v3 =	vsel vm2, $0xE00, v3;
	v4 =	vsel vm2, $0xA01, v4  }
0xa0: {  	v7 =	vsel vm2, $0xE01, v5;
	v8 =	vsel vm2, $0xA02, v6;
	v6 =	vimm.s32 $0x110  }
0xa1: {  	v11 =	vsel vm2, $0xE02, v11;
	v12 =	vsel vm2, $0x1203, v12;
	v15 =	vsel vm2, $0x1A00, v13  }
0xa2: {  	v16 =	vsel vm2, $0x2600, v16;
	v17 =	vsel vm2, $0x1A01, v17;
	v19 =	vsel vm2, $0x2601, v18  }
0xa3: {  	v20 =	vsel vm2, $0x1A02, v20;
	v21 =	vsel vm2, $0x2602, v21;
	v24 =	vsel vm2, $0x2A03, v22  }
0xa4: {  	v25 =	vsel vm2, $0x2A00, v25;
	v26 =	vsel vm2, $0x3E00, v26;
	v27 =	vsel vm2, $0x2A01, v27  }
0xa5: {  	v30 =	vsel vm2, $0x3E01, v30;
	v31 =	vsel vm2, $0x2A02, v31;
	v32 =	vsel vm2, $0x3E02, v32  }
0xa6: {  	v35 =	vsel vm2, $0x4203, v35;
	v36 =	vsel vm2, $0x3A00, v36;
	v37 =	vsel vm2, $0x5600, v37  }
0xa7: {  	v38 =	vsel vm2, $0x3A01, v38;
	v39 =	vsel vm2, $0x5601, v39;
	v40 =	vsel vm2, $0x3A02, v40  }
0xa8: {  	v41 =	vsel vm2, $0x5602, v41;
	v42 =	vsel vm2, $0x5A03, v42;
	v43 =	vsel vm2, $0x4A00, v43  }
0xa9: {  	v44 =	vsel vm2, $0x6E00, v44;
	v45 =	vsel vm2, $0x4A01, v45;
	v46 =	vsel vm2, $0x6E01, v46  }
0xaa: {  	v47 =	vsel vm2, $0x4A02, v47;
	v48 =	vsel vm2, $0x6E02, v48;
	v49 =	vsel vm2, $0x7203, v49  }
0xab: {  	v0 =	vsel vm1, $0xA80, v0;
	v3 =	vsel vm1, $0xE80, v3;
	v4 =	vsel vm1, $0xA81, v4  }
0xac: {  	v5 =	vor.u32 $0x1, v1;
	v7 =	vsel vm1, $0xE81, v7;
	v8 =	vsel vm1, $0xA82, v8  }
0xad: {  	v9 =	vor.u32 $0x2, v1;
	v11 =	vsel vm1, $0xE82, v11;
	v14 =	vsel vm1, $0x1283, v12  }
0xae: {  	v12 =	vadd.s32 $0xFFFFFFFD, v1;
	v16 =	vsel vm1, $0x2680, v16;
	v17 =	vsel vm1, $0x1A81, v17  }
0xaf: {  	v18 =	vor.u32 $0x801, v1;
	v19 =	vsel vm1, $0x2681, v19;
	v20 =	vsel vm1, $0x1A82, v20  }
0xb0: {  	v23 =	vsel vm1, $0x2682, v21;
	v21 =	vor.u32 $0x802, v1;
	v24 =	vsel vm1, $0x2A83, v24  }
0xb1: {  	v25 =	vsel vm1, $0x2A80, v25;
	v28 =	vsel vm1, $0x3E80, v26;
	v29 =	vsel vm1, $0x2A81, v27  }
0xb2: {  	v26 =	vor.u32 $0x1000, v1;
	v30 =	vsel vm1, $0x3E81, v30;
	v31 =	vsel vm1, $0x2A82, v31  }
0xb3: {  	v33 =	vsel vm1, $0x3E82, v32;
	v32 =	vor.u32 $0x1002, v1;
	v34 =	vadd.s32 $0xFFD, v1  }
0xb4: {  	v35 =	vsel vm1, $0x4283, v35;
	v36 =	vsel vm1, $0x3A80, v36;
	v37 =	vsel vm1, $0x5680, v37  }
0xb5: {  	v38 =	vsel vm1, $0x3A81, v38;
	v39 =	vsel vm1, $0x5681, v39;
	v40 =	vsel vm1, $0x3A82, v40  }
0xb6: {  	v41 =	vsel vm1, $0x5682, v41;
	v42 =	vsel vm1, $0x5A83, v42;
	v43 =	vsel vm1, $0x4A80, v43  }
0xb7: {  	v44 =	vsel vm1, $0x6E80, v44;
	v45 =	vsel vm1, $0x4A81, v45;
	v46 =	vsel vm1, $0x6E81, v46  }
0xb8: {  	v47 =	vsel vm1, $0x4A82, v47;
	v48 =	vsel vm1, $0x6E82, v48;
	v49 =	vsel vm1, $0x7283, v49  }
0xb9: {  	s9 =	rddreg [dreg:$0x0];
	v0 =	vsel vm0, $0xB00, v0;
	v3 =	vsel vm0, $0xF00, v3;
	v4 =	vsel vm0, $0xB01, v4  }
0xba: {  	s0 =	rddreg [dreg:$0x1];
	v7 =	vsel vm0, $0xF01, v7;
	v8 =	vsel vm0, $0xB02, v8;
	v11 =	vsel vm0, $0xF02, v11  }
0xbb: {  	s1 =	rddreg [dreg:$0x2];
	v13 =	vsel vm0, $0x1303, v14;
	v14 =	vsel vm1, $0x1A80, v15;
	v15 =	vor.u32 $0x800, v1  }
0xbc: {  	s3 =	rddreg [dreg:$0x3];
	v16 =	vsel vm0, $0x2700, v16;
	v17 =	vsel vm0, $0x1B01, v17;
	v19 =	vsel vm0, $0x2701, v19  }
0xbd: {  	s2 =	rddreg [dreg:$0x4];
	s4 =	simm.s32 $0x0;
	s5 =	srdreg.scid;
	v20 =	vsel vm0, $0x1B02, v20;
	v22 =	vsel vm0, $0x2702, v23;
	v23 =	vadd.s32 $0x7FD, v1  }
0xbe: {  	s13 =	simm.s32 $0x14080;
	s14 =	simm.s32 $0x2;
	s15 =	simm.s32 $0x2800;
	v24 =	vsel vm0, $0x2B03, v24;
	v25 =	vsel vm0, $0x2B00, v25;
	v27 =	vsel vm0, $0x3F00, v28  }
0xbf: {  	s16 =	simm.s32 $0x5000;
	s17 =	simm.s32 $0xA000;
	s18 =	simm.s32 $0x50;
	v28 =	vsel vm0, $0x2B01, v29;
	v29 =	vor.u32 $0x1001, v1;
	v30 =	vsel vm0, $0x3F01, v30  }
0xc0: {  	s19 =	simm.s32 $0xA080;
	s20 =	simm.s32 $0x1;
	s21 =	simm.s32 $0xC880;
	v31 =	vsel vm0, $0x2B02, v31;
	v33 =	vsel vm0, $0x3F02, v33;
	v35 =	vsel vm0, $0x4303, v35  }
.Ltmp0:
0xc1: {  	s22 =	simm.s32 $0x0;
	s5 =	sand.u32 $0x1, s5;
	v36 =	vsel vm0, $0x3B00, v36;
	v37 =	vsel vm0, $0x5700, v37;
	v38 =	vsel vm0, $0x3B01, v38;
	(pc) =	sbr.rel .LBB2_1-.Ltmp0, $4  }
0xc2: {  	[smem:$0x7FF] =	sst s4;
	s6 =	sadd.s32 $0x1000, s9;
	s11 =	ssub.s32 $0x2, s5;
	v39 =	vsel vm0, $0x5701, v39;
	v40 =	vsel vm0, $0x3B02, v40;
	v41 =	vsel vm0, $0x5702, v41  }
0xc3: {  	s7 =	sadd.s32 $0xC4E00, s9;
	s8 =	sadd.s32 $0xC4600, s9;
	s12 =	sshrl.u32 s11, $0x1;
	v42 =	vsel vm0, $0x5B03, v42;
	v43 =	vsel vm0, $0x4B00, v43;
	v44 =	vsel vm0, $0x6F00, v44  }
0xc4: {  	s10 =	sadd.s32 $0xC5000, s9;
	s9 =	stileid.u32;
	s12 =	ssub.s32 s11, s12;
	v45 =	vsel vm0, $0x4B01, v45;
	v46 =	vsel vm0, $0x6F01, v46;
	v47 =	vsel vm0, $0x4B02, v47  }
0xc5: {  	_ =	strace $0x80000047;
	s11 =	sshll.u32 s9, $0x1;
	s12 =	smax.u32 s12, $0x1;
	v48 =	vsel vm0, $0x6F02, v48;
	v49 =	vsel vm0, $0x7303, v49;
	v14 =	vsel vm0, $0x1B00, v14  }
.LBB2_25:
0xc6: {  	s22 =	sadd.s32 $0x1, s22  }
0xc7: {  	p0 =	sne.s32 s22, s12  }
.Ltmp1:
0xc8: {  	_ = 	snop;
	(pc) =	sbr.rel @!p0 .LBB2_26-.Ltmp1, $1  }
0xc9: {  	_ =	sdelay $0x3  }
.LBB2_1:
.Ltmp2:
0xca: {  	(pc) =	sbr.rel .LBB2_2-.Ltmp2, $4  }
0xcb: {  	[tilespmem:s13], [sflag:$0x2] =	stream.linear.gather [hbm4b:s7+s4], $0x400, $0x38;
	[tilespmem:$0x14480] =	vst v63  }
0xcc: {  	_ =	swait.ge [sflag:s14], $0x400  }
0xcd: {  	[sflag:s14] =	ssyncset.done $0x0  }
0xce: {  	s23 =	simm.s32 $0x0;
	[sflag:s14] =	ssyncadd.s32 $0xFFFFFC00  }
.LBB2_24:
0xcf: {  	s23 =	sadd.s32 $0x1, s23  }
0xd0: {  	p0 =	sne.s32 s23, $0x14  }
.Ltmp3:
0xd1: {  	_ = 	snop;
	(pc) =	sbr.rel @!p0 .LBB2_25-.Ltmp3, $1  }
0xd2: {  	_ =	sdelay $0x3  }
.LBB2_2:
0xd3: {  	s24 =	sshll.u32 s23, $0x5  }
0xd4: {  	s24 =	sor.u32 s24, s11  }
0xd5: {  	s24 =	sor.u32 s5, s24  }
0xd6: {  	p0 =	sgt.u32 s24, $0x270  }
.Ltmp4:
0xd7: {  	_ = 	snop;
	(pc) =	sbr.rel @p0 .LBB2_24-.Ltmp4, $1  }
0xd8: {  	_ =	sdelay $0x3  }
0xd9: {  	s25 =	smul.u32 $0x500, s24;
	_ =	sdelay $0x1  }
0xda: {  	s31 =	simm.s32 $0x3;
	s26 =	sadd.s32 s6, s25  }
0xdb: {  	[tilespmem:s4], [sflag:$0x3] =	stream.linear.gather [hbm4b:s26+s4], $0x2800, $0x38;
	[tilespmem:$0x14480] =	vst v63  }
0xdc: {  	_ =	swait.ge [sflag:s31], $0x2800  }
0xdd: {  	[sflag:s31] =	ssyncset.done $0x0  }
0xde: {  	s25 =	sadd.s32 s0, s25;
	[sflag:s31] =	ssyncadd.s32 $0xFFFFD800  }
0xdf: {  	[tilespmem:s15], [sflag:$0x3] =	stream.linear.gather [hbm4b:s25+s4], $0x2800, $0x38;
	[tilespmem:$0x14480] =	vst v63  }
0xe0: {  	s28 =	smul.u32 $0xA00, s24;
	_ =	swait.ge [sflag:s31], $0x2800  }
0xe1: {  	[sflag:s31] =	ssyncset.done $0x0  }
0xe2: {  	s25 =	sadd.s32 s1, s28;
	[sflag:s31] =	ssyncadd.s32 $0xFFFFD800  }
0xe3: {  	[tilespmem:s16], [sflag:$0x3] =	stream.linear.gather [hbm4b:s25+s4], $0x5000, $0x38;
	[tilespmem:$0x14480] =	vst v63  }
0xe4: {  	s29 =	smul.u32 $0xA, s24;
	_ =	swait.ge [sflag:s31], $0x5000  }
0xe5: {  	[sflag:s31] =	ssyncset.done $0x0  }
0xe6: {  	s25 =	sadd.s32 s3, s29;
	[sflag:s31] =	ssyncadd.s32 $0xFFFFB000  }
0xe7: {  	[tilespmem:s17], [sflag:$0x3] =	stream.linear.gather [hbm4b:s25+s4], $0x50, $0x38;
	[tilespmem:$0x14480] =	vst v63  }
0xe8: {  	_ =	swait.ge [sflag:s31], $0x50  }
0xe9: {  	[sflag:s31] =	ssyncset.done $0x0  }
0xea: {  	[sflag:s31] =	ssyncadd.s32 $0xFFFFFFB0  }
0xeb: {  	[tilespmem:s19], [sflag:$0x1] =	stream.indirect.gather [hbm4b:s8+s18], $0x80, s17, s18, $0xb8;
	[tilespmem:$0x14480] =	vst v63  }
0xec: {  	_ =	swait.ge [sflag:s20], $0x2800  }
0xed: {  	[sflag:s20] =	ssyncset.done $0x0  }
0xee: {  	[sflag:s20] =	ssyncadd.s32 $0xFFFFD800  }
0xef: {  	v50 =	vld [tilespmem:$0xA000];
	_ =	sdelay $0x4  }
0xf0: {  	v51 =	vadd.s32 $0x80, v50  }
0xf1: {  	v52 =	vld.idx.msk [tilespmem:v0+s16+$0x0], $0xffff  }
0xf2: {  	v53 =	vld.idx.msk [tilespmem:v2+s13+$0x0], $0xffff  }
0xf3: {  	v54 =	vld.idx.msk [tilespmem:v1+s4+$0x0], $0xffff  }
0xf4: {  	v50 =	vld.idx.msk [tilespmem:v50+s13+$0x0], $0xffff  }
0xf5: {  	v51 =	vld.idx.msk [tilespmem:v51+s13+$0x0], $0xffff;
	_ =	sdelay $0x2  }
0xf6: {  	v52 =	vsub.f32 v52, v53;
	_ =	sdelay $0x1  }
0xf7: {  	v61 =	vmul.f32 v54, v50;
	v52 =	vmul.f32 v52, v51;
	_ =	sdelay $0x1  }
0xf8: {  	v52 =	vadd.f32 v52, v61;
	_ =	sdelay $0x1  }
0xf9: {  	[tilespmem:v3+s21+$0x0] =	vst.idx.msk $0xffff, v52  }
0xfa: {  	v52 =	vld.idx.msk [tilespmem:v4+s16+$0x0], $0xffff  }
0xfb: {  	v62 =	vld.idx.msk [tilespmem:v6+s13+$0x0], $0xffff;
	_ =	sdelay $0x1  }
0xfc: {  	v63 =	vld.idx.msk [tilespmem:v5+s4+$0x0], $0xffff;
	_ =	sdelay $0x2  }
0xfd: {  	v52 =	vsub.f32 v52, v62;
	_ =	sdelay $0x1  }
0xfe: {  	v57 =	vmul.f32 v63, v50;
	v52 =	vmul.f32 v52, v51;
	_ =	sdelay $0x1  }
0xff: {  	v52 =	vadd.f32 v52, v57;
	_ =	sdelay $0x1  }
0x100: {  	[tilespmem:v7+s21+$0x0] =	vst.idx.msk $0xffff, v52  }
0x101: {  	v52 =	vld.idx.msk [tilespmem:v8+s16+$0x0], $0xffff  }
0x102: {  	v58 =	vld.idx.msk [tilespmem:v10+s13+$0x0], $0xffff;
	_ =	sdelay $0x1  }
0x103: {  	v59 =	vld.idx.msk [tilespmem:v9+s4+$0x0], $0xffff  }
0x104: {  	v55 =	vmov s31  }
0x105: {  	v60 =	vshll.u32 v55, $0x3  }
0x106: {  	v55 =	vand.u32 $0x7F, v55;
	v53 =	vand.u32 $0x400, v60;
	v52 =	vsub.f32 v52, v58  }
0x107: {  	v53 =	vor.u32 v55, v53  }
0x108: {  	v61 =	vadd.s32 s31, v12;
	v54 =	vmul.f32 v59, v50;
	v52 =	vmul.f32 v52, v51  }
0x109: {  	v56 =	vor.u32 v0, v53  }
0x10a: {  	v52 =	vadd.f32 v52, v54;
	_ =	sdelay $0x1  }
0x10b: {  	[tilespmem:v11+s21+$0x0] =	vst.idx.msk $0xffff, v52  }
0x10c: {  	v52 =	vld.idx.msk [tilespmem:v61+s15+$0x0], $0xffff  }
0x10d: {  	s30 =	simm.s32 $0x4;
	v62 =	vld.idx.msk [tilespmem:v56+s16+$0x0], $0xffff  }
0x10e: {  	v63 =	vmov s30  }
0x10f: {  	v60 =	vshll.u32 v63, $0x3  }
0x110: {  	v55 =	vand.u32 $0x7F, v63;
	v56 =	vand.u32 $0xC00, v60  }
0x111: {  	v53 =	vadd.s32 v3, v53;
	v55 =	vor.u32 v55, v56  }
0x112: {  	v56 =	vadd.s32 v0, v55;
	v52 =	vmul.f32 v52, v50;
	v54 =	vmul.f32 v62, v51  }
0x113: {  	v57 =	vadd.s32 s30, v12  }
0x114: {  	v52 =	vadd.f32 v52, v54;
	_ =	sdelay $0x1  }
0x115: {  	[tilespmem:v53+s21+$0x0] =	vst.idx.msk $0xffff, v52  }
0x116: {  	v52 =	vld.idx.msk [tilespmem:v56+s16+$0x0], $0xffff  }
0x117: {  	s31 =	simm.s32 $0x5;
	v53 =	vld.idx.msk [tilespmem:v57+s15+$0x0], $0xffff  }
0x118: {  	v61 =	vmov s31  }
0x119: {  	v62 =	vshll.u32 v61, $0x3  }
0x11a: {  	v54 =	vand.u32 $0x7F, v61;
	v56 =	vand.u32 $0xC00, v62  }
0x11b: {  	v55 =	vadd.s32 v3, v55;
	v54 =	vor.u32 v54, v56  }
0x11c: {  	v56 =	vadd.s32 v0, v54;
	v52 =	vmul.f32 v52, v51;
	v53 =	vmul.f32 v53, v50  }
0x11d: {  	v63 =	vadd.s32 s31, v12  }
0x11e: {  	v52 =	vadd.f32 v53, v52;
	_ =	sdelay $0x1  }
0x11f: {  	[tilespmem:v55+s21+$0x0] =	vst.idx.msk $0xffff, v52  }
0x120: {  	v52 =	vld.idx.msk [tilespmem:v56+s16+$0x0], $0xffff  }
0x121: {  	s26 =	simm.s32 $0x6;
	v60 =	vld.idx.msk [tilespmem:v63+s15+$0x0], $0xffff  }
0x122: {  	v61 =	vmov s26  }
0x123: {  	v62 =	vshll.u32 v61, $0x3  }
0x124: {  	v55 =	vand.u32 $0x7F, v61;
	v56 =	vand.u32 $0xC00, v62  }
0x125: {  	v54 =	vadd.s32 v3, v54;
	v55 =	vor.u32 v55, v56  }
0x126: {  	v56 =	vadd.s32 v0, v55;
	v52 =	vmul.f32 v52, v51;
	v53 =	vmul.f32 v60, v50  }
0x127: {  	v63 =	vadd.s32 s26, v12  }
0x128: {  	v52 =	vadd.f32 v53, v52;
	_ =	sdelay $0x1  }
0x129: {  	[tilespmem:v54+s21+$0x0] =	vst.idx.msk $0xffff, v52  }
0x12a: {  	v52 =	vld.idx.msk [tilespmem:v56+s16+$0x0], $0xffff  }
0x12b: {  	s28 =	simm.s32 $0x7;
	v60 =	vld.idx.msk [tilespmem:v63+s15+$0x0], $0xffff  }
0x12c: {  	v61 =	vmov s28  }
0x12d: {  	v62 =	vshll.u32 v61, $0x3  }
0x12e: {  	v54 =	vand.u32 $0x7F, v61;
	v56 =	vand.u32 $0xC00, v62  }
0x12f: {  	v55 =	vadd.s32 v3, v55;
	v54 =	vor.u32 v54, v56  }
0x130: {  	v56 =	vadd.s32 v0, v54;
	v52 =	vmul.f32 v52, v51;
	v53 =	vmul.f32 v60, v50  }
0x131: {  	v63 =	vadd.s32 s28, v12  }
0x132: {  	v52 =	vadd.f32 v53, v52;
	_ =	sdelay $0x1  }
0x133: {  	[tilespmem:v55+s21+$0x0] =	vst.idx.msk $0xffff, v52  }
0x134: {  	v52 =	vld.idx.msk [tilespmem:v56+s16+$0x0], $0xffff  }
0x135: {  	s29 =	simm.s32 $0x8;
	v60 =	vld.idx.msk [tilespmem:v63+s15+$0x0], $0xffff  }
0x136: {  	v61 =	vmov s29  }
0x137: {  	v62 =	vshll.u32 v61, $0x3  }
0x138: {  	v55 =	vand.u32 $0x7F, v61;
	v56 =	vand.u32 $0xC00, v62  }
0x139: {  	v54 =	vadd.s32 v3, v54;
	v55 =	vor.u32 v55, v56  }
0x13a: {  	v56 =	vadd.s32 v0, v55;
	v52 =	vmul.f32 v52, v51;
	v53 =	vmul.f32 v60, v50  }
0x13b: {  	v63 =	vadd.s32 s29, v12  }
0x13c: {  	v52 =	vadd.f32 v53, v52;
	_ =	sdelay $0x1  }
0x13d: {  	[tilespmem:v54+s21+$0x0] =	vst.idx.msk $0xffff, v52  }
0x13e: {  	v52 =	vld.idx.msk [tilespmem:v56+s16+$0x0], $0xffff  }
0x13f: {  	s30 =	simm.s32 $0x9;
	v60 =	vld.idx.msk [tilespmem:v63+s15+$0x0], $0xffff  }
0x140: {  	v61 =	vmov s30  }
0x141: {  	v62 =	vshll.u32 v61, $0x3  }
0x142: {  	v54 =	vand.u32 $0x7F, v61;
	v56 =	vand.u32 $0xC00, v62  }
0x143: {  	v55 =	vadd.s32 v3, v55;
	v54 =	vor.u32 v54, v56  }
0x144: {  	v56 =	vadd.s32 v0, v54;
	v52 =	vmul.f32 v52, v51;
	v53 =	vmul.f32 v60, v50  }
0x145: {  	v63 =	vadd.s32 s30, v12  }
0x146: {  	v52 =	vadd.f32 v53, v52;
	_ =	sdelay $0x1  }
0x147: {  	[tilespmem:v55+s21+$0x0] =	vst.idx.msk $0xffff, v52  }
0x148: {  	v52 =	vld.idx.msk [tilespmem:v56+s16+$0x0], $0xffff  }
0x149: {  	s31 =	simm.s32 $0xA;
	v60 =	vld.idx.msk [tilespmem:v63+s15+$0x0], $0xffff  }
0x14a: {  	v61 =	vmov s31  }
0x14b: {  	v62 =	vshll.u32 v61, $0x3  }
0x14c: {  	v55 =	vand.u32 $0x7F, v61;
	v56 =	vand.u32 $0xC00, v62  }
0x14d: {  	v54 =	vadd.s32 v3, v54;
	v55 =	vor.u32 v55, v56  }
0x14e: {  	v56 =	vadd.s32 v0, v55;
	v52 =	vmul.f32 v52, v51;
	v53 =	vmul.f32 v60, v50  }
0x14f: {  	v63 =	vadd.s32 s31, v12  }
0x150: {  	v52 =	vadd.f32 v53, v52;
	_ =	sdelay $0x1  }
0x151: {  	[tilespmem:v54+s21+$0x0] =	vst.idx.msk $0xffff, v52  }
0x152: {  	v54 =	vld.idx.msk [tilespmem:v56+s16+$0x0], $0xffff  }
0x153: {  	s25 =	simm.s32 $0xB;
	s26 =	simm.s32 $0x13;
	v52 =	vadd.s32 v3, v55;
	v53 =	vld.idx.msk [tilespmem:v63+s15+$0x0], $0xffff  }
.LBB2_4:
0x154: {  	_ = 	snop  }
0x155: {  	p0 =	slt.u32 s26, $0x7B;
	v55 =	vmov s25;
	s28 =	smov.u32 s26;
	s26 =	sadd.s32 $0x8, s26  }
0x156: {  	v56 =	vshll.u32 v55, $0x3  }
0x157: {  	v55 =	vand.u32 $0x7F, v55;
	v56 =	vand.u32 $0x400, v56;
	v54 =	vmul.f32 v54, v51  }
0x158: {  	v55 =	vor.u32 v55, v56;
	v56 =	vadd.s32 s25, v12;
	v53 =	vmul.f32 v53, v50  }
0x159: {  	v57 =	vor.u32 v0, v55  }
0x15a: {  	v53 =	vadd.f32 v53, v54;
	_ =	sdelay $0x1  }
0x15b: {  	[tilespmem:v52+s21+$0x0] =	vst.idx.msk $0xffff, v53  }
0x15c: {  	v52 =	vld.idx.msk [tilespmem:v56+s15+$0x0], $0xffff  }
0x15d: {  	v53 =	vld.idx.msk [tilespmem:v57+s16+$0x0], $0xffff  }
0x15e: {  	s29 =	sadd.s32 $0x1, s25  }
0x15f: {  	v54 =	vmov s29  }
0x160: {  	v56 =	vshll.u32 v54, $0x3  }
0x161: {  	v54 =	vand.u32 $0x7F, v54;
	v56 =	vand.u32 $0xC00, v56  }
0x162: {  	v55 =	vadd.s32 v3, v55;
	v54 =	vor.u32 v54, v56;
	v56 =	vadd.s32 s29, v12  }
0x163: {  	v57 =	vadd.s32 v0, v54;
	v52 =	vmul.f32 v52, v50;
	v53 =	vmul.f32 v53, v51;
	_ =	sdelay $0x1  }
0x164: {  	v52 =	vadd.f32 v52, v53;
	_ =	sdelay $0x1  }
0x165: {  	[tilespmem:v55+s21+$0x0] =	vst.idx.msk $0xffff, v52  }
0x166: {  	v52 =	vld.idx.msk [tilespmem:v57+s16+$0x0], $0xffff  }
0x167: {  	v53 =	vld.idx.msk [tilespmem:v56+s15+$0x0], $0xffff  }
0x168: {  	s29 =	sadd.s32 $0x2, s25  }
0x169: {  	v55 =	vmov s29  }
0x16a: {  	v56 =	vshll.u32 v55, $0x3  }
0x16b: {  	v54 =	vadd.s32 v3, v54;
	v55 =	vand.u32 $0x7F, v55;
	v56 =	vand.u32 $0xC00, v56  }
0x16c: {  	v55 =	vor.u32 v55, v56;
	v52 =	vmul.f32 v52, v51  }
0x16d: {  	v57 =	vadd.s32 s29, v12;
	v56 =	vadd.s32 v0, v55;
	v53 =	vmul.f32 v53, v50;
	_ =	sdelay $0x1  }
0x16e: {  	v52 =	vadd.f32 v53, v52;
	_ =	sdelay $0x1  }
0x16f: {  	[tilespmem:v54+s21+$0x0] =	vst.idx.msk $0xffff, v52  }
0x170: {  	v52 =	vld.idx.msk [tilespmem:v56+s16+$0x0], $0xffff  }
0x171: {  	v53 =	vld.idx.msk [tilespmem:v57+s15+$0x0], $0xffff  }
0x172: {  	s29 =	sadd.s32 $0x3, s25  }
0x173: {  	v54 =	vmov s29  }
0x174: {  	v55 =	vadd.s32 v3, v55;
	v56 =	vshll.u32 v54, $0x3  }
0x175: {  	v54 =	vand.u32 $0x7F, v54;
	v56 =	vand.u32 $0xC00, v56  }
0x176: {  	v54 =	vor.u32 v54, v56;
	v52 =	vmul.f32 v52, v51  }
0x177: {  	v57 =	vadd.s32 s29, v12;
	v56 =	vadd.s32 v0, v54;
	v53 =	vmul.f32 v53, v50;
	_ =	sdelay $0x1  }
0x178: {  	v52 =	vadd.f32 v53, v52;
	_ =	sdelay $0x1  }
0x179: {  	[tilespmem:v55+s21+$0x0] =	vst.idx.msk $0xffff, v52  }
0x17a: {  	v52 =	vld.idx.msk [tilespmem:v56+s16+$0x0], $0xffff  }
0x17b: {  	v53 =	vld.idx.msk [tilespmem:v57+s15+$0x0], $0xffff  }
0x17c: {  	s29 =	sadd.s32 $0x4, s25  }
0x17d: {  	v54 =	vadd.s32 v3, v54;
	v55 =	vmov s29  }
0x17e: {  	v56 =	vshll.u32 v55, $0x3  }
0x17f: {  	v55 =	vand.u32 $0x7F, v55;
	v56 =	vand.u32 $0xC00, v56  }
0x180: {  	v55 =	vor.u32 v55, v56;
	v52 =	vmul.f32 v52, v51  }
0x181: {  	v57 =	vadd.s32 s29, v12;
	v56 =	vadd.s32 v0, v55;
	v53 =	vmul.f32 v53, v50;
	_ =	sdelay $0x1  }
0x182: {  	v52 =	vadd.f32 v53, v52;
	_ =	sdelay $0x1  }
0x183: {  	[tilespmem:v54+s21+$0x0] =	vst.idx.msk $0xffff, v52  }
0x184: {  	v52 =	vld.idx.msk [tilespmem:v56+s16+$0x0], $0xffff  }
0x185: {  	v53 =	vld.idx.msk [tilespmem:v57+s15+$0x0], $0xffff  }
0x186: {  	s29 =	sadd.s32 $0x5, s25;
	v54 =	vadd.s32 v3, v55  }
0x187: {  	v55 =	vmov s29  }
0x188: {  	v56 =	vshll.u32 v55, $0x3  }
0x189: {  	v55 =	vand.u32 $0x7F, v55;
	v56 =	vand.u32 $0xC00, v56  }
0x18a: {  	v55 =	vor.u32 v55, v56;
	v52 =	vmul.f32 v52, v51  }
0x18b: {  	v57 =	vadd.s32 s29, v12;
	v56 =	vadd.s32 v0, v55;
	v53 =	vmul.f32 v53, v50;
	_ =	sdelay $0x1  }
0x18c: {  	v52 =	vadd.f32 v53, v52;
	_ =	sdelay $0x1  }
0x18d: {  	[tilespmem:v54+s21+$0x0] =	vst.idx.msk $0xffff, v52  }
0x18e: {  	v52 =	vld.idx.msk [tilespmem:v56+s16+$0x0], $0xffff  }
0x18f: {  	v54 =	vadd.s32 v3, v55;
	v53 =	vld.idx.msk [tilespmem:v57+s15+$0x0], $0xffff  }
0x190: {  	s29 =	sadd.s32 $0x6, s25  }
0x191: {  	v55 =	vmov s29  }
0x192: {  	v56 =	vshll.u32 v55, $0x3  }
0x193: {  	v55 =	vand.u32 $0x7F, v55;
	v56 =	vand.u32 $0xC00, v56  }
0x194: {  	v55 =	vor.u32 v55, v56;
	v52 =	vmul.f32 v52, v51  }
0x195: {  	v57 =	vadd.s32 s29, v12;
	v56 =	vadd.s32 v0, v55;
	v53 =	vmul.f32 v53, v50;
	_ =	sdelay $0x1  }
0x196: {  	v52 =	vadd.f32 v53, v52;
	_ =	sdelay $0x1  }
0x197: {  	[tilespmem:v54+s21+$0x0] =	vst.idx.msk $0xffff, v52  }
0x198: {  	v53 =	vadd.s32 v3, v55;
	v52 =	vld.idx.msk [tilespmem:v56+s16+$0x0], $0xffff  }
0x199: {  	v54 =	vld.idx.msk [tilespmem:v57+s15+$0x0], $0xffff  }
0x19a: {  	s29 =	sadd.s32 $0x7, s25;
	s25 =	smov.u32 s28  }
0x19b: {  	v55 =	vmov s29  }
0x19c: {  	v56 =	vshll.u32 v55, $0x3  }
0x19d: {  	v55 =	vand.u32 $0x7F, v55;
	v56 =	vand.u32 $0xC00, v56  }
0x19e: {  	v55 =	vor.u32 v55, v56;
	v52 =	vmul.f32 v52, v51  }
0x19f: {  	v57 =	vadd.s32 s29, v12;
	v56 =	vadd.s32 v0, v55;
	v54 =	vmul.f32 v54, v50;
	_ =	sdelay $0x1  }
.Ltmp5:
0x1a0: {  	v52 =	vadd.f32 v54, v52;
	(pc) =	sbr.rel @p0 .LBB2_4-.Ltmp5, $4  }
0x1a1: {  	_ = 	snop  }
0x1a2: {  	[tilespmem:v53+s21+$0x0] =	vst.idx.msk $0xffff, v52;
	v52 =	vadd.s32 v3, v55  }
0x1a3: {  	v54 =	vld.idx.msk [tilespmem:v56+s16+$0x0], $0xffff  }
0x1a4: {  	v53 =	vld.idx.msk [tilespmem:v57+s15+$0x0], $0xffff  }
0x1a5: {  	_ = 	snop  }
0x1a6: {  	v55 =	vmov s25  }
0x1a7: {  	v56 =	vshll.u32 v55, $0x3  }
0x1a8: {  	v62 =	vadd.s32 s25, v12;
	v55 =	vand.u32 $0x7F, v55;
	v56 =	vand.u32 $0x400, v56  }
0x1a9: {  	v54 =	vmul.f32 v54, v51;
	v55 =	vor.u32 v55, v56;
	v53 =	vmul.f32 v53, v50  }
0x1aa: {  	v57 =	vor.u32 v0, v55  }
0x1ab: {  	v53 =	vadd.f32 v53, v54;
	_ =	sdelay $0x1  }
0x1ac: {  	[tilespmem:v52+s21+$0x0] =	vst.idx.msk $0xffff, v53  }
0x1ad: {  	v52 =	vld.idx.msk [tilespmem:v62+s15+$0x0], $0xffff  }
0x1ae: {  	s26 =	sadd.s32 $0x1, s25;
	v53 =	vld.idx.msk [tilespmem:v57+s16+$0x0], $0xffff  }
0x1af: {  	v63 =	vmov s26  }
0x1b0: {  	v60 =	vshll.u32 v63, $0x3  }
0x1b1: {  	v56 =	vand.u32 $0xC00, v60;
	v54 =	vand.u32 $0x7F, v63  }
0x1b2: {  	v55 =	vadd.s32 v3, v55;
	v54 =	vor.u32 v54, v56  }
0x1b3: {  	v56 =	vadd.s32 v0, v54;
	v52 =	vmul.f32 v52, v50;
	v53 =	vmul.f32 v53, v51  }
0x1b4: {  	v61 =	vadd.s32 s26, v12  }
0x1b5: {  	v52 =	vadd.f32 v52, v53;
	_ =	sdelay $0x1  }
0x1b6: {  	[tilespmem:v55+s21+$0x0] =	vst.idx.msk $0xffff, v52  }
0x1b7: {  	v52 =	vld.idx.msk [tilespmem:v56+s16+$0x0], $0xffff  }
0x1b8: {  	s31 =	sadd.s32 $0x2, s25;
	v62 =	vld.idx.msk [tilespmem:v61+s15+$0x0], $0xffff  }
0x1b9: {  	v63 =	vmov s31  }
0x1ba: {  	v60 =	vshll.u32 v63, $0x3  }
0x1bb: {  	v55 =	vand.u32 $0x7F, v63;
	v56 =	vand.u32 $0xC00, v60  }
0x1bc: {  	v54 =	vadd.s32 v3, v54;
	v55 =	vor.u32 v55, v56  }
0x1bd: {  	v56 =	vadd.s32 v0, v55;
	v52 =	vmul.f32 v52, v51;
	v53 =	vmul.f32 v62, v50  }
0x1be: {  	v61 =	vadd.s32 s31, v12  }
0x1bf: {  	v52 =	vadd.f32 v53, v52;
	_ =	sdelay $0x1  }
0x1c0: {  	[tilespmem:v54+s21+$0x0] =	vst.idx.msk $0xffff, v52  }
0x1c1: {  	v52 =	vld.idx.msk [tilespmem:v56+s16+$0x0], $0xffff  }
0x1c2: {  	s28 =	sadd.s32 $0x3, s25;
	v62 =	vld.idx.msk [tilespmem:v61+s15+$0x0], $0xffff  }
0x1c3: {  	v63 =	vmov s28  }
0x1c4: {  	v60 =	vshll.u32 v63, $0x3  }
0x1c5: {  	v54 =	vand.u32 $0x7F, v63;
	v56 =	vand.u32 $0xC00, v60  }
0x1c6: {  	v55 =	vadd.s32 v3, v55;
	v54 =	vor.u32 v54, v56  }
0x1c7: {  	v56 =	vadd.s32 v0, v54;
	v52 =	vmul.f32 v52, v51;
	v53 =	vmul.f32 v62, v50  }
0x1c8: {  	v61 =	vadd.s32 s28, v12  }
0x1c9: {  	v52 =	vadd.f32 v53, v52;
	_ =	sdelay $0x1  }
0x1ca: {  	[tilespmem:v55+s21+$0x0] =	vst.idx.msk $0xffff, v52  }
0x1cb: {  	v52 =	vld.idx.msk [tilespmem:v56+s16+$0x0], $0xffff  }
0x1cc: {  	s29 =	sadd.s32 $0x4, s25;
	v62 =	vld.idx.msk [tilespmem:v61+s15+$0x0], $0xffff  }
0x1cd: {  	v63 =	vmov s29  }
0x1ce: {  	v60 =	vshll.u32 v63, $0x3  }
0x1cf: {  	v55 =	vand.u32 $0x7F, v63;
	v56 =	vand.u32 $0xC00, v60  }
0x1d0: {  	v54 =	vadd.s32 v3, v54;
	v55 =	vor.u32 v55, v56  }
0x1d1: {  	v56 =	vadd.s32 v0, v55;
	v52 =	vmul.f32 v52, v51;
	v53 =	vmul.f32 v62, v50  }
0x1d2: {  	v61 =	vadd.s32 s29, v12  }
0x1d3: {  	v52 =	vadd.f32 v53, v52;
	_ =	sdelay $0x1  }
0x1d4: {  	[tilespmem:v54+s21+$0x0] =	vst.idx.msk $0xffff, v52  }
0x1d5: {  	v52 =	vld.idx.msk [tilespmem:v56+s16+$0x0], $0xffff  }
0x1d6: {  	s30 =	sadd.s32 $0x5, s25;
	v62 =	vld.idx.msk [tilespmem:v61+s15+$0x0], $0xffff  }
0x1d7: {  	v63 =	vmov s30  }
0x1d8: {  	v60 =	vshll.u32 v63, $0x3  }
0x1d9: {  	v54 =	vand.u32 $0x7F, v63;
	v56 =	vand.u32 $0xC00, v60  }
0x1da: {  	v55 =	vadd.s32 v3, v55;
	v54 =	vor.u32 v54, v56  }
0x1db: {  	v56 =	vadd.s32 v0, v54;
	v52 =	vmul.f32 v52, v51;
	v53 =	vmul.f32 v62, v50  }
0x1dc: {  	v61 =	vadd.s32 s30, v12  }
0x1dd: {  	v52 =	vadd.f32 v53, v52;
	_ =	sdelay $0x1  }
0x1de: {  	[tilespmem:v55+s21+$0x0] =	vst.idx.msk $0xffff, v52  }
0x1df: {  	v52 =	vld.idx.msk [tilespmem:v56+s16+$0x0], $0xffff  }
0x1e0: {  	s31 =	sadd.s32 $0x6, s25;
	v62 =	vld.idx.msk [tilespmem:v61+s15+$0x0], $0xffff  }
0x1e1: {  	v63 =	vmov s31  }
0x1e2: {  	v60 =	vshll.u32 v63, $0x3  }
0x1e3: {  	v55 =	vand.u32 $0x7F, v63;
	v56 =	vand.u32 $0xC00, v60  }
0x1e4: {  	v54 =	vadd.s32 v3, v54;
	v55 =	vor.u32 v55, v56  }
0x1e5: {  	v56 =	vadd.s32 v0, v55;
	v52 =	vmul.f32 v52, v51;
	v53 =	vmul.f32 v62, v50  }
0x1e6: {  	v61 =	vadd.s32 s31, v12  }
0x1e7: {  	v52 =	vadd.f32 v53, v52;
	_ =	sdelay $0x1  }
0x1e8: {  	[tilespmem:v54+s21+$0x0] =	vst.idx.msk $0xffff, v52  }
0x1e9: {  	v52 =	vld.idx.msk [tilespmem:v56+s16+$0x0], $0xffff  }
0x1ea: {  	s28 =	sadd.s32 $0x7, s25;
	v62 =	vld.idx.msk [tilespmem:v61+s15+$0x0], $0xffff  }
0x1eb: {  	v63 =	vmov s28  }
0x1ec: {  	v60 =	vshll.u32 v63, $0x3  }
0x1ed: {  	v54 =	vand.u32 $0x7F, v63;
	v56 =	vand.u32 $0xC00, v60  }
0x1ee: {  	v55 =	vadd.s32 v3, v55;
	v54 =	vor.u32 v54, v56  }
0x1ef: {  	v56 =	vadd.s32 v0, v54;
	v52 =	vmul.f32 v52, v51;
	v53 =	vmul.f32 v62, v50  }
0x1f0: {  	v61 =	vadd.s32 s28, v12  }
0x1f1: {  	v52 =	vadd.f32 v53, v52;
	_ =	sdelay $0x1  }
0x1f2: {  	[tilespmem:v55+s21+$0x0] =	vst.idx.msk $0xffff, v52  }
0x1f3: {  	v52 =	vld.idx.msk [tilespmem:v56+s16+$0x0], $0xffff  }
0x1f4: {  	v62 =	vld.idx.msk [tilespmem:v61+s15+$0x0], $0xffff;
	_ =	sdelay $0x3  }
0x1f5: {  	s29 =	simm.s32 $0x0;
	v54 =	vadd.s32 v3, v54  }
0x1f6: {  	v57 =	vor.u32 s29, v1;
	v63 =	vmul.f32 v52, v51;
	v56 =	vmul.f32 v62, v50;
	_ =	sdelay $0x1  }
0x1f7: {  	v50 =	vadd.f32 v56, v63;
	_ =	sdelay $0x1  }
0x1f8: {  	[tilespmem:v54+s21+$0x0] =	vst.idx.msk $0xffff, v50  }
0x1f9: {  	v58 =	vor.u32 s29, v13;
	s30 =	simm.s32 $0x1;
	v50 =	vld.idx.msk [tilespmem:v57+s19+$0x0], $0xffff  }
0x1fa: {  	v59 =	vor.u32 s30, v1;
	_ =	sdelay $0x3  }
0x1fb: {  	[tilespmem:v58+s21+$0x0] =	vst.idx.msk $0xffff, v50  }
0x1fc: {  	s31 =	simm.s32 $0x2;
	v60 =	vadd.s32 s30, v13;
	v50 =	vld.idx.msk [tilespmem:v59+s19+$0x0], $0xffff  }
0x1fd: {  	v61 =	vor.u32 s31, v1;
	_ =	sdelay $0x3  }
0x1fe: {  	[tilespmem:v60+s21+$0x0] =	vst.idx.msk $0xffff, v50  }
0x1ff: {  	s26 =	simm.s32 $0x3;
	v62 =	vadd.s32 s31, v13;
	v50 =	vld.idx.msk [tilespmem:v61+s19+$0x0], $0xffff  }
0x200: {  	v63 =	vor.u32 s26, v1;
	_ =	sdelay $0x3  }
0x201: {  	[tilespmem:v62+s21+$0x0] =	vst.idx.msk $0xffff, v50  }
0x202: {  	s28 =	simm.s32 $0x4;
	v56 =	vadd.s32 s26, v13;
	v50 =	vld.idx.msk [tilespmem:v63+s19+$0x0], $0xffff  }
0x203: {  	v57 =	vor.u32 s28, v1;
	_ =	sdelay $0x3  }
0x204: {  	[tilespmem:v56+s21+$0x0] =	vst.idx.msk $0xffff, v50  }
0x205: {  	s29 =	simm.s32 $0x5;
	v58 =	vor.u32 s28, v13;
	v50 =	vld.idx.msk [tilespmem:v57+s19+$0x0], $0xffff  }
0x206: {  	v59 =	vor.u32 s29, v1;
	v60 =	vmov s29  }
0x207: {  	v53 =	vadd.s32 $0x83, v60  }
0x208: {  	v61 =	vshll.u32 v53, $0x3  }
0x209: {  	v53 =	vand.u32 $0x78, v53;
	v54 =	vand.u32 $0xC00, v61  }
0x20a: {  	v62 =	vor.u32 v53, v54;
	[tilespmem:v58+s21+$0x0] =	vst.idx.msk $0xffff, v50  }
0x20b: {  	s30 =	simm.s32 $0x6;
	v50 =	vadd.s32 v3, v62;
	v51 =	vld.idx.msk [tilespmem:v59+s19+$0x0], $0xffff  }
0x20c: {  	v63 =	vor.u32 s30, v1;
	v57 =	vmov s30  }
0x20d: {  	v53 =	vadd.s32 $0x83, v57  }
0x20e: {  	v58 =	vshll.u32 v53, $0x3  }
0x20f: {  	v53 =	vand.u32 $0x79, v53;
	v54 =	vand.u32 $0xC00, v58  }
0x210: {  	v59 =	vor.u32 v53, v54;
	[tilespmem:v50+s21+$0x0] =	vst.idx.msk $0xffff, v51  }
0x211: {  	s31 =	simm.s32 $0x7;
	v50 =	vadd.s32 v3, v59;
	v51 =	vld.idx.msk [tilespmem:v63+s19+$0x0], $0xffff  }
0x212: {  	v60 =	vor.u32 s31, v1;
	v61 =	vmov s31  }
0x213: {  	v53 =	vadd.s32 $0x83, v61  }
0x214: {  	v62 =	vshll.u32 v53, $0x3  }
0x215: {  	v53 =	vand.u32 $0x7A, v53;
	v54 =	vand.u32 $0xC00, v62  }
0x216: {  	v63 =	vor.u32 v53, v54;
	[tilespmem:v50+s21+$0x0] =	vst.idx.msk $0xffff, v51  }
0x217: {  	s25 =	simm.s32 $0x8;
	v51 =	vadd.s32 v3, v63;
	v50 =	vld.idx.msk [tilespmem:v60+s19+$0x0], $0xffff  }
0x218: {  	v52 =	vor.u32 s25, v1;
	s26 =	simm.s32 $0x10  }
.LBB2_6:
0x219: {  	p0 =	slt.u32 s26, $0x78;
	_ =	sdelay $0x2  }
0x21a: {  	[tilespmem:v51+s21+$0x0] =	vst.idx.msk $0xffff, v50  }
0x21b: {  	v50 =	vld.idx.msk [tilespmem:v52+s19+$0x0], $0xffff  }
0x21c: {  	s28 =	sadd.s32 $0x1, s25;
	v51 =	vor.u32 s25, v13  }
0x21d: {  	v52 =	vor.u32 s28, v1;
	_ =	sdelay $0x3  }
0x21e: {  	[tilespmem:v51+s21+$0x0] =	vst.idx.msk $0xffff, v50  }
0x21f: {  	v50 =	vld.idx.msk [tilespmem:v52+s19+$0x0], $0xffff  }
0x220: {  	v51 =	vadd.s32 s28, v13;
	s28 =	sadd.s32 $0x2, s25  }
0x221: {  	v52 =	vor.u32 s28, v1;
	_ =	sdelay $0x3  }
0x222: {  	[tilespmem:v51+s21+$0x0] =	vst.idx.msk $0xffff, v50  }
0x223: {  	v50 =	vld.idx.msk [tilespmem:v52+s19+$0x0], $0xffff  }
0x224: {  	v51 =	vadd.s32 s28, v13;
	s28 =	sadd.s32 $0x3, s25  }
0x225: {  	v52 =	vor.u32 s28, v1;
	_ =	sdelay $0x3  }
0x226: {  	[tilespmem:v51+s21+$0x0] =	vst.idx.msk $0xffff, v50  }
0x227: {  	v50 =	vld.idx.msk [tilespmem:v52+s19+$0x0], $0xffff  }
0x228: {  	v51 =	vadd.s32 s28, v13;
	s28 =	sadd.s32 $0x4, s25  }
0x229: {  	v52 =	vor.u32 s28, v1;
	_ =	sdelay $0x3  }
0x22a: {  	[tilespmem:v51+s21+$0x0] =	vst.idx.msk $0xffff, v50  }
0x22b: {  	v50 =	vld.idx.msk [tilespmem:v52+s19+$0x0], $0xffff  }
0x22c: {  	v51 =	vor.u32 s28, v13;
	s28 =	sadd.s32 $0x5, s25  }
0x22d: {  	v52 =	vor.u32 s28, v1  }
0x22e: {  	v53 =	vmov s28  }
0x22f: {  	v53 =	vadd.s32 $0x83, v53  }
0x230: {  	v54 =	vshll.u32 v53, $0x3  }
0x231: {  	[tilespmem:v51+s21+$0x0] =	vst.idx.msk $0xffff, v50;
	v50 =	vand.u32 $0x78, v53;
	v51 =	vand.u32 $0xC00, v54  }
0x232: {  	v52 =	vld.idx.msk [tilespmem:v52+s19+$0x0], $0xffff;
	v50 =	vor.u32 v50, v51  }
0x233: {  	s28 =	sadd.s32 $0x6, s25;
	v50 =	vadd.s32 v3, v50  }
0x234: {  	v51 =	vor.u32 s28, v1  }
0x235: {  	v53 =	vmov s28  }
0x236: {  	v53 =	vadd.s32 $0x83, v53  }
0x237: {  	v54 =	vshll.u32 v53, $0x3  }
0x238: {  	[tilespmem:v50+s21+$0x0] =	vst.idx.msk $0xffff, v52;
	v50 =	vand.u32 $0x79, v53;
	v52 =	vand.u32 $0xC00, v54  }
0x239: {  	v51 =	vld.idx.msk [tilespmem:v51+s19+$0x0], $0xffff;
	v50 =	vor.u32 v50, v52  }
0x23a: {  	s28 =	sadd.s32 $0x7, s25;
	s25 =	smov.u32 s26;
	v50 =	vadd.s32 v3, v50  }
0x23b: {  	v52 =	vor.u32 s28, v1  }
0x23c: {  	v53 =	vmov s28  }
0x23d: {  	v53 =	vadd.s32 $0x83, v53  }
.Ltmp6:
0x23e: {  	v54 =	vshll.u32 v53, $0x3;
	(pc) =	sbr.rel @p0 .LBB2_6-.Ltmp6, $4  }
0x23f: {  	[tilespmem:v50+s21+$0x0] =	vst.idx.msk $0xffff, v51;
	v51 =	vand.u32 $0x7A, v53;
	v53 =	vand.u32 $0xC00, v54  }
0x240: {  	v50 =	vld.idx.msk [tilespmem:v52+s19+$0x0], $0xffff;
	v51 =	vor.u32 v51, v53  }
0x241: {  	v51 =	vadd.s32 v3, v51  }
0x242: {  	s26 =	sadd.s32 $0x8, s26;
	v52 =	vor.u32 s25, v1  }
0x243: {  	_ =	sdelay $0x3  }
0x244: {  	[tilespmem:v51+s21+$0x0] =	vst.idx.msk $0xffff, v50  }
0x245: {  	v62 =	vor.u32 s25, v13;
	s26 =	sadd.s32 $0x1, s25;
	v50 =	vld.idx.msk [tilespmem:v52+s19+$0x0], $0xffff  }
0x246: {  	v63 =	vor.u32 s26, v1;
	_ =	sdelay $0x3  }
0x247: {  	[tilespmem:v62+s21+$0x0] =	vst.idx.msk $0xffff, v50  }
0x248: {  	s31 =	sadd.s32 $0x2, s25;
	v56 =	vadd.s32 s26, v13;
	v50 =	vld.idx.msk [tilespmem:v63+s19+$0x0], $0xffff  }
0x249: {  	v57 =	vor.u32 s31, v1;
	_ =	sdelay $0x3  }
0x24a: {  	[tilespmem:v56+s21+$0x0] =	vst.idx.msk $0xffff, v50  }
0x24b: {  	s28 =	sadd.s32 $0x3, s25;
	v58 =	vadd.s32 s31, v13;
	v50 =	vld.idx.msk [tilespmem:v57+s19+$0x0], $0xffff  }
0x24c: {  	v59 =	vor.u32 s28, v1;
	_ =	sdelay $0x3  }
0x24d: {  	[tilespmem:v58+s21+$0x0] =	vst.idx.msk $0xffff, v50  }
0x24e: {  	s29 =	sadd.s32 $0x4, s25;
	v60 =	vadd.s32 s28, v13;
	v50 =	vld.idx.msk [tilespmem:v59+s19+$0x0], $0xffff  }
0x24f: {  	v61 =	vor.u32 s29, v1;
	_ =	sdelay $0x3  }
0x250: {  	[tilespmem:v60+s21+$0x0] =	vst.idx.msk $0xffff, v50  }
0x251: {  	s30 =	sadd.s32 $0x5, s25;
	v62 =	vor.u32 s29, v13;
	v50 =	vld.idx.msk [tilespmem:v61+s19+$0x0], $0xffff  }
0x252: {  	v53 =	vmov s30;
	v63 =	vor.u32 s30, v1  }
0x253: {  	v53 =	vadd.s32 $0x83, v53  }
0x254: {  	v54 =	vshll.u32 v53, $0x3  }
0x255: {  	v53 =	vand.u32 $0x78, v53;
	v54 =	vand.u32 $0xC00, v54  }
0x256: {  	v56 =	vor.u32 v53, v54;
	[tilespmem:v62+s21+$0x0] =	vst.idx.msk $0xffff, v50  }
0x257: {  	s31 =	sadd.s32 $0x6, s25;
	v50 =	vadd.s32 v3, v56;
	v51 =	vld.idx.msk [tilespmem:v63+s19+$0x0], $0xffff  }
0x258: {  	v57 =	vor.u32 s31, v1;
	v58 =	vmov s31  }
0x259: {  	v53 =	vadd.s32 $0x83, v58  }
0x25a: {  	v59 =	vshll.u32 v53, $0x3  }
0x25b: {  	v53 =	vand.u32 $0x79, v53;
	v54 =	vand.u32 $0xC00, v59  }
0x25c: {  	v60 =	vor.u32 v53, v54;
	[tilespmem:v50+s21+$0x0] =	vst.idx.msk $0xffff, v51  }
0x25d: {  	s28 =	sadd.s32 $0x7, s25;
	v50 =	vadd.s32 v3, v60;
	v51 =	vld.idx.msk [tilespmem:v57+s19+$0x0], $0xffff  }
0x25e: {  	v61 =	vor.u32 s28, v1;
	v62 =	vmov s28  }
0x25f: {  	v53 =	vadd.s32 $0x83, v62  }
0x260: {  	v63 =	vshll.u32 v53, $0x3  }
0x261: {  	v53 =	vand.u32 $0x7A, v53;
	v54 =	vand.u32 $0xC00, v63  }
0x262: {  	v56 =	vor.u32 v53, v54;
	[tilespmem:v50+s21+$0x0] =	vst.idx.msk $0xffff, v51  }
0x263: {  	v50 =	vadd.s32 v3, v56;
	v51 =	vld.idx.msk [tilespmem:v61+s19+$0x0], $0xffff;
	_ =	sdelay $0x4  }
0x264: {  	[tilespmem:v50+s21+$0x0] =	vst.idx.msk $0xffff, v51  }
0x265: {  	v50 =	vld [tilespmem:$0xA010];
	_ =	sdelay $0x4  }
0x266: {  	v57 =	vadd.s32 $0x80, v50  }
0x267: {  	v58 =	vld.idx.msk [tilespmem:v14+s16+$0x0], $0xffff  }
0x268: {  	v59 =	vld.idx.msk [tilespmem:v2+s13+$0x0], $0xffff  }
0x269: {  	v60 =	vld.idx.msk [tilespmem:v15+s4+$0x0], $0xffff  }
0x26a: {  	v50 =	vld.idx.msk [tilespmem:v50+s13+$0x0], $0xffff  }
0x26b: {  	v51 =	vld.idx.msk [tilespmem:v57+s13+$0x0], $0xffff;
	_ =	sdelay $0x2  }
0x26c: {  	v52 =	vsub.f32 v58, v59;
	_ =	sdelay $0x1  }
0x26d: {  	v61 =	vmul.f32 v60, v50;
	v52 =	vmul.f32 v52, v51;
	_ =	sdelay $0x1  }
0x26e: {  	v52 =	vadd.f32 v52, v61;
	_ =	sdelay $0x1  }
0x26f: {  	[tilespmem:v16+s21+$0x0] =	vst.idx.msk $0xffff, v52  }
0x270: {  	v52 =	vld.idx.msk [tilespmem:v17+s16+$0x0], $0xffff  }
0x271: {  	v62 =	vld.idx.msk [tilespmem:v6+s13+$0x0], $0xffff;
	_ =	sdelay $0x1  }
0x272: {  	v63 =	vld.idx.msk [tilespmem:v18+s4+$0x0], $0xffff;
	_ =	sdelay $0x2  }
0x273: {  	v52 =	vsub.f32 v52, v62;
	_ =	sdelay $0x1  }
0x274: {  	v57 =	vmul.f32 v63, v50;
	v52 =	vmul.f32 v52, v51;
	_ =	sdelay $0x1  }
0x275: {  	v52 =	vadd.f32 v52, v57;
	_ =	sdelay $0x1  }
0x276: {  	[tilespmem:v19+s21+$0x0] =	vst.idx.msk $0xffff, v52  }
0x277: {  	v52 =	vld.idx.msk [tilespmem:v20+s16+$0x0], $0xffff  }
0x278: {  	v58 =	vld.idx.msk [tilespmem:v10+s13+$0x0], $0xffff;
	_ =	sdelay $0x1  }
0x279: {  	s29 =	simm.s32 $0x3;
	v59 =	vld.idx.msk [tilespmem:v21+s4+$0x0], $0xffff  }
0x27a: {  	v55 =	vmov s29  }
0x27b: {  	v60 =	vshll.u32 v55, $0x3  }
0x27c: {  	v55 =	vand.u32 $0x7F, v55;
	v53 =	vand.u32 $0x400, v60;
	v52 =	vsub.f32 v52, v58  }
0x27d: {  	v53 =	vor.u32 v55, v53  }
0x27e: {  	v61 =	vadd.s32 s29, v23;
	v54 =	vmul.f32 v59, v50;
	v52 =	vmul.f32 v52, v51  }
0x27f: {  	v56 =	vor.u32 v14, v53  }
0x280: {  	v52 =	vadd.f32 v52, v54;
	_ =	sdelay $0x1  }
0x281: {  	[tilespmem:v22+s21+$0x0] =	vst.idx.msk $0xffff, v52  }
0x282: {  	v52 =	vld.idx.msk [tilespmem:v61+s15+$0x0], $0xffff  }
0x283: {  	s30 =	simm.s32 $0x4;
	v62 =	vld.idx.msk [tilespmem:v56+s16+$0x0], $0xffff  }
0x284: {  	v63 =	vmov s30  }
0x285: {  	v60 =	vshll.u32 v63, $0x3  }
0x286: {  	v55 =	vand.u32 $0x7F, v63;
	v56 =	vand.u32 $0xC00, v60  }
0x287: {  	v53 =	vadd.s32 v16, v53;
	v55 =	vor.u32 v55, v56  }
0x288: {  	v56 =	vadd.s32 v14, v55;
	v52 =	vmul.f32 v52, v50;
	v54 =	vmul.f32 v62, v51  }
0x289: {  	v57 =	vadd.s32 s30, v23  }
0x28a: {  	v52 =	vadd.f32 v52, v54;
	_ =	sdelay $0x1  }
0x28b: {  	[tilespmem:v53+s21+$0x0] =	vst.idx.msk $0xffff, v52  }
0x28c: {  	v52 =	vld.idx.msk [tilespmem:v56+s16+$0x0], $0xffff  }
0x28d: {  	s31 =	simm.s32 $0x5;
	v53 =	vld.idx.msk [tilespmem:v57+s15+$0x0], $0xffff  }
0x28e: {  	v61 =	vmov s31  }
0x28f: {  	v62 =	vshll.u32 v61, $0x3  }
0x290: {  	v54 =	vand.u32 $0x7F, v61;
	v56 =	vand.u32 $0xC00, v62  }
0x291: {  	v55 =	vadd.s32 v16, v55;
	v54 =	vor.u32 v54, v56  }
0x292: {  	v56 =	vadd.s32 v14, v54;
	v52 =	vmul.f32 v52, v51;
	v53 =	vmul.f32 v53, v50  }
0x293: {  	v63 =	vadd.s32 s31, v23  }
0x294: {  	v52 =	vadd.f32 v53, v52;
	_ =	sdelay $0x1  }
0x295: {  	[tilespmem:v55+s21+$0x0] =	vst.idx.msk $0xffff, v52  }
0x296: {  	v52 =	vld.idx.msk [tilespmem:v56+s16+$0x0], $0xffff  }
0x297: {  	s26 =	simm.s32 $0x6;
	v60 =	vld.idx.msk [tilespmem:v63+s15+$0x0], $0xffff  }
0x298: {  	v61 =	vmov s26  }
0x299: {  	v62 =	vshll.u32 v61, $0x3  }
0x29a: {  	v55 =	vand.u32 $0x7F, v61;
	v56 =	vand.u32 $0xC00, v62  }
0x29b: {  	v54 =	vadd.s32 v16, v54;
	v55 =	vor.u32 v55, v56  }
0x29c: {  	v56 =	vadd.s32 v14, v55;
	v52 =	vmul.f32 v52, v51;
	v53 =	vmul.f32 v60, v50  }
0x29d: {  	v63 =	vadd.s32 s26, v23  }
0x29e: {  	v52 =	vadd.f32 v53, v52;
	_ =	sdelay $0x1  }
0x29f: {  	[tilespmem:v54+s21+$0x0] =	vst.idx.msk $0xffff, v52  }
0x2a0: {  	v52 =	vld.idx.msk [tilespmem:v56+s16+$0x0], $0xffff  }
0x2a1: {  	s28 =	simm.s32 $0x7;
	v60 =	vld.idx.msk [tilespmem:v63+s15+$0x0], $0xffff  }
0x2a2: {  	v61 =	vmov s28  }
0x2a3: {  	v62 =	vshll.u32 v61, $0x3  }
0x2a4: {  	v54 =	vand.u32 $0x7F, v61;
	v56 =	vand.u32 $0xC00, v62  }
0x2a5: {  	v55 =	vadd.s32 v16, v55;
	v54 =	vor.u32 v54, v56  }
0x2a6: {  	v56 =	vadd.s32 v14, v54;
	v52 =	vmul.f32 v52, v51;
	v53 =	vmul.f32 v60, v50  }
0x2a7: {  	v63 =	vadd.s32 s28, v23  }
0x2a8: {  	v52 =	vadd.f32 v53, v52;
	_ =	sdelay $0x1  }
0x2a9: {  	[tilespmem:v55+s21+$0x0] =	vst.idx.msk $0xffff, v52  }
0x2aa: {  	v52 =	vld.idx.msk [tilespmem:v56+s16+$0x0], $0xffff  }
0x2ab: {  	s29 =	simm.s32 $0x8;
	v60 =	vld.idx.msk [tilespmem:v63+s15+$0x0], $0xffff  }
0x2ac: {  	v61 =	vmov s29  }
0x2ad: {  	v62 =	vshll.u32 v61, $0x3  }
0x2ae: {  	v55 =	vand.u32 $0x7F, v61;
	v56 =	vand.u32 $0xC00, v62  }
0x2af: {  	v54 =	vadd.s32 v16, v54;
	v55 =	vor.u32 v55, v56  }
0x2b0: {  	v56 =	vadd.s32 v14, v55;
	v52 =	vmul.f32 v52, v51;
	v53 =	vmul.f32 v60, v50  }
0x2b1: {  	v63 =	vadd.s32 s29, v23  }
0x2b2: {  	v52 =	vadd.f32 v53, v52;
	_ =	sdelay $0x1  }
0x2b3: {  	[tilespmem:v54+s21+$0x0] =	vst.idx.msk $0xffff, v52  }
0x2b4: {  	v52 =	vld.idx.msk [tilespmem:v56+s16+$0x0], $0xffff  }
0x2b5: {  	s30 =	simm.s32 $0x9;
	v60 =	vld.idx.msk [tilespmem:v63+s15+$0x0], $0xffff  }
0x2b6: {  	v61 =	vmov s30  }
0x2b7: {  	v62 =	vshll.u32 v61, $0x3  }
0x2b8: {  	v54 =	vand.u32 $0x7F, v61;
	v56 =	vand.u32 $0xC00, v62  }
0x2b9: {  	v55 =	vadd.s32 v16, v55;
	v54 =	vor.u32 v54, v56  }
0x2ba: {  	v56 =	vadd.s32 v14, v54;
	v52 =	vmul.f32 v52, v51;
	v53 =	vmul.f32 v60, v50  }
0x2bb: {  	v63 =	vadd.s32 s30, v23  }
0x2bc: {  	v52 =	vadd.f32 v53, v52;
	_ =	sdelay $0x1  }
0x2bd: {  	[tilespmem:v55+s21+$0x0] =	vst.idx.msk $0xffff, v52  }
0x2be: {  	v52 =	vld.idx.msk [tilespmem:v56+s16+$0x0], $0xffff  }
0x2bf: {  	s31 =	simm.s32 $0xA;
	v60 =	vld.idx.msk [tilespmem:v63+s15+$0x0], $0xffff  }
0x2c0: {  	v61 =	vmov s31  }
0x2c1: {  	v62 =	vshll.u32 v61, $0x3  }
0x2c2: {  	v55 =	vand.u32 $0x7F, v61;
	v56 =	vand.u32 $0xC00, v62  }
0x2c3: {  	v54 =	vadd.s32 v16, v54;
	v55 =	vor.u32 v55, v56  }
0x2c4: {  	v56 =	vadd.s32 v14, v55;
	v52 =	vmul.f32 v52, v51;
	v53 =	vmul.f32 v60, v50  }
0x2c5: {  	v63 =	vadd.s32 s31, v23  }
0x2c6: {  	v52 =	vadd.f32 v53, v52;
	_ =	sdelay $0x1  }
0x2c7: {  	[tilespmem:v54+s21+$0x0] =	vst.idx.msk $0xffff, v52  }
0x2c8: {  	v54 =	vld.idx.msk [tilespmem:v56+s16+$0x0], $0xffff  }
0x2c9: {  	s25 =	simm.s32 $0xB;
	s26 =	simm.s32 $0x13;
	v52 =	vadd.s32 v16, v55;
	v53 =	vld.idx.msk [tilespmem:v63+s15+$0x0], $0xffff  }
.LBB2_8:
0x2ca: {  	_ = 	snop  }
0x2cb: {  	p0 =	slt.u32 s26, $0x7B;
	v55 =	vmov s25;
	s28 =	smov.u32 s26;
	s26 =	sadd.s32 $0x8, s26  }
0x2cc: {  	v56 =	vshll.u32 v55, $0x3  }
0x2cd: {  	v55 =	vand.u32 $0x7F, v55;
	v56 =	vand.u32 $0x400, v56;
	v54 =	vmul.f32 v54, v51  }
0x2ce: {  	v55 =	vor.u32 v55, v56;
	v56 =	vadd.s32 s25, v23;
	v53 =	vmul.f32 v53, v50  }
0x2cf: {  	v57 =	vor.u32 v14, v55  }
0x2d0: {  	v53 =	vadd.f32 v53, v54;
	_ =	sdelay $0x1  }
0x2d1: {  	[tilespmem:v52+s21+$0x0] =	vst.idx.msk $0xffff, v53  }
0x2d2: {  	v52 =	vld.idx.msk [tilespmem:v56+s15+$0x0], $0xffff  }
0x2d3: {  	v53 =	vld.idx.msk [tilespmem:v57+s16+$0x0], $0xffff  }
0x2d4: {  	s29 =	sadd.s32 $0x1, s25  }
0x2d5: {  	v54 =	vmov s29  }
0x2d6: {  	v56 =	vshll.u32 v54, $0x3  }
0x2d7: {  	v54 =	vand.u32 $0x7F, v54;
	v56 =	vand.u32 $0xC00, v56  }
0x2d8: {  	v55 =	vadd.s32 v16, v55;
	v54 =	vor.u32 v54, v56;
	v56 =	vadd.s32 s29, v23  }
0x2d9: {  	v57 =	vadd.s32 v14, v54;
	v52 =	vmul.f32 v52, v50;
	v53 =	vmul.f32 v53, v51;
	_ =	sdelay $0x1  }
0x2da: {  	v52 =	vadd.f32 v52, v53;
	_ =	sdelay $0x1  }
0x2db: {  	[tilespmem:v55+s21+$0x0] =	vst.idx.msk $0xffff, v52  }
0x2dc: {  	v52 =	vld.idx.msk [tilespmem:v57+s16+$0x0], $0xffff  }
0x2dd: {  	v53 =	vld.idx.msk [tilespmem:v56+s15+$0x0], $0xffff  }
0x2de: {  	s29 =	sadd.s32 $0x2, s25  }
0x2df: {  	v55 =	vmov s29  }
0x2e0: {  	v56 =	vshll.u32 v55, $0x3  }
0x2e1: {  	v54 =	vadd.s32 v16, v54;
	v55 =	vand.u32 $0x7F, v55;
	v56 =	vand.u32 $0xC00, v56  }
0x2e2: {  	v55 =	vor.u32 v55, v56;
	v52 =	vmul.f32 v52, v51  }
0x2e3: {  	v57 =	vadd.s32 s29, v23;
	v56 =	vadd.s32 v14, v55;
	v53 =	vmul.f32 v53, v50;
	_ =	sdelay $0x1  }
0x2e4: {  	v52 =	vadd.f32 v53, v52;
	_ =	sdelay $0x1  }
0x2e5: {  	[tilespmem:v54+s21+$0x0] =	vst.idx.msk $0xffff, v52  }
0x2e6: {  	v52 =	vld.idx.msk [tilespmem:v56+s16+$0x0], $0xffff  }
0x2e7: {  	v53 =	vld.idx.msk [tilespmem:v57+s15+$0x0], $0xffff  }
0x2e8: {  	s29 =	sadd.s32 $0x3, s25  }
0x2e9: {  	v54 =	vmov s29  }
0x2ea: {  	v55 =	vadd.s32 v16, v55;
	v56 =	vshll.u32 v54, $0x3  }
0x2eb: {  	v54 =	vand.u32 $0x7F, v54;
	v56 =	vand.u32 $0xC00, v56  }
0x2ec: {  	v54 =	vor.u32 v54, v56;
	v52 =	vmul.f32 v52, v51  }
0x2ed: {  	v57 =	vadd.s32 s29, v23;
	v56 =	vadd.s32 v14, v54;
	v53 =	vmul.f32 v53, v50;
	_ =	sdelay $0x1  }
0x2ee: {  	v52 =	vadd.f32 v53, v52;
	_ =	sdelay $0x1  }
0x2ef: {  	[tilespmem:v55+s21+$0x0] =	vst.idx.msk $0xffff, v52  }
0x2f0: {  	v52 =	vld.idx.msk [tilespmem:v56+s16+$0x0], $0xffff  }
0x2f1: {  	v53 =	vld.idx.msk [tilespmem:v57+s15+$0x0], $0xffff  }
0x2f2: {  	s29 =	sadd.s32 $0x4, s25  }
0x2f3: {  	v54 =	vadd.s32 v16, v54;
	v55 =	vmov s29  }
0x2f4: {  	v56 =	vshll.u32 v55, $0x3  }
0x2f5: {  	v55 =	vand.u32 $0x7F, v55;
	v56 =	vand.u32 $0xC00, v56  }
0x2f6: {  	v55 =	vor.u32 v55, v56;
	v52 =	vmul.f32 v52, v51  }
0x2f7: {  	v57 =	vadd.s32 s29, v23;
	v56 =	vadd.s32 v14, v55;
	v53 =	vmul.f32 v53, v50;
	_ =	sdelay $0x1  }
0x2f8: {  	v52 =	vadd.f32 v53, v52;
	_ =	sdelay $0x1  }
0x2f9: {  	[tilespmem:v54+s21+$0x0] =	vst.idx.msk $0xffff, v52  }
0x2fa: {  	v52 =	vld.idx.msk [tilespmem:v56+s16+$0x0], $0xffff  }
0x2fb: {  	v53 =	vld.idx.msk [tilespmem:v57+s15+$0x0], $0xffff  }
0x2fc: {  	s29 =	sadd.s32 $0x5, s25;
	v54 =	vadd.s32 v16, v55  }
0x2fd: {  	v55 =	vmov s29  }
0x2fe: {  	v56 =	vshll.u32 v55, $0x3  }
0x2ff: {  	v55 =	vand.u32 $0x7F, v55;
	v56 =	vand.u32 $0xC00, v56  }
0x300: {  	v55 =	vor.u32 v55, v56;
	v52 =	vmul.f32 v52, v51  }
0x301: {  	v57 =	vadd.s32 s29, v23;
	v56 =	vadd.s32 v14, v55;
	v53 =	vmul.f32 v53, v50;
	_ =	sdelay $0x1  }
0x302: {  	v52 =	vadd.f32 v53, v52;
	_ =	sdelay $0x1  }
0x303: {  	[tilespmem:v54+s21+$0x0] =	vst.idx.msk $0xffff, v52  }
0x304: {  	v52 =	vld.idx.msk [tilespmem:v56+s16+$0x0], $0xffff  }
0x305: {  	v54 =	vadd.s32 v16, v55;
	v53 =	vld.idx.msk [tilespmem:v57+s15+$0x0], $0xffff  }
0x306: {  	s29 =	sadd.s32 $0x6, s25  }
0x307: {  	v55 =	vmov s29  }
0x308: {  	v56 =	vshll.u32 v55, $0x3  }
0x309: {  	v55 =	vand.u32 $0x7F, v55;
	v56 =	vand.u32 $0xC00, v56  }
0x30a: {  	v55 =	vor.u32 v55, v56;
	v52 =	vmul.f32 v52, v51  }
0x30b: {  	v57 =	vadd.s32 s29, v23;
	v56 =	vadd.s32 v14, v55;
	v53 =	vmul.f32 v53, v50;
	_ =	sdelay $0x1  }
0x30c: {  	v52 =	vadd.f32 v53, v52;
	_ =	sdelay $0x1  }
0x30d: {  	[tilespmem:v54+s21+$0x0] =	vst.idx.msk $0xffff, v52  }
0x30e: {  	v53 =	vadd.s32 v16, v55;
	v52 =	vld.idx.msk [tilespmem:v56+s16+$0x0], $0xffff  }
0x30f: {  	v54 =	vld.idx.msk [tilespmem:v57+s15+$0x0], $0xffff  }
0x310: {  	s29 =	sadd.s32 $0x7, s25;
	s25 =	smov.u32 s28  }
0x311: {  	v55 =	vmov s29  }
0x312: {  	v56 =	vshll.u32 v55, $0x3  }
0x313: {  	v55 =	vand.u32 $0x7F, v55;
	v56 =	vand.u32 $0xC00, v56  }
0x314: {  	v55 =	vor.u32 v55, v56;
	v52 =	vmul.f32 v52, v51  }
0x315: {  	v57 =	vadd.s32 s29, v23;
	v56 =	vadd.s32 v14, v55;
	v54 =	vmul.f32 v54, v50;
	_ =	sdelay $0x1  }
.Ltmp7:
0x316: {  	v52 =	vadd.f32 v54, v52;
	(pc) =	sbr.rel @p0 .LBB2_8-.Ltmp7, $4  }
0x317: {  	_ = 	snop  }
0x318: {  	[tilespmem:v53+s21+$0x0] =	vst.idx.msk $0xffff, v52;
	v52 =	vadd.s32 v16, v55  }
0x319: {  	v54 =	vld.idx.msk [tilespmem:v56+s16+$0x0], $0xffff  }
0x31a: {  	v53 =	vld.idx.msk [tilespmem:v57+s15+$0x0], $0xffff  }
0x31b: {  	_ = 	snop  }
0x31c: {  	v55 =	vmov s25  }
0x31d: {  	v56 =	vshll.u32 v55, $0x3  }
0x31e: {  	v62 =	vadd.s32 s25, v23;
	v55 =	vand.u32 $0x7F, v55;
	v56 =	vand.u32 $0x400, v56  }
0x31f: {  	v54 =	vmul.f32 v54, v51;
	v55 =	vor.u32 v55, v56;
	v53 =	vmul.f32 v53, v50  }
0x320: {  	v57 =	vor.u32 v14, v55  }
0x321: {  	v53 =	vadd.f32 v53, v54;
	_ =	sdelay $0x1  }
0x322: {  	[tilespmem:v52+s21+$0x0] =	vst.idx.msk $0xffff, v53  }
0x323: {  	v52 =	vld.idx.msk [tilespmem:v62+s15+$0x0], $0xffff  }
0x324: {  	s26 =	sadd.s32 $0x1, s25;
	v53 =	vld.idx.msk [tilespmem:v57+s16+$0x0], $0xffff  }
0x325: {  	v63 =	vmov s26  }
0x326: {  	v60 =	vshll.u32 v63, $0x3  }
0x327: {  	v56 =	vand.u32 $0xC00, v60;
	v54 =	vand.u32 $0x7F, v63  }
0x328: {  	v55 =	vadd.s32 v16, v55;
	v54 =	vor.u32 v54, v56  }
0x329: {  	v56 =	vadd.s32 v14, v54;
	v52 =	vmul.f32 v52, v50;
	v53 =	vmul.f32 v53, v51  }
0x32a: {  	v61 =	vadd.s32 s26, v23  }
0x32b: {  	v52 =	vadd.f32 v52, v53;
	_ =	sdelay $0x1  }
0x32c: {  	[tilespmem:v55+s21+$0x0] =	vst.idx.msk $0xffff, v52  }
0x32d: {  	v52 =	vld.idx.msk [tilespmem:v56+s16+$0x0], $0xffff  }
0x32e: {  	s31 =	sadd.s32 $0x2, s25;
	v62 =	vld.idx.msk [tilespmem:v61+s15+$0x0], $0xffff  }
0x32f: {  	v63 =	vmov s31  }
0x330: {  	v60 =	vshll.u32 v63, $0x3  }
0x331: {  	v55 =	vand.u32 $0x7F, v63;
	v56 =	vand.u32 $0xC00, v60  }
0x332: {  	v54 =	vadd.s32 v16, v54;
	v55 =	vor.u32 v55, v56  }
0x333: {  	v56 =	vadd.s32 v14, v55;
	v52 =	vmul.f32 v52, v51;
	v53 =	vmul.f32 v62, v50  }
0x334: {  	v61 =	vadd.s32 s31, v23  }
0x335: {  	v52 =	vadd.f32 v53, v52;
	_ =	sdelay $0x1  }
0x336: {  	[tilespmem:v54+s21+$0x0] =	vst.idx.msk $0xffff, v52  }
0x337: {  	v52 =	vld.idx.msk [tilespmem:v56+s16+$0x0], $0xffff  }
0x338: {  	s28 =	sadd.s32 $0x3, s25;
	v62 =	vld.idx.msk [tilespmem:v61+s15+$0x0], $0xffff  }
0x339: {  	v63 =	vmov s28  }
0x33a: {  	v60 =	vshll.u32 v63, $0x3  }
0x33b: {  	v54 =	vand.u32 $0x7F, v63;
	v56 =	vand.u32 $0xC00, v60  }
0x33c: {  	v55 =	vadd.s32 v16, v55;
	v54 =	vor.u32 v54, v56  }
0x33d: {  	v56 =	vadd.s32 v14, v54;
	v52 =	vmul.f32 v52, v51;
	v53 =	vmul.f32 v62, v50  }
0x33e: {  	v61 =	vadd.s32 s28, v23  }
0x33f: {  	v52 =	vadd.f32 v53, v52;
	_ =	sdelay $0x1  }
0x340: {  	[tilespmem:v55+s21+$0x0] =	vst.idx.msk $0xffff, v52  }
0x341: {  	v52 =	vld.idx.msk [tilespmem:v56+s16+$0x0], $0xffff  }
0x342: {  	s29 =	sadd.s32 $0x4, s25;
	v62 =	vld.idx.msk [tilespmem:v61+s15+$0x0], $0xffff  }
0x343: {  	v63 =	vmov s29  }
0x344: {  	v60 =	vshll.u32 v63, $0x3  }
0x345: {  	v55 =	vand.u32 $0x7F, v63;
	v56 =	vand.u32 $0xC00, v60  }
0x346: {  	v54 =	vadd.s32 v16, v54;
	v55 =	vor.u32 v55, v56  }
0x347: {  	v56 =	vadd.s32 v14, v55;
	v52 =	vmul.f32 v52, v51;
	v53 =	vmul.f32 v62, v50  }
0x348: {  	v61 =	vadd.s32 s29, v23  }
0x349: {  	v52 =	vadd.f32 v53, v52;
	_ =	sdelay $0x1  }
0x34a: {  	[tilespmem:v54+s21+$0x0] =	vst.idx.msk $0xffff, v52  }
0x34b: {  	v52 =	vld.idx.msk [tilespmem:v56+s16+$0x0], $0xffff  }
0x34c: {  	s30 =	sadd.s32 $0x5, s25;
	v62 =	vld.idx.msk [tilespmem:v61+s15+$0x0], $0xffff  }
0x34d: {  	v63 =	vmov s30  }
0x34e: {  	v60 =	vshll.u32 v63, $0x3  }
0x34f: {  	v54 =	vand.u32 $0x7F, v63;
	v56 =	vand.u32 $0xC00, v60  }
0x350: {  	v55 =	vadd.s32 v16, v55;
	v54 =	vor.u32 v54, v56  }
0x351: {  	v56 =	vadd.s32 v14, v54;
	v52 =	vmul.f32 v52, v51;
	v53 =	vmul.f32 v62, v50  }
0x352: {  	v61 =	vadd.s32 s30, v23  }
0x353: {  	v52 =	vadd.f32 v53, v52;
	_ =	sdelay $0x1  }
0x354: {  	[tilespmem:v55+s21+$0x0] =	vst.idx.msk $0xffff, v52  }
0x355: {  	v52 =	vld.idx.msk [tilespmem:v56+s16+$0x0], $0xffff  }
0x356: {  	s31 =	sadd.s32 $0x6, s25;
	v62 =	vld.idx.msk [tilespmem:v61+s15+$0x0], $0xffff  }
0x357: {  	v63 =	vmov s31  }
0x358: {  	v60 =	vshll.u32 v63, $0x3  }
0x359: {  	v55 =	vand.u32 $0x7F, v63;
	v56 =	vand.u32 $0xC00, v60  }
0x35a: {  	v54 =	vadd.s32 v16, v54;
	v55 =	vor.u32 v55, v56  }
0x35b: {  	v56 =	vadd.s32 v14, v55;
	v52 =	vmul.f32 v52, v51;
	v53 =	vmul.f32 v62, v50  }
0x35c: {  	v61 =	vadd.s32 s31, v23  }
0x35d: {  	v52 =	vadd.f32 v53, v52;
	_ =	sdelay $0x1  }
0x35e: {  	[tilespmem:v54+s21+$0x0] =	vst.idx.msk $0xffff, v52  }
0x35f: {  	v52 =	vld.idx.msk [tilespmem:v56+s16+$0x0], $0xffff  }
0x360: {  	s28 =	sadd.s32 $0x7, s25;
	v62 =	vld.idx.msk [tilespmem:v61+s15+$0x0], $0xffff  }
0x361: {  	v63 =	vmov s28  }
0x362: {  	v60 =	vshll.u32 v63, $0x3  }
0x363: {  	v54 =	vand.u32 $0x7F, v63;
	v56 =	vand.u32 $0xC00, v60  }
0x364: {  	v55 =	vadd.s32 v16, v55;
	v54 =	vor.u32 v54, v56  }
0x365: {  	v56 =	vadd.s32 v14, v54;
	v52 =	vmul.f32 v52, v51;
	v53 =	vmul.f32 v62, v50  }
0x366: {  	v61 =	vadd.s32 s28, v23  }
0x367: {  	v52 =	vadd.f32 v53, v52;
	_ =	sdelay $0x1  }
0x368: {  	[tilespmem:v55+s21+$0x0] =	vst.idx.msk $0xffff, v52  }
0x369: {  	v52 =	vld.idx.msk [tilespmem:v56+s16+$0x0], $0xffff  }
0x36a: {  	v62 =	vld.idx.msk [tilespmem:v61+s15+$0x0], $0xffff;
	_ =	sdelay $0x3  }
0x36b: {  	s29 =	simm.s32 $0x0;
	v54 =	vadd.s32 v16, v54  }
0x36c: {  	v57 =	vor.u32 s29, v15;
	v63 =	vmul.f32 v52, v51;
	v56 =	vmul.f32 v62, v50;
	_ =	sdelay $0x1  }
0x36d: {  	v50 =	vadd.f32 v56, v63;
	_ =	sdelay $0x1  }
0x36e: {  	[tilespmem:v54+s21+$0x0] =	vst.idx.msk $0xffff, v50  }
0x36f: {  	v58 =	vor.u32 s29, v24;
	s30 =	simm.s32 $0x1;
	v50 =	vld.idx.msk [tilespmem:v57+s19+$0x0], $0xffff  }
0x370: {  	v59 =	vor.u32 s30, v15;
	_ =	sdelay $0x3  }
0x371: {  	[tilespmem:v58+s21+$0x0] =	vst.idx.msk $0xffff, v50  }
0x372: {  	s31 =	simm.s32 $0x2;
	v60 =	vadd.s32 s30, v24;
	v50 =	vld.idx.msk [tilespmem:v59+s19+$0x0], $0xffff  }
0x373: {  	v61 =	vor.u32 s31, v15;
	_ =	sdelay $0x3  }
0x374: {  	[tilespmem:v60+s21+$0x0] =	vst.idx.msk $0xffff, v50  }
0x375: {  	s26 =	simm.s32 $0x3;
	v62 =	vadd.s32 s31, v24;
	v50 =	vld.idx.msk [tilespmem:v61+s19+$0x0], $0xffff  }
0x376: {  	v63 =	vor.u32 s26, v15;
	_ =	sdelay $0x3  }
0x377: {  	[tilespmem:v62+s21+$0x0] =	vst.idx.msk $0xffff, v50  }
0x378: {  	s28 =	simm.s32 $0x4;
	v56 =	vadd.s32 s26, v24;
	v50 =	vld.idx.msk [tilespmem:v63+s19+$0x0], $0xffff  }
0x379: {  	v57 =	vor.u32 s28, v15;
	_ =	sdelay $0x3  }
0x37a: {  	[tilespmem:v56+s21+$0x0] =	vst.idx.msk $0xffff, v50  }
0x37b: {  	s29 =	simm.s32 $0x5;
	v58 =	vor.u32 s28, v24;
	v50 =	vld.idx.msk [tilespmem:v57+s19+$0x0], $0xffff  }
0x37c: {  	v59 =	vor.u32 s29, v15;
	v60 =	vmov s29  }
0x37d: {  	v53 =	vadd.s32 $0x83, v60  }
0x37e: {  	v61 =	vshll.u32 v53, $0x3  }
0x37f: {  	v53 =	vand.u32 $0x78, v53;
	v54 =	vand.u32 $0xC00, v61  }
0x380: {  	v62 =	vor.u32 v53, v54;
	[tilespmem:v58+s21+$0x0] =	vst.idx.msk $0xffff, v50  }
0x381: {  	s30 =	simm.s32 $0x6;
	v50 =	vadd.s32 v16, v62;
	v51 =	vld.idx.msk [tilespmem:v59+s19+$0x0], $0xffff  }
0x382: {  	v63 =	vor.u32 s30, v15;
	v57 =	vmov s30  }
0x383: {  	v53 =	vadd.s32 $0x83, v57  }
0x384: {  	v58 =	vshll.u32 v53, $0x3  }
0x385: {  	v53 =	vand.u32 $0x79, v53;
	v54 =	vand.u32 $0xC00, v58  }
0x386: {  	v59 =	vor.u32 v53, v54;
	[tilespmem:v50+s21+$0x0] =	vst.idx.msk $0xffff, v51  }
0x387: {  	s31 =	simm.s32 $0x7;
	v50 =	vadd.s32 v16, v59;
	v51 =	vld.idx.msk [tilespmem:v63+s19+$0x0], $0xffff  }
0x388: {  	v60 =	vor.u32 s31, v15;
	v61 =	vmov s31  }
0x389: {  	v53 =	vadd.s32 $0x83, v61  }
0x38a: {  	v62 =	vshll.u32 v53, $0x3  }
0x38b: {  	v53 =	vand.u32 $0x7A, v53;
	v54 =	vand.u32 $0xC00, v62  }
0x38c: {  	v63 =	vor.u32 v53, v54;
	[tilespmem:v50+s21+$0x0] =	vst.idx.msk $0xffff, v51  }
0x38d: {  	s25 =	simm.s32 $0x8;
	v51 =	vadd.s32 v16, v63;
	v50 =	vld.idx.msk [tilespmem:v60+s19+$0x0], $0xffff  }
0x38e: {  	v52 =	vor.u32 s25, v15;
	s26 =	simm.s32 $0x10  }
.LBB2_10:
0x38f: {  	p0 =	slt.u32 s26, $0x78;
	_ =	sdelay $0x2  }
0x390: {  	[tilespmem:v51+s21+$0x0] =	vst.idx.msk $0xffff, v50  }
0x391: {  	v50 =	vld.idx.msk [tilespmem:v52+s19+$0x0], $0xffff  }
0x392: {  	s28 =	sadd.s32 $0x1, s25;
	v51 =	vor.u32 s25, v24  }
0x393: {  	v52 =	vor.u32 s28, v15;
	_ =	sdelay $0x3  }
0x394: {  	[tilespmem:v51+s21+$0x0] =	vst.idx.msk $0xffff, v50  }
0x395: {  	v50 =	vld.idx.msk [tilespmem:v52+s19+$0x0], $0xffff  }
0x396: {  	v51 =	vadd.s32 s28, v24;
	s28 =	sadd.s32 $0x2, s25  }
0x397: {  	v52 =	vor.u32 s28, v15;
	_ =	sdelay $0x3  }
0x398: {  	[tilespmem:v51+s21+$0x0] =	vst.idx.msk $0xffff, v50  }
0x399: {  	v50 =	vld.idx.msk [tilespmem:v52+s19+$0x0], $0xffff  }
0x39a: {  	v51 =	vadd.s32 s28, v24;
	s28 =	sadd.s32 $0x3, s25  }
0x39b: {  	v52 =	vor.u32 s28, v15;
	_ =	sdelay $0x3  }
0x39c: {  	[tilespmem:v51+s21+$0x0] =	vst.idx.msk $0xffff, v50  }
0x39d: {  	v50 =	vld.idx.msk [tilespmem:v52+s19+$0x0], $0xffff  }
0x39e: {  	v51 =	vadd.s32 s28, v24;
	s28 =	sadd.s32 $0x4, s25  }
0x39f: {  	v52 =	vor.u32 s28, v15;
	_ =	sdelay $0x3  }
0x3a0: {  	[tilespmem:v51+s21+$0x0] =	vst.idx.msk $0xffff, v50  }
0x3a1: {  	v50 =	vld.idx.msk [tilespmem:v52+s19+$0x0], $0xffff  }
0x3a2: {  	v51 =	vor.u32 s28, v24;
	s28 =	sadd.s32 $0x5, s25  }
0x3a3: {  	v52 =	vor.u32 s28, v15  }
0x3a4: {  	v53 =	vmov s28  }
0x3a5: {  	v53 =	vadd.s32 $0x83, v53  }
0x3a6: {  	v54 =	vshll.u32 v53, $0x3  }
0x3a7: {  	[tilespmem:v51+s21+$0x0] =	vst.idx.msk $0xffff, v50;
	v50 =	vand.u32 $0x78, v53;
	v51 =	vand.u32 $0xC00, v54  }
0x3a8: {  	v52 =	vld.idx.msk [tilespmem:v52+s19+$0x0], $0xffff;
	v50 =	vor.u32 v50, v51  }
0x3a9: {  	s28 =	sadd.s32 $0x6, s25;
	v50 =	vadd.s32 v16, v50  }
0x3aa: {  	v51 =	vor.u32 s28, v15  }
0x3ab: {  	v53 =	vmov s28  }
0x3ac: {  	v53 =	vadd.s32 $0x83, v53  }
0x3ad: {  	v54 =	vshll.u32 v53, $0x3  }
0x3ae: {  	[tilespmem:v50+s21+$0x0] =	vst.idx.msk $0xffff, v52;
	v50 =	vand.u32 $0x79, v53;
	v52 =	vand.u32 $0xC00, v54  }
0x3af: {  	v51 =	vld.idx.msk [tilespmem:v51+s19+$0x0], $0xffff;
	v50 =	vor.u32 v50, v52  }
0x3b0: {  	s28 =	sadd.s32 $0x7, s25;
	s25 =	smov.u32 s26;
	v50 =	vadd.s32 v16, v50  }
0x3b1: {  	v52 =	vor.u32 s28, v15  }
0x3b2: {  	v53 =	vmov s28  }
0x3b3: {  	v53 =	vadd.s32 $0x83, v53  }
.Ltmp8:
0x3b4: {  	v54 =	vshll.u32 v53, $0x3;
	(pc) =	sbr.rel @p0 .LBB2_10-.Ltmp8, $4  }
0x3b5: {  	[tilespmem:v50+s21+$0x0] =	vst.idx.msk $0xffff, v51;
	v51 =	vand.u32 $0x7A, v53;
	v53 =	vand.u32 $0xC00, v54  }
0x3b6: {  	v50 =	vld.idx.msk [tilespmem:v52+s19+$0x0], $0xffff;
	v51 =	vor.u32 v51, v53  }
0x3b7: {  	v51 =	vadd.s32 v16, v51  }
0x3b8: {  	s26 =	sadd.s32 $0x8, s26;
	v52 =	vor.u32 s25, v15  }
0x3b9: {  	_ =	sdelay $0x3  }
0x3ba: {  	[tilespmem:v51+s21+$0x0] =	vst.idx.msk $0xffff, v50  }
0x3bb: {  	v62 =	vor.u32 s25, v24;
	s26 =	sadd.s32 $0x1, s25;
	v50 =	vld.idx.msk [tilespmem:v52+s19+$0x0], $0xffff  }
0x3bc: {  	v63 =	vor.u32 s26, v15;
	_ =	sdelay $0x3  }
0x3bd: {  	[tilespmem:v62+s21+$0x0] =	vst.idx.msk $0xffff, v50  }
0x3be: {  	s31 =	sadd.s32 $0x2, s25;
	v56 =	vadd.s32 s26, v24;
	v50 =	vld.idx.msk [tilespmem:v63+s19+$0x0], $0xffff  }
0x3bf: {  	v57 =	vor.u32 s31, v15;
	_ =	sdelay $0x3  }
0x3c0: {  	[tilespmem:v56+s21+$0x0] =	vst.idx.msk $0xffff, v50  }
0x3c1: {  	s28 =	sadd.s32 $0x3, s25;
	v58 =	vadd.s32 s31, v24;
	v50 =	vld.idx.msk [tilespmem:v57+s19+$0x0], $0xffff  }
0x3c2: {  	v59 =	vor.u32 s28, v15;
	_ =	sdelay $0x3  }
0x3c3: {  	[tilespmem:v58+s21+$0x0] =	vst.idx.msk $0xffff, v50  }
0x3c4: {  	s29 =	sadd.s32 $0x4, s25;
	v60 =	vadd.s32 s28, v24;
	v50 =	vld.idx.msk [tilespmem:v59+s19+$0x0], $0xffff  }
0x3c5: {  	v61 =	vor.u32 s29, v15;
	_ =	sdelay $0x3  }
0x3c6: {  	[tilespmem:v60+s21+$0x0] =	vst.idx.msk $0xffff, v50  }
0x3c7: {  	s30 =	sadd.s32 $0x5, s25;
	v62 =	vor.u32 s29, v24;
	v50 =	vld.idx.msk [tilespmem:v61+s19+$0x0], $0xffff  }
0x3c8: {  	v53 =	vmov s30;
	v63 =	vor.u32 s30, v15  }
0x3c9: {  	v53 =	vadd.s32 $0x83, v53  }
0x3ca: {  	v54 =	vshll.u32 v53, $0x3  }
0x3cb: {  	v53 =	vand.u32 $0x78, v53;
	v54 =	vand.u32 $0xC00, v54  }
0x3cc: {  	v56 =	vor.u32 v53, v54;
	[tilespmem:v62+s21+$0x0] =	vst.idx.msk $0xffff, v50  }
0x3cd: {  	s31 =	sadd.s32 $0x6, s25;
	v50 =	vadd.s32 v16, v56;
	v51 =	vld.idx.msk [tilespmem:v63+s19+$0x0], $0xffff  }
0x3ce: {  	v57 =	vor.u32 s31, v15;
	v58 =	vmov s31  }
0x3cf: {  	v53 =	vadd.s32 $0x83, v58  }
0x3d0: {  	v59 =	vshll.u32 v53, $0x3  }
0x3d1: {  	v53 =	vand.u32 $0x79, v53;
	v54 =	vand.u32 $0xC00, v59  }
0x3d2: {  	v60 =	vor.u32 v53, v54;
	[tilespmem:v50+s21+$0x0] =	vst.idx.msk $0xffff, v51  }
0x3d3: {  	s28 =	sadd.s32 $0x7, s25;
	v50 =	vadd.s32 v16, v60;
	v51 =	vld.idx.msk [tilespmem:v57+s19+$0x0], $0xffff  }
0x3d4: {  	v61 =	vor.u32 s28, v15;
	v62 =	vmov s28  }
0x3d5: {  	v53 =	vadd.s32 $0x83, v62  }
0x3d6: {  	v63 =	vshll.u32 v53, $0x3  }
0x3d7: {  	v53 =	vand.u32 $0x7A, v53;
	v54 =	vand.u32 $0xC00, v63  }
0x3d8: {  	v56 =	vor.u32 v53, v54;
	[tilespmem:v50+s21+$0x0] =	vst.idx.msk $0xffff, v51  }
0x3d9: {  	v50 =	vadd.s32 v16, v56;
	v51 =	vld.idx.msk [tilespmem:v61+s19+$0x0], $0xffff;
	_ =	sdelay $0x4  }
0x3da: {  	[tilespmem:v50+s21+$0x0] =	vst.idx.msk $0xffff, v51  }
0x3db: {  	v50 =	vld [tilespmem:$0xA020];
	_ =	sdelay $0x4  }
0x3dc: {  	v57 =	vadd.s32 $0x80, v50  }
0x3dd: {  	v58 =	vld.idx.msk [tilespmem:v25+s16+$0x0], $0xffff  }
0x3de: {  	v59 =	vld.idx.msk [tilespmem:v2+s13+$0x0], $0xffff  }
0x3df: {  	v60 =	vld.idx.msk [tilespmem:v26+s4+$0x0], $0xffff  }
0x3e0: {  	v50 =	vld.idx.msk [tilespmem:v50+s13+$0x0], $0xffff  }
0x3e1: {  	v51 =	vld.idx.msk [tilespmem:v57+s13+$0x0], $0xffff;
	_ =	sdelay $0x2  }
0x3e2: {  	v52 =	vsub.f32 v58, v59;
	_ =	sdelay $0x1  }
0x3e3: {  	v61 =	vmul.f32 v60, v50;
	v52 =	vmul.f32 v52, v51;
	_ =	sdelay $0x1  }
0x3e4: {  	v52 =	vadd.f32 v52, v61;
	_ =	sdelay $0x1  }
0x3e5: {  	[tilespmem:v27+s21+$0x0] =	vst.idx.msk $0xffff, v52  }
0x3e6: {  	v52 =	vld.idx.msk [tilespmem:v28+s16+$0x0], $0xffff  }
0x3e7: {  	v62 =	vld.idx.msk [tilespmem:v6+s13+$0x0], $0xffff;
	_ =	sdelay $0x1  }
0x3e8: {  	v63 =	vld.idx.msk [tilespmem:v29+s4+$0x0], $0xffff;
	_ =	sdelay $0x2  }
0x3e9: {  	v52 =	vsub.f32 v52, v62;
	_ =	sdelay $0x1  }
0x3ea: {  	v57 =	vmul.f32 v63, v50;
	v52 =	vmul.f32 v52, v51;
	_ =	sdelay $0x1  }
0x3eb: {  	v52 =	vadd.f32 v52, v57;
	_ =	sdelay $0x1  }
0x3ec: {  	[tilespmem:v30+s21+$0x0] =	vst.idx.msk $0xffff, v52  }
0x3ed: {  	v52 =	vld.idx.msk [tilespmem:v31+s16+$0x0], $0xffff  }
0x3ee: {  	v58 =	vld.idx.msk [tilespmem:v10+s13+$0x0], $0xffff;
	_ =	sdelay $0x1  }
0x3ef: {  	s29 =	simm.s32 $0x3;
	v59 =	vld.idx.msk [tilespmem:v32+s4+$0x0], $0xffff  }
0x3f0: {  	v55 =	vmov s29  }
0x3f1: {  	v60 =	vshll.u32 v55, $0x3  }
0x3f2: {  	v55 =	vand.u32 $0x7F, v55;
	v53 =	vand.u32 $0x400, v60;
	v52 =	vsub.f32 v52, v58  }
0x3f3: {  	v53 =	vor.u32 v55, v53  }
0x3f4: {  	v61 =	vadd.s32 s29, v34;
	v54 =	vmul.f32 v59, v50;
	v52 =	vmul.f32 v52, v51  }
0x3f5: {  	v56 =	vor.u32 v25, v53  }
0x3f6: {  	v52 =	vadd.f32 v52, v54;
	_ =	sdelay $0x1  }
0x3f7: {  	[tilespmem:v33+s21+$0x0] =	vst.idx.msk $0xffff, v52  }
0x3f8: {  	v52 =	vld.idx.msk [tilespmem:v61+s15+$0x0], $0xffff  }
0x3f9: {  	s30 =	simm.s32 $0x4;
	v62 =	vld.idx.msk [tilespmem:v56+s16+$0x0], $0xffff  }
0x3fa: {  	v63 =	vmov s30  }
0x3fb: {  	v60 =	vshll.u32 v63, $0x3  }
0x3fc: {  	v55 =	vand.u32 $0x7F, v63;
	v56 =	vand.u32 $0xC00, v60  }
0x3fd: {  	v53 =	vadd.s32 v27, v53;
	v55 =	vor.u32 v55, v56  }
0x3fe: {  	v56 =	vadd.s32 v25, v55;
	v52 =	vmul.f32 v52, v50;
	v54 =	vmul.f32 v62, v51  }
0x3ff: {  	v57 =	vadd.s32 s30, v34  }
0x400: {  	v52 =	vadd.f32 v52, v54;
	_ =	sdelay $0x1  }
0x401: {  	[tilespmem:v53+s21+$0x0] =	vst.idx.msk $0xffff, v52  }
0x402: {  	v52 =	vld.idx.msk [tilespmem:v56+s16+$0x0], $0xffff  }
0x403: {  	s31 =	simm.s32 $0x5;
	v53 =	vld.idx.msk [tilespmem:v57+s15+$0x0], $0xffff  }
0x404: {  	v61 =	vmov s31  }
0x405: {  	v62 =	vshll.u32 v61, $0x3  }
0x406: {  	v54 =	vand.u32 $0x7F, v61;
	v56 =	vand.u32 $0xC00, v62  }
0x407: {  	v55 =	vadd.s32 v27, v55;
	v54 =	vor.u32 v54, v56  }
0x408: {  	v56 =	vadd.s32 v25, v54;
	v52 =	vmul.f32 v52, v51;
	v53 =	vmul.f32 v53, v50  }
0x409: {  	v63 =	vadd.s32 s31, v34  }
0x40a: {  	v52 =	vadd.f32 v53, v52;
	_ =	sdelay $0x1  }
0x40b: {  	[tilespmem:v55+s21+$0x0] =	vst.idx.msk $0xffff, v52  }
0x40c: {  	v52 =	vld.idx.msk [tilespmem:v56+s16+$0x0], $0xffff  }
0x40d: {  	s26 =	simm.s32 $0x6;
	v60 =	vld.idx.msk [tilespmem:v63+s15+$0x0], $0xffff  }
0x40e: {  	v61 =	vmov s26  }
0x40f: {  	v62 =	vshll.u32 v61, $0x3  }
0x410: {  	v55 =	vand.u32 $0x7F, v61;
	v56 =	vand.u32 $0xC00, v62  }
0x411: {  	v54 =	vadd.s32 v27, v54;
	v55 =	vor.u32 v55, v56  }
0x412: {  	v56 =	vadd.s32 v25, v55;
	v52 =	vmul.f32 v52, v51;
	v53 =	vmul.f32 v60, v50  }
0x413: {  	v63 =	vadd.s32 s26, v34  }
0x414: {  	v52 =	vadd.f32 v53, v52;
	_ =	sdelay $0x1  }
0x415: {  	[tilespmem:v54+s21+$0x0] =	vst.idx.msk $0xffff, v52  }
0x416: {  	v52 =	vld.idx.msk [tilespmem:v56+s16+$0x0], $0xffff  }
0x417: {  	s28 =	simm.s32 $0x7;
	v60 =	vld.idx.msk [tilespmem:v63+s15+$0x0], $0xffff  }
0x418: {  	v61 =	vmov s28  }
0x419: {  	v62 =	vshll.u32 v61, $0x3  }
0x41a: {  	v54 =	vand.u32 $0x7F, v61;
	v56 =	vand.u32 $0xC00, v62  }
0x41b: {  	v55 =	vadd.s32 v27, v55;
	v54 =	vor.u32 v54, v56  }
0x41c: {  	v56 =	vadd.s32 v25, v54;
	v52 =	vmul.f32 v52, v51;
	v53 =	vmul.f32 v60, v50  }
0x41d: {  	v63 =	vadd.s32 s28, v34  }
0x41e: {  	v52 =	vadd.f32 v53, v52;
	_ =	sdelay $0x1  }
0x41f: {  	[tilespmem:v55+s21+$0x0] =	vst.idx.msk $0xffff, v52  }
0x420: {  	v52 =	vld.idx.msk [tilespmem:v56+s16+$0x0], $0xffff  }
0x421: {  	s29 =	simm.s32 $0x8;
	v60 =	vld.idx.msk [tilespmem:v63+s15+$0x0], $0xffff  }
0x422: {  	v61 =	vmov s29  }
0x423: {  	v62 =	vshll.u32 v61, $0x3  }
0x424: {  	v55 =	vand.u32 $0x7F, v61;
	v56 =	vand.u32 $0xC00, v62  }
0x425: {  	v54 =	vadd.s32 v27, v54;
	v55 =	vor.u32 v55, v56  }
0x426: {  	v56 =	vadd.s32 v25, v55;
	v52 =	vmul.f32 v52, v51;
	v53 =	vmul.f32 v60, v50  }
0x427: {  	v63 =	vadd.s32 s29, v34  }
0x428: {  	v52 =	vadd.f32 v53, v52;
	_ =	sdelay $0x1  }
0x429: {  	[tilespmem:v54+s21+$0x0] =	vst.idx.msk $0xffff, v52  }
0x42a: {  	v52 =	vld.idx.msk [tilespmem:v56+s16+$0x0], $0xffff  }
0x42b: {  	s30 =	simm.s32 $0x9;
	v60 =	vld.idx.msk [tilespmem:v63+s15+$0x0], $0xffff  }
0x42c: {  	v61 =	vmov s30  }
0x42d: {  	v62 =	vshll.u32 v61, $0x3  }
0x42e: {  	v54 =	vand.u32 $0x7F, v61;
	v56 =	vand.u32 $0xC00, v62  }
0x42f: {  	v55 =	vadd.s32 v27, v55;
	v54 =	vor.u32 v54, v56  }
0x430: {  	v56 =	vadd.s32 v25, v54;
	v52 =	vmul.f32 v52, v51;
	v53 =	vmul.f32 v60, v50  }
0x431: {  	v63 =	vadd.s32 s30, v34  }
0x432: {  	v52 =	vadd.f32 v53, v52;
	_ =	sdelay $0x1  }
0x433: {  	[tilespmem:v55+s21+$0x0] =	vst.idx.msk $0xffff, v52  }
0x434: {  	v52 =	vld.idx.msk [tilespmem:v56+s16+$0x0], $0xffff  }
0x435: {  	s31 =	simm.s32 $0xA;
	v60 =	vld.idx.msk [tilespmem:v63+s15+$0x0], $0xffff  }
0x436: {  	v61 =	vmov s31  }
0x437: {  	v62 =	vshll.u32 v61, $0x3  }
0x438: {  	v55 =	vand.u32 $0x7F, v61;
	v56 =	vand.u32 $0xC00, v62  }
0x439: {  	v54 =	vadd.s32 v27, v54;
	v55 =	vor.u32 v55, v56  }
0x43a: {  	v56 =	vadd.s32 v25, v55;
	v52 =	vmul.f32 v52, v51;
	v53 =	vmul.f32 v60, v50  }
0x43b: {  	v63 =	vadd.s32 s31, v34  }
0x43c: {  	v52 =	vadd.f32 v53, v52;
	_ =	sdelay $0x1  }
0x43d: {  	[tilespmem:v54+s21+$0x0] =	vst.idx.msk $0xffff, v52  }
0x43e: {  	v54 =	vld.idx.msk [tilespmem:v56+s16+$0x0], $0xffff  }
0x43f: {  	s25 =	simm.s32 $0xB;
	s26 =	simm.s32 $0x13;
	v52 =	vadd.s32 v27, v55;
	v53 =	vld.idx.msk [tilespmem:v63+s15+$0x0], $0xffff  }
.LBB2_12:
0x440: {  	_ = 	snop  }
0x441: {  	p0 =	slt.u32 s26, $0x7B;
	v55 =	vmov s25;
	s28 =	smov.u32 s26;
	s26 =	sadd.s32 $0x8, s26  }
0x442: {  	v56 =	vshll.u32 v55, $0x3  }
0x443: {  	v55 =	vand.u32 $0x7F, v55;
	v56 =	vand.u32 $0x400, v56;
	v54 =	vmul.f32 v54, v51  }
0x444: {  	v55 =	vor.u32 v55, v56;
	v56 =	vadd.s32 s25, v34;
	v53 =	vmul.f32 v53, v50  }
0x445: {  	v57 =	vor.u32 v25, v55  }
0x446: {  	v53 =	vadd.f32 v53, v54;
	_ =	sdelay $0x1  }
0x447: {  	[tilespmem:v52+s21+$0x0] =	vst.idx.msk $0xffff, v53  }
0x448: {  	v52 =	vld.idx.msk [tilespmem:v56+s15+$0x0], $0xffff  }
0x449: {  	v53 =	vld.idx.msk [tilespmem:v57+s16+$0x0], $0xffff  }
0x44a: {  	s29 =	sadd.s32 $0x1, s25  }
0x44b: {  	v54 =	vmov s29  }
0x44c: {  	v56 =	vshll.u32 v54, $0x3  }
0x44d: {  	v54 =	vand.u32 $0x7F, v54;
	v56 =	vand.u32 $0xC00, v56  }
0x44e: {  	v55 =	vadd.s32 v27, v55;
	v54 =	vor.u32 v54, v56;
	v56 =	vadd.s32 s29, v34  }
0x44f: {  	v57 =	vadd.s32 v25, v54;
	v52 =	vmul.f32 v52, v50;
	v53 =	vmul.f32 v53, v51;
	_ =	sdelay $0x1  }
0x450: {  	v52 =	vadd.f32 v52, v53;
	_ =	sdelay $0x1  }
0x451: {  	[tilespmem:v55+s21+$0x0] =	vst.idx.msk $0xffff, v52  }
0x452: {  	v52 =	vld.idx.msk [tilespmem:v57+s16+$0x0], $0xffff  }
0x453: {  	v53 =	vld.idx.msk [tilespmem:v56+s15+$0x0], $0xffff  }
0x454: {  	s29 =	sadd.s32 $0x2, s25  }
0x455: {  	v55 =	vmov s29  }
0x456: {  	v56 =	vshll.u32 v55, $0x3  }
0x457: {  	v54 =	vadd.s32 v27, v54;
	v55 =	vand.u32 $0x7F, v55;
	v56 =	vand.u32 $0xC00, v56  }
0x458: {  	v55 =	vor.u32 v55, v56;
	v52 =	vmul.f32 v52, v51  }
0x459: {  	v57 =	vadd.s32 s29, v34;
	v56 =	vadd.s32 v25, v55;
	v53 =	vmul.f32 v53, v50;
	_ =	sdelay $0x1  }
0x45a: {  	v52 =	vadd.f32 v53, v52;
	_ =	sdelay $0x1  }
0x45b: {  	[tilespmem:v54+s21+$0x0] =	vst.idx.msk $0xffff, v52  }
0x45c: {  	v52 =	vld.idx.msk [tilespmem:v56+s16+$0x0], $0xffff  }
0x45d: {  	v53 =	vld.idx.msk [tilespmem:v57+s15+$0x0], $0xffff  }
0x45e: {  	s29 =	sadd.s32 $0x3, s25  }
0x45f: {  	v54 =	vmov s29  }
0x460: {  	v55 =	vadd.s32 v27, v55;
	v56 =	vshll.u32 v54, $0x3  }
0x461: {  	v54 =	vand.u32 $0x7F, v54;
	v56 =	vand.u32 $0xC00, v56  }
0x462: {  	v54 =	vor.u32 v54, v56;
	v52 =	vmul.f32 v52, v51  }
0x463: {  	v57 =	vadd.s32 s29, v34;
	v56 =	vadd.s32 v25, v54;
	v53 =	vmul.f32 v53, v50;
	_ =	sdelay $0x1  }
0x464: {  	v52 =	vadd.f32 v53, v52;
	_ =	sdelay $0x1  }
0x465: {  	[tilespmem:v55+s21+$0x0] =	vst.idx.msk $0xffff, v52  }
0x466: {  	v52 =	vld.idx.msk [tilespmem:v56+s16+$0x0], $0xffff  }
0x467: {  	v53 =	vld.idx.msk [tilespmem:v57+s15+$0x0], $0xffff  }
0x468: {  	s29 =	sadd.s32 $0x4, s25  }
0x469: {  	v54 =	vadd.s32 v27, v54;
	v55 =	vmov s29  }
0x46a: {  	v56 =	vshll.u32 v55, $0x3  }
0x46b: {  	v55 =	vand.u32 $0x7F, v55;
	v56 =	vand.u32 $0xC00, v56  }
0x46c: {  	v55 =	vor.u32 v55, v56;
	v52 =	vmul.f32 v52, v51  }
0x46d: {  	v57 =	vadd.s32 s29, v34;
	v56 =	vadd.s32 v25, v55;
	v53 =	vmul.f32 v53, v50;
	_ =	sdelay $0x1  }
0x46e: {  	v52 =	vadd.f32 v53, v52;
	_ =	sdelay $0x1  }
0x46f: {  	[tilespmem:v54+s21+$0x0] =	vst.idx.msk $0xffff, v52  }
0x470: {  	v52 =	vld.idx.msk [tilespmem:v56+s16+$0x0], $0xffff  }
0x471: {  	v53 =	vld.idx.msk [tilespmem:v57+s15+$0x0], $0xffff  }
0x472: {  	s29 =	sadd.s32 $0x5, s25;
	v54 =	vadd.s32 v27, v55  }
0x473: {  	v55 =	vmov s29  }
0x474: {  	v56 =	vshll.u32 v55, $0x3  }
0x475: {  	v55 =	vand.u32 $0x7F, v55;
	v56 =	vand.u32 $0xC00, v56  }
0x476: {  	v55 =	vor.u32 v55, v56;
	v52 =	vmul.f32 v52, v51  }
0x477: {  	v57 =	vadd.s32 s29, v34;
	v56 =	vadd.s32 v25, v55;
	v53 =	vmul.f32 v53, v50;
	_ =	sdelay $0x1  }
0x478: {  	v52 =	vadd.f32 v53, v52;
	_ =	sdelay $0x1  }
0x479: {  	[tilespmem:v54+s21+$0x0] =	vst.idx.msk $0xffff, v52  }
0x47a: {  	v52 =	vld.idx.msk [tilespmem:v56+s16+$0x0], $0xffff  }
0x47b: {  	v54 =	vadd.s32 v27, v55;
	v53 =	vld.idx.msk [tilespmem:v57+s15+$0x0], $0xffff  }
0x47c: {  	s29 =	sadd.s32 $0x6, s25  }
0x47d: {  	v55 =	vmov s29  }
0x47e: {  	v56 =	vshll.u32 v55, $0x3  }
0x47f: {  	v55 =	vand.u32 $0x7F, v55;
	v56 =	vand.u32 $0xC00, v56  }
0x480: {  	v55 =	vor.u32 v55, v56;
	v52 =	vmul.f32 v52, v51  }
0x481: {  	v57 =	vadd.s32 s29, v34;
	v56 =	vadd.s32 v25, v55;
	v53 =	vmul.f32 v53, v50;
	_ =	sdelay $0x1  }
0x482: {  	v52 =	vadd.f32 v53, v52;
	_ =	sdelay $0x1  }
0x483: {  	[tilespmem:v54+s21+$0x0] =	vst.idx.msk $0xffff, v52  }
0x484: {  	v53 =	vadd.s32 v27, v55;
	v52 =	vld.idx.msk [tilespmem:v56+s16+$0x0], $0xffff  }
0x485: {  	v54 =	vld.idx.msk [tilespmem:v57+s15+$0x0], $0xffff  }
0x486: {  	s29 =	sadd.s32 $0x7, s25;
	s25 =	smov.u32 s28  }
0x487: {  	v55 =	vmov s29  }
0x488: {  	v56 =	vshll.u32 v55, $0x3  }
0x489: {  	v55 =	vand.u32 $0x7F, v55;
	v56 =	vand.u32 $0xC00, v56  }
0x48a: {  	v55 =	vor.u32 v55, v56;
	v52 =	vmul.f32 v52, v51  }
0x48b: {  	v57 =	vadd.s32 s29, v34;
	v56 =	vadd.s32 v25, v55;
	v54 =	vmul.f32 v54, v50;
	_ =	sdelay $0x1  }
.Ltmp9:
0x48c: {  	v52 =	vadd.f32 v54, v52;
	(pc) =	sbr.rel @p0 .LBB2_12-.Ltmp9, $4  }
0x48d: {  	_ = 	snop  }
0x48e: {  	[tilespmem:v53+s21+$0x0] =	vst.idx.msk $0xffff, v52;
	v52 =	vadd.s32 v27, v55  }
0x48f: {  	v54 =	vld.idx.msk [tilespmem:v56+s16+$0x0], $0xffff  }
0x490: {  	v53 =	vld.idx.msk [tilespmem:v57+s15+$0x0], $0xffff  }
0x491: {  	_ = 	snop  }
0x492: {  	v55 =	vmov s25  }
0x493: {  	v56 =	vshll.u32 v55, $0x3  }
0x494: {  	v62 =	vadd.s32 s25, v34;
	v55 =	vand.u32 $0x7F, v55;
	v56 =	vand.u32 $0x400, v56  }
0x495: {  	v54 =	vmul.f32 v54, v51;
	v55 =	vor.u32 v55, v56;
	v53 =	vmul.f32 v53, v50  }
0x496: {  	v57 =	vor.u32 v25, v55  }
0x497: {  	v53 =	vadd.f32 v53, v54;
	_ =	sdelay $0x1  }
0x498: {  	[tilespmem:v52+s21+$0x0] =	vst.idx.msk $0xffff, v53  }
0x499: {  	v52 =	vld.idx.msk [tilespmem:v62+s15+$0x0], $0xffff  }
0x49a: {  	s26 =	sadd.s32 $0x1, s25;
	v53 =	vld.idx.msk [tilespmem:v57+s16+$0x0], $0xffff  }
0x49b: {  	v63 =	vmov s26  }
0x49c: {  	v60 =	vshll.u32 v63, $0x3  }
0x49d: {  	v56 =	vand.u32 $0xC00, v60;
	v54 =	vand.u32 $0x7F, v63  }
0x49e: {  	v55 =	vadd.s32 v27, v55;
	v54 =	vor.u32 v54, v56  }
0x49f: {  	v56 =	vadd.s32 v25, v54;
	v52 =	vmul.f32 v52, v50;
	v53 =	vmul.f32 v53, v51  }
0x4a0: {  	v61 =	vadd.s32 s26, v34  }
0x4a1: {  	v52 =	vadd.f32 v52, v53;
	_ =	sdelay $0x1  }
0x4a2: {  	[tilespmem:v55+s21+$0x0] =	vst.idx.msk $0xffff, v52  }
0x4a3: {  	v52 =	vld.idx.msk [tilespmem:v56+s16+$0x0], $0xffff  }
0x4a4: {  	s31 =	sadd.s32 $0x2, s25;
	v62 =	vld.idx.msk [tilespmem:v61+s15+$0x0], $0xffff  }
0x4a5: {  	v63 =	vmov s31  }
0x4a6: {  	v60 =	vshll.u32 v63, $0x3  }
0x4a7: {  	v55 =	vand.u32 $0x7F, v63;
	v56 =	vand.u32 $0xC00, v60  }
0x4a8: {  	v54 =	vadd.s32 v27, v54;
	v55 =	vor.u32 v55, v56  }
0x4a9: {  	v56 =	vadd.s32 v25, v55;
	v52 =	vmul.f32 v52, v51;
	v53 =	vmul.f32 v62, v50  }
0x4aa: {  	v61 =	vadd.s32 s31, v34  }
0x4ab: {  	v52 =	vadd.f32 v53, v52;
	_ =	sdelay $0x1  }
0x4ac: {  	[tilespmem:v54+s21+$0x0] =	vst.idx.msk $0xffff, v52  }
0x4ad: {  	v52 =	vld.idx.msk [tilespmem:v56+s16+$0x0], $0xffff  }
0x4ae: {  	s28 =	sadd.s32 $0x3, s25;
	v62 =	vld.idx.msk [tilespmem:v61+s15+$0x0], $0xffff  }
0x4af: {  	v63 =	vmov s28  }
0x4b0: {  	v60 =	vshll.u32 v63, $0x3  }
0x4b1: {  	v54 =	vand.u32 $0x7F, v63;
	v56 =	vand.u32 $0xC00, v60  }
0x4b2: {  	v55 =	vadd.s32 v27, v55;
	v54 =	vor.u32 v54, v56  }
0x4b3: {  	v56 =	vadd.s32 v25, v54;
	v52 =	vmul.f32 v52, v51;
	v53 =	vmul.f32 v62, v50  }
0x4b4: {  	v61 =	vadd.s32 s28, v34  }
0x4b5: {  	v52 =	vadd.f32 v53, v52;
	_ =	sdelay $0x1  }
0x4b6: {  	[tilespmem:v55+s21+$0x0] =	vst.idx.msk $0xffff, v52  }
0x4b7: {  	v52 =	vld.idx.msk [tilespmem:v56+s16+$0x0], $0xffff  }
0x4b8: {  	s29 =	sadd.s32 $0x4, s25;
	v62 =	vld.idx.msk [tilespmem:v61+s15+$0x0], $0xffff  }
0x4b9: {  	v63 =	vmov s29  }
0x4ba: {  	v60 =	vshll.u32 v63, $0x3  }
0x4bb: {  	v55 =	vand.u32 $0x7F, v63;
	v56 =	vand.u32 $0xC00, v60  }
0x4bc: {  	v54 =	vadd.s32 v27, v54;
	v55 =	vor.u32 v55, v56  }
0x4bd: {  	v56 =	vadd.s32 v25, v55;
	v52 =	vmul.f32 v52, v51;
	v53 =	vmul.f32 v62, v50  }
0x4be: {  	v61 =	vadd.s32 s29, v34  }
0x4bf: {  	v52 =	vadd.f32 v53, v52;
	_ =	sdelay $0x1  }
0x4c0: {  	[tilespmem:v54+s21+$0x0] =	vst.idx.msk $0xffff, v52  }
0x4c1: {  	v52 =	vld.idx.msk [tilespmem:v56+s16+$0x0], $0xffff  }
0x4c2: {  	s30 =	sadd.s32 $0x5, s25;
	v62 =	vld.idx.msk [tilespmem:v61+s15+$0x0], $0xffff  }
0x4c3: {  	v63 =	vmov s30  }
0x4c4: {  	v60 =	vshll.u32 v63, $0x3  }
0x4c5: {  	v54 =	vand.u32 $0x7F, v63;
	v56 =	vand.u32 $0xC00, v60  }
0x4c6: {  	v55 =	vadd.s32 v27, v55;
	v54 =	vor.u32 v54, v56  }
0x4c7: {  	v56 =	vadd.s32 v25, v54;
	v52 =	vmul.f32 v52, v51;
	v53 =	vmul.f32 v62, v50  }
0x4c8: {  	v61 =	vadd.s32 s30, v34  }
0x4c9: {  	v52 =	vadd.f32 v53, v52;
	_ =	sdelay $0x1  }
0x4ca: {  	[tilespmem:v55+s21+$0x0] =	vst.idx.msk $0xffff, v52  }
0x4cb: {  	v52 =	vld.idx.msk [tilespmem:v56+s16+$0x0], $0xffff  }
0x4cc: {  	s31 =	sadd.s32 $0x6, s25;
	v62 =	vld.idx.msk [tilespmem:v61+s15+$0x0], $0xffff  }
0x4cd: {  	v63 =	vmov s31  }
0x4ce: {  	v60 =	vshll.u32 v63, $0x3  }
0x4cf: {  	v55 =	vand.u32 $0x7F, v63;
	v56 =	vand.u32 $0xC00, v60  }
0x4d0: {  	v54 =	vadd.s32 v27, v54;
	v55 =	vor.u32 v55, v56  }
0x4d1: {  	v56 =	vadd.s32 v25, v55;
	v52 =	vmul.f32 v52, v51;
	v53 =	vmul.f32 v62, v50  }
0x4d2: {  	v61 =	vadd.s32 s31, v34  }
0x4d3: {  	v52 =	vadd.f32 v53, v52;
	_ =	sdelay $0x1  }
0x4d4: {  	[tilespmem:v54+s21+$0x0] =	vst.idx.msk $0xffff, v52  }
0x4d5: {  	v52 =	vld.idx.msk [tilespmem:v56+s16+$0x0], $0xffff  }
0x4d6: {  	s28 =	sadd.s32 $0x7, s25;
	v62 =	vld.idx.msk [tilespmem:v61+s15+$0x0], $0xffff  }
0x4d7: {  	v63 =	vmov s28  }
0x4d8: {  	v60 =	vshll.u32 v63, $0x3  }
0x4d9: {  	v54 =	vand.u32 $0x7F, v63;
	v56 =	vand.u32 $0xC00, v60  }
0x4da: {  	v55 =	vadd.s32 v27, v55;
	v54 =	vor.u32 v54, v56  }
0x4db: {  	v56 =	vadd.s32 v25, v54;
	v52 =	vmul.f32 v52, v51;
	v53 =	vmul.f32 v62, v50  }
0x4dc: {  	v61 =	vadd.s32 s28, v34  }
0x4dd: {  	v52 =	vadd.f32 v53, v52;
	_ =	sdelay $0x1  }
0x4de: {  	[tilespmem:v55+s21+$0x0] =	vst.idx.msk $0xffff, v52  }
0x4df: {  	v52 =	vld.idx.msk [tilespmem:v56+s16+$0x0], $0xffff  }
0x4e0: {  	v62 =	vld.idx.msk [tilespmem:v61+s15+$0x0], $0xffff;
	_ =	sdelay $0x3  }
0x4e1: {  	s29 =	simm.s32 $0x0;
	v54 =	vadd.s32 v27, v54  }
0x4e2: {  	v57 =	vor.u32 s29, v26;
	v63 =	vmul.f32 v52, v51;
	v56 =	vmul.f32 v62, v50;
	_ =	sdelay $0x1  }
0x4e3: {  	v50 =	vadd.f32 v56, v63;
	_ =	sdelay $0x1  }
0x4e4: {  	[tilespmem:v54+s21+$0x0] =	vst.idx.msk $0xffff, v50  }
0x4e5: {  	v58 =	vor.u32 s29, v35;
	s30 =	simm.s32 $0x1;
	v50 =	vld.idx.msk [tilespmem:v57+s19+$0x0], $0xffff  }
0x4e6: {  	v59 =	vor.u32 s30, v26;
	_ =	sdelay $0x3  }
0x4e7: {  	[tilespmem:v58+s21+$0x0] =	vst.idx.msk $0xffff, v50  }
0x4e8: {  	s31 =	simm.s32 $0x2;
	v60 =	vadd.s32 s30, v35;
	v50 =	vld.idx.msk [tilespmem:v59+s19+$0x0], $0xffff  }
0x4e9: {  	v61 =	vor.u32 s31, v26;
	_ =	sdelay $0x3  }
0x4ea: {  	[tilespmem:v60+s21+$0x0] =	vst.idx.msk $0xffff, v50  }
0x4eb: {  	s26 =	simm.s32 $0x3;
	v62 =	vadd.s32 s31, v35;
	v50 =	vld.idx.msk [tilespmem:v61+s19+$0x0], $0xffff  }
0x4ec: {  	v63 =	vor.u32 s26, v26;
	_ =	sdelay $0x3  }
0x4ed: {  	[tilespmem:v62+s21+$0x0] =	vst.idx.msk $0xffff, v50  }
0x4ee: {  	s28 =	simm.s32 $0x4;
	v56 =	vadd.s32 s26, v35;
	v50 =	vld.idx.msk [tilespmem:v63+s19+$0x0], $0xffff  }
0x4ef: {  	v57 =	vor.u32 s28, v26;
	_ =	sdelay $0x3  }
0x4f0: {  	[tilespmem:v56+s21+$0x0] =	vst.idx.msk $0xffff, v50  }
0x4f1: {  	s29 =	simm.s32 $0x5;
	v58 =	vor.u32 s28, v35;
	v50 =	vld.idx.msk [tilespmem:v57+s19+$0x0], $0xffff  }
0x4f2: {  	v59 =	vor.u32 s29, v26;
	v60 =	vmov s29  }
0x4f3: {  	v53 =	vadd.s32 $0x83, v60  }
0x4f4: {  	v61 =	vshll.u32 v53, $0x3  }
0x4f5: {  	v53 =	vand.u32 $0x78, v53;
	v54 =	vand.u32 $0xC00, v61  }
0x4f6: {  	v62 =	vor.u32 v53, v54;
	[tilespmem:v58+s21+$0x0] =	vst.idx.msk $0xffff, v50  }
0x4f7: {  	s30 =	simm.s32 $0x6;
	v50 =	vadd.s32 v27, v62;
	v51 =	vld.idx.msk [tilespmem:v59+s19+$0x0], $0xffff  }
0x4f8: {  	v63 =	vor.u32 s30, v26;
	v57 =	vmov s30  }
0x4f9: {  	v53 =	vadd.s32 $0x83, v57  }
0x4fa: {  	v58 =	vshll.u32 v53, $0x3  }
0x4fb: {  	v53 =	vand.u32 $0x79, v53;
	v54 =	vand.u32 $0xC00, v58  }
0x4fc: {  	v59 =	vor.u32 v53, v54;
	[tilespmem:v50+s21+$0x0] =	vst.idx.msk $0xffff, v51  }
0x4fd: {  	s31 =	simm.s32 $0x7;
	v50 =	vadd.s32 v27, v59;
	v51 =	vld.idx.msk [tilespmem:v63+s19+$0x0], $0xffff  }
0x4fe: {  	v60 =	vor.u32 s31, v26;
	v61 =	vmov s31  }
0x4ff: {  	v53 =	vadd.s32 $0x83, v61  }
0x500: {  	v62 =	vshll.u32 v53, $0x3  }
0x501: {  	v53 =	vand.u32 $0x7A, v53;
	v54 =	vand.u32 $0xC00, v62  }
0x502: {  	v63 =	vor.u32 v53, v54;
	[tilespmem:v50+s21+$0x0] =	vst.idx.msk $0xffff, v51  }
0x503: {  	s25 =	simm.s32 $0x8;
	v51 =	vadd.s32 v27, v63;
	v50 =	vld.idx.msk [tilespmem:v60+s19+$0x0], $0xffff  }
0x504: {  	v52 =	vor.u32 s25, v26;
	s26 =	simm.s32 $0x10  }
.LBB2_14:
0x505: {  	p0 =	slt.u32 s26, $0x78;
	_ =	sdelay $0x2  }
0x506: {  	[tilespmem:v51+s21+$0x0] =	vst.idx.msk $0xffff, v50  }
0x507: {  	v50 =	vld.idx.msk [tilespmem:v52+s19+$0x0], $0xffff  }
0x508: {  	s28 =	sadd.s32 $0x1, s25;
	v51 =	vor.u32 s25, v35  }
0x509: {  	v52 =	vor.u32 s28, v26;
	_ =	sdelay $0x3  }
0x50a: {  	[tilespmem:v51+s21+$0x0] =	vst.idx.msk $0xffff, v50  }
0x50b: {  	v50 =	vld.idx.msk [tilespmem:v52+s19+$0x0], $0xffff  }
0x50c: {  	v51 =	vadd.s32 s28, v35;
	s28 =	sadd.s32 $0x2, s25  }
0x50d: {  	v52 =	vor.u32 s28, v26;
	_ =	sdelay $0x3  }
0x50e: {  	[tilespmem:v51+s21+$0x0] =	vst.idx.msk $0xffff, v50  }
0x50f: {  	v50 =	vld.idx.msk [tilespmem:v52+s19+$0x0], $0xffff  }
0x510: {  	v51 =	vadd.s32 s28, v35;
	s28 =	sadd.s32 $0x3, s25  }
0x511: {  	v52 =	vor.u32 s28, v26;
	_ =	sdelay $0x3  }
0x512: {  	[tilespmem:v51+s21+$0x0] =	vst.idx.msk $0xffff, v50  }
0x513: {  	v50 =	vld.idx.msk [tilespmem:v52+s19+$0x0], $0xffff  }
0x514: {  	v51 =	vadd.s32 s28, v35;
	s28 =	sadd.s32 $0x4, s25  }
0x515: {  	v52 =	vor.u32 s28, v26;
	_ =	sdelay $0x3  }
0x516: {  	[tilespmem:v51+s21+$0x0] =	vst.idx.msk $0xffff, v50  }
0x517: {  	v50 =	vld.idx.msk [tilespmem:v52+s19+$0x0], $0xffff  }
0x518: {  	v51 =	vor.u32 s28, v35;
	s28 =	sadd.s32 $0x5, s25  }
0x519: {  	v52 =	vor.u32 s28, v26  }
0x51a: {  	v53 =	vmov s28  }
0x51b: {  	v53 =	vadd.s32 $0x83, v53  }
0x51c: {  	v54 =	vshll.u32 v53, $0x3  }
0x51d: {  	[tilespmem:v51+s21+$0x0] =	vst.idx.msk $0xffff, v50;
	v50 =	vand.u32 $0x78, v53;
	v51 =	vand.u32 $0xC00, v54  }
0x51e: {  	v52 =	vld.idx.msk [tilespmem:v52+s19+$0x0], $0xffff;
	v50 =	vor.u32 v50, v51  }
0x51f: {  	s28 =	sadd.s32 $0x6, s25;
	v50 =	vadd.s32 v27, v50  }
0x520: {  	v51 =	vor.u32 s28, v26  }
0x521: {  	v53 =	vmov s28  }
0x522: {  	v53 =	vadd.s32 $0x83, v53  }
0x523: {  	v54 =	vshll.u32 v53, $0x3  }
0x524: {  	[tilespmem:v50+s21+$0x0] =	vst.idx.msk $0xffff, v52;
	v50 =	vand.u32 $0x79, v53;
	v52 =	vand.u32 $0xC00, v54  }
0x525: {  	v51 =	vld.idx.msk [tilespmem:v51+s19+$0x0], $0xffff;
	v50 =	vor.u32 v50, v52  }
0x526: {  	s28 =	sadd.s32 $0x7, s25;
	s25 =	smov.u32 s26;
	v50 =	vadd.s32 v27, v50  }
0x527: {  	v52 =	vor.u32 s28, v26  }
0x528: {  	v53 =	vmov s28  }
0x529: {  	v53 =	vadd.s32 $0x83, v53  }
.Ltmp10:
0x52a: {  	v54 =	vshll.u32 v53, $0x3;
	(pc) =	sbr.rel @p0 .LBB2_14-.Ltmp10, $4  }
0x52b: {  	[tilespmem:v50+s21+$0x0] =	vst.idx.msk $0xffff, v51;
	v51 =	vand.u32 $0x7A, v53;
	v53 =	vand.u32 $0xC00, v54  }
0x52c: {  	v50 =	vld.idx.msk [tilespmem:v52+s19+$0x0], $0xffff;
	v51 =	vor.u32 v51, v53  }
0x52d: {  	v51 =	vadd.s32 v27, v51  }
0x52e: {  	s26 =	sadd.s32 $0x8, s26;
	v52 =	vor.u32 s25, v26  }
0x52f: {  	_ =	sdelay $0x3  }
0x530: {  	[tilespmem:v51+s21+$0x0] =	vst.idx.msk $0xffff, v50  }
0x531: {  	v58 =	vor.u32 s25, v35;
	s26 =	sadd.s32 $0x1, s25;
	v50 =	vld.idx.msk [tilespmem:v52+s19+$0x0], $0xffff  }
0x532: {  	v59 =	vor.u32 s26, v26;
	_ =	sdelay $0x3  }
0x533: {  	[tilespmem:v58+s21+$0x0] =	vst.idx.msk $0xffff, v50  }
0x534: {  	s31 =	sadd.s32 $0x2, s25;
	v60 =	vadd.s32 s26, v35;
	v50 =	vld.idx.msk [tilespmem:v59+s19+$0x0], $0xffff  }
0x535: {  	v61 =	vor.u32 s31, v26;
	_ =	sdelay $0x3  }
0x536: {  	[tilespmem:v60+s21+$0x0] =	vst.idx.msk $0xffff, v50  }
0x537: {  	s28 =	sadd.s32 $0x3, s25;
	v62 =	vadd.s32 s31, v35;
	v50 =	vld.idx.msk [tilespmem:v61+s19+$0x0], $0xffff  }
0x538: {  	v63 =	vor.u32 s28, v26;
	_ =	sdelay $0x3  }
0x539: {  	[tilespmem:v62+s21+$0x0] =	vst.idx.msk $0xffff, v50  }
0x53a: {  	s29 =	sadd.s32 $0x4, s25;
	v56 =	vadd.s32 s28, v35;
	v50 =	vld.idx.msk [tilespmem:v63+s19+$0x0], $0xffff  }
0x53b: {  	v57 =	vor.u32 s29, v26;
	_ =	sdelay $0x3  }
0x53c: {  	[tilespmem:v56+s21+$0x0] =	vst.idx.msk $0xffff, v50  }
0x53d: {  	s30 =	sadd.s32 $0x5, s25;
	v58 =	vor.u32 s29, v35;
	v50 =	vld.idx.msk [tilespmem:v57+s19+$0x0], $0xffff  }
0x53e: {  	v53 =	vmov s30;
	v59 =	vor.u32 s30, v26  }
0x53f: {  	v53 =	vadd.s32 $0x83, v53  }
0x540: {  	v54 =	vshll.u32 v53, $0x3  }
0x541: {  	v53 =	vand.u32 $0x78, v53;
	v54 =	vand.u32 $0xC00, v54  }
0x542: {  	v60 =	vor.u32 v53, v54;
	[tilespmem:v58+s21+$0x0] =	vst.idx.msk $0xffff, v50  }
0x543: {  	s31 =	sadd.s32 $0x6, s25;
	v50 =	vadd.s32 v27, v60;
	v51 =	vld.idx.msk [tilespmem:v59+s19+$0x0], $0xffff  }
0x544: {  	v61 =	vor.u32 s31, v26;
	v62 =	vmov s31  }
0x545: {  	v53 =	vadd.s32 $0x83, v62  }
0x546: {  	v63 =	vshll.u32 v53, $0x3  }
0x547: {  	v53 =	vand.u32 $0x79, v53;
	v54 =	vand.u32 $0xC00, v63  }
0x548: {  	v57 =	vor.u32 v53, v54;
	[tilespmem:v50+s21+$0x0] =	vst.idx.msk $0xffff, v51  }
0x549: {  	s28 =	sadd.s32 $0x7, s25;
	v50 =	vadd.s32 v27, v57;
	v51 =	vld.idx.msk [tilespmem:v61+s19+$0x0], $0xffff  }
0x54a: {  	v58 =	vor.u32 s28, v26;
	v59 =	vmov s28  }
0x54b: {  	v53 =	vadd.s32 $0x83, v59  }
0x54c: {  	v60 =	vshll.u32 v53, $0x3  }
0x54d: {  	v53 =	vand.u32 $0x7A, v53;
	v54 =	vand.u32 $0xC00, v60  }
0x54e: {  	v61 =	vor.u32 v53, v54;
	[tilespmem:v50+s21+$0x0] =	vst.idx.msk $0xffff, v51  }
0x54f: {  	v50 =	vadd.s32 v27, v61;
	v51 =	vld.idx.msk [tilespmem:v58+s19+$0x0], $0xffff;
	_ =	sdelay $0x4  }
0x550: {  	[tilespmem:v50+s21+$0x0] =	vst.idx.msk $0xffff, v51  }
0x551: {  	v51 =	vld [tilespmem:$0xA030];
	_ =	sdelay $0x2  }
0x552: {  	v50 =	vor.u32 $0x1800, v1;
	_ =	sdelay $0x1  }
0x553: {  	v62 =	vadd.s32 $0x80, v51  }
0x554: {  	v63 =	vld.idx.msk [tilespmem:v36+s16+$0x0], $0xffff  }
0x555: {  	v57 =	vld.idx.msk [tilespmem:v2+s13+$0x0], $0xffff  }
0x556: {  	v55 =	vld.idx.msk [tilespmem:v50+s4+$0x0], $0xffff  }
0x557: {  	v51 =	vld.idx.msk [tilespmem:v51+s13+$0x0], $0xffff  }
0x558: {  	v52 =	vld.idx.msk [tilespmem:v62+s13+$0x0], $0xffff;
	_ =	sdelay $0x2  }
0x559: {  	v53 =	vsub.f32 v63, v57;
	_ =	sdelay $0x1  }
0x55a: {  	v58 =	vmul.f32 v55, v51;
	v53 =	vmul.f32 v53, v52;
	_ =	sdelay $0x1  }
0x55b: {  	v53 =	vadd.f32 v53, v58  }
0x55c: {  	v59 =	vor.u32 $0x1801, v1  }
0x55d: {  	[tilespmem:v37+s21+$0x0] =	vst.idx.msk $0xffff, v53  }
0x55e: {  	v53 =	vld.idx.msk [tilespmem:v38+s16+$0x0], $0xffff  }
0x55f: {  	v60 =	vld.idx.msk [tilespmem:v6+s13+$0x0], $0xffff;
	_ =	sdelay $0x1  }
0x560: {  	v54 =	vld.idx.msk [tilespmem:v59+s4+$0x0], $0xffff;
	_ =	sdelay $0x2  }
0x561: {  	v53 =	vsub.f32 v53, v60;
	_ =	sdelay $0x1  }
0x562: {  	v54 =	vmul.f32 v54, v51;
	v53 =	vmul.f32 v53, v52;
	_ =	sdelay $0x1  }
0x563: {  	v53 =	vadd.f32 v53, v54  }
0x564: {  	v61 =	vor.u32 $0x1802, v1  }
0x565: {  	[tilespmem:v39+s21+$0x0] =	vst.idx.msk $0xffff, v53  }
0x566: {  	v53 =	vld.idx.msk [tilespmem:v40+s16+$0x0], $0xffff  }
0x567: {  	v63 =	vld.idx.msk [tilespmem:v10+s13+$0x0], $0xffff;
	_ =	sdelay $0x1  }
0x568: {  	s29 =	simm.s32 $0x3;
	v62 =	vld.idx.msk [tilespmem:v61+s4+$0x0], $0xffff  }
0x569: {  	v56 =	vmov s29  }
0x56a: {  	v57 =	vshll.u32 v56, $0x3  }
0x56b: {  	v56 =	vand.u32 $0x7F, v56;
	v57 =	vand.u32 $0x400, v57;
	v55 =	vsub.f32 v53, v63  }
0x56c: {  	v56 =	vor.u32 v56, v57;
	v53 =	vadd.s32 $0x17FD, v1  }
0x56d: {  	v54 =	vmul.f32 v62, v51;
	v60 =	vadd.s32 s29, v53;
	v55 =	vmul.f32 v55, v52  }
0x56e: {  	v58 =	vor.u32 v36, v56  }
0x56f: {  	v54 =	vadd.f32 v55, v54;
	_ =	sdelay $0x1  }
0x570: {  	[tilespmem:v41+s21+$0x0] =	vst.idx.msk $0xffff, v54  }
0x571: {  	v54 =	vld.idx.msk [tilespmem:v60+s15+$0x0], $0xffff  }
0x572: {  	s30 =	simm.s32 $0x4;
	v61 =	vld.idx.msk [tilespmem:v58+s16+$0x0], $0xffff  }
0x573: {  	v62 =	vmov s30  }
0x574: {  	v63 =	vshll.u32 v62, $0x3  }
0x575: {  	v57 =	vand.u32 $0x7F, v62;
	v58 =	vand.u32 $0xC00, v63  }
0x576: {  	v56 =	vadd.s32 v37, v56;
	v57 =	vor.u32 v57, v58  }
0x577: {  	v58 =	vadd.s32 v36, v57;
	v54 =	vmul.f32 v54, v51;
	v55 =	vmul.f32 v61, v52  }
0x578: {  	v59 =	vadd.s32 s30, v53  }
0x579: {  	v54 =	vadd.f32 v54, v55;
	_ =	sdelay $0x1  }
0x57a: {  	[tilespmem:v56+s21+$0x0] =	vst.idx.msk $0xffff, v54  }
0x57b: {  	v54 =	vld.idx.msk [tilespmem:v58+s16+$0x0], $0xffff  }
0x57c: {  	s31 =	simm.s32 $0x5;
	v60 =	vld.idx.msk [tilespmem:v59+s15+$0x0], $0xffff  }
0x57d: {  	v61 =	vmov s31  }
0x57e: {  	v62 =	vshll.u32 v61, $0x3  }
0x57f: {  	v56 =	vand.u32 $0x7F, v61;
	v58 =	vand.u32 $0xC00, v62  }
0x580: {  	v57 =	vadd.s32 v37, v57;
	v56 =	vor.u32 v56, v58  }
0x581: {  	v58 =	vadd.s32 v36, v56;
	v54 =	vmul.f32 v54, v52;
	v55 =	vmul.f32 v60, v51  }
0x582: {  	v63 =	vadd.s32 s31, v53  }
0x583: {  	v54 =	vadd.f32 v55, v54;
	_ =	sdelay $0x1  }
0x584: {  	[tilespmem:v57+s21+$0x0] =	vst.idx.msk $0xffff, v54  }
0x585: {  	v54 =	vld.idx.msk [tilespmem:v58+s16+$0x0], $0xffff  }
0x586: {  	s26 =	simm.s32 $0x6;
	v60 =	vld.idx.msk [tilespmem:v63+s15+$0x0], $0xffff  }
0x587: {  	v61 =	vmov s26  }
0x588: {  	v62 =	vshll.u32 v61, $0x3  }
0x589: {  	v57 =	vand.u32 $0x7F, v61;
	v58 =	vand.u32 $0xC00, v62  }
0x58a: {  	v56 =	vadd.s32 v37, v56;
	v57 =	vor.u32 v57, v58  }
0x58b: {  	v58 =	vadd.s32 v36, v57;
	v54 =	vmul.f32 v54, v52;
	v55 =	vmul.f32 v60, v51  }
0x58c: {  	v63 =	vadd.s32 s26, v53  }
0x58d: {  	v54 =	vadd.f32 v55, v54;
	_ =	sdelay $0x1  }
0x58e: {  	[tilespmem:v56+s21+$0x0] =	vst.idx.msk $0xffff, v54  }
0x58f: {  	v54 =	vld.idx.msk [tilespmem:v58+s16+$0x0], $0xffff  }
0x590: {  	s28 =	simm.s32 $0x7;
	v60 =	vld.idx.msk [tilespmem:v63+s15+$0x0], $0xffff  }
0x591: {  	v61 =	vmov s28  }
0x592: {  	v62 =	vshll.u32 v61, $0x3  }
0x593: {  	v56 =	vand.u32 $0x7F, v61;
	v58 =	vand.u32 $0xC00, v62  }
0x594: {  	v57 =	vadd.s32 v37, v57;
	v56 =	vor.u32 v56, v58  }
0x595: {  	v58 =	vadd.s32 v36, v56;
	v54 =	vmul.f32 v54, v52;
	v55 =	vmul.f32 v60, v51  }
0x596: {  	v63 =	vadd.s32 s28, v53  }
0x597: {  	v54 =	vadd.f32 v55, v54;
	_ =	sdelay $0x1  }
0x598: {  	[tilespmem:v57+s21+$0x0] =	vst.idx.msk $0xffff, v54  }
0x599: {  	v54 =	vld.idx.msk [tilespmem:v58+s16+$0x0], $0xffff  }
0x59a: {  	s29 =	simm.s32 $0x8;
	v60 =	vld.idx.msk [tilespmem:v63+s15+$0x0], $0xffff  }
0x59b: {  	v61 =	vmov s29  }
0x59c: {  	v62 =	vshll.u32 v61, $0x3  }
0x59d: {  	v57 =	vand.u32 $0x7F, v61;
	v58 =	vand.u32 $0xC00, v62  }
0x59e: {  	v56 =	vadd.s32 v37, v56;
	v57 =	vor.u32 v57, v58  }
0x59f: {  	v58 =	vadd.s32 v36, v57;
	v54 =	vmul.f32 v54, v52;
	v55 =	vmul.f32 v60, v51  }
0x5a0: {  	v63 =	vadd.s32 s29, v53  }
0x5a1: {  	v54 =	vadd.f32 v55, v54;
	_ =	sdelay $0x1  }
0x5a2: {  	[tilespmem:v56+s21+$0x0] =	vst.idx.msk $0xffff, v54  }
0x5a3: {  	v54 =	vld.idx.msk [tilespmem:v58+s16+$0x0], $0xffff  }
0x5a4: {  	s30 =	simm.s32 $0x9;
	v60 =	vld.idx.msk [tilespmem:v63+s15+$0x0], $0xffff  }
0x5a5: {  	v61 =	vmov s30  }
0x5a6: {  	v62 =	vshll.u32 v61, $0x3  }
0x5a7: {  	v56 =	vand.u32 $0x7F, v61;
	v58 =	vand.u32 $0xC00, v62  }
0x5a8: {  	v57 =	vadd.s32 v37, v57;
	v56 =	vor.u32 v56, v58  }
0x5a9: {  	v58 =	vadd.s32 v36, v56;
	v54 =	vmul.f32 v54, v52;
	v55 =	vmul.f32 v60, v51  }
0x5aa: {  	v63 =	vadd.s32 s30, v53  }
0x5ab: {  	v54 =	vadd.f32 v55, v54;
	_ =	sdelay $0x1  }
0x5ac: {  	[tilespmem:v57+s21+$0x0] =	vst.idx.msk $0xffff, v54  }
0x5ad: {  	v54 =	vld.idx.msk [tilespmem:v58+s16+$0x0], $0xffff  }
0x5ae: {  	s31 =	simm.s32 $0xA;
	v60 =	vld.idx.msk [tilespmem:v63+s15+$0x0], $0xffff  }
0x5af: {  	v61 =	vmov s31  }
0x5b0: {  	v62 =	vshll.u32 v61, $0x3  }
0x5b1: {  	v57 =	vand.u32 $0x7F, v61;
	v58 =	vand.u32 $0xC00, v62  }
0x5b2: {  	v56 =	vadd.s32 v37, v56;
	v57 =	vor.u32 v57, v58  }
0x5b3: {  	v58 =	vadd.s32 v36, v57;
	v54 =	vmul.f32 v54, v52;
	v55 =	vmul.f32 v60, v51  }
0x5b4: {  	v63 =	vadd.s32 s31, v53  }
0x5b5: {  	v54 =	vadd.f32 v55, v54;
	_ =	sdelay $0x1  }
0x5b6: {  	[tilespmem:v56+s21+$0x0] =	vst.idx.msk $0xffff, v54  }
0x5b7: {  	v56 =	vld.idx.msk [tilespmem:v58+s16+$0x0], $0xffff  }
0x5b8: {  	s25 =	simm.s32 $0xB;
	s26 =	simm.s32 $0x13;
	v54 =	vadd.s32 v37, v57;
	v55 =	vld.idx.msk [tilespmem:v63+s15+$0x0], $0xffff  }
.LBB2_16:
0x5b9: {  	_ = 	snop  }
0x5ba: {  	p0 =	slt.u32 s26, $0x7B;
	v57 =	vmov s25;
	s28 =	smov.u32 s26;
	s26 =	sadd.s32 $0x8, s26  }
0x5bb: {  	v58 =	vshll.u32 v57, $0x3  }
0x5bc: {  	v57 =	vand.u32 $0x7F, v57;
	v58 =	vand.u32 $0x400, v58;
	v56 =	vmul.f32 v56, v52  }
0x5bd: {  	v57 =	vor.u32 v57, v58;
	v58 =	vadd.s32 s25, v53;
	v55 =	vmul.f32 v55, v51  }
0x5be: {  	v59 =	vor.u32 v36, v57  }
0x5bf: {  	v55 =	vadd.f32 v55, v56;
	_ =	sdelay $0x1  }
0x5c0: {  	[tilespmem:v54+s21+$0x0] =	vst.idx.msk $0xffff, v55  }
0x5c1: {  	v54 =	vld.idx.msk [tilespmem:v58+s15+$0x0], $0xffff  }
0x5c2: {  	v55 =	vld.idx.msk [tilespmem:v59+s16+$0x0], $0xffff  }
0x5c3: {  	s29 =	sadd.s32 $0x1, s25  }
0x5c4: {  	v56 =	vmov s29;
	v58 =	vadd.s32 s29, v53  }
0x5c5: {  	v59 =	vand.u32 $0x7F, v56;
	v56 =	vshll.u32 v56, $0x3  }
0x5c6: {  	v56 =	vand.u32 $0xC00, v56  }
0x5c7: {  	v57 =	vadd.s32 v37, v57;
	v56 =	vor.u32 v59, v56  }
0x5c8: {  	v59 =	vadd.s32 v36, v56;
	v54 =	vmul.f32 v54, v51;
	v55 =	vmul.f32 v55, v52;
	_ =	sdelay $0x1  }
0x5c9: {  	v54 =	vadd.f32 v54, v55;
	_ =	sdelay $0x1  }
0x5ca: {  	[tilespmem:v57+s21+$0x0] =	vst.idx.msk $0xffff, v54  }
0x5cb: {  	v54 =	vld.idx.msk [tilespmem:v59+s16+$0x0], $0xffff  }
0x5cc: {  	v55 =	vld.idx.msk [tilespmem:v58+s15+$0x0], $0xffff  }
0x5cd: {  	s29 =	sadd.s32 $0x2, s25  }
0x5ce: {  	v57 =	vmov s29  }
0x5cf: {  	v58 =	vshll.u32 v57, $0x3  }
0x5d0: {  	v56 =	vadd.s32 v37, v56;
	v57 =	vand.u32 $0x7F, v57;
	v58 =	vand.u32 $0xC00, v58  }
0x5d1: {  	v57 =	vor.u32 v57, v58;
	v54 =	vmul.f32 v54, v52  }
0x5d2: {  	v59 =	vadd.s32 s29, v53;
	v58 =	vadd.s32 v36, v57;
	v55 =	vmul.f32 v55, v51;
	_ =	sdelay $0x1  }
0x5d3: {  	v54 =	vadd.f32 v55, v54;
	_ =	sdelay $0x1  }
0x5d4: {  	[tilespmem:v56+s21+$0x0] =	vst.idx.msk $0xffff, v54  }
0x5d5: {  	v54 =	vld.idx.msk [tilespmem:v58+s16+$0x0], $0xffff  }
0x5d6: {  	v55 =	vld.idx.msk [tilespmem:v59+s15+$0x0], $0xffff  }
0x5d7: {  	s29 =	sadd.s32 $0x3, s25  }
0x5d8: {  	v56 =	vmov s29  }
0x5d9: {  	v57 =	vadd.s32 v37, v57;
	v58 =	vshll.u32 v56, $0x3  }
0x5da: {  	v56 =	vand.u32 $0x7F, v56;
	v58 =	vand.u32 $0xC00, v58  }
0x5db: {  	v56 =	vor.u32 v56, v58;
	v54 =	vmul.f32 v54, v52  }
0x5dc: {  	v59 =	vadd.s32 s29, v53;
	v58 =	vadd.s32 v36, v56;
	v55 =	vmul.f32 v55, v51;
	_ =	sdelay $0x1  }
0x5dd: {  	v54 =	vadd.f32 v55, v54;
	_ =	sdelay $0x1  }
0x5de: {  	[tilespmem:v57+s21+$0x0] =	vst.idx.msk $0xffff, v54  }
0x5df: {  	v54 =	vld.idx.msk [tilespmem:v58+s16+$0x0], $0xffff  }
0x5e0: {  	v55 =	vld.idx.msk [tilespmem:v59+s15+$0x0], $0xffff  }
0x5e1: {  	s29 =	sadd.s32 $0x4, s25  }
0x5e2: {  	v56 =	vadd.s32 v37, v56;
	v57 =	vmov s29;
	v58 =	vadd.s32 s29, v53  }
0x5e3: {  	v59 =	vshll.u32 v57, $0x3  }
0x5e4: {  	v57 =	vand.u32 $0x7F, v57;
	v59 =	vand.u32 $0xC00, v59  }
0x5e5: {  	v57 =	vor.u32 v57, v59;
	v54 =	vmul.f32 v54, v52  }
0x5e6: {  	v59 =	vadd.s32 v36, v57;
	v55 =	vmul.f32 v55, v51;
	_ =	sdelay $0x1  }
0x5e7: {  	v54 =	vadd.f32 v55, v54;
	_ =	sdelay $0x1  }
0x5e8: {  	[tilespmem:v56+s21+$0x0] =	vst.idx.msk $0xffff, v54  }
0x5e9: {  	v54 =	vld.idx.msk [tilespmem:v59+s16+$0x0], $0xffff  }
0x5ea: {  	v55 =	vld.idx.msk [tilespmem:v58+s15+$0x0], $0xffff  }
0x5eb: {  	s29 =	sadd.s32 $0x5, s25;
	v56 =	vadd.s32 v37, v57  }
0x5ec: {  	v57 =	vmov s29  }
0x5ed: {  	v58 =	vshll.u32 v57, $0x3  }
0x5ee: {  	v57 =	vand.u32 $0x7F, v57;
	v58 =	vand.u32 $0xC00, v58  }
0x5ef: {  	v57 =	vor.u32 v57, v58;
	v54 =	vmul.f32 v54, v52  }
0x5f0: {  	v59 =	vadd.s32 s29, v53;
	v58 =	vadd.s32 v36, v57;
	v55 =	vmul.f32 v55, v51;
	_ =	sdelay $0x1  }
0x5f1: {  	v54 =	vadd.f32 v55, v54;
	_ =	sdelay $0x1  }
0x5f2: {  	[tilespmem:v56+s21+$0x0] =	vst.idx.msk $0xffff, v54  }
0x5f3: {  	v54 =	vld.idx.msk [tilespmem:v58+s16+$0x0], $0xffff  }
0x5f4: {  	v56 =	vadd.s32 v37, v57;
	v55 =	vld.idx.msk [tilespmem:v59+s15+$0x0], $0xffff  }
0x5f5: {  	s29 =	sadd.s32 $0x6, s25  }
0x5f6: {  	v57 =	vmov s29  }
0x5f7: {  	v58 =	vshll.u32 v57, $0x3  }
0x5f8: {  	v57 =	vand.u32 $0x7F, v57;
	v58 =	vand.u32 $0xC00, v58  }
0x5f9: {  	v57 =	vor.u32 v57, v58;
	v54 =	vmul.f32 v54, v52  }
0x5fa: {  	v59 =	vadd.s32 s29, v53;
	v58 =	vadd.s32 v36, v57;
	v55 =	vmul.f32 v55, v51;
	_ =	sdelay $0x1  }
0x5fb: {  	v54 =	vadd.f32 v55, v54;
	_ =	sdelay $0x1  }
0x5fc: {  	[tilespmem:v56+s21+$0x0] =	vst.idx.msk $0xffff, v54  }
0x5fd: {  	v55 =	vadd.s32 v37, v57;
	v54 =	vld.idx.msk [tilespmem:v58+s16+$0x0], $0xffff  }
0x5fe: {  	v56 =	vld.idx.msk [tilespmem:v59+s15+$0x0], $0xffff  }
0x5ff: {  	s29 =	sadd.s32 $0x7, s25;
	s25 =	smov.u32 s28  }
0x600: {  	v57 =	vmov s29  }
0x601: {  	v58 =	vshll.u32 v57, $0x3  }
0x602: {  	v57 =	vand.u32 $0x7F, v57;
	v58 =	vand.u32 $0xC00, v58  }
0x603: {  	v57 =	vor.u32 v57, v58;
	v54 =	vmul.f32 v54, v52  }
0x604: {  	v59 =	vadd.s32 s29, v53;
	v58 =	vadd.s32 v36, v57;
	v56 =	vmul.f32 v56, v51;
	_ =	sdelay $0x1  }
.Ltmp11:
0x605: {  	v54 =	vadd.f32 v56, v54;
	(pc) =	sbr.rel @p0 .LBB2_16-.Ltmp11, $4  }
0x606: {  	_ = 	snop  }
0x607: {  	[tilespmem:v55+s21+$0x0] =	vst.idx.msk $0xffff, v54;
	v54 =	vadd.s32 v37, v57  }
0x608: {  	v56 =	vld.idx.msk [tilespmem:v58+s16+$0x0], $0xffff  }
0x609: {  	v55 =	vld.idx.msk [tilespmem:v59+s15+$0x0], $0xffff  }
0x60a: {  	_ = 	snop  }
0x60b: {  	v57 =	vmov s25  }
0x60c: {  	v58 =	vshll.u32 v57, $0x3  }
0x60d: {  	v62 =	vadd.s32 s25, v53;
	v57 =	vand.u32 $0x7F, v57;
	v58 =	vand.u32 $0x400, v58  }
0x60e: {  	v56 =	vmul.f32 v56, v52;
	v57 =	vor.u32 v57, v58;
	v55 =	vmul.f32 v55, v51  }
0x60f: {  	v59 =	vor.u32 v36, v57  }
0x610: {  	v55 =	vadd.f32 v55, v56;
	_ =	sdelay $0x1  }
0x611: {  	[tilespmem:v54+s21+$0x0] =	vst.idx.msk $0xffff, v55  }
0x612: {  	v54 =	vld.idx.msk [tilespmem:v62+s15+$0x0], $0xffff  }
0x613: {  	s26 =	sadd.s32 $0x1, s25;
	v55 =	vld.idx.msk [tilespmem:v59+s16+$0x0], $0xffff  }
0x614: {  	v63 =	vmov s26  }
0x615: {  	v60 =	vshll.u32 v63, $0x3  }
0x616: {  	v58 =	vand.u32 $0xC00, v60;
	v56 =	vand.u32 $0x7F, v63  }
0x617: {  	v57 =	vadd.s32 v37, v57;
	v56 =	vor.u32 v56, v58  }
0x618: {  	v58 =	vadd.s32 v36, v56;
	v54 =	vmul.f32 v54, v51;
	v55 =	vmul.f32 v55, v52  }
0x619: {  	v61 =	vadd.s32 s26, v53  }
0x61a: {  	v54 =	vadd.f32 v54, v55;
	_ =	sdelay $0x1  }
0x61b: {  	[tilespmem:v57+s21+$0x0] =	vst.idx.msk $0xffff, v54  }
0x61c: {  	v54 =	vld.idx.msk [tilespmem:v58+s16+$0x0], $0xffff  }
0x61d: {  	s31 =	sadd.s32 $0x2, s25;
	v62 =	vld.idx.msk [tilespmem:v61+s15+$0x0], $0xffff  }
0x61e: {  	v63 =	vmov s31  }
0x61f: {  	v60 =	vshll.u32 v63, $0x3  }
0x620: {  	v57 =	vand.u32 $0x7F, v63;
	v58 =	vand.u32 $0xC00, v60  }
0x621: {  	v56 =	vadd.s32 v37, v56;
	v57 =	vor.u32 v57, v58  }
0x622: {  	v58 =	vadd.s32 v36, v57;
	v54 =	vmul.f32 v54, v52;
	v55 =	vmul.f32 v62, v51  }
0x623: {  	v61 =	vadd.s32 s31, v53  }
0x624: {  	v54 =	vadd.f32 v55, v54;
	_ =	sdelay $0x1  }
0x625: {  	[tilespmem:v56+s21+$0x0] =	vst.idx.msk $0xffff, v54  }
0x626: {  	v54 =	vld.idx.msk [tilespmem:v58+s16+$0x0], $0xffff  }
0x627: {  	s28 =	sadd.s32 $0x3, s25;
	v62 =	vld.idx.msk [tilespmem:v61+s15+$0x0], $0xffff  }
0x628: {  	v63 =	vmov s28  }
0x629: {  	v60 =	vshll.u32 v63, $0x3  }
0x62a: {  	v56 =	vand.u32 $0x7F, v63;
	v58 =	vand.u32 $0xC00, v60  }
0x62b: {  	v57 =	vadd.s32 v37, v57;
	v56 =	vor.u32 v56, v58  }
0x62c: {  	v58 =	vadd.s32 v36, v56;
	v54 =	vmul.f32 v54, v52;
	v55 =	vmul.f32 v62, v51  }
0x62d: {  	v61 =	vadd.s32 s28, v53  }
0x62e: {  	v54 =	vadd.f32 v55, v54;
	_ =	sdelay $0x1  }
0x62f: {  	[tilespmem:v57+s21+$0x0] =	vst.idx.msk $0xffff, v54  }
0x630: {  	v54 =	vld.idx.msk [tilespmem:v58+s16+$0x0], $0xffff  }
0x631: {  	s29 =	sadd.s32 $0x4, s25;
	v62 =	vld.idx.msk [tilespmem:v61+s15+$0x0], $0xffff  }
0x632: {  	v63 =	vmov s29  }
0x633: {  	v60 =	vshll.u32 v63, $0x3  }
0x634: {  	v57 =	vand.u32 $0x7F, v63;
	v58 =	vand.u32 $0xC00, v60  }
0x635: {  	v56 =	vadd.s32 v37, v56;
	v57 =	vor.u32 v57, v58  }
0x636: {  	v58 =	vadd.s32 v36, v57;
	v54 =	vmul.f32 v54, v52;
	v55 =	vmul.f32 v62, v51  }
0x637: {  	v61 =	vadd.s32 s29, v53  }
0x638: {  	v54 =	vadd.f32 v55, v54;
	_ =	sdelay $0x1  }
0x639: {  	[tilespmem:v56+s21+$0x0] =	vst.idx.msk $0xffff, v54  }
0x63a: {  	v54 =	vld.idx.msk [tilespmem:v58+s16+$0x0], $0xffff  }
0x63b: {  	s30 =	sadd.s32 $0x5, s25;
	v62 =	vld.idx.msk [tilespmem:v61+s15+$0x0], $0xffff  }
0x63c: {  	v63 =	vmov s30  }
0x63d: {  	v60 =	vshll.u32 v63, $0x3  }
0x63e: {  	v56 =	vand.u32 $0x7F, v63;
	v58 =	vand.u32 $0xC00, v60  }
0x63f: {  	v57 =	vadd.s32 v37, v57;
	v56 =	vor.u32 v56, v58  }
0x640: {  	v58 =	vadd.s32 v36, v56;
	v54 =	vmul.f32 v54, v52;
	v55 =	vmul.f32 v62, v51  }
0x641: {  	v61 =	vadd.s32 s30, v53  }
0x642: {  	v54 =	vadd.f32 v55, v54;
	_ =	sdelay $0x1  }
0x643: {  	[tilespmem:v57+s21+$0x0] =	vst.idx.msk $0xffff, v54  }
0x644: {  	v54 =	vld.idx.msk [tilespmem:v58+s16+$0x0], $0xffff  }
0x645: {  	s31 =	sadd.s32 $0x6, s25;
	v62 =	vld.idx.msk [tilespmem:v61+s15+$0x0], $0xffff  }
0x646: {  	v63 =	vmov s31  }
0x647: {  	v60 =	vshll.u32 v63, $0x3  }
0x648: {  	v57 =	vand.u32 $0x7F, v63;
	v58 =	vand.u32 $0xC00, v60  }
0x649: {  	v56 =	vadd.s32 v37, v56;
	v57 =	vor.u32 v57, v58  }
0x64a: {  	v58 =	vadd.s32 v36, v57;
	v54 =	vmul.f32 v54, v52;
	v55 =	vmul.f32 v62, v51  }
0x64b: {  	v61 =	vadd.s32 s31, v53  }
0x64c: {  	v54 =	vadd.f32 v55, v54;
	_ =	sdelay $0x1  }
0x64d: {  	[tilespmem:v56+s21+$0x0] =	vst.idx.msk $0xffff, v54  }
0x64e: {  	v54 =	vld.idx.msk [tilespmem:v58+s16+$0x0], $0xffff  }
0x64f: {  	s28 =	sadd.s32 $0x7, s25;
	v62 =	vld.idx.msk [tilespmem:v61+s15+$0x0], $0xffff  }
0x650: {  	v63 =	vmov s28  }
0x651: {  	v60 =	vshll.u32 v63, $0x3  }
0x652: {  	v56 =	vand.u32 $0x7F, v63;
	v58 =	vand.u32 $0xC00, v60  }
0x653: {  	v57 =	vadd.s32 v37, v57;
	v56 =	vor.u32 v56, v58  }
0x654: {  	v58 =	vadd.s32 v36, v56;
	v54 =	vmul.f32 v54, v52;
	v55 =	vmul.f32 v62, v51  }
0x655: {  	v61 =	vadd.s32 s28, v53  }
0x656: {  	v54 =	vadd.f32 v55, v54;
	_ =	sdelay $0x1  }
0x657: {  	[tilespmem:v57+s21+$0x0] =	vst.idx.msk $0xffff, v54  }
0x658: {  	v54 =	vld.idx.msk [tilespmem:v58+s16+$0x0], $0xffff  }
0x659: {  	v53 =	vld.idx.msk [tilespmem:v61+s15+$0x0], $0xffff;
	_ =	sdelay $0x3  }
0x65a: {  	s29 =	simm.s32 $0x0;
	v62 =	vadd.s32 v37, v56  }
0x65b: {  	v57 =	vor.u32 s29, v50;
	v63 =	vmul.f32 v54, v52;
	v56 =	vmul.f32 v53, v51;
	_ =	sdelay $0x1  }
0x65c: {  	v51 =	vadd.f32 v56, v63;
	_ =	sdelay $0x1  }
0x65d: {  	[tilespmem:v62+s21+$0x0] =	vst.idx.msk $0xffff, v51  }
0x65e: {  	s30 =	simm.s32 $0x1;
	v58 =	vor.u32 s29, v42;
	v51 =	vld.idx.msk [tilespmem:v57+s19+$0x0], $0xffff  }
0x65f: {  	v59 =	vor.u32 s30, v50;
	_ =	sdelay $0x3  }
0x660: {  	[tilespmem:v58+s21+$0x0] =	vst.idx.msk $0xffff, v51  }
0x661: {  	s31 =	simm.s32 $0x2;
	v60 =	vadd.s32 s30, v42;
	v51 =	vld.idx.msk [tilespmem:v59+s19+$0x0], $0xffff  }
0x662: {  	v61 =	vor.u32 s31, v50;
	_ =	sdelay $0x3  }
0x663: {  	[tilespmem:v60+s21+$0x0] =	vst.idx.msk $0xffff, v51  }
0x664: {  	s26 =	simm.s32 $0x3;
	v62 =	vadd.s32 s31, v42;
	v51 =	vld.idx.msk [tilespmem:v61+s19+$0x0], $0xffff  }
0x665: {  	v63 =	vor.u32 s26, v50;
	_ =	sdelay $0x3  }
0x666: {  	[tilespmem:v62+s21+$0x0] =	vst.idx.msk $0xffff, v51  }
0x667: {  	s28 =	simm.s32 $0x4;
	v56 =	vadd.s32 s26, v42;
	v51 =	vld.idx.msk [tilespmem:v63+s19+$0x0], $0xffff  }
0x668: {  	v57 =	vor.u32 s28, v50;
	_ =	sdelay $0x3  }
0x669: {  	[tilespmem:v56+s21+$0x0] =	vst.idx.msk $0xffff, v51  }
0x66a: {  	s29 =	simm.s32 $0x5;
	v58 =	vor.u32 s28, v42;
	v51 =	vld.idx.msk [tilespmem:v57+s19+$0x0], $0xffff  }
0x66b: {  	v59 =	vor.u32 s29, v50;
	v60 =	vmov s29  }
0x66c: {  	v54 =	vadd.s32 $0x83, v60  }
0x66d: {  	v61 =	vshll.u32 v54, $0x3  }
0x66e: {  	v54 =	vand.u32 $0x78, v54;
	v55 =	vand.u32 $0xC00, v61  }
0x66f: {  	v62 =	vor.u32 v54, v55;
	[tilespmem:v58+s21+$0x0] =	vst.idx.msk $0xffff, v51  }
0x670: {  	s30 =	simm.s32 $0x6;
	v51 =	vadd.s32 v37, v62;
	v52 =	vld.idx.msk [tilespmem:v59+s19+$0x0], $0xffff  }
0x671: {  	v63 =	vor.u32 s30, v50;
	v57 =	vmov s30  }
0x672: {  	v54 =	vadd.s32 $0x83, v57  }
0x673: {  	v58 =	vshll.u32 v54, $0x3  }
0x674: {  	v54 =	vand.u32 $0x79, v54;
	v55 =	vand.u32 $0xC00, v58  }
0x675: {  	v59 =	vor.u32 v54, v55;
	[tilespmem:v51+s21+$0x0] =	vst.idx.msk $0xffff, v52  }
0x676: {  	s31 =	simm.s32 $0x7;
	v51 =	vadd.s32 v37, v59;
	v52 =	vld.idx.msk [tilespmem:v63+s19+$0x0], $0xffff  }
0x677: {  	v60 =	vor.u32 s31, v50;
	v61 =	vmov s31  }
0x678: {  	v54 =	vadd.s32 $0x83, v61  }
0x679: {  	v62 =	vshll.u32 v54, $0x3  }
0x67a: {  	v54 =	vand.u32 $0x7A, v54;
	v55 =	vand.u32 $0xC00, v62  }
0x67b: {  	v63 =	vor.u32 v54, v55;
	[tilespmem:v51+s21+$0x0] =	vst.idx.msk $0xffff, v52  }
0x67c: {  	s25 =	simm.s32 $0x8;
	v52 =	vadd.s32 v37, v63;
	v51 =	vld.idx.msk [tilespmem:v60+s19+$0x0], $0xffff  }
0x67d: {  	v53 =	vor.u32 s25, v50;
	s26 =	simm.s32 $0x10  }
.LBB2_18:
0x67e: {  	p0 =	slt.u32 s26, $0x78;
	_ =	sdelay $0x2  }
0x67f: {  	[tilespmem:v52+s21+$0x0] =	vst.idx.msk $0xffff, v51  }
0x680: {  	v51 =	vld.idx.msk [tilespmem:v53+s19+$0x0], $0xffff  }
0x681: {  	s28 =	sadd.s32 $0x1, s25;
	v52 =	vor.u32 s25, v42  }
0x682: {  	v53 =	vor.u32 s28, v50;
	_ =	sdelay $0x3  }
0x683: {  	[tilespmem:v52+s21+$0x0] =	vst.idx.msk $0xffff, v51  }
0x684: {  	v51 =	vld.idx.msk [tilespmem:v53+s19+$0x0], $0xffff  }
0x685: {  	v52 =	vadd.s32 s28, v42;
	s28 =	sadd.s32 $0x2, s25  }
0x686: {  	v53 =	vor.u32 s28, v50;
	_ =	sdelay $0x3  }
0x687: {  	[tilespmem:v52+s21+$0x0] =	vst.idx.msk $0xffff, v51  }
0x688: {  	v51 =	vld.idx.msk [tilespmem:v53+s19+$0x0], $0xffff  }
0x689: {  	v52 =	vadd.s32 s28, v42;
	s28 =	sadd.s32 $0x3, s25  }
0x68a: {  	v53 =	vor.u32 s28, v50;
	_ =	sdelay $0x3  }
0x68b: {  	[tilespmem:v52+s21+$0x0] =	vst.idx.msk $0xffff, v51  }
0x68c: {  	v51 =	vld.idx.msk [tilespmem:v53+s19+$0x0], $0xffff  }
0x68d: {  	v52 =	vadd.s32 s28, v42;
	s28 =	sadd.s32 $0x4, s25  }
0x68e: {  	v53 =	vor.u32 s28, v50;
	_ =	sdelay $0x3  }
0x68f: {  	[tilespmem:v52+s21+$0x0] =	vst.idx.msk $0xffff, v51  }
0x690: {  	v51 =	vld.idx.msk [tilespmem:v53+s19+$0x0], $0xffff  }
0x691: {  	v52 =	vor.u32 s28, v42;
	s28 =	sadd.s32 $0x5, s25  }
0x692: {  	v53 =	vor.u32 s28, v50  }
0x693: {  	v54 =	vmov s28  }
0x694: {  	v54 =	vadd.s32 $0x83, v54  }
0x695: {  	v55 =	vshll.u32 v54, $0x3  }
0x696: {  	[tilespmem:v52+s21+$0x0] =	vst.idx.msk $0xffff, v51;
	v51 =	vand.u32 $0x78, v54;
	v52 =	vand.u32 $0xC00, v55  }
0x697: {  	v53 =	vld.idx.msk [tilespmem:v53+s19+$0x0], $0xffff;
	v51 =	vor.u32 v51, v52  }
0x698: {  	s28 =	sadd.s32 $0x6, s25;
	v51 =	vadd.s32 v37, v51  }
0x699: {  	v52 =	vor.u32 s28, v50  }
0x69a: {  	v54 =	vmov s28  }
0x69b: {  	v54 =	vadd.s32 $0x83, v54  }
0x69c: {  	v55 =	vshll.u32 v54, $0x3  }
0x69d: {  	[tilespmem:v51+s21+$0x0] =	vst.idx.msk $0xffff, v53;
	v51 =	vand.u32 $0x79, v54;
	v53 =	vand.u32 $0xC00, v55  }
0x69e: {  	v52 =	vld.idx.msk [tilespmem:v52+s19+$0x0], $0xffff;
	v51 =	vor.u32 v51, v53  }
0x69f: {  	s28 =	sadd.s32 $0x7, s25;
	s25 =	smov.u32 s26;
	v51 =	vadd.s32 v37, v51  }
0x6a0: {  	v53 =	vor.u32 s28, v50  }
0x6a1: {  	v54 =	vmov s28  }
0x6a2: {  	v54 =	vadd.s32 $0x83, v54  }
.Ltmp12:
0x6a3: {  	v55 =	vshll.u32 v54, $0x3;
	(pc) =	sbr.rel @p0 .LBB2_18-.Ltmp12, $4  }
0x6a4: {  	[tilespmem:v51+s21+$0x0] =	vst.idx.msk $0xffff, v52;
	v52 =	vand.u32 $0x7A, v54;
	v54 =	vand.u32 $0xC00, v55  }
0x6a5: {  	v51 =	vld.idx.msk [tilespmem:v53+s19+$0x0], $0xffff;
	v52 =	vor.u32 v52, v54  }
0x6a6: {  	v52 =	vadd.s32 v37, v52  }
0x6a7: {  	s26 =	sadd.s32 $0x8, s26;
	v53 =	vor.u32 s25, v50  }
0x6a8: {  	_ =	sdelay $0x3  }
0x6a9: {  	[tilespmem:v52+s21+$0x0] =	vst.idx.msk $0xffff, v51  }
0x6aa: {  	v58 =	vor.u32 s25, v42;
	s26 =	sadd.s32 $0x1, s25;
	v51 =	vld.idx.msk [tilespmem:v53+s19+$0x0], $0xffff  }
0x6ab: {  	v59 =	vor.u32 s26, v50;
	_ =	sdelay $0x3  }
0x6ac: {  	[tilespmem:v58+s21+$0x0] =	vst.idx.msk $0xffff, v51  }
0x6ad: {  	s31 =	sadd.s32 $0x2, s25;
	v60 =	vadd.s32 s26, v42;
	v51 =	vld.idx.msk [tilespmem:v59+s19+$0x0], $0xffff  }
0x6ae: {  	v61 =	vor.u32 s31, v50;
	_ =	sdelay $0x3  }
0x6af: {  	[tilespmem:v60+s21+$0x0] =	vst.idx.msk $0xffff, v51  }
0x6b0: {  	s28 =	sadd.s32 $0x3, s25;
	v62 =	vadd.s32 s31, v42;
	v51 =	vld.idx.msk [tilespmem:v61+s19+$0x0], $0xffff  }
0x6b1: {  	v63 =	vor.u32 s28, v50;
	_ =	sdelay $0x3  }
0x6b2: {  	[tilespmem:v62+s21+$0x0] =	vst.idx.msk $0xffff, v51  }
0x6b3: {  	s29 =	sadd.s32 $0x4, s25;
	v56 =	vadd.s32 s28, v42;
	v51 =	vld.idx.msk [tilespmem:v63+s19+$0x0], $0xffff  }
0x6b4: {  	v57 =	vor.u32 s29, v50;
	_ =	sdelay $0x3  }
0x6b5: {  	[tilespmem:v56+s21+$0x0] =	vst.idx.msk $0xffff, v51  }
0x6b6: {  	s30 =	sadd.s32 $0x5, s25;
	v58 =	vor.u32 s29, v42;
	v51 =	vld.idx.msk [tilespmem:v57+s19+$0x0], $0xffff  }
0x6b7: {  	v54 =	vmov s30;
	v59 =	vor.u32 s30, v50  }
0x6b8: {  	v54 =	vadd.s32 $0x83, v54  }
0x6b9: {  	v55 =	vshll.u32 v54, $0x3  }
0x6ba: {  	v54 =	vand.u32 $0x78, v54;
	v55 =	vand.u32 $0xC00, v55  }
0x6bb: {  	v60 =	vor.u32 v54, v55;
	[tilespmem:v58+s21+$0x0] =	vst.idx.msk $0xffff, v51  }
0x6bc: {  	s31 =	sadd.s32 $0x6, s25;
	v51 =	vadd.s32 v37, v60;
	v52 =	vld.idx.msk [tilespmem:v59+s19+$0x0], $0xffff  }
0x6bd: {  	v61 =	vor.u32 s31, v50;
	v62 =	vmov s31  }
0x6be: {  	v54 =	vadd.s32 $0x83, v62  }
0x6bf: {  	v63 =	vshll.u32 v54, $0x3  }
0x6c0: {  	v54 =	vand.u32 $0x79, v54;
	v55 =	vand.u32 $0xC00, v63  }
0x6c1: {  	v56 =	vor.u32 v54, v55;
	[tilespmem:v51+s21+$0x0] =	vst.idx.msk $0xffff, v52  }
0x6c2: {  	s28 =	sadd.s32 $0x7, s25;
	v51 =	vadd.s32 v37, v56;
	v52 =	vld.idx.msk [tilespmem:v61+s19+$0x0], $0xffff  }
0x6c3: {  	v57 =	vor.u32 s28, v50;
	v58 =	vmov s28  }
0x6c4: {  	v53 =	vadd.s32 $0x83, v58  }
0x6c5: {  	v59 =	vshll.u32 v53, $0x3  }
0x6c6: {  	v53 =	vand.u32 $0x7A, v53;
	v54 =	vand.u32 $0xC00, v59  }
0x6c7: {  	v60 =	vor.u32 v53, v54;
	[tilespmem:v51+s21+$0x0] =	vst.idx.msk $0xffff, v52  }
0x6c8: {  	v51 =	vadd.s32 v37, v60;
	v50 =	vld.idx.msk [tilespmem:v57+s19+$0x0], $0xffff;
	_ =	sdelay $0x4  }
0x6c9: {  	[tilespmem:v51+s21+$0x0] =	vst.idx.msk $0xffff, v50  }
0x6ca: {  	v51 =	vld [tilespmem:$0xA040];
	_ =	sdelay $0x2  }
0x6cb: {  	v50 =	vor.u32 $0x2000, v1;
	_ =	sdelay $0x1  }
0x6cc: {  	v61 =	vadd.s32 $0x80, v51  }
0x6cd: {  	v62 =	vld.idx.msk [tilespmem:v43+s16+$0x0], $0xffff  }
0x6ce: {  	v63 =	vld.idx.msk [tilespmem:v2+s13+$0x0], $0xffff  }
0x6cf: {  	v57 =	vld.idx.msk [tilespmem:v50+s4+$0x0], $0xffff  }
0x6d0: {  	v51 =	vld.idx.msk [tilespmem:v51+s13+$0x0], $0xffff  }
0x6d1: {  	v52 =	vld.idx.msk [tilespmem:v61+s13+$0x0], $0xffff;
	_ =	sdelay $0x2  }
0x6d2: {  	v53 =	vsub.f32 v62, v63;
	_ =	sdelay $0x1  }
0x6d3: {  	v58 =	vmul.f32 v57, v51;
	v53 =	vmul.f32 v53, v52;
	_ =	sdelay $0x1  }
0x6d4: {  	v53 =	vadd.f32 v53, v58  }
0x6d5: {  	v59 =	vor.u32 $0x2001, v1  }
0x6d6: {  	[tilespmem:v44+s21+$0x0] =	vst.idx.msk $0xffff, v53  }
0x6d7: {  	v53 =	vld.idx.msk [tilespmem:v45+s16+$0x0], $0xffff  }
0x6d8: {  	v60 =	vld.idx.msk [tilespmem:v6+s13+$0x0], $0xffff;
	_ =	sdelay $0x1  }
0x6d9: {  	v54 =	vld.idx.msk [tilespmem:v59+s4+$0x0], $0xffff;
	_ =	sdelay $0x2  }
0x6da: {  	v53 =	vsub.f32 v53, v60;
	_ =	sdelay $0x1  }
0x6db: {  	v54 =	vmul.f32 v54, v51;
	v53 =	vmul.f32 v53, v52;
	_ =	sdelay $0x1  }
0x6dc: {  	v53 =	vadd.f32 v53, v54  }
0x6dd: {  	v61 =	vor.u32 $0x2002, v1  }
0x6de: {  	[tilespmem:v46+s21+$0x0] =	vst.idx.msk $0xffff, v53  }
0x6df: {  	v53 =	vld.idx.msk [tilespmem:v47+s16+$0x0], $0xffff  }
0x6e0: {  	v63 =	vld.idx.msk [tilespmem:v10+s13+$0x0], $0xffff;
	_ =	sdelay $0x1  }
0x6e1: {  	s29 =	simm.s32 $0x3;
	v62 =	vld.idx.msk [tilespmem:v61+s4+$0x0], $0xffff  }
0x6e2: {  	v56 =	vmov s29  }
0x6e3: {  	v57 =	vshll.u32 v56, $0x3  }
0x6e4: {  	v56 =	vand.u32 $0x7F, v56;
	v57 =	vand.u32 $0x400, v57;
	v55 =	vsub.f32 v53, v63  }
0x6e5: {  	v56 =	vor.u32 v56, v57;
	v53 =	vadd.s32 $0x1FFD, v1  }
0x6e6: {  	v54 =	vmul.f32 v62, v51;
	v60 =	vadd.s32 s29, v53;
	v55 =	vmul.f32 v55, v52  }
0x6e7: {  	v58 =	vor.u32 v43, v56  }
0x6e8: {  	v54 =	vadd.f32 v55, v54;
	_ =	sdelay $0x1  }
0x6e9: {  	[tilespmem:v48+s21+$0x0] =	vst.idx.msk $0xffff, v54  }
0x6ea: {  	v54 =	vld.idx.msk [tilespmem:v60+s15+$0x0], $0xffff  }
0x6eb: {  	s30 =	simm.s32 $0x4;
	v61 =	vld.idx.msk [tilespmem:v58+s16+$0x0], $0xffff  }
0x6ec: {  	v62 =	vmov s30  }
0x6ed: {  	v63 =	vshll.u32 v62, $0x3  }
0x6ee: {  	v57 =	vand.u32 $0x7F, v62;
	v58 =	vand.u32 $0xC00, v63  }
0x6ef: {  	v56 =	vadd.s32 v44, v56;
	v57 =	vor.u32 v57, v58  }
0x6f0: {  	v58 =	vadd.s32 v43, v57;
	v54 =	vmul.f32 v54, v51;
	v55 =	vmul.f32 v61, v52  }
0x6f1: {  	v59 =	vadd.s32 s30, v53  }
0x6f2: {  	v54 =	vadd.f32 v54, v55;
	_ =	sdelay $0x1  }
0x6f3: {  	[tilespmem:v56+s21+$0x0] =	vst.idx.msk $0xffff, v54  }
0x6f4: {  	v54 =	vld.idx.msk [tilespmem:v58+s16+$0x0], $0xffff  }
0x6f5: {  	s31 =	simm.s32 $0x5;
	v60 =	vld.idx.msk [tilespmem:v59+s15+$0x0], $0xffff  }
0x6f6: {  	v61 =	vmov s31  }
0x6f7: {  	v62 =	vshll.u32 v61, $0x3  }
0x6f8: {  	v56 =	vand.u32 $0x7F, v61;
	v58 =	vand.u32 $0xC00, v62  }
0x6f9: {  	v57 =	vadd.s32 v44, v57;
	v56 =	vor.u32 v56, v58  }
0x6fa: {  	v58 =	vadd.s32 v43, v56;
	v54 =	vmul.f32 v54, v52;
	v55 =	vmul.f32 v60, v51  }
0x6fb: {  	v63 =	vadd.s32 s31, v53  }
0x6fc: {  	v54 =	vadd.f32 v55, v54;
	_ =	sdelay $0x1  }
0x6fd: {  	[tilespmem:v57+s21+$0x0] =	vst.idx.msk $0xffff, v54  }
0x6fe: {  	v54 =	vld.idx.msk [tilespmem:v58+s16+$0x0], $0xffff  }
0x6ff: {  	s26 =	simm.s32 $0x6;
	v60 =	vld.idx.msk [tilespmem:v63+s15+$0x0], $0xffff  }
0x700: {  	v61 =	vmov s26  }
0x701: {  	v62 =	vshll.u32 v61, $0x3  }
0x702: {  	v57 =	vand.u32 $0x7F, v61;
	v58 =	vand.u32 $0xC00, v62  }
0x703: {  	v56 =	vadd.s32 v44, v56;
	v57 =	vor.u32 v57, v58  }
0x704: {  	v58 =	vadd.s32 v43, v57;
	v54 =	vmul.f32 v54, v52;
	v55 =	vmul.f32 v60, v51  }
0x705: {  	v63 =	vadd.s32 s26, v53  }
0x706: {  	v54 =	vadd.f32 v55, v54;
	_ =	sdelay $0x1  }
0x707: {  	[tilespmem:v56+s21+$0x0] =	vst.idx.msk $0xffff, v54  }
0x708: {  	v54 =	vld.idx.msk [tilespmem:v58+s16+$0x0], $0xffff  }
0x709: {  	s28 =	simm.s32 $0x7;
	v60 =	vld.idx.msk [tilespmem:v63+s15+$0x0], $0xffff  }
0x70a: {  	v61 =	vmov s28  }
0x70b: {  	v62 =	vshll.u32 v61, $0x3  }
0x70c: {  	v56 =	vand.u32 $0x7F, v61;
	v58 =	vand.u32 $0xC00, v62  }
0x70d: {  	v57 =	vadd.s32 v44, v57;
	v56 =	vor.u32 v56, v58  }
0x70e: {  	v58 =	vadd.s32 v43, v56;
	v54 =	vmul.f32 v54, v52;
	v55 =	vmul.f32 v60, v51  }
0x70f: {  	v63 =	vadd.s32 s28, v53  }
0x710: {  	v54 =	vadd.f32 v55, v54;
	_ =	sdelay $0x1  }
0x711: {  	[tilespmem:v57+s21+$0x0] =	vst.idx.msk $0xffff, v54  }
0x712: {  	v54 =	vld.idx.msk [tilespmem:v58+s16+$0x0], $0xffff  }
0x713: {  	s29 =	simm.s32 $0x8;
	v60 =	vld.idx.msk [tilespmem:v63+s15+$0x0], $0xffff  }
0x714: {  	v61 =	vmov s29  }
0x715: {  	v62 =	vshll.u32 v61, $0x3  }
0x716: {  	v57 =	vand.u32 $0x7F, v61;
	v58 =	vand.u32 $0xC00, v62  }
0x717: {  	v56 =	vadd.s32 v44, v56;
	v57 =	vor.u32 v57, v58  }
0x718: {  	v58 =	vadd.s32 v43, v57;
	v54 =	vmul.f32 v54, v52;
	v55 =	vmul.f32 v60, v51  }
0x719: {  	v63 =	vadd.s32 s29, v53  }
0x71a: {  	v54 =	vadd.f32 v55, v54;
	_ =	sdelay $0x1  }
0x71b: {  	[tilespmem:v56+s21+$0x0] =	vst.idx.msk $0xffff, v54  }
0x71c: {  	v54 =	vld.idx.msk [tilespmem:v58+s16+$0x0], $0xffff  }
0x71d: {  	s30 =	simm.s32 $0x9;
	v60 =	vld.idx.msk [tilespmem:v63+s15+$0x0], $0xffff  }
0x71e: {  	v61 =	vmov s30  }
0x71f: {  	v62 =	vshll.u32 v61, $0x3  }
0x720: {  	v56 =	vand.u32 $0x7F, v61;
	v58 =	vand.u32 $0xC00, v62  }
0x721: {  	v57 =	vadd.s32 v44, v57;
	v56 =	vor.u32 v56, v58  }
0x722: {  	v58 =	vadd.s32 v43, v56;
	v54 =	vmul.f32 v54, v52;
	v55 =	vmul.f32 v60, v51  }
0x723: {  	v63 =	vadd.s32 s30, v53  }
0x724: {  	v54 =	vadd.f32 v55, v54;
	_ =	sdelay $0x1  }
0x725: {  	[tilespmem:v57+s21+$0x0] =	vst.idx.msk $0xffff, v54  }
0x726: {  	v54 =	vld.idx.msk [tilespmem:v58+s16+$0x0], $0xffff  }
0x727: {  	s31 =	simm.s32 $0xA;
	v60 =	vld.idx.msk [tilespmem:v63+s15+$0x0], $0xffff  }
0x728: {  	v61 =	vmov s31  }
0x729: {  	v62 =	vshll.u32 v61, $0x3  }
0x72a: {  	v57 =	vand.u32 $0x7F, v61;
	v58 =	vand.u32 $0xC00, v62  }
0x72b: {  	v56 =	vadd.s32 v44, v56;
	v57 =	vor.u32 v57, v58  }
0x72c: {  	v58 =	vadd.s32 v43, v57;
	v54 =	vmul.f32 v54, v52;
	v55 =	vmul.f32 v60, v51  }
0x72d: {  	v63 =	vadd.s32 s31, v53  }
0x72e: {  	v54 =	vadd.f32 v55, v54;
	_ =	sdelay $0x1  }
0x72f: {  	[tilespmem:v56+s21+$0x0] =	vst.idx.msk $0xffff, v54  }
0x730: {  	v56 =	vld.idx.msk [tilespmem:v58+s16+$0x0], $0xffff  }
0x731: {  	s25 =	simm.s32 $0xB;
	s26 =	simm.s32 $0x13;
	v54 =	vadd.s32 v44, v57;
	v55 =	vld.idx.msk [tilespmem:v63+s15+$0x0], $0xffff  }
.LBB2_20:
0x732: {  	_ = 	snop  }
0x733: {  	p0 =	slt.u32 s26, $0x7B;
	v57 =	vmov s25;
	s28 =	smov.u32 s26;
	s26 =	sadd.s32 $0x8, s26  }
0x734: {  	v58 =	vshll.u32 v57, $0x3  }
0x735: {  	v57 =	vand.u32 $0x7F, v57;
	v58 =	vand.u32 $0x400, v58;
	v56 =	vmul.f32 v56, v52  }
0x736: {  	v57 =	vor.u32 v57, v58;
	v58 =	vadd.s32 s25, v53;
	v55 =	vmul.f32 v55, v51  }
0x737: {  	v59 =	vor.u32 v43, v57  }
0x738: {  	v55 =	vadd.f32 v55, v56;
	_ =	sdelay $0x1  }
0x739: {  	[tilespmem:v54+s21+$0x0] =	vst.idx.msk $0xffff, v55  }
0x73a: {  	v54 =	vld.idx.msk [tilespmem:v58+s15+$0x0], $0xffff  }
0x73b: {  	v55 =	vld.idx.msk [tilespmem:v59+s16+$0x0], $0xffff  }
0x73c: {  	s29 =	sadd.s32 $0x1, s25  }
0x73d: {  	v56 =	vmov s29;
	v58 =	vadd.s32 s29, v53  }
0x73e: {  	v59 =	vand.u32 $0x7F, v56;
	v56 =	vshll.u32 v56, $0x3  }
0x73f: {  	v56 =	vand.u32 $0xC00, v56  }
0x740: {  	v57 =	vadd.s32 v44, v57;
	v56 =	vor.u32 v59, v56  }
0x741: {  	v59 =	vadd.s32 v43, v56;
	v54 =	vmul.f32 v54, v51;
	v55 =	vmul.f32 v55, v52;
	_ =	sdelay $0x1  }
0x742: {  	v54 =	vadd.f32 v54, v55;
	_ =	sdelay $0x1  }
0x743: {  	[tilespmem:v57+s21+$0x0] =	vst.idx.msk $0xffff, v54  }
0x744: {  	v54 =	vld.idx.msk [tilespmem:v59+s16+$0x0], $0xffff  }
0x745: {  	v55 =	vld.idx.msk [tilespmem:v58+s15+$0x0], $0xffff  }
0x746: {  	s29 =	sadd.s32 $0x2, s25  }
0x747: {  	v57 =	vmov s29  }
0x748: {  	v58 =	vshll.u32 v57, $0x3  }
0x749: {  	v56 =	vadd.s32 v44, v56;
	v57 =	vand.u32 $0x7F, v57;
	v58 =	vand.u32 $0xC00, v58  }
0x74a: {  	v57 =	vor.u32 v57, v58;
	v54 =	vmul.f32 v54, v52  }
0x74b: {  	v59 =	vadd.s32 s29, v53;
	v58 =	vadd.s32 v43, v57;
	v55 =	vmul.f32 v55, v51;
	_ =	sdelay $0x1  }
0x74c: {  	v54 =	vadd.f32 v55, v54;
	_ =	sdelay $0x1  }
0x74d: {  	[tilespmem:v56+s21+$0x0] =	vst.idx.msk $0xffff, v54  }
0x74e: {  	v54 =	vld.idx.msk [tilespmem:v58+s16+$0x0], $0xffff  }
0x74f: {  	v55 =	vld.idx.msk [tilespmem:v59+s15+$0x0], $0xffff  }
0x750: {  	s29 =	sadd.s32 $0x3, s25  }
0x751: {  	v56 =	vmov s29  }
0x752: {  	v57 =	vadd.s32 v44, v57;
	v58 =	vshll.u32 v56, $0x3  }
0x753: {  	v56 =	vand.u32 $0x7F, v56;
	v58 =	vand.u32 $0xC00, v58  }
0x754: {  	v56 =	vor.u32 v56, v58;
	v54 =	vmul.f32 v54, v52  }
0x755: {  	v59 =	vadd.s32 s29, v53;
	v58 =	vadd.s32 v43, v56;
	v55 =	vmul.f32 v55, v51;
	_ =	sdelay $0x1  }
0x756: {  	v54 =	vadd.f32 v55, v54;
	_ =	sdelay $0x1  }
0x757: {  	[tilespmem:v57+s21+$0x0] =	vst.idx.msk $0xffff, v54  }
0x758: {  	v54 =	vld.idx.msk [tilespmem:v58+s16+$0x0], $0xffff  }
0x759: {  	v55 =	vld.idx.msk [tilespmem:v59+s15+$0x0], $0xffff  }
0x75a: {  	s29 =	sadd.s32 $0x4, s25  }
0x75b: {  	v56 =	vadd.s32 v44, v56;
	v57 =	vmov s29;
	v58 =	vadd.s32 s29, v53  }
0x75c: {  	v59 =	vshll.u32 v57, $0x3  }
0x75d: {  	v57 =	vand.u32 $0x7F, v57;
	v59 =	vand.u32 $0xC00, v59  }
0x75e: {  	v57 =	vor.u32 v57, v59;
	v54 =	vmul.f32 v54, v52  }
0x75f: {  	v59 =	vadd.s32 v43, v57;
	v55 =	vmul.f32 v55, v51;
	_ =	sdelay $0x1  }
0x760: {  	v54 =	vadd.f32 v55, v54;
	_ =	sdelay $0x1  }
0x761: {  	[tilespmem:v56+s21+$0x0] =	vst.idx.msk $0xffff, v54  }
0x762: {  	v54 =	vld.idx.msk [tilespmem:v59+s16+$0x0], $0xffff  }
0x763: {  	v55 =	vld.idx.msk [tilespmem:v58+s15+$0x0], $0xffff  }
0x764: {  	s29 =	sadd.s32 $0x5, s25;
	v56 =	vadd.s32 v44, v57  }
0x765: {  	v57 =	vmov s29  }
0x766: {  	v58 =	vshll.u32 v57, $0x3  }
0x767: {  	v57 =	vand.u32 $0x7F, v57;
	v58 =	vand.u32 $0xC00, v58  }
0x768: {  	v57 =	vor.u32 v57, v58;
	v54 =	vmul.f32 v54, v52  }
0x769: {  	v59 =	vadd.s32 s29, v53;
	v58 =	vadd.s32 v43, v57;
	v55 =	vmul.f32 v55, v51;
	_ =	sdelay $0x1  }
0x76a: {  	v54 =	vadd.f32 v55, v54;
	_ =	sdelay $0x1  }
0x76b: {  	[tilespmem:v56+s21+$0x0] =	vst.idx.msk $0xffff, v54  }
0x76c: {  	v54 =	vld.idx.msk [tilespmem:v58+s16+$0x0], $0xffff  }
0x76d: {  	v56 =	vadd.s32 v44, v57;
	v55 =	vld.idx.msk [tilespmem:v59+s15+$0x0], $0xffff  }
0x76e: {  	s29 =	sadd.s32 $0x6, s25  }
0x76f: {  	v57 =	vmov s29  }
0x770: {  	v58 =	vshll.u32 v57, $0x3  }
0x771: {  	v57 =	vand.u32 $0x7F, v57;
	v58 =	vand.u32 $0xC00, v58  }
0x772: {  	v57 =	vor.u32 v57, v58;
	v54 =	vmul.f32 v54, v52  }
0x773: {  	v59 =	vadd.s32 s29, v53;
	v58 =	vadd.s32 v43, v57;
	v55 =	vmul.f32 v55, v51;
	_ =	sdelay $0x1  }
0x774: {  	v54 =	vadd.f32 v55, v54;
	_ =	sdelay $0x1  }
0x775: {  	[tilespmem:v56+s21+$0x0] =	vst.idx.msk $0xffff, v54  }
0x776: {  	v55 =	vadd.s32 v44, v57;
	v54 =	vld.idx.msk [tilespmem:v58+s16+$0x0], $0xffff  }
0x777: {  	v56 =	vld.idx.msk [tilespmem:v59+s15+$0x0], $0xffff  }
0x778: {  	s29 =	sadd.s32 $0x7, s25;
	s25 =	smov.u32 s28  }
0x779: {  	v57 =	vmov s29  }
0x77a: {  	v58 =	vshll.u32 v57, $0x3  }
0x77b: {  	v57 =	vand.u32 $0x7F, v57;
	v58 =	vand.u32 $0xC00, v58  }
0x77c: {  	v57 =	vor.u32 v57, v58;
	v54 =	vmul.f32 v54, v52  }
0x77d: {  	v59 =	vadd.s32 s29, v53;
	v58 =	vadd.s32 v43, v57;
	v56 =	vmul.f32 v56, v51;
	_ =	sdelay $0x1  }
.Ltmp13:
0x77e: {  	v54 =	vadd.f32 v56, v54;
	(pc) =	sbr.rel @p0 .LBB2_20-.Ltmp13, $4  }
0x77f: {  	_ = 	snop  }
0x780: {  	[tilespmem:v55+s21+$0x0] =	vst.idx.msk $0xffff, v54;
	v54 =	vadd.s32 v44, v57  }
0x781: {  	v56 =	vld.idx.msk [tilespmem:v58+s16+$0x0], $0xffff  }
0x782: {  	v55 =	vld.idx.msk [tilespmem:v59+s15+$0x0], $0xffff  }
0x783: {  	_ = 	snop  }
0x784: {  	v57 =	vmov s25  }
0x785: {  	v58 =	vshll.u32 v57, $0x3  }
0x786: {  	v62 =	vadd.s32 s25, v53;
	v57 =	vand.u32 $0x7F, v57;
	v58 =	vand.u32 $0x400, v58  }
0x787: {  	v56 =	vmul.f32 v56, v52;
	v57 =	vor.u32 v57, v58;
	v55 =	vmul.f32 v55, v51  }
0x788: {  	v59 =	vor.u32 v43, v57  }
0x789: {  	v55 =	vadd.f32 v55, v56;
	_ =	sdelay $0x1  }
0x78a: {  	[tilespmem:v54+s21+$0x0] =	vst.idx.msk $0xffff, v55  }
0x78b: {  	v54 =	vld.idx.msk [tilespmem:v62+s15+$0x0], $0xffff  }
0x78c: {  	s26 =	sadd.s32 $0x1, s25;
	v55 =	vld.idx.msk [tilespmem:v59+s16+$0x0], $0xffff  }
0x78d: {  	v63 =	vmov s26  }
0x78e: {  	v60 =	vshll.u32 v63, $0x3  }
0x78f: {  	v58 =	vand.u32 $0xC00, v60;
	v56 =	vand.u32 $0x7F, v63  }
0x790: {  	v57 =	vadd.s32 v44, v57;
	v56 =	vor.u32 v56, v58  }
0x791: {  	v58 =	vadd.s32 v43, v56;
	v54 =	vmul.f32 v54, v51;
	v55 =	vmul.f32 v55, v52  }
0x792: {  	v61 =	vadd.s32 s26, v53  }
0x793: {  	v54 =	vadd.f32 v54, v55;
	_ =	sdelay $0x1  }
0x794: {  	[tilespmem:v57+s21+$0x0] =	vst.idx.msk $0xffff, v54  }
0x795: {  	v54 =	vld.idx.msk [tilespmem:v58+s16+$0x0], $0xffff  }
0x796: {  	s31 =	sadd.s32 $0x2, s25;
	v62 =	vld.idx.msk [tilespmem:v61+s15+$0x0], $0xffff  }
0x797: {  	v63 =	vmov s31  }
0x798: {  	v60 =	vshll.u32 v63, $0x3  }
0x799: {  	v57 =	vand.u32 $0x7F, v63;
	v58 =	vand.u32 $0xC00, v60  }
0x79a: {  	v56 =	vadd.s32 v44, v56;
	v57 =	vor.u32 v57, v58  }
0x79b: {  	v58 =	vadd.s32 v43, v57;
	v54 =	vmul.f32 v54, v52;
	v55 =	vmul.f32 v62, v51  }
0x79c: {  	v61 =	vadd.s32 s31, v53  }
0x79d: {  	v54 =	vadd.f32 v55, v54;
	_ =	sdelay $0x1  }
0x79e: {  	[tilespmem:v56+s21+$0x0] =	vst.idx.msk $0xffff, v54  }
0x79f: {  	v54 =	vld.idx.msk [tilespmem:v58+s16+$0x0], $0xffff  }
0x7a0: {  	s28 =	sadd.s32 $0x3, s25;
	v62 =	vld.idx.msk [tilespmem:v61+s15+$0x0], $0xffff  }
0x7a1: {  	v63 =	vmov s28  }
0x7a2: {  	v60 =	vshll.u32 v63, $0x3  }
0x7a3: {  	v56 =	vand.u32 $0x7F, v63;
	v58 =	vand.u32 $0xC00, v60  }
0x7a4: {  	v57 =	vadd.s32 v44, v57;
	v56 =	vor.u32 v56, v58  }
0x7a5: {  	v58 =	vadd.s32 v43, v56;
	v54 =	vmul.f32 v54, v52;
	v55 =	vmul.f32 v62, v51  }
0x7a6: {  	v61 =	vadd.s32 s28, v53  }
0x7a7: {  	v54 =	vadd.f32 v55, v54;
	_ =	sdelay $0x1  }
0x7a8: {  	[tilespmem:v57+s21+$0x0] =	vst.idx.msk $0xffff, v54  }
0x7a9: {  	v54 =	vld.idx.msk [tilespmem:v58+s16+$0x0], $0xffff  }
0x7aa: {  	s29 =	sadd.s32 $0x4, s25;
	v62 =	vld.idx.msk [tilespmem:v61+s15+$0x0], $0xffff  }
0x7ab: {  	v63 =	vmov s29  }
0x7ac: {  	v60 =	vshll.u32 v63, $0x3  }
0x7ad: {  	v57 =	vand.u32 $0x7F, v63;
	v58 =	vand.u32 $0xC00, v60  }
0x7ae: {  	v56 =	vadd.s32 v44, v56;
	v57 =	vor.u32 v57, v58  }
0x7af: {  	v58 =	vadd.s32 v43, v57;
	v54 =	vmul.f32 v54, v52;
	v55 =	vmul.f32 v62, v51  }
0x7b0: {  	v61 =	vadd.s32 s29, v53  }
0x7b1: {  	v54 =	vadd.f32 v55, v54;
	_ =	sdelay $0x1  }
0x7b2: {  	[tilespmem:v56+s21+$0x0] =	vst.idx.msk $0xffff, v54  }
0x7b3: {  	v54 =	vld.idx.msk [tilespmem:v58+s16+$0x0], $0xffff  }
0x7b4: {  	s30 =	sadd.s32 $0x5, s25;
	v62 =	vld.idx.msk [tilespmem:v61+s15+$0x0], $0xffff  }
0x7b5: {  	v63 =	vmov s30  }
0x7b6: {  	v60 =	vshll.u32 v63, $0x3  }
0x7b7: {  	v56 =	vand.u32 $0x7F, v63;
	v58 =	vand.u32 $0xC00, v60  }
0x7b8: {  	v57 =	vadd.s32 v44, v57;
	v56 =	vor.u32 v56, v58  }
0x7b9: {  	v58 =	vadd.s32 v43, v56;
	v54 =	vmul.f32 v54, v52;
	v55 =	vmul.f32 v62, v51  }
0x7ba: {  	v61 =	vadd.s32 s30, v53  }
0x7bb: {  	v54 =	vadd.f32 v55, v54;
	_ =	sdelay $0x1  }
0x7bc: {  	[tilespmem:v57+s21+$0x0] =	vst.idx.msk $0xffff, v54  }
0x7bd: {  	v54 =	vld.idx.msk [tilespmem:v58+s16+$0x0], $0xffff  }
0x7be: {  	s31 =	sadd.s32 $0x6, s25;
	v62 =	vld.idx.msk [tilespmem:v61+s15+$0x0], $0xffff  }
0x7bf: {  	v63 =	vmov s31  }
0x7c0: {  	v60 =	vshll.u32 v63, $0x3  }
0x7c1: {  	v57 =	vand.u32 $0x7F, v63;
	v58 =	vand.u32 $0xC00, v60  }
0x7c2: {  	v56 =	vadd.s32 v44, v56;
	v57 =	vor.u32 v57, v58  }
0x7c3: {  	v58 =	vadd.s32 v43, v57;
	v54 =	vmul.f32 v54, v52;
	v55 =	vmul.f32 v62, v51  }
0x7c4: {  	v61 =	vadd.s32 s31, v53  }
0x7c5: {  	v54 =	vadd.f32 v55, v54;
	_ =	sdelay $0x1  }
0x7c6: {  	[tilespmem:v56+s21+$0x0] =	vst.idx.msk $0xffff, v54  }
0x7c7: {  	v54 =	vld.idx.msk [tilespmem:v58+s16+$0x0], $0xffff  }
0x7c8: {  	s28 =	sadd.s32 $0x7, s25;
	v62 =	vld.idx.msk [tilespmem:v61+s15+$0x0], $0xffff  }
0x7c9: {  	v63 =	vmov s28  }
0x7ca: {  	v60 =	vshll.u32 v63, $0x3  }
0x7cb: {  	v56 =	vand.u32 $0x7F, v63;
	v58 =	vand.u32 $0xC00, v60  }
0x7cc: {  	v57 =	vadd.s32 v44, v57;
	v56 =	vor.u32 v56, v58  }
0x7cd: {  	v58 =	vadd.s32 v43, v56;
	v54 =	vmul.f32 v54, v52;
	v55 =	vmul.f32 v62, v51  }
0x7ce: {  	v61 =	vadd.s32 s28, v53  }
0x7cf: {  	v54 =	vadd.f32 v55, v54;
	_ =	sdelay $0x1  }
0x7d0: {  	[tilespmem:v57+s21+$0x0] =	vst.idx.msk $0xffff, v54  }
0x7d1: {  	v54 =	vld.idx.msk [tilespmem:v58+s16+$0x0], $0xffff  }
0x7d2: {  	v53 =	vld.idx.msk [tilespmem:v61+s15+$0x0], $0xffff;
	_ =	sdelay $0x3  }
0x7d3: {  	s29 =	simm.s32 $0x0;
	v62 =	vadd.s32 v44, v56  }
0x7d4: {  	v57 =	vor.u32 s29, v50;
	v63 =	vmul.f32 v54, v52;
	v56 =	vmul.f32 v53, v51;
	_ =	sdelay $0x1  }
0x7d5: {  	v51 =	vadd.f32 v56, v63;
	_ =	sdelay $0x1  }
0x7d6: {  	[tilespmem:v62+s21+$0x0] =	vst.idx.msk $0xffff, v51  }
0x7d7: {  	s30 =	simm.s32 $0x1;
	v58 =	vor.u32 s29, v49;
	v51 =	vld.idx.msk [tilespmem:v57+s19+$0x0], $0xffff  }
0x7d8: {  	v59 =	vor.u32 s30, v50;
	_ =	sdelay $0x3  }
0x7d9: {  	[tilespmem:v58+s21+$0x0] =	vst.idx.msk $0xffff, v51  }
0x7da: {  	s31 =	simm.s32 $0x2;
	v60 =	vadd.s32 s30, v49;
	v51 =	vld.idx.msk [tilespmem:v59+s19+$0x0], $0xffff  }
0x7db: {  	v61 =	vor.u32 s31, v50;
	_ =	sdelay $0x3  }
0x7dc: {  	[tilespmem:v60+s21+$0x0] =	vst.idx.msk $0xffff, v51  }
0x7dd: {  	s26 =	simm.s32 $0x3;
	v62 =	vadd.s32 s31, v49;
	v51 =	vld.idx.msk [tilespmem:v61+s19+$0x0], $0xffff  }
0x7de: {  	v63 =	vor.u32 s26, v50;
	_ =	sdelay $0x3  }
0x7df: {  	[tilespmem:v62+s21+$0x0] =	vst.idx.msk $0xffff, v51  }
0x7e0: {  	s28 =	simm.s32 $0x4;
	v56 =	vadd.s32 s26, v49;
	v51 =	vld.idx.msk [tilespmem:v63+s19+$0x0], $0xffff  }
0x7e1: {  	v57 =	vor.u32 s28, v50;
	_ =	sdelay $0x3  }
0x7e2: {  	[tilespmem:v56+s21+$0x0] =	vst.idx.msk $0xffff, v51  }
0x7e3: {  	s29 =	simm.s32 $0x5;
	v58 =	vor.u32 s28, v49;
	v51 =	vld.idx.msk [tilespmem:v57+s19+$0x0], $0xffff  }
0x7e4: {  	v59 =	vor.u32 s29, v50;
	v60 =	vmov s29  }
0x7e5: {  	v54 =	vadd.s32 $0x83, v60  }
0x7e6: {  	v61 =	vshll.u32 v54, $0x3  }
0x7e7: {  	v54 =	vand.u32 $0x78, v54;
	v55 =	vand.u32 $0xC00, v61  }
0x7e8: {  	v62 =	vor.u32 v54, v55;
	[tilespmem:v58+s21+$0x0] =	vst.idx.msk $0xffff, v51  }
0x7e9: {  	s30 =	simm.s32 $0x6;
	v51 =	vadd.s32 v44, v62;
	v52 =	vld.idx.msk [tilespmem:v59+s19+$0x0], $0xffff  }
0x7ea: {  	v63 =	vor.u32 s30, v50;
	v57 =	vmov s30  }
0x7eb: {  	v54 =	vadd.s32 $0x83, v57  }
0x7ec: {  	v58 =	vshll.u32 v54, $0x3  }
0x7ed: {  	v54 =	vand.u32 $0x79, v54;
	v55 =	vand.u32 $0xC00, v58  }
0x7ee: {  	v59 =	vor.u32 v54, v55;
	[tilespmem:v51+s21+$0x0] =	vst.idx.msk $0xffff, v52  }
0x7ef: {  	s31 =	simm.s32 $0x7;
	v51 =	vadd.s32 v44, v59;
	v52 =	vld.idx.msk [tilespmem:v63+s19+$0x0], $0xffff  }
0x7f0: {  	v60 =	vor.u32 s31, v50;
	v61 =	vmov s31  }
0x7f1: {  	v54 =	vadd.s32 $0x83, v61  }
0x7f2: {  	v62 =	vshll.u32 v54, $0x3  }
0x7f3: {  	v54 =	vand.u32 $0x7A, v54;
	v55 =	vand.u32 $0xC00, v62  }
0x7f4: {  	v63 =	vor.u32 v54, v55;
	[tilespmem:v51+s21+$0x0] =	vst.idx.msk $0xffff, v52  }
0x7f5: {  	s25 =	simm.s32 $0x8;
	v52 =	vadd.s32 v44, v63;
	v51 =	vld.idx.msk [tilespmem:v60+s19+$0x0], $0xffff  }
0x7f6: {  	v53 =	vor.u32 s25, v50;
	s26 =	simm.s32 $0x10  }
.LBB2_22:
0x7f7: {  	p0 =	slt.u32 s26, $0x78;
	_ =	sdelay $0x2  }
0x7f8: {  	[tilespmem:v52+s21+$0x0] =	vst.idx.msk $0xffff, v51  }
0x7f9: {  	v51 =	vld.idx.msk [tilespmem:v53+s19+$0x0], $0xffff  }
0x7fa: {  	s28 =	sadd.s32 $0x1, s25;
	v52 =	vor.u32 s25, v49  }
0x7fb: {  	v53 =	vor.u32 s28, v50;
	_ =	sdelay $0x3  }
0x7fc: {  	[tilespmem:v52+s21+$0x0] =	vst.idx.msk $0xffff, v51  }
0x7fd: {  	v51 =	vld.idx.msk [tilespmem:v53+s19+$0x0], $0xffff  }
0x7fe: {  	v52 =	vadd.s32 s28, v49;
	s28 =	sadd.s32 $0x2, s25  }
0x7ff: {  	v53 =	vor.u32 s28, v50;
	_ =	sdelay $0x3  }
0x800: {  	[tilespmem:v52+s21+$0x0] =	vst.idx.msk $0xffff, v51  }
0x801: {  	v51 =	vld.idx.msk [tilespmem:v53+s19+$0x0], $0xffff  }
0x802: {  	v52 =	vadd.s32 s28, v49;
	s28 =	sadd.s32 $0x3, s25  }
0x803: {  	v53 =	vor.u32 s28, v50;
	_ =	sdelay $0x3  }
0x804: {  	[tilespmem:v52+s21+$0x0] =	vst.idx.msk $0xffff, v51  }
0x805: {  	v51 =	vld.idx.msk [tilespmem:v53+s19+$0x0], $0xffff  }
0x806: {  	v52 =	vadd.s32 s28, v49;
	s28 =	sadd.s32 $0x4, s25  }
0x807: {  	v53 =	vor.u32 s28, v50;
	_ =	sdelay $0x3  }
0x808: {  	[tilespmem:v52+s21+$0x0] =	vst.idx.msk $0xffff, v51  }
0x809: {  	v51 =	vld.idx.msk [tilespmem:v53+s19+$0x0], $0xffff  }
0x80a: {  	v52 =	vor.u32 s28, v49;
	s28 =	sadd.s32 $0x5, s25  }
0x80b: {  	v53 =	vor.u32 s28, v50  }
0x80c: {  	v54 =	vmov s28  }
0x80d: {  	v54 =	vadd.s32 $0x83, v54  }
0x80e: {  	v55 =	vshll.u32 v54, $0x3  }
0x80f: {  	[tilespmem:v52+s21+$0x0] =	vst.idx.msk $0xffff, v51;
	v51 =	vand.u32 $0x78, v54;
	v52 =	vand.u32 $0xC00, v55  }
0x810: {  	v53 =	vld.idx.msk [tilespmem:v53+s19+$0x0], $0xffff;
	v51 =	vor.u32 v51, v52  }
0x811: {  	s28 =	sadd.s32 $0x6, s25;
	v51 =	vadd.s32 v44, v51  }
0x812: {  	v52 =	vor.u32 s28, v50  }
0x813: {  	v54 =	vmov s28  }
0x814: {  	v54 =	vadd.s32 $0x83, v54  }
0x815: {  	v55 =	vshll.u32 v54, $0x3  }
0x816: {  	[tilespmem:v51+s21+$0x0] =	vst.idx.msk $0xffff, v53;
	v51 =	vand.u32 $0x79, v54;
	v53 =	vand.u32 $0xC00, v55  }
0x817: {  	v52 =	vld.idx.msk [tilespmem:v52+s19+$0x0], $0xffff;
	v51 =	vor.u32 v51, v53  }
0x818: {  	s28 =	sadd.s32 $0x7, s25;
	s25 =	smov.u32 s26;
	v51 =	vadd.s32 v44, v51  }
0x819: {  	v53 =	vor.u32 s28, v50  }
0x81a: {  	v54 =	vmov s28  }
0x81b: {  	v54 =	vadd.s32 $0x83, v54  }
.Ltmp14:
0x81c: {  	v55 =	vshll.u32 v54, $0x3;
	(pc) =	sbr.rel @p0 .LBB2_22-.Ltmp14, $4  }
0x81d: {  	[tilespmem:v51+s21+$0x0] =	vst.idx.msk $0xffff, v52;
	v52 =	vand.u32 $0x7A, v54;
	v54 =	vand.u32 $0xC00, v55  }
0x81e: {  	v51 =	vld.idx.msk [tilespmem:v53+s19+$0x0], $0xffff;
	v52 =	vor.u32 v52, v54  }
0x81f: {  	v52 =	vadd.s32 v44, v52  }
0x820: {  	s26 =	sadd.s32 $0x8, s26;
	v53 =	vor.u32 s25, v50  }
0x821: {  	_ =	sdelay $0x3  }
0x822: {  	[tilespmem:v52+s21+$0x0] =	vst.idx.msk $0xffff, v51  }
0x823: {  	v60 =	vor.u32 s25, v49;
	s26 =	sadd.s32 $0x1, s25;
	v51 =	vld.idx.msk [tilespmem:v53+s19+$0x0], $0xffff  }
0x824: {  	v61 =	vor.u32 s26, v50;
	_ =	sdelay $0x3  }
0x825: {  	[tilespmem:v60+s21+$0x0] =	vst.idx.msk $0xffff, v51  }
0x826: {  	s30 =	sadd.s32 $0x2, s25;
	v62 =	vadd.s32 s26, v49;
	v51 =	vld.idx.msk [tilespmem:v61+s19+$0x0], $0xffff  }
0x827: {  	v63 =	vor.u32 s30, v50;
	_ =	sdelay $0x3  }
0x828: {  	[tilespmem:v62+s21+$0x0] =	vst.idx.msk $0xffff, v51  }
0x829: {  	s31 =	sadd.s32 $0x3, s25;
	v56 =	vadd.s32 s30, v49;
	v51 =	vld.idx.msk [tilespmem:v63+s19+$0x0], $0xffff  }
0x82a: {  	v57 =	vor.u32 s31, v50;
	_ =	sdelay $0x3  }
0x82b: {  	[tilespmem:v56+s21+$0x0] =	vst.idx.msk $0xffff, v51  }
0x82c: {  	s28 =	sadd.s32 $0x4, s25;
	v58 =	vadd.s32 s31, v49;
	v51 =	vld.idx.msk [tilespmem:v57+s19+$0x0], $0xffff  }
0x82d: {  	v59 =	vor.u32 s28, v50;
	_ =	sdelay $0x3  }
0x82e: {  	[tilespmem:v58+s21+$0x0] =	vst.idx.msk $0xffff, v51  }
0x82f: {  	s29 =	sadd.s32 $0x5, s25;
	v60 =	vor.u32 s28, v49;
	v51 =	vld.idx.msk [tilespmem:v59+s19+$0x0], $0xffff  }
0x830: {  	v54 =	vmov s29;
	v61 =	vor.u32 s29, v50  }
0x831: {  	v54 =	vadd.s32 $0x83, v54  }
0x832: {  	v55 =	vshll.u32 v54, $0x3  }
0x833: {  	v54 =	vand.u32 $0x78, v54;
	v55 =	vand.u32 $0xC00, v55  }
0x834: {  	v62 =	vor.u32 v54, v55;
	[tilespmem:v60+s21+$0x0] =	vst.idx.msk $0xffff, v51  }
0x835: {  	s30 =	sadd.s32 $0x6, s25;
	v51 =	vadd.s32 v44, v62;
	v52 =	vld.idx.msk [tilespmem:v61+s19+$0x0], $0xffff  }
0x836: {  	v63 =	vor.u32 s30, v50;
	v57 =	vmov s30  }
0x837: {  	v54 =	vadd.s32 $0x83, v57  }
0x838: {  	v58 =	vshll.u32 v54, $0x3  }
0x839: {  	v54 =	vand.u32 $0x79, v54;
	v55 =	vand.u32 $0xC00, v58  }
0x83a: {  	v59 =	vor.u32 v54, v55;
	[tilespmem:v51+s21+$0x0] =	vst.idx.msk $0xffff, v52  }
0x83b: {  	s31 =	sadd.s32 $0x7, s25;
	v51 =	vadd.s32 v44, v59;
	v52 =	vld.idx.msk [tilespmem:v63+s19+$0x0], $0xffff  }
0x83c: {  	v60 =	vor.u32 s31, v50;
	v61 =	vmov s31  }
0x83d: {  	v53 =	vadd.s32 $0x83, v61  }
0x83e: {  	v62 =	vshll.u32 v53, $0x3  }
0x83f: {  	v53 =	vand.u32 $0x7A, v53;
	v54 =	vand.u32 $0xC00, v62  }
0x840: {  	v63 =	vor.u32 v53, v54;
	[tilespmem:v51+s21+$0x0] =	vst.idx.msk $0xffff, v52  }
0x841: {  	v51 =	vadd.s32 v44, v63;
	v50 =	vld.idx.msk [tilespmem:v60+s19+$0x0], $0xffff;
	_ =	sdelay $0x2  }
0x842: {  	s24 =	smul.u32 $0xF00, s24;
	_ =	sdelay $0x1  }
.Ltmp15:
0x843: {  	s24 =	sadd.s32 s10, s24;
	[tilespmem:v51+s21+$0x0] =	vst.idx.msk $0xffff, v50;
	(pc) =	sbr.rel .LBB2_24-.Ltmp15, $4  }
0x844: {  	[hbm4b:s24+s4] =	stream.linear.scatter [tilespmem:s21], [sflag:$0x2], $0x7800, $0x38;
	[tilespmem:$0x14480] =	vst v63  }
0x845: {  	_ =	swait.ge [sflag:s14], $0x7800  }
0x846: {  	[sflag:s14] =	ssyncset.done $0x0  }
0x847: {  	[sflag:s14] =	ssyncadd.s32 $0xFFFF8800  }
.LBB2_26:
0x848: {  	_ =	sfence.sel $0x180000  }
0x849: {  	[bflag:$0x0] =	sbarrier.arrive $0xFFFF  }
0x84a: {  	p0 =	sne.s32 s9, $0x0;
	_ =	strace $0x90000047  }
0x84b: {  	s0 =	sadd.s32 @!p0 $0x100000, s2;
	[bflag:$0x2] =	sbarrier.arrive $0xFFFF  }
0x84c: {  	[sflag:s0] =	ssyncadd.tile.s32 @!p0 $0x1;
	_ =	shalt  }
.Lfunc_end2:
_tile_overlayer_lowered:
.L_overlay_start_2:
0x84d: {  	(tag) =	ssettag $0x2  }
0x84e: {  	s0 =	rddreg [dreg:$0x0];
	s2 =	stileid.u32  }
0x84f: {  	s1 =	rddreg [dreg:$0x1];
	p0 =	sne.s32 s2, $0x0  }
0x850: {  	s3 =	rddreg [dreg:$0x2];
	[bflag:$0x3] =	sbarrier.arrive $0xFFFF;
	s2 =	simm.s32 @!p0 $0x1C02  }
0x851: {  	[timem:s3], [sflag:s2] =	dma.local @!p0 [hbm:s0], s1  }
0x852: {  	s0 =	simm.s32 @!p0 $0x2  }
0x853: {  	_ =	swait.ge @!p0 [sflag:s0], s1  }
0x854: {  	s1 =	ssub.s32 @!p0 $0x0, s1;
	[sflag:s0] =	ssyncset.done @!p0 $0x0  }
0x855: {  	[sflag:s0] =	ssyncadd.s32 @!p0 s1  }
0x856: {  	[bflag:$0x3] =	sbarrier.arrive $0xFFFF  }
0x857: {  	_ =	shalt  }

</sc_bundles>
